<compile_context>
chip_gen: v7x
topology: tpu7x:2x2x1
jax: 0.10.2.dev20260603
libtpu: 0.0.44.dev20260713+nightly
codegen_flags: <defaults>
</compile_context>

<pallas_src>
import functools

import jax
import jax.numpy as jnp
from jax import lax
from jax.experimental import pallas as pl
from jax.experimental.pallas import tpu as pltpu
from jax.experimental.pallas import tpu_sc as plsc

_N = 10000
_E = 320000
_F = 128
_K = 16

_NC = 2
_NS = 16
_NW = _NC * _NS

_EB = 80
_NBLK = _E // _EB
_BASE_BLOCKS = _NBLK // _NW
_EXTRA = _NBLK - _BASE_BLOCKS * _NW

_ROWS_PER_TILE = 624

def _dotT(a, w):
    return lax.dot_general(a, w, dimension_numbers=(((1,), (1,)), ((), ())),
                           precision=lax.Precision.DEFAULT)


def _pre_body(x_ref, wd_ref, bd_ref, ws_ref, bs_ref, attr_ref, wg_ref,
              h_ref, s_ref, g_ref):
    xa = jnp.maximum(x_ref[...], 0.0)
    h_ref[...] = jnp.maximum(_dotT(xa, wd_ref[...]) + bd_ref[...], 0.0)
    s_ref[...] = jnp.maximum(_dotT(xa, ws_ref[...]) + bs_ref[...], 0.0)
    g_ref[...] = _dotT(attr_ref[...], wg_ref[...])


def _mlp_body(p_ref, s_ref, x_ref, u_ref,
              w10, b10, w20, b20, w11, b11, w21, b21, w12, b12, w22, b22,
              wl, bl, out1_ref, out2_ref):
    msged = s_ref[...] + p_ref[0] + p_ref[1]
    out2_ref[...] = msged
    tmp = msged
    for (w1, b1, w2, b2) in ((w10, b10, w20, b20),
                             (w11, b11, w21, b21),
                             (w12, b12, w22, b22)):
        y = jnp.maximum(tmp, 0.0)
        y = jnp.maximum(_dotT(y, w1[...]) + b1[...], 0.0)
        y = _dotT(y, w2[...]) + b2[...]
        tmp = tmp + y
    v = jnp.maximum(tmp, 0.0)
    out1_ref[...] = _dotT(v, wl[...]) + bl[...] + x_ref[...] * u_ref[...]


def _sc_edge_body(h_hbm, g_hbm, ei_hbm, out_hbm,
                  src_v, dst_v, h_v, g_v, z_v, acc,
                  sem_src, sem_dst, sem_g, sem_gat, sem_sct, sem_z):
    c = lax.axis_index("c")
    s = lax.axis_index("s")
    wid = c * _NS + s

    def _base(t):
        return (wid + _NW * t) * _EB

    def _start_fetch(t, b):
        base = _base(t)
        pltpu.async_copy(ei_hbm.at[pl.ds(base, _EB)], src_v.at[b],
                         sem_src.at[b])
        pltpu.async_copy(ei_hbm.at[pl.ds(_E + base, _EB)], dst_v.at[b],
                         sem_dst.at[b])
        pltpu.async_copy(g_hbm.at[pl.ds(base, _EB)], g_v.at[b], sem_g.at[b])

    def _wait_src(t, b):
        pltpu.make_async_copy(ei_hbm.at[pl.ds(_base(t), _EB)], src_v.at[b],
                              sem_src.at[b]).wait()

    def _wait_dst(t, b):
        pltpu.make_async_copy(ei_hbm.at[pl.ds(_E + _base(t), _EB)], dst_v.at[b],
                              sem_dst.at[b]).wait()

    def _wait_g(t, b):
        pltpu.make_async_copy(g_hbm.at[pl.ds(_base(t), _EB)], g_v.at[b],
                              sem_g.at[b]).wait()

    def _start_gather(b):
        pltpu.async_copy(h_hbm.at[src_v.at[b]], h_v.at[b], sem_gat.at[b])

    def _wait_gather(b):
        pltpu.make_async_copy(h_hbm.at[src_v.at[b]], h_v.at[b],
                              sem_gat.at[b]).wait()

    def _start_scatter(b):
        pltpu.async_copy(h_v.at[b], acc.at[dst_v.at[b]], sem_sct.at[b],
                         add=True)

    def _wait_scatter(b):
        pltpu.make_async_copy(h_v.at[b], acc.at[dst_v.at[b]],
                              sem_sct.at[b]).wait()

    _start_fetch(0, 0)
    _wait_src(0, 0)
    _start_gather(0)

    zero16 = jnp.zeros((16,), jnp.float32)

    def _zfill(r, carry):
        for j in range(_F // 16):
            z_v[r, pl.ds(j * 16, 16)] = zero16
        return carry

    lax.fori_loop(0, 16, _zfill, 0)
    zbase = s * _ROWS_PER_TILE
    nz = jnp.where(s == _NS - 1, 40, 39)

    def _zero_step(t, carry):
        pltpu.async_copy(z_v, acc.at[pl.ds(zbase + 16 * t, 16)], sem_z)
        return carry

    lax.fori_loop(0, nz, _zero_step, 0)

    def _zero_wait(t, carry):
        pltpu.make_async_copy(z_v, acc.at[pl.ds(zbase, 16)], sem_z).wait()
        return carry

    lax.fori_loop(0, nz, _zero_wait, 0)
    plsc.subcore_barrier()

    def _block(t, b, first, prefetch):
        if not first:
            _wait_scatter(1 - b)
        if prefetch:
            _start_fetch(t + 1, 1 - b)
        _wait_gather(b)
        _wait_g(t, b)
        hb = h_v.at[b]
        gb = g_v.at[b]

        @plsc.parallel_loop(0, _EB, unroll=4)
        def _mul_step(i):
            for j in range(_F // 16):
                sl = pl.ds(j * 16, 16)
                hb[i, sl] = hb[i, sl] * gb[i, sl]

        _wait_dst(t, b)
        _start_scatter(b)
        if prefetch:
            _wait_src(t + 1, 1 - b)
            _start_gather(1 - b)

    _block(0, 0, first=True, prefetch=True)

    def _pair_step(t2, carry):
        _block(2 * t2 + 1, 1, first=False, prefetch=True)
        _block(2 * t2 + 2, 0, first=False, prefetch=True)
        return carry

    lax.fori_loop(0, (_BASE_BLOCKS - 3) // 2, _pair_step, 0)
    _block(_BASE_BLOCKS - 2, 1, first=False, prefetch=True)
    _block(_BASE_BLOCKS - 1, 0, first=False, prefetch=False)
    _wait_scatter(0)
    plsc.subcore_barrier()

    @pl.when(s < _NS - 1)
    def _():
        pltpu.sync_copy(acc.at[pl.ds(zbase, _ROWS_PER_TILE)],
                        out_hbm.at[c, pl.ds(zbase, _ROWS_PER_TILE)])

    @pl.when(s == _NS - 1)
    def _():
        last = (_NS - 1) * _ROWS_PER_TILE
        pltpu.sync_copy(acc.at[pl.ds(last, _N - last)],
                        out_hbm.at[c, pl.ds(last, _N - last)])


@functools.cache
def _sc_edge_kernel():
    return pl.kernel(
        _sc_edge_body,
        out_type=jax.ShapeDtypeStruct((_NC, _N, _F), jnp.float32),
        mesh=plsc.VectorSubcoreMesh(core_axis_name="c", subcore_axis_name="s",
                                    num_cores=_NC, num_subcores=_NS),
        scratch_types=[
            pltpu.VMEM((2, _EB), jnp.int32),
            pltpu.VMEM((2, _EB), jnp.int32),
            pltpu.VMEM((2, _EB, _F), jnp.float32),
            pltpu.VMEM((2, _EB, _F), jnp.float32),
            pltpu.VMEM((16, _F), jnp.float32),
            pltpu.VMEM_SHARED((_N, _F), jnp.float32),
            pltpu.SemaphoreType.DMA((2,)),
            pltpu.SemaphoreType.DMA((2,)),
            pltpu.SemaphoreType.DMA((2,)),
            pltpu.SemaphoreType.DMA((2,)),
            pltpu.SemaphoreType.DMA((2,)),
            pltpu.SemaphoreType.DMA,
        ],
    )


def _sc_edge(h, g, edge_index):
    return _sc_edge_kernel()(h, g, edge_index.reshape(-1))


def kernel(x, edge_index, edge_attr, u, W_same, b_same, W_diff, b_diff, W_G,
           res0_W1, res0_b1, res0_W2, res0_b2,
           res1_W1, res1_b1, res1_W2, res1_b2,
           res2_W1, res2_b1, res2_W2, res2_b2,
           W_last, b_last):
    pre_grid = 25
    node_br = _N // pre_grid
    gate_br = _E // pre_grid
    h, s, g = pl.pallas_call(
        _pre_body,
        grid=(pre_grid,),
        in_specs=[
            pl.BlockSpec((node_br, _F), lambda i: (i, 0)),
            pl.BlockSpec((_F, _F), lambda i: (0, 0)),
            pl.BlockSpec((1, _F), lambda i: (0, 0)),
            pl.BlockSpec((_F, _F), lambda i: (0, 0)),
            pl.BlockSpec((1, _F), lambda i: (0, 0)),
            pl.BlockSpec((gate_br, _K), lambda i: (i, 0)),
            pl.BlockSpec((_F, _K), lambda i: (0, 0)),
        ],
        out_specs=[
            pl.BlockSpec((node_br, _F), lambda i: (i, 0)),
            pl.BlockSpec((node_br, _F), lambda i: (i, 0)),
            pl.BlockSpec((gate_br, _F), lambda i: (i, 0)),
        ],
        out_shape=[
            jax.ShapeDtypeStruct((_N, _F), jnp.float32),
            jax.ShapeDtypeStruct((_N, _F), jnp.float32),
            jax.ShapeDtypeStruct((_E, _F), jnp.float32),
        ],
    )(x, W_diff, b_diff[None, :], W_same, b_same[None, :], edge_attr, W_G)

    partials = _sc_edge(h, g, edge_index)

    mlp_br = 2000
    row_spec = pl.BlockSpec((mlp_br, _F), lambda i: (i, 0))
    p_spec = pl.BlockSpec((_NC, mlp_br, _F), lambda i: (0, i, 0))
    w_spec = pl.BlockSpec((_F, _F), lambda i: (0, 0))
    b_spec = pl.BlockSpec((1, _F), lambda i: (0, 0))
    out1, out2 = pl.pallas_call(
        _mlp_body,
        grid=(_N // mlp_br,),
        in_specs=[p_spec, row_spec, row_spec, b_spec,
                  w_spec, b_spec, w_spec, b_spec,
                  w_spec, b_spec, w_spec, b_spec,
                  w_spec, b_spec, w_spec, b_spec,
                  w_spec, b_spec],
        out_specs=[row_spec, row_spec],
        out_shape=[
            jax.ShapeDtypeStruct((_N, _F), jnp.float32),
            jax.ShapeDtypeStruct((_N, _F), jnp.float32),
        ],
    )(partials, s, x, u,
      res0_W1, res0_b1[None, :], res0_W2, res0_b2[None, :],
      res1_W1, res1_b1[None, :], res1_W2, res1_b2[None, :],
      res2_W1, res2_b1[None, :], res2_W2, res2_b2[None, :],
      W_last, b_last[None, :])
    return (out1, out2)

# --- scband reference (transcript-rebuilt; emitter-appended) ---
"""Pipeline reference for scband-interaction-module-5789615915708 (READ-ONLY COPY).

The authoritative reference and input builder live on the scoring server;
editing this copy changes nothing except your own understanding.
"""

import jax, jax.numpy as jnp
import numpy as np

N = 10000
E = 320000
F = 128
K = 16

def _glorot(key, shape):
    fan_in, fan_out = shape[1], shape[0]
    scale = jnp.sqrt(2.0 / (fan_in + fan_out))
    return (jax.random.normal(key, shape, dtype=jnp.float32) * scale).astype(jnp.float32)

def setup_inputs(seed: int = 0) -> dict:
    key = jax.random.key(seed)
    ks = jax.random.split(key, 32)
    inp = {}
    inp['x'] = jax.random.normal(ks[0], (N, F), dtype=jnp.float32)
    inp['edge_index'] = jax.random.randint(ks[1], (2, E), 0, N, dtype=jnp.int32)
    inp['edge_attr'] = jax.random.uniform(ks[2], (E, K), dtype=jnp.float32)
    inp['u'] = jnp.ones((1, F), dtype=jnp.float32)
    inp['W_same'] = _glorot(ks[3], (F, F)); inp['b_same'] = jnp.zeros((F,), dtype=jnp.float32)
    inp['W_diff'] = _glorot(ks[4], (F, F)); inp['b_diff'] = jnp.zeros((F,), dtype=jnp.float32)
    inp['W_G'] = _glorot(ks[5], (F, K))
    for i in range(3):
        inp['res%d_W1' % i] = _glorot(ks[6 + 4 * i], (F, F))
        inp['res%d_b1' % i] = jnp.zeros((F,), dtype=jnp.float32)
        inp['res%d_W2' % i] = _glorot(ks[7 + 4 * i], (F, F))
        inp['res%d_b2' % i] = jnp.zeros((F,), dtype=jnp.float32)
    inp['W_last'] = _glorot(ks[20], (F, F)); inp['b_last'] = jnp.zeros((F,), dtype=jnp.float32)
    return inp

def reference(x, edge_index, edge_attr, u, W_same, b_same, W_diff, b_diff, W_G,
              res0_W1, res0_b1, res0_W2, res0_b2,
              res1_W1, res1_b1, res1_W2, res1_b2,
              res2_W1, res2_b1, res2_W2, res2_b2,
              W_last, b_last):
    act = jax.nn.relu
    # MessagePassingLayer.forward: x_act = act(x); propagate
    x_act = act(x)
    src = edge_index[0]
    dst = edge_index[1]
    # message: msg = act(lin_for_diff(x_j)) * G(edge_attr)
    x_j = jnp.take(x_act, src, axis=0)
    msg = act(x_j @ W_diff.T + b_diff)
    masked_edge_attr = edge_attr @ W_G.T
    msg = msg * masked_edge_attr
    # aggregate (add) over destination nodes
    aggr_out = jax.ops.segment_sum(msg, dst, num_segments=N)
    # update: act(lin_for_same(x_act)) + aggr_out
    msged_x = act(x_act @ W_same.T + b_same) + aggr_out
    # residual layers: x + lin2(act(lin1(act(x))))
    tmp = msged_x
    res = [(res0_W1, res0_b1, res0_W2, res0_b2),
           (res1_W1, res1_b1, res1_W2, res1_b2),
           (res2_W1, res2_b1, res2_W2, res2_b2)]
    for (W1, b1, W2, b2) in res:
        y = act(tmp)
        y = act(y @ W1.T + b1)
        y = y @ W2.T + b2
        tmp = tmp + y
    v = act(tmp)
    v = v @ W_last.T + b_last
    return (v + x * u, msged_x)

if __name__ == "__main__":
    import jax
    _d = setup_inputs()
    print(jax.jit(kernel)(*tuple(_d.values())))

</pallas_src>

<mosaic_0001>
#map = affine_map<(d0, d1) -> (0, 0)>
#map1 = affine_map<(d0, d1) -> (0)>
#map2 = affine_map<(d0, d1) -> (0, 0, 0)>
module attributes {stable_mosaic.version = 14 : i64} {
  func.func @_sc_edge_body(%arg0: i32, %arg1: i32, %arg2: memref<10000x128xf32, #tpu.memory_space<hbm>>, %arg3: memref<320000x128xf32, #tpu.memory_space<hbm>>, %arg4: memref<640000xi32, #tpu.memory_space<hbm>>, %arg5: memref<2x10000x128xf32, #tpu.memory_space<hbm>>, %arg6: memref<2x80xi32, #tpu.memory_space<vmem>>, %arg7: memref<2x80xi32, #tpu.memory_space<vmem>>, %arg8: memref<2x80x128xf32, #tpu.memory_space<vmem>>, %arg9: memref<2x80x128xf32, #tpu.memory_space<vmem>>, %arg10: memref<16x128xf32, #tpu.memory_space<vmem>>, %arg11: memref<10000x128xf32, #tpu.memory_space<vmem_shared>>, %arg12: memref<2x!tpu.dma_semaphore, #tpu.memory_space<semaphore_mem>>, %arg13: memref<2x!tpu.dma_semaphore, #tpu.memory_space<semaphore_mem>>, %arg14: memref<2x!tpu.dma_semaphore, #tpu.memory_space<semaphore_mem>>, %arg15: memref<2x!tpu.dma_semaphore, #tpu.memory_space<semaphore_mem>>, %arg16: memref<2x!tpu.dma_semaphore, #tpu.memory_space<semaphore_mem>>, %arg17: memref<!tpu.dma_semaphore, #tpu.memory_space<semaphore_mem>>) attributes {dimension_semantics = [#tpu.dimension_semantics<core_parallel>, #tpu.dimension_semantics<subcore_parallel>], iteration_bounds = array<i64: 2, 16>, scalar_prefetch = 0 : i64, scratch_operands = 12 : i64, tpu.core_type = #tpu.core_type<sc_vector_subcore>, window_params = [{transform_indices = #map}, {transform_indices = #map}, {transform_indices = #map1}, {transform_indices = #map2}]} {
    %mul3A = arith.constant 16 : i32
    %mul3A_0 = arith.muli %arg0, %mul3A : i32
    %add3A = arith.addi %mul3A_0, %arg1 : i32
    %add3A_1 = arith.constant 0 : i32
    %add3A_2 = arith.addi %add3A, %add3A_1 : i32
    %mul3A_3 = arith.constant 80 : i32
    %mul3A_4 = arith.muli %add3A_2, %mul3A_3 : i32
    %dma_start3A = arith.constant 0 : i32
    %dma_start3A_5 = arith.constant 0 : i32
    %dma_start3A_6 = arith.constant 0 : i32
    %dma_start3A_7 = tpu.memref_slice %arg6[%dma_start3A, %dma_start3A_6] : memref<2x80xi32, #tpu.memory_space<vmem>> -> memref<1x80xi32, #tpu.memory_space<vmem>>
    %dma_start3A_8 = tpu.memref_squeeze %dma_start3A_7 : memref<1x80xi32, #tpu.memory_space<vmem>> -> memref<80xi32, #tpu.memory_space<vmem>>
    %dma_start3A_9 = tpu.memref_slice %arg4[%mul3A_4] : memref<640000xi32, #tpu.memory_space<hbm>> -> memref<80xi32, #tpu.memory_space<hbm>>
    %dma_start3A_10 = tpu.memref_slice %arg12[%dma_start3A_5] : memref<2x!tpu.dma_semaphore, #tpu.memory_space<semaphore_mem>> -> memref<1x!tpu.dma_semaphore, #tpu.memory_space<semaphore_mem>>
    %dma_start3A_11 = tpu.memref_squeeze %dma_start3A_10 : memref<1x!tpu.dma_semaphore, #tpu.memory_space<semaphore_mem>> -> memref<!tpu.dma_semaphore, #tpu.memory_space<semaphore_mem>>
    %dma_start3A_12 = arith.constant 0 : i32
    %dma_start3A_13 = tpu.memref_slice %arg6[%dma_start3A, %dma_start3A_12] : memref<2x80xi32, #tpu.memory_space<vmem>> -> memref<1x80xi32, #tpu.memory_space<vmem>>
    %dma_start3A_14 = tpu.memref_squeeze %dma_start3A_13 : memref<1x80xi32, #tpu.memory_space<vmem>> -> memref<80xi32, #tpu.memory_space<vmem>>
    %dma_start3A_15 = tpu.memref_slice %arg4[%mul3A_4] : memref<640000xi32, #tpu.memory_space<hbm>> -> memref<80xi32, #tpu.memory_space<hbm>>
    tpu.enqueue_dma source(%dma_start3A_15 : memref<80xi32, #tpu.memory_space<hbm>>) target(%dma_start3A_14 : memref<80xi32, #tpu.memory_space<vmem>>) target_semaphore(%dma_start3A_11 : memref<!tpu.dma_semaphore, #tpu.memory_space<semaphore_mem>>)
    %add3A_16 = arith.constant 320000 : i32
    %add3A_17 = arith.addi %add3A_16, %mul3A_4 : i32
    %dma_start3A_18 = arith.constant 0 : i32
    %dma_start3A_19 = arith.constant 0 : i32
    %dma_start3A_20 = arith.constant 0 : i32
    %dma_start3A_21 = tpu.memref_slice %arg7[%dma_start3A_18, %dma_start3A_20] : memref<2x80xi32, #tpu.memory_space<vmem>> -> memref<1x80xi32, #tpu.memory_space<vmem>>
    %dma_start3A_22 = tpu.memref_squeeze %dma_start3A_21 : memref<1x80xi32, #tpu.memory_space<vmem>> -> memref<80xi32, #tpu.memory_space<vmem>>
    %dma_start3A_23 = tpu.memref_slice %arg4[%add3A_17] : memref<640000xi32, #tpu.memory_space<hbm>> -> memref<80xi32, #tpu.memory_space<hbm>>
    %dma_start3A_24 = tpu.memref_slice %arg13[%dma_start3A_19] : memref<2x!tpu.dma_semaphore, #tpu.memory_space<semaphore_mem>> -> memref<1x!tpu.dma_semaphore, #tpu.memory_space<semaphore_mem>>
    %dma_start3A_25 = tpu.memref_squeeze %dma_start3A_24 : memref<1x!tpu.dma_semaphore, #tpu.memory_space<semaphore_mem>> -> memref<!tpu.dma_semaphore, #tpu.memory_space<semaphore_mem>>
    %dma_start3A_26 = arith.constant 0 : i32
    %dma_start3A_27 = tpu.memref_slice %arg7[%dma_start3A_18, %dma_start3A_26] : memref<2x80xi32, #tpu.memory_space<vmem>> -> memref<1x80xi32, #tpu.memory_space<vmem>>
    %dma_start3A_28 = tpu.memref_squeeze %dma_start3A_27 : memref<1x80xi32, #tpu.memory_space<vmem>> -> memref<80xi32, #tpu.memory_space<vmem>>
    %dma_start3A_29 = tpu.memref_slice %arg4[%add3A_17] : memref<640000xi32, #tpu.memory_space<hbm>> -> memref<80xi32, #tpu.memory_space<hbm>>
    tpu.enqueue_dma source(%dma_start3A_29 : memref<80xi32, #tpu.memory_space<hbm>>) target(%dma_start3A_28 : memref<80xi32, #tpu.memory_space<vmem>>) target_semaphore(%dma_start3A_25 : memref<!tpu.dma_semaphore, #tpu.memory_space<semaphore_mem>>)
    %dma_start3A_30 = arith.constant 0 : i32
    %dma_start3A_31 = arith.constant 0 : i32
    %dma_start3A_32 = arith.constant 0 : i32
    %dma_start3A_33 = arith.constant 0 : i32
    %dma_start3A_34 = tpu.memref_slice %arg9[%dma_start3A_30, %dma_start3A_32, %dma_start3A_33] : memref<2x80x128xf32, #tpu.memory_space<vmem>> -> memref<1x80x128xf32, #tpu.memory_space<vmem>>
    %dma_start3A_35 = tpu.memref_squeeze %dma_start3A_34 : memref<1x80x128xf32, #tpu.memory_space<vmem>> -> memref<80x128xf32, #tpu.memory_space<vmem>>
    %dma_start3A_36 = arith.constant 0 : i32
    %dma_start3A_37 = tpu.memref_slice %arg3[%mul3A_4, %dma_start3A_36] : memref<320000x128xf32, #tpu.memory_space<hbm>> -> memref<80x128xf32, #tpu.memory_space<hbm>>
    %dma_start3A_38 = tpu.memref_slice %arg14[%dma_start3A_31] : memref<2x!tpu.dma_semaphore, #tpu.memory_space<semaphore_mem>> -> memref<1x!tpu.dma_semaphore, #tpu.memory_space<semaphore_mem>>
    %dma_start3A_39 = tpu.memref_squeeze %dma_start3A_38 : memref<1x!tpu.dma_semaphore, #tpu.memory_space<semaphore_mem>> -> memref<!tpu.dma_semaphore, #tpu.memory_space<semaphore_mem>>
    %dma_start3A_40 = arith.constant 0 : i32
    %dma_start3A_41 = arith.constant 0 : i32
    %dma_start3A_42 = tpu.memref_slice %arg9[%dma_start3A_30, %dma_start3A_40, %dma_start3A_41] : memref<2x80x128xf32, #tpu.memory_space<vmem>> -> memref<1x80x128xf32, #tpu.memory_space<vmem>>
    %dma_start3A_43 = tpu.memref_squeeze %dma_start3A_42 : memref<1x80x128xf32, #tpu.memory_space<vmem>> -> memref<80x128xf32, #tpu.memory_space<vmem>>
    %dma_start3A_44 = arith.constant 0 : i32
    %dma_start3A_45 = tpu.memref_slice %arg3[%mul3A_4, %dma_start3A_44] : memref<320000x128xf32, #tpu.memory_space<hbm>> -> memref<80x128xf32, #tpu.memory_space<hbm>>
    tpu.enqueue_dma source(%dma_start3A_45 : memref<80x128xf32, #tpu.memory_space<hbm>>) target(%dma_start3A_43 : memref<80x128xf32, #tpu.memory_space<vmem>>) target_semaphore(%dma_start3A_39 : memref<!tpu.dma_semaphore, #tpu.memory_space<semaphore_mem>>)
    %add3A_46 = arith.constant 0 : i32
    %add3A_47 = arith.addi %add3A, %add3A_46 : i32
    %mul3A_48 = arith.constant 80 : i32
    %mul3A_49 = arith.muli %add3A_47, %mul3A_48 : i32
    %dma_wait3A = arith.constant 0 : i32
    %dma_wait3A_50 = arith.constant 0 : i32
    %dma_wait3A_51 = arith.constant 0 : i32
    %dma_wait3A_52 = tpu.memref_slice %arg6[%dma_wait3A, %dma_wait3A_51] : memref<2x80xi32, #tpu.memory_space<vmem>> -> memref<1x80xi32, #tpu.memory_space<vmem>>
    %dma_wait3A_53 = tpu.memref_squeeze %dma_wait3A_52 : memref<1x80xi32, #tpu.memory_space<vmem>> -> memref<80xi32, #tpu.memory_space<vmem>>
    %dma_wait3A_54 = tpu.memref_slice %arg4[%mul3A_49] : memref<640000xi32, #tpu.memory_space<hbm>> -> memref<80xi32, #tpu.memory_space<hbm>>
    %dma_wait3A_55 = tpu.memref_slice %arg12[%dma_wait3A_50] : memref<2x!tpu.dma_semaphore, #tpu.memory_space<semaphore_mem>> -> memref<1x!tpu.dma_semaphore, #tpu.memory_space<semaphore_mem>>
    %dma_wait3A_56 = tpu.memref_squeeze %dma_wait3A_55 : memref<1x!tpu.dma_semaphore, #tpu.memory_space<semaphore_mem>> -> memref<!tpu.dma_semaphore, #tpu.memory_space<semaphore_mem>>
    %dma_wait3A_57 = arith.constant 0 : i32
    %dma_wait3A_58 = tpu.memref_slice %arg6[%dma_wait3A, %dma_wait3A_57] : memref<2x80xi32, #tpu.memory_space<vmem>> -> memref<1x80xi32, #tpu.memory_space<vmem>>
    %dma_wait3A_59 = tpu.memref_squeeze %dma_wait3A_58 : memref<1x80xi32, #tpu.memory_space<vmem>> -> memref<80xi32, #tpu.memory_space<vmem>>
    %dma_wait3A_60 = tpu.memref_slice %arg4[%mul3A_49] : memref<640000xi32, #tpu.memory_space<hbm>> -> memref<80xi32, #tpu.memory_space<hbm>>
    tpu.wait_dma2 semaphore(%dma_wait3A_56 : memref<!tpu.dma_semaphore, #tpu.memory_space<semaphore_mem>>) src(%dma_wait3A_60 : memref<80xi32, #tpu.memory_space<hbm>>) dst(%dma_wait3A_59 : memref<80xi32, #tpu.memory_space<vmem>>)
    %dma_start3A_61 = arith.constant 0 : i32
    %dma_start3A_62 = arith.constant 0 : i32
    %dma_start3A_63 = arith.constant 0 : i32
    %dma_start3A_64 = arith.constant 0 : i32
    %dma_start3A_65 = arith.constant 0 : i32
    %dma_start3A_66 = tpu.memref_slice %arg8[%dma_start3A_62, %dma_start3A_64, %dma_start3A_65] : memref<2x80x128xf32, #tpu.memory_space<vmem>> -> memref<1x80x128xf32, #tpu.memory_space<vmem>>
    %dma_start3A_67 = tpu.memref_squeeze %dma_start3A_66 : memref<1x80x128xf32, #tpu.memory_space<vmem>> -> memref<80x128xf32, #tpu.memory_space<vmem>>
    %dma_start3A_68 = arith.constant 0 : i32
    %dma_start3A_69 = tpu.memref_slice %arg6[%dma_start3A_61, %dma_start3A_68] : memref<2x80xi32, #tpu.memory_space<vmem>> -> memref<1x80xi32, #tpu.memory_space<vmem>>
    %dma_start3A_70 = tpu.memref_squeeze %dma_start3A_69 : memref<1x80xi32, #tpu.memory_space<vmem>> -> memref<80xi32, #tpu.memory_space<vmem>>
    %dma_start3A_71 = arith.constant 0 : i32
    %dma_start3A_72 = arith.constant 0 : i32
    %dma_start3A_73 = tpu.memref_slice %arg2[%dma_start3A_71, %dma_start3A_72] : memref<10000x128xf32, #tpu.memory_space<hbm>> -> memref<10000x128xf32, #tpu.memory_space<hbm>>
    %dma_start3A_74 = tpu.memref_slice %arg15[%dma_start3A_63] : memref<2x!tpu.dma_semaphore, #tpu.memory_space<semaphore_mem>> -> memref<1x!tpu.dma_semaphore, #tpu.memory_space<semaphore_mem>>
    %dma_start3A_75 = tpu.memref_squeeze %dma_start3A_74 : memref<1x!tpu.dma_semaphore, #tpu.memory_space<semaphore_mem>> -> memref<!tpu.dma_semaphore, #tpu.memory_space<semaphore_mem>>
    tpu.enqueue_indirect_dma source(%dma_start3A_73 : memref<10000x128xf32, #tpu.memory_space<hbm>>) target(%dma_start3A_67 : memref<80x128xf32, #tpu.memory_space<vmem>>) offsets(%dma_start3A_70 : memref<80xi32, #tpu.memory_space<vmem>>) semaphore(%dma_start3A_75 : memref<!tpu.dma_semaphore, #tpu.memory_space<semaphore_mem>>)
    %broadcast_in_dim3A = arith.constant 0.000000e+00 : f32
    %broadcast_in_dim3A_76 = vector.broadcast %broadcast_in_dim3A : f32 to vector<16xf32>
    %scan3A = arith.constant 0 : i32
    %scan3A_77 = arith.constant 0 : i32
    %scan3A_78 = arith.constant 16 : i32
    %scan3A_79 = arith.addi %scan3A_77, %scan3A_78 : i32
    %scan3A_80 = arith.constant 1 : i32
    scf.for %scan3A_536 = %scan3A_77 to %scan3A_79 step %scan3A_80  : i32 {
      %swap3A = arith.index_cast %scan3A_536 : i32 to index
      %swap3A_537 = arith.constant 0 : index
      %swap3A_538 = tpu.vector_load %arg10[%swap3A, %swap3A_537] {strides = array<i32>} : memref<16x128xf32, #tpu.memory_space<vmem>>, vector<1x16xf32>,
      %swap3A_539 = vector.shape_cast %swap3A_538 : vector<1x16xf32> to vector<16xf32>
      %swap3A_540 = vector.shape_cast %broadcast_in_dim3A_76 : vector<16xf32> to vector<1x16xf32>
      tpu.vector_store %arg10[%swap3A, %swap3A_537], %swap3A_540 {strides = array<i32>} : memref<16x128xf32, #tpu.memory_space<vmem>>, vector<1x16xf32>,
      %swap3A_541 = arith.index_cast %scan3A_536 : i32 to index
      %swap3A_542 = arith.constant 16 : index
      %swap3A_543 = tpu.vector_load %arg10[%swap3A_541, %swap3A_542] {strides = array<i32>} : memref<16x128xf32, #tpu.memory_space<vmem>>, vector<1x16xf32>,
      %swap3A_544 = vector.shape_cast %swap3A_543 : vector<1x16xf32> to vector<16xf32>
      %swap3A_545 = vector.shape_cast %broadcast_in_dim3A_76 : vector<16xf32> to vector<1x16xf32>
      tpu.vector_store %arg10[%swap3A_541, %swap3A_542], %swap3A_545 {strides = array<i32>} : memref<16x128xf32, #tpu.memory_space<vmem>>, vector<1x16xf32>,
      %swap3A_546 = arith.index_cast %scan3A_536 : i32 to index
      %swap3A_547 = arith.constant 32 : index
      %swap3A_548 = tpu.vector_load %arg10[%swap3A_546, %swap3A_547] {strides = array<i32>} : memref<16x128xf32, #tpu.memory_space<vmem>>, vector<1x16xf32>,
      %swap3A_549 = vector.shape_cast %swap3A_548 : vector<1x16xf32> to vector<16xf32>
      %swap3A_550 = vector.shape_cast %broadcast_in_dim3A_76 : vector<16xf32> to vector<1x16xf32>
      tpu.vector_store %arg10[%swap3A_546, %swap3A_547], %swap3A_550 {strides = array<i32>} : memref<16x128xf32, #tpu.memory_space<vmem>>, vector<1x16xf32>,
      %swap3A_551 = arith.index_cast %scan3A_536 : i32 to index
      %swap3A_552 = arith.constant 48 : index
      %swap3A_553 = tpu.vector_load %arg10[%swap3A_551, %swap3A_552] {strides = array<i32>} : memref<16x128xf32, #tpu.memory_space<vmem>>, vector<1x16xf32>,
      %swap3A_554 = vector.shape_cast %swap3A_553 : vector<1x16xf32> to vector<16xf32>
      %swap3A_555 = vector.shape_cast %broadcast_in_dim3A_76 : vector<16xf32> to vector<1x16xf32>
      tpu.vector_store %arg10[%swap3A_551, %swap3A_552], %swap3A_555 {strides = array<i32>} : memref<16x128xf32, #tpu.memory_space<vmem>>, vector<1x16xf32>,
      %swap3A_556 = arith.index_cast %scan3A_536 : i32 to index
      %swap3A_557 = arith.constant 64 : index
      %swap3A_558 = tpu.vector_load %arg10[%swap3A_556, %swap3A_557] {strides = array<i32>} : memref<16x128xf32, #tpu.memory_space<vmem>>, vector<1x16xf32>,
      %swap3A_559 = vector.shape_cast %swap3A_558 : vector<1x16xf32> to vector<16xf32>
      %swap3A_560 = vector.shape_cast %broadcast_in_dim3A_76 : vector<16xf32> to vector<1x16xf32>
      tpu.vector_store %arg10[%swap3A_556, %swap3A_557], %swap3A_560 {strides = array<i32>} : memref<16x128xf32, #tpu.memory_space<vmem>>, vector<1x16xf32>,
      %swap3A_561 = arith.index_cast %scan3A_536 : i32 to index
      %swap3A_562 = arith.constant 80 : index
      %swap3A_563 = tpu.vector_load %arg10[%swap3A_561, %swap3A_562] {strides = array<i32>} : memref<16x128xf32, #tpu.memory_space<vmem>>, vector<1x16xf32>,
      %swap3A_564 = vector.shape_cast %swap3A_563 : vector<1x16xf32> to vector<16xf32>
      %swap3A_565 = vector.shape_cast %broadcast_in_dim3A_76 : vector<16xf32> to vector<1x16xf32>
      tpu.vector_store %arg10[%swap3A_561, %swap3A_562], %swap3A_565 {strides = array<i32>} : memref<16x128xf32, #tpu.memory_space<vmem>>, vector<1x16xf32>,
      %swap3A_566 = arith.index_cast %scan3A_536 : i32 to index
      %swap3A_567 = arith.constant 96 : index
      %swap3A_568 = tpu.vector_load %arg10[%swap3A_566, %swap3A_567] {strides = array<i32>} : memref<16x128xf32, #tpu.memory_space<vmem>>, vector<1x16xf32>,
      %swap3A_569 = vector.shape_cast %swap3A_568 : vector<1x16xf32> to vector<16xf32>
      %swap3A_570 = vector.shape_cast %broadcast_in_dim3A_76 : vector<16xf32> to vector<1x16xf32>
      tpu.vector_store %arg10[%swap3A_566, %swap3A_567], %swap3A_570 {strides = array<i32>} : memref<16x128xf32, #tpu.memory_space<vmem>>, vector<1x16xf32>,
      %swap3A_571 = arith.index_cast %scan3A_536 : i32 to index
      %swap3A_572 = arith.constant 112 : index
      %swap3A_573 = tpu.vector_load %arg10[%swap3A_571, %swap3A_572] {strides = array<i32>} : memref<16x128xf32, #tpu.memory_space<vmem>>, vector<1x16xf32>,
      %swap3A_574 = vector.shape_cast %swap3A_573 : vector<1x16xf32> to vector<16xf32>
      %swap3A_575 = vector.shape_cast %broadcast_in_dim3A_76 : vector<16xf32> to vector<1x16xf32>
      tpu.vector_store %arg10[%swap3A_571, %swap3A_572], %swap3A_575 {strides = array<i32>} : memref<16x128xf32, #tpu.memory_space<vmem>>, vector<1x16xf32>,
    }
    %scan3A_81 = arith.constant 16 : i32
    %mul3A_82 = arith.constant 624 : i32
    %mul3A_83 = arith.muli %arg1, %mul3A_82 : i32
    %eq3A = arith.constant 15 : i32
    %eq3A_84 = arith.cmpi eq, %arg1, %eq3A : i32
    %jit3A = arith.constant 40 : i32
    %jit3A_85 = arith.constant 39 : i32
    %select_n3A = arith.select %eq3A_84, %jit3A, %jit3A_85 : i32
    %while3A = arith.constant 0 : i32
    %while3A_86 = arith.constant 0 : i32
    %while3A_87 = arith.subi %select_n3A, %while3A_86 : i32
    %while3A_88 = arith.addi %while3A_86, %while3A_87 : i32
    %while3A_89 = arith.constant 1 : i32
    %while3A_90 = arith.divsi %while3A_87, %while3A_89 : i32
    %while3A_91 = arith.muli %while3A_90, %while3A_89 : i32
    %while3A_92 = arith.addi %while3A_86, %while3A_91 : i32
    %while3A_93 = arith.constant 1 : i32
    scf.for %while3A_536 = %while3A_86 to %while3A_92 step %while3A_93  : i32 {
      %mul3A_537 = arith.constant 16 : i32
      %mul3A_538 = arith.muli %mul3A_537, %while3A_536 : i32
      %add3A_539 = arith.addi %mul3A_83, %mul3A_538 : i32
      %dma_start3A_540 = arith.constant 0 : i32
      %dma_start3A_541 = tpu.memref_slice %arg11[%add3A_539, %dma_start3A_540] : memref<10000x128xf32, #tpu.memory_space<vmem_shared>> -> memref<16x128xf32, #tpu.memory_space<vmem_shared>>
      %dma_start3A_542 = arith.constant 0 : i32
      %dma_start3A_543 = tpu.memref_slice %arg11[%add3A_539, %dma_start3A_542] : memref<10000x128xf32, #tpu.memory_space<vmem_shared>> -> memref<16x128xf32, #tpu.memory_space<vmem_shared>>
      tpu.enqueue_dma source(%arg10 : memref<16x128xf32, #tpu.memory_space<vmem>>) target(%dma_start3A_543 : memref<16x128xf32, #tpu.memory_space<vmem_shared>>) target_semaphore(%arg17 : memref<!tpu.dma_semaphore, #tpu.memory_space<semaphore_mem>>)
    }
    %while3A_94 = arith.constant 1 : i32
    scf.for %while3A_536 = %while3A_92 to %while3A_88 step %while3A_94  : i32 {
      %mul3A_537 = arith.constant 16 : i32
      %mul3A_538 = arith.muli %mul3A_537, %while3A_536 : i32
      %add3A_539 = arith.addi %mul3A_83, %mul3A_538 : i32
      %dma_start3A_540 = arith.constant 0 : i32
      %dma_start3A_541 = tpu.memref_slice %arg11[%add3A_539, %dma_start3A_540] : memref<10000x128xf32, #tpu.memory_space<vmem_shared>> -> memref<16x128xf32, #tpu.memory_space<vmem_shared>>
      %dma_start3A_542 = arith.constant 0 : i32
      %dma_start3A_543 = tpu.memref_slice %arg11[%add3A_539, %dma_start3A_542] : memref<10000x128xf32, #tpu.memory_space<vmem_shared>> -> memref<16x128xf32, #tpu.memory_space<vmem_shared>>
      tpu.enqueue_dma source(%arg10 : memref<16x128xf32, #tpu.memory_space<vmem>>) target(%dma_start3A_543 : memref<16x128xf32, #tpu.memory_space<vmem_shared>>) target_semaphore(%arg17 : memref<!tpu.dma_semaphore, #tpu.memory_space<semaphore_mem>>)
    }
    %while3A_95 = arith.constant 0 : i32
    %while3A_96 = arith.constant 0 : i32
    %while3A_97 = arith.subi %select_n3A, %while3A_96 : i32
    %while3A_98 = arith.addi %while3A_96, %while3A_97 : i32
    %while3A_99 = arith.constant 1 : i32
    %while3A_100 = arith.divsi %while3A_97, %while3A_99 : i32
    %while3A_101 = arith.muli %while3A_100, %while3A_99 : i32
    %while3A_102 = arith.addi %while3A_96, %while3A_101 : i32
    %while3A_103 = arith.constant 1 : i32
    scf.for %while3A_536 = %while3A_96 to %while3A_102 step %while3A_103  : i32 {
      %dma_wait3A_537 = arith.constant 0 : i32
      %dma_wait3A_538 = tpu.memref_slice %arg11[%mul3A_83, %dma_wait3A_537] : memref<10000x128xf32, #tpu.memory_space<vmem_shared>> -> memref<16x128xf32, #tpu.memory_space<vmem_shared>>
      %dma_wait3A_539 = arith.constant 0 : i32
      %dma_wait3A_540 = tpu.memref_slice %arg11[%mul3A_83, %dma_wait3A_539] : memref<10000x128xf32, #tpu.memory_space<vmem_shared>> -> memref<16x128xf32, #tpu.memory_space<vmem_shared>>
      tpu.wait_dma2 semaphore(%arg17 : memref<!tpu.dma_semaphore, #tpu.memory_space<semaphore_mem>>) src(%arg10 : memref<16x128xf32, #tpu.memory_space<vmem>>) dst(%dma_wait3A_540 : memref<16x128xf32, #tpu.memory_space<vmem_shared>>)
    }
    %while3A_104 = arith.constant 1 : i32
    scf.for %while3A_536 = %while3A_102 to %while3A_98 step %while3A_104  : i32 {
      %dma_wait3A_537 = arith.constant 0 : i32
      %dma_wait3A_538 = tpu.memref_slice %arg11[%mul3A_83, %dma_wait3A_537] : memref<10000x128xf32, #tpu.memory_space<vmem_shared>> -> memref<16x128xf32, #tpu.memory_space<vmem_shared>>
      %dma_wait3A_539 = arith.constant 0 : i32
      %dma_wait3A_540 = tpu.memref_slice %arg11[%mul3A_83, %dma_wait3A_539] : memref<10000x128xf32, #tpu.memory_space<vmem_shared>> -> memref<16x128xf32, #tpu.memory_space<vmem_shared>>
      tpu.wait_dma2 semaphore(%arg17 : memref<!tpu.dma_semaphore, #tpu.memory_space<semaphore_mem>>) src(%arg10 : memref<16x128xf32, #tpu.memory_space<vmem>>) dst(%dma_wait3A_540 : memref<16x128xf32, #tpu.memory_space<vmem_shared>>)
    }
    %barrier3A = arith.constant 0 : index
    tpu.barrier barrier_id(%barrier3A)
    %add3A_105 = arith.constant 32 : i32
    %add3A_106 = arith.addi %add3A, %add3A_105 : i32
    %mul3A_107 = arith.constant 80 : i32
    %mul3A_108 = arith.muli %add3A_106, %mul3A_107 : i32
    %dma_start3A_109 = arith.constant 1 : i32
    %dma_start3A_110 = arith.constant 1 : i32
    %dma_start3A_111 = arith.constant 0 : i32
    %dma_start3A_112 = tpu.memref_slice %arg6[%dma_start3A_109, %dma_start3A_111] : memref<2x80xi32, #tpu.memory_space<vmem>> -> memref<1x80xi32, #tpu.memory_space<vmem>>
    %dma_start3A_113 = tpu.memref_squeeze %dma_start3A_112 : memref<1x80xi32, #tpu.memory_space<vmem>> -> memref<80xi32, #tpu.memory_space<vmem>>
    %dma_start3A_114 = tpu.memref_slice %arg4[%mul3A_108] : memref<640000xi32, #tpu.memory_space<hbm>> -> memref<80xi32, #tpu.memory_space<hbm>>
    %dma_start3A_115 = tpu.memref_slice %arg12[%dma_start3A_110] : memref<2x!tpu.dma_semaphore, #tpu.memory_space<semaphore_mem>> -> memref<1x!tpu.dma_semaphore, #tpu.memory_space<semaphore_mem>>
    %dma_start3A_116 = tpu.memref_squeeze %dma_start3A_115 : memref<1x!tpu.dma_semaphore, #tpu.memory_space<semaphore_mem>> -> memref<!tpu.dma_semaphore, #tpu.memory_space<semaphore_mem>>
    %dma_start3A_117 = arith.constant 0 : i32
    %dma_start3A_118 = tpu.memref_slice %arg6[%dma_start3A_109, %dma_start3A_117] : memref<2x80xi32, #tpu.memory_space<vmem>> -> memref<1x80xi32, #tpu.memory_space<vmem>>
    %dma_start3A_119 = tpu.memref_squeeze %dma_start3A_118 : memref<1x80xi32, #tpu.memory_space<vmem>> -> memref<80xi32, #tpu.memory_space<vmem>>
    %dma_start3A_120 = tpu.memref_slice %arg4[%mul3A_108] : memref<640000xi32, #tpu.memory_space<hbm>> -> memref<80xi32, #tpu.memory_space<hbm>>
    tpu.enqueue_dma source(%dma_start3A_120 : memref<80xi32, #tpu.memory_space<hbm>>) target(%dma_start3A_119 : memref<80xi32, #tpu.memory_space<vmem>>) target_semaphore(%dma_start3A_116 : memref<!tpu.dma_semaphore, #tpu.memory_space<semaphore_mem>>)
    %add3A_121 = arith.constant 320000 : i32
    %add3A_122 = arith.addi %add3A_121, %mul3A_108 : i32
    %dma_start3A_123 = arith.constant 1 : i32
    %dma_start3A_124 = arith.constant 1 : i32
    %dma_start3A_125 = arith.constant 0 : i32
    %dma_start3A_126 = tpu.memref_slice %arg7[%dma_start3A_123, %dma_start3A_125] : memref<2x80xi32, #tpu.memory_space<vmem>> -> memref<1x80xi32, #tpu.memory_space<vmem>>
    %dma_start3A_127 = tpu.memref_squeeze %dma_start3A_126 : memref<1x80xi32, #tpu.memory_space<vmem>> -> memref<80xi32, #tpu.memory_space<vmem>>
    %dma_start3A_128 = tpu.memref_slice %arg4[%add3A_122] : memref<640000xi32, #tpu.memory_space<hbm>> -> memref<80xi32, #tpu.memory_space<hbm>>
    %dma_start3A_129 = tpu.memref_slice %arg13[%dma_start3A_124] : memref<2x!tpu.dma_semaphore, #tpu.memory_space<semaphore_mem>> -> memref<1x!tpu.dma_semaphore, #tpu.memory_space<semaphore_mem>>
    %dma_start3A_130 = tpu.memref_squeeze %dma_start3A_129 : memref<1x!tpu.dma_semaphore, #tpu.memory_space<semaphore_mem>> -> memref<!tpu.dma_semaphore, #tpu.memory_space<semaphore_mem>>
    %dma_start3A_131 = arith.constant 0 : i32
    %dma_start3A_132 = tpu.memref_slice %arg7[%dma_start3A_123, %dma_start3A_131] : memref<2x80xi32, #tpu.memory_space<vmem>> -> memref<1x80xi32, #tpu.memory_space<vmem>>
    %dma_start3A_133 = tpu.memref_squeeze %dma_start3A_132 : memref<1x80xi32, #tpu.memory_space<vmem>> -> memref<80xi32, #tpu.memory_space<vmem>>
    %dma_start3A_134 = tpu.memref_slice %arg4[%add3A_122] : memref<640000xi32, #tpu.memory_space<hbm>> -> memref<80xi32, #tpu.memory_space<hbm>>
    tpu.enqueue_dma source(%dma_start3A_134 : memref<80xi32, #tpu.memory_space<hbm>>) target(%dma_start3A_133 : memref<80xi32, #tpu.memory_space<vmem>>) target_semaphore(%dma_start3A_130 : memref<!tpu.dma_semaphore, #tpu.memory_space<semaphore_mem>>)
    %dma_start3A_135 = arith.constant 1 : i32
    %dma_start3A_136 = arith.constant 1 : i32
    %dma_start3A_137 = arith.constant 0 : i32
    %dma_start3A_138 = arith.constant 0 : i32
    %dma_start3A_139 = tpu.memref_slice %arg9[%dma_start3A_135, %dma_start3A_137, %dma_start3A_138] : memref<2x80x128xf32, #tpu.memory_space<vmem>> -> memref<1x80x128xf32, #tpu.memory_space<vmem>>
    %dma_start3A_140 = tpu.memref_squeeze %dma_start3A_139 : memref<1x80x128xf32, #tpu.memory_space<vmem>> -> memref<80x128xf32, #tpu.memory_space<vmem>>
    %dma_start3A_141 = arith.constant 0 : i32
    %dma_start3A_142 = tpu.memref_slice %arg3[%mul3A_108, %dma_start3A_141] : memref<320000x128xf32, #tpu.memory_space<hbm>> -> memref<80x128xf32, #tpu.memory_space<hbm>>
    %dma_start3A_143 = tpu.memref_slice %arg14[%dma_start3A_136] : memref<2x!tpu.dma_semaphore, #tpu.memory_space<semaphore_mem>> -> memref<1x!tpu.dma_semaphore, #tpu.memory_space<semaphore_mem>>
    %dma_start3A_144 = tpu.memref_squeeze %dma_start3A_143 : memref<1x!tpu.dma_semaphore, #tpu.memory_space<semaphore_mem>> -> memref<!tpu.dma_semaphore, #tpu.memory_space<semaphore_mem>>
    %dma_start3A_145 = arith.constant 0 : i32
    %dma_start3A_146 = arith.constant 0 : i32
    %dma_start3A_147 = tpu.memref_slice %arg9[%dma_start3A_135, %dma_start3A_145, %dma_start3A_146] : memref<2x80x128xf32, #tpu.memory_space<vmem>> -> memref<1x80x128xf32, #tpu.memory_space<vmem>>
    %dma_start3A_148 = tpu.memref_squeeze %dma_start3A_147 : memref<1x80x128xf32, #tpu.memory_space<vmem>> -> memref<80x128xf32, #tpu.memory_space<vmem>>
    %dma_start3A_149 = arith.constant 0 : i32
    %dma_start3A_150 = tpu.memref_slice %arg3[%mul3A_108, %dma_start3A_149] : memref<320000x128xf32, #tpu.memory_space<hbm>> -> memref<80x128xf32, #tpu.memory_space<hbm>>
    tpu.enqueue_dma source(%dma_start3A_150 : memref<80x128xf32, #tpu.memory_space<hbm>>) target(%dma_start3A_148 : memref<80x128xf32, #tpu.memory_space<vmem>>) target_semaphore(%dma_start3A_144 : memref<!tpu.dma_semaphore, #tpu.memory_space<semaphore_mem>>)
    %dma_wait3A_151 = arith.constant 0 : i32
    %dma_wait3A_152 = arith.constant 0 : i32
    %dma_wait3A_153 = arith.constant 0 : i32
    %dma_wait3A_154 = arith.constant 0 : i32
    %dma_wait3A_155 = arith.constant 0 : i32
    %dma_wait3A_156 = tpu.memref_slice %arg8[%dma_wait3A_152, %dma_wait3A_154, %dma_wait3A_155] : memref<2x80x128xf32, #tpu.memory_space<vmem>> -> memref<1x80x128xf32, #tpu.memory_space<vmem>>
    %dma_wait3A_157 = tpu.memref_squeeze %dma_wait3A_156 : memref<1x80x128xf32, #tpu.memory_space<vmem>> -> memref<80x128xf32, #tpu.memory_space<vmem>>
    %dma_wait3A_158 = arith.constant 0 : i32
    %dma_wait3A_159 = tpu.memref_slice %arg6[%dma_wait3A_151, %dma_wait3A_158] : memref<2x80xi32, #tpu.memory_space<vmem>> -> memref<1x80xi32, #tpu.memory_space<vmem>>
    %dma_wait3A_160 = tpu.memref_squeeze %dma_wait3A_159 : memref<1x80xi32, #tpu.memory_space<vmem>> -> memref<80xi32, #tpu.memory_space<vmem>>
    %dma_wait3A_161 = arith.constant 0 : i32
    %dma_wait3A_162 = arith.constant 0 : i32
    %dma_wait3A_163 = tpu.memref_slice %arg2[%dma_wait3A_161, %dma_wait3A_162] : memref<10000x128xf32, #tpu.memory_space<hbm>> -> memref<10000x128xf32, #tpu.memory_space<hbm>>
    %dma_wait3A_164 = tpu.memref_slice %arg15[%dma_wait3A_153] : memref<2x!tpu.dma_semaphore, #tpu.memory_space<semaphore_mem>> -> memref<1x!tpu.dma_semaphore, #tpu.memory_space<semaphore_mem>>
    %dma_wait3A_165 = tpu.memref_squeeze %dma_wait3A_164 : memref<1x!tpu.dma_semaphore, #tpu.memory_space<semaphore_mem>> -> memref<!tpu.dma_semaphore, #tpu.memory_space<semaphore_mem>>
    tpu.wait_indirect_dma semaphore(%dma_wait3A_165 : memref<!tpu.dma_semaphore, #tpu.memory_space<semaphore_mem>>) src(%dma_wait3A_163 : memref<10000x128xf32, #tpu.memory_space<hbm>>) dst(%dma_wait3A_157 : memref<80x128xf32, #tpu.memory_space<vmem>>)
    %add3A_166 = arith.constant 0 : i32
    %add3A_167 = arith.addi %add3A, %add3A_166 : i32
    %mul3A_168 = arith.constant 80 : i32
    %mul3A_169 = arith.muli %add3A_167, %mul3A_168 : i32
    %dma_wait3A_170 = arith.constant 0 : i32
    %dma_wait3A_171 = arith.constant 0 : i32
    %dma_wait3A_172 = arith.constant 0 : i32
    %dma_wait3A_173 = arith.constant 0 : i32
    %dma_wait3A_174 = tpu.memref_slice %arg9[%dma_wait3A_170, %dma_wait3A_172, %dma_wait3A_173] : memref<2x80x128xf32, #tpu.memory_space<vmem>> -> memref<1x80x128xf32, #tpu.memory_space<vmem>>
    %dma_wait3A_175 = tpu.memref_squeeze %dma_wait3A_174 : memref<1x80x128xf32, #tpu.memory_space<vmem>> -> memref<80x128xf32, #tpu.memory_space<vmem>>
    %dma_wait3A_176 = arith.constant 0 : i32
    %dma_wait3A_177 = tpu.memref_slice %arg3[%mul3A_169, %dma_wait3A_176] : memref<320000x128xf32, #tpu.memory_space<hbm>> -> memref<80x128xf32, #tpu.memory_space<hbm>>
    %dma_wait3A_178 = tpu.memref_slice %arg14[%dma_wait3A_171] : memref<2x!tpu.dma_semaphore, #tpu.memory_space<semaphore_mem>> -> memref<1x!tpu.dma_semaphore, #tpu.memory_space<semaphore_mem>>
    %dma_wait3A_179 = tpu.memref_squeeze %dma_wait3A_178 : memref<1x!tpu.dma_semaphore, #tpu.memory_space<semaphore_mem>> -> memref<!tpu.dma_semaphore, #tpu.memory_space<semaphore_mem>>
    %dma_wait3A_180 = arith.constant 0 : i32
    %dma_wait3A_181 = arith.constant 0 : i32
    %dma_wait3A_182 = tpu.memref_slice %arg9[%dma_wait3A_170, %dma_wait3A_180, %dma_wait3A_181] : memref<2x80x128xf32, #tpu.memory_space<vmem>> -> memref<1x80x128xf32, #tpu.memory_space<vmem>>
    %dma_wait3A_183 = tpu.memref_squeeze %dma_wait3A_182 : memref<1x80x128xf32, #tpu.memory_space<vmem>> -> memref<80x128xf32, #tpu.memory_space<vmem>>
    %dma_wait3A_184 = arith.constant 0 : i32
    %dma_wait3A_185 = tpu.memref_slice %arg3[%mul3A_169, %dma_wait3A_184] : memref<320000x128xf32, #tpu.memory_space<hbm>> -> memref<80x128xf32, #tpu.memory_space<hbm>>
    tpu.wait_dma2 semaphore(%dma_wait3A_179 : memref<!tpu.dma_semaphore, #tpu.memory_space<semaphore_mem>>) src(%dma_wait3A_185 : memref<80x128xf32, #tpu.memory_space<hbm>>) dst(%dma_wait3A_183 : memref<80x128xf32, #tpu.memory_space<vmem>>)
    %parallel_loop3A = arith.constant 0 : i32
    %parallel_loop3A_186 = arith.constant 80 : i32
    %parallel_loop3A_187 = arith.constant 1 : i32
    %parallel_loop3A_188 = arith.constant 0 : i32
    %parallel_loop3A_189 = arith.constant 0 : i32
    scf.for %parallel_loop3A_536 = %parallel_loop3A to %parallel_loop3A_186 step %parallel_loop3A_187  : i32 {
      %parallel_loop3A_537 = arith.constant 0 : i32
      %parallel_loop3A_538 = arith.constant 0 : i32
      %parallel_loop3A_539 = tpu.memref_slice %arg8[%parallel_loop3A_188, %parallel_loop3A_537, %parallel_loop3A_538] : memref<2x80x128xf32, #tpu.memory_space<vmem>> -> memref<1x80x128xf32, #tpu.memory_space<vmem>>
      %parallel_loop3A_540 = tpu.memref_squeeze %parallel_loop3A_539 : memref<1x80x128xf32, #tpu.memory_space<vmem>> -> memref<80x128xf32, #tpu.memory_space<vmem>>
      %parallel_loop3A_541 = arith.index_cast %parallel_loop3A_536 : i32 to index
      %parallel_loop3A_542 = arith.constant 0 : index
      %parallel_loop3A_543 = tpu.vector_load %parallel_loop3A_540[%parallel_loop3A_541, %parallel_loop3A_542] {strides = array<i32>} : memref<80x128xf32, #tpu.memory_space<vmem>>, vector<1x16xf32>,
      %parallel_loop3A_544 = vector.shape_cast %parallel_loop3A_543 : vector<1x16xf32> to vector<16xf32>
      %parallel_loop3A_545 = arith.constant 0 : i32
      %parallel_loop3A_546 = arith.constant 0 : i32
      %parallel_loop3A_547 = tpu.memref_slice %arg9[%parallel_loop3A_189, %parallel_loop3A_545, %parallel_loop3A_546] : memref<2x80x128xf32, #tpu.memory_space<vmem>> -> memref<1x80x128xf32, #tpu.memory_space<vmem>>
      %parallel_loop3A_548 = tpu.memref_squeeze %parallel_loop3A_547 : memref<1x80x128xf32, #tpu.memory_space<vmem>> -> memref<80x128xf32, #tpu.memory_space<vmem>>
      %parallel_loop3A_549 = arith.index_cast %parallel_loop3A_536 : i32 to index
      %parallel_loop3A_550 = arith.constant 0 : index
      %parallel_loop3A_551 = tpu.vector_load %parallel_loop3A_548[%parallel_loop3A_549, %parallel_loop3A_550] {strides = array<i32>} : memref<80x128xf32, #tpu.memory_space<vmem>>, vector<1x16xf32>,
      %parallel_loop3A_552 = vector.shape_cast %parallel_loop3A_551 : vector<1x16xf32> to vector<16xf32>
      %parallel_loop3A_553 = arith.mulf %parallel_loop3A_544, %parallel_loop3A_552 : vector<16xf32>
      %parallel_loop3A_554 = arith.constant 0 : i32
      %parallel_loop3A_555 = arith.constant 0 : i32
      %parallel_loop3A_556 = tpu.memref_slice %arg8[%parallel_loop3A_188, %parallel_loop3A_554, %parallel_loop3A_555] : memref<2x80x128xf32, #tpu.memory_space<vmem>> -> memref<1x80x128xf32, #tpu.memory_space<vmem>>
      %parallel_loop3A_557 = tpu.memref_squeeze %parallel_loop3A_556 : memref<1x80x128xf32, #tpu.memory_space<vmem>> -> memref<80x128xf32, #tpu.memory_space<vmem>>
      %parallel_loop3A_558 = arith.index_cast %parallel_loop3A_536 : i32 to index
      %parallel_loop3A_559 = arith.constant 0 : index
      %parallel_loop3A_560 = tpu.vector_load %parallel_loop3A_557[%parallel_loop3A_558, %parallel_loop3A_559] {strides = array<i32>} : memref<80x128xf32, #tpu.memory_space<vmem>>, vector<1x16xf32>,
      %parallel_loop3A_561 = vector.shape_cast %parallel_loop3A_560 : vector<1x16xf32> to vector<16xf32>
      %parallel_loop3A_562 = vector.shape_cast %parallel_loop3A_553 : vector<16xf32> to vector<1x16xf32>
      tpu.vector_store %parallel_loop3A_557[%parallel_loop3A_558, %parallel_loop3A_559], %parallel_loop3A_562 {strides = array<i32>} : memref<80x128xf32, #tpu.memory_space<vmem>>, vector<1x16xf32>,
      %parallel_loop3A_563 = arith.constant 0 : i32
      %parallel_loop3A_564 = arith.constant 0 : i32
      %parallel_loop3A_565 = tpu.memref_slice %arg8[%parallel_loop3A_188, %parallel_loop3A_563, %parallel_loop3A_564] : memref<2x80x128xf32, #tpu.memory_space<vmem>> -> memref<1x80x128xf32, #tpu.memory_space<vmem>>
      %parallel_loop3A_566 = tpu.memref_squeeze %parallel_loop3A_565 : memref<1x80x128xf32, #tpu.memory_space<vmem>> -> memref<80x128xf32, #tpu.memory_space<vmem>>
      %parallel_loop3A_567 = arith.index_cast %parallel_loop3A_536 : i32 to index
      %parallel_loop3A_568 = arith.constant 16 : index
      %parallel_loop3A_569 = tpu.vector_load %parallel_loop3A_566[%parallel_loop3A_567, %parallel_loop3A_568] {strides = array<i32>} : memref<80x128xf32, #tpu.memory_space<vmem>>, vector<1x16xf32>,
      %parallel_loop3A_570 = vector.shape_cast %parallel_loop3A_569 : vector<1x16xf32> to vector<16xf32>
      %parallel_loop3A_571 = arith.constant 0 : i32
      %parallel_loop3A_572 = arith.constant 0 : i32
      %parallel_loop3A_573 = tpu.memref_slice %arg9[%parallel_loop3A_189, %parallel_loop3A_571, %parallel_loop3A_572] : memref<2x80x128xf32, #tpu.memory_space<vmem>> -> memref<1x80x128xf32, #tpu.memory_space<vmem>>
      %parallel_loop3A_574 = tpu.memref_squeeze %parallel_loop3A_573 : memref<1x80x128xf32, #tpu.memory_space<vmem>> -> memref<80x128xf32, #tpu.memory_space<vmem>>
      %parallel_loop3A_575 = arith.index_cast %parallel_loop3A_536 : i32 to index
      %parallel_loop3A_576 = arith.constant 16 : index
      %parallel_loop3A_577 = tpu.vector_load %parallel_loop3A_574[%parallel_loop3A_575, %parallel_loop3A_576] {strides = array<i32>} : memref<80x128xf32, #tpu.memory_space<vmem>>, vector<1x16xf32>,
      %parallel_loop3A_578 = vector.shape_cast %parallel_loop3A_577 : vector<1x16xf32> to vector<16xf32>
      %parallel_loop3A_579 = arith.mulf %parallel_loop3A_570, %parallel_loop3A_578 : vector<16xf32>
      %parallel_loop3A_580 = arith.constant 0 : i32
      %parallel_loop3A_581 = arith.constant 0 : i32
      %parallel_loop3A_582 = tpu.memref_slice %arg8[%parallel_loop3A_188, %parallel_loop3A_580, %parallel_loop3A_581] : memref<2x80x128xf32, #tpu.memory_space<vmem>> -> memref<1x80x128xf32, #tpu.memory_space<vmem>>
      %parallel_loop3A_583 = tpu.memref_squeeze %parallel_loop3A_582 : memref<1x80x128xf32, #tpu.memory_space<vmem>> -> memref<80x128xf32, #tpu.memory_space<vmem>>
      %parallel_loop3A_584 = arith.index_cast %parallel_loop3A_536 : i32 to index
      %parallel_loop3A_585 = arith.constant 16 : index
      %parallel_loop3A_586 = tpu.vector_load %parallel_loop3A_583[%parallel_loop3A_584, %parallel_loop3A_585] {strides = array<i32>} : memref<80x128xf32, #tpu.memory_space<vmem>>, vector<1x16xf32>,
      %parallel_loop3A_587 = vector.shape_cast %parallel_loop3A_586 : vector<1x16xf32> to vector<16xf32>
      %parallel_loop3A_588 = vector.shape_cast %parallel_loop3A_579 : vector<16xf32> to vector<1x16xf32>
      tpu.vector_store %parallel_loop3A_583[%parallel_loop3A_584, %parallel_loop3A_585], %parallel_loop3A_588 {strides = array<i32>} : memref<80x128xf32, #tpu.memory_space<vmem>>, vector<1x16xf32>,
      %parallel_loop3A_589 = arith.constant 0 : i32
      %parallel_loop3A_590 = arith.constant 0 : i32
      %parallel_loop3A_591 = tpu.memref_slice %arg8[%parallel_loop3A_188, %parallel_loop3A_589, %parallel_loop3A_590] : memref<2x80x128xf32, #tpu.memory_space<vmem>> -> memref<1x80x128xf32, #tpu.memory_space<vmem>>
      %parallel_loop3A_592 = tpu.memref_squeeze %parallel_loop3A_591 : memref<1x80x128xf32, #tpu.memory_space<vmem>> -> memref<80x128xf32, #tpu.memory_space<vmem>>
      %parallel_loop3A_593 = arith.index_cast %parallel_loop3A_536 : i32 to index
      %parallel_loop3A_594 = arith.constant 32 : index
      %parallel_loop3A_595 = tpu.vector_load %parallel_loop3A_592[%parallel_loop3A_593, %parallel_loop3A_594] {strides = array<i32>} : memref<80x128xf32, #tpu.memory_space<vmem>>, vector<1x16xf32>,
      %parallel_loop3A_596 = vector.shape_cast %parallel_loop3A_595 : vector<1x16xf32> to vector<16xf32>
      %parallel_loop3A_597 = arith.constant 0 : i32
      %parallel_loop3A_598 = arith.constant 0 : i32
      %parallel_loop3A_599 = tpu.memref_slice %arg9[%parallel_loop3A_189, %parallel_loop3A_597, %parallel_loop3A_598] : memref<2x80x128xf32, #tpu.memory_space<vmem>> -> memref<1x80x128xf32, #tpu.memory_space<vmem>>
      %parallel_loop3A_600 = tpu.memref_squeeze %parallel_loop3A_599 : memref<1x80x128xf32, #tpu.memory_space<vmem>> -> memref<80x128xf32, #tpu.memory_space<vmem>>
      %parallel_loop3A_601 = arith.index_cast %parallel_loop3A_536 : i32 to index
      %parallel_loop3A_602 = arith.constant 32 : index
      %parallel_loop3A_603 = tpu.vector_load %parallel_loop3A_600[%parallel_loop3A_601, %parallel_loop3A_602] {strides = array<i32>} : memref<80x128xf32, #tpu.memory_space<vmem>>, vector<1x16xf32>,
      %parallel_loop3A_604 = vector.shape_cast %parallel_loop3A_603 : vector<1x16xf32> to vector<16xf32>
      %parallel_loop3A_605 = arith.mulf %parallel_loop3A_596, %parallel_loop3A_604 : vector<16xf32>
      %parallel_loop3A_606 = arith.constant 0 : i32
      %parallel_loop3A_607 = arith.constant 0 : i32
      %parallel_loop3A_608 = tpu.memref_slice %arg8[%parallel_loop3A_188, %parallel_loop3A_606, %parallel_loop3A_607] : memref<2x80x128xf32, #tpu.memory_space<vmem>> -> memref<1x80x128xf32, #tpu.memory_space<vmem>>
      %parallel_loop3A_609 = tpu.memref_squeeze %parallel_loop3A_608 : memref<1x80x128xf32, #tpu.memory_space<vmem>> -> memref<80x128xf32, #tpu.memory_space<vmem>>
      %parallel_loop3A_610 = arith.index_cast %parallel_loop3A_536 : i32 to index
      %parallel_loop3A_611 = arith.constant 32 : index
      %parallel_loop3A_612 = tpu.vector_load %parallel_loop3A_609[%parallel_loop3A_610, %parallel_loop3A_611] {strides = array<i32>} : memref<80x128xf32, #tpu.memory_space<vmem>>, vector<1x16xf32>,
      %parallel_loop3A_613 = vector.shape_cast %parallel_loop3A_612 : vector<1x16xf32> to vector<16xf32>
      %parallel_loop3A_614 = vector.shape_cast %parallel_loop3A_605 : vector<16xf32> to vector<1x16xf32>
      tpu.vector_store %parallel_loop3A_609[%parallel_loop3A_610, %parallel_loop3A_611], %parallel_loop3A_614 {strides = array<i32>} : memref<80x128xf32, #tpu.memory_space<vmem>>, vector<1x16xf32>,
      %parallel_loop3A_615 = arith.constant 0 : i32
      %parallel_loop3A_616 = arith.constant 0 : i32
      %parallel_loop3A_617 = tpu.memref_slice %arg8[%parallel_loop3A_188, %parallel_loop3A_615, %parallel_loop3A_616] : memref<2x80x128xf32, #tpu.memory_space<vmem>> -> memref<1x80x128xf32, #tpu.memory_space<vmem>>
      %parallel_loop3A_618 = tpu.memref_squeeze %parallel_loop3A_617 : memref<1x80x128xf32, #tpu.memory_space<vmem>> -> memref<80x128xf32, #tpu.memory_space<vmem>>
      %parallel_loop3A_619 = arith.index_cast %parallel_loop3A_536 : i32 to index
      %parallel_loop3A_620 = arith.constant 48 : index
      %parallel_loop3A_621 = tpu.vector_load %parallel_loop3A_618[%parallel_loop3A_619, %parallel_loop3A_620] {strides = array<i32>} : memref<80x128xf32, #tpu.memory_space<vmem>>, vector<1x16xf32>,
      %parallel_loop3A_622 = vector.shape_cast %parallel_loop3A_621 : vector<1x16xf32> to vector<16xf32>
      %parallel_loop3A_623 = arith.constant 0 : i32
      %parallel_loop3A_624 = arith.constant 0 : i32
      %parallel_loop3A_625 = tpu.memref_slice %arg9[%parallel_loop3A_189, %parallel_loop3A_623, %parallel_loop3A_624] : memref<2x80x128xf32, #tpu.memory_space<vmem>> -> memref<1x80x128xf32, #tpu.memory_space<vmem>>
      %parallel_loop3A_626 = tpu.memref_squeeze %parallel_loop3A_625 : memref<1x80x128xf32, #tpu.memory_space<vmem>> -> memref<80x128xf32, #tpu.memory_space<vmem>>
      %parallel_loop3A_627 = arith.index_cast %parallel_loop3A_536 : i32 to index
      %parallel_loop3A_628 = arith.constant 48 : index
      %parallel_loop3A_629 = tpu.vector_load %parallel_loop3A_626[%parallel_loop3A_627, %parallel_loop3A_628] {strides = array<i32>} : memref<80x128xf32, #tpu.memory_space<vmem>>, vector<1x16xf32>,
      %parallel_loop3A_630 = vector.shape_cast %parallel_loop3A_629 : vector<1x16xf32> to vector<16xf32>
      %parallel_loop3A_631 = arith.mulf %parallel_loop3A_622, %parallel_loop3A_630 : vector<16xf32>
      %parallel_loop3A_632 = arith.constant 0 : i32
      %parallel_loop3A_633 = arith.constant 0 : i32
      %parallel_loop3A_634 = tpu.memref_slice %arg8[%parallel_loop3A_188, %parallel_loop3A_632, %parallel_loop3A_633] : memref<2x80x128xf32, #tpu.memory_space<vmem>> -> memref<1x80x128xf32, #tpu.memory_space<vmem>>
      %parallel_loop3A_635 = tpu.memref_squeeze %parallel_loop3A_634 : memref<1x80x128xf32, #tpu.memory_space<vmem>> -> memref<80x128xf32, #tpu.memory_space<vmem>>
      %parallel_loop3A_636 = arith.index_cast %parallel_loop3A_536 : i32 to index
      %parallel_loop3A_637 = arith.constant 48 : index
      %parallel_loop3A_638 = tpu.vector_load %parallel_loop3A_635[%parallel_loop3A_636, %parallel_loop3A_637] {strides = array<i32>} : memref<80x128xf32, #tpu.memory_space<vmem>>, vector<1x16xf32>,
      %parallel_loop3A_639 = vector.shape_cast %parallel_loop3A_638 : vector<1x16xf32> to vector<16xf32>
      %parallel_loop3A_640 = vector.shape_cast %parallel_loop3A_631 : vector<16xf32> to vector<1x16xf32>
      tpu.vector_store %parallel_loop3A_635[%parallel_loop3A_636, %parallel_loop3A_637], %parallel_loop3A_640 {strides = array<i32>} : memref<80x128xf32, #tpu.memory_space<vmem>>, vector<1x16xf32>,
      %parallel_loop3A_641 = arith.constant 0 : i32
      %parallel_loop3A_642 = arith.constant 0 : i32
      %parallel_loop3A_643 = tpu.memref_slice %arg8[%parallel_loop3A_188, %parallel_loop3A_641, %parallel_loop3A_642] : memref<2x80x128xf32, #tpu.memory_space<vmem>> -> memref<1x80x128xf32, #tpu.memory_space<vmem>>
      %parallel_loop3A_644 = tpu.memref_squeeze %parallel_loop3A_643 : memref<1x80x128xf32, #tpu.memory_space<vmem>> -> memref<80x128xf32, #tpu.memory_space<vmem>>
      %parallel_loop3A_645 = arith.index_cast %parallel_loop3A_536 : i32 to index
      %parallel_loop3A_646 = arith.constant 64 : index
      %parallel_loop3A_647 = tpu.vector_load %parallel_loop3A_644[%parallel_loop3A_645, %parallel_loop3A_646] {strides = array<i32>} : memref<80x128xf32, #tpu.memory_space<vmem>>, vector<1x16xf32>,
      %parallel_loop3A_648 = vector.shape_cast %parallel_loop3A_647 : vector<1x16xf32> to vector<16xf32>
      %parallel_loop3A_649 = arith.constant 0 : i32
      %parallel_loop3A_650 = arith.constant 0 : i32
      %parallel_loop3A_651 = tpu.memref_slice %arg9[%parallel_loop3A_189, %parallel_loop3A_649, %parallel_loop3A_650] : memref<2x80x128xf32, #tpu.memory_space<vmem>> -> memref<1x80x128xf32, #tpu.memory_space<vmem>>
      %parallel_loop3A_652 = tpu.memref_squeeze %parallel_loop3A_651 : memref<1x80x128xf32, #tpu.memory_space<vmem>> -> memref<80x128xf32, #tpu.memory_space<vmem>>
      %parallel_loop3A_653 = arith.index_cast %parallel_loop3A_536 : i32 to index
      %parallel_loop3A_654 = arith.constant 64 : index
      %parallel_loop3A_655 = tpu.vector_load %parallel_loop3A_652[%parallel_loop3A_653, %parallel_loop3A_654] {strides = array<i32>} : memref<80x128xf32, #tpu.memory_space<vmem>>, vector<1x16xf32>,
      %parallel_loop3A_656 = vector.shape_cast %parallel_loop3A_655 : vector<1x16xf32> to vector<16xf32>
      %parallel_loop3A_657 = arith.mulf %parallel_loop3A_648, %parallel_loop3A_656 : vector<16xf32>
      %parallel_loop3A_658 = arith.constant 0 : i32
      %parallel_loop3A_659 = arith.constant 0 : i32
      %parallel_loop3A_660 = tpu.memref_slice %arg8[%parallel_loop3A_188, %parallel_loop3A_658, %parallel_loop3A_659] : memref<2x80x128xf32, #tpu.memory_space<vmem>> -> memref<1x80x128xf32, #tpu.memory_space<vmem>>
      %parallel_loop3A_661 = tpu.memref_squeeze %parallel_loop3A_660 : memref<1x80x128xf32, #tpu.memory_space<vmem>> -> memref<80x128xf32, #tpu.memory_space<vmem>>
      %parallel_loop3A_662 = arith.index_cast %parallel_loop3A_536 : i32 to index
      %parallel_loop3A_663 = arith.constant 64 : index
      %parallel_loop3A_664 = tpu.vector_load %parallel_loop3A_661[%parallel_loop3A_662, %parallel_loop3A_663] {strides = array<i32>} : memref<80x128xf32, #tpu.memory_space<vmem>>, vector<1x16xf32>,
      %parallel_loop3A_665 = vector.shape_cast %parallel_loop3A_664 : vector<1x16xf32> to vector<16xf32>
      %parallel_loop3A_666 = vector.shape_cast %parallel_loop3A_657 : vector<16xf32> to vector<1x16xf32>
      tpu.vector_store %parallel_loop3A_661[%parallel_loop3A_662, %parallel_loop3A_663], %parallel_loop3A_666 {strides = array<i32>} : memref<80x128xf32, #tpu.memory_space<vmem>>, vector<1x16xf32>,
      %parallel_loop3A_667 = arith.constant 0 : i32
      %parallel_loop3A_668 = arith.constant 0 : i32
      %parallel_loop3A_669 = tpu.memref_slice %arg8[%parallel_loop3A_188, %parallel_loop3A_667, %parallel_loop3A_668] : memref<2x80x128xf32, #tpu.memory_space<vmem>> -> memref<1x80x128xf32, #tpu.memory_space<vmem>>
      %parallel_loop3A_670 = tpu.memref_squeeze %parallel_loop3A_669 : memref<1x80x128xf32, #tpu.memory_space<vmem>> -> memref<80x128xf32, #tpu.memory_space<vmem>>
      %parallel_loop3A_671 = arith.index_cast %parallel_loop3A_536 : i32 to index
      %parallel_loop3A_672 = arith.constant 80 : index
      %parallel_loop3A_673 = tpu.vector_load %parallel_loop3A_670[%parallel_loop3A_671, %parallel_loop3A_672] {strides = array<i32>} : memref<80x128xf32, #tpu.memory_space<vmem>>, vector<1x16xf32>,
      %parallel_loop3A_674 = vector.shape_cast %parallel_loop3A_673 : vector<1x16xf32> to vector<16xf32>
      %parallel_loop3A_675 = arith.constant 0 : i32
      %parallel_loop3A_676 = arith.constant 0 : i32
      %parallel_loop3A_677 = tpu.memref_slice %arg9[%parallel_loop3A_189, %parallel_loop3A_675, %parallel_loop3A_676] : memref<2x80x128xf32, #tpu.memory_space<vmem>> -> memref<1x80x128xf32, #tpu.memory_space<vmem>>
      %parallel_loop3A_678 = tpu.memref_squeeze %parallel_loop3A_677 : memref<1x80x128xf32, #tpu.memory_space<vmem>> -> memref<80x128xf32, #tpu.memory_space<vmem>>
      %parallel_loop3A_679 = arith.index_cast %parallel_loop3A_536 : i32 to index
      %parallel_loop3A_680 = arith.constant 80 : index
      %parallel_loop3A_681 = tpu.vector_load %parallel_loop3A_678[%parallel_loop3A_679, %parallel_loop3A_680] {strides = array<i32>} : memref<80x128xf32, #tpu.memory_space<vmem>>, vector<1x16xf32>,
      %parallel_loop3A_682 = vector.shape_cast %parallel_loop3A_681 : vector<1x16xf32> to vector<16xf32>
      %parallel_loop3A_683 = arith.mulf %parallel_loop3A_674, %parallel_loop3A_682 : vector<16xf32>
      %parallel_loop3A_684 = arith.constant 0 : i32
      %parallel_loop3A_685 = arith.constant 0 : i32
      %parallel_loop3A_686 = tpu.memref_slice %arg8[%parallel_loop3A_188, %parallel_loop3A_684, %parallel_loop3A_685] : memref<2x80x128xf32, #tpu.memory_space<vmem>> -> memref<1x80x128xf32, #tpu.memory_space<vmem>>
      %parallel_loop3A_687 = tpu.memref_squeeze %parallel_loop3A_686 : memref<1x80x128xf32, #tpu.memory_space<vmem>> -> memref<80x128xf32, #tpu.memory_space<vmem>>
      %parallel_loop3A_688 = arith.index_cast %parallel_loop3A_536 : i32 to index
      %parallel_loop3A_689 = arith.constant 80 : index
      %parallel_loop3A_690 = tpu.vector_load %parallel_loop3A_687[%parallel_loop3A_688, %parallel_loop3A_689] {strides = array<i32>} : memref<80x128xf32, #tpu.memory_space<vmem>>, vector<1x16xf32>,
      %parallel_loop3A_691 = vector.shape_cast %parallel_loop3A_690 : vector<1x16xf32> to vector<16xf32>
      %parallel_loop3A_692 = vector.shape_cast %parallel_loop3A_683 : vector<16xf32> to vector<1x16xf32>
      tpu.vector_store %parallel_loop3A_687[%parallel_loop3A_688, %parallel_loop3A_689], %parallel_loop3A_692 {strides = array<i32>} : memref<80x128xf32, #tpu.memory_space<vmem>>, vector<1x16xf32>,
      %parallel_loop3A_693 = arith.constant 0 : i32
      %parallel_loop3A_694 = arith.constant 0 : i32
      %parallel_loop3A_695 = tpu.memref_slice %arg8[%parallel_loop3A_188, %parallel_loop3A_693, %parallel_loop3A_694] : memref<2x80x128xf32, #tpu.memory_space<vmem>> -> memref<1x80x128xf32, #tpu.memory_space<vmem>>
      %parallel_loop3A_696 = tpu.memref_squeeze %parallel_loop3A_695 : memref<1x80x128xf32, #tpu.memory_space<vmem>> -> memref<80x128xf32, #tpu.memory_space<vmem>>
      %parallel_loop3A_697 = arith.index_cast %parallel_loop3A_536 : i32 to index
      %parallel_loop3A_698 = arith.constant 96 : index
      %parallel_loop3A_699 = tpu.vector_load %parallel_loop3A_696[%parallel_loop3A_697, %parallel_loop3A_698] {strides = array<i32>} : memref<80x128xf32, #tpu.memory_space<vmem>>, vector<1x16xf32>,
      %parallel_loop3A_700 = vector.shape_cast %parallel_loop3A_699 : vector<1x16xf32> to vector<16xf32>
      %parallel_loop3A_701 = arith.constant 0 : i32
      %parallel_loop3A_702 = arith.constant 0 : i32
      %parallel_loop3A_703 = tpu.memref_slice %arg9[%parallel_loop3A_189, %parallel_loop3A_701, %parallel_loop3A_702] : memref<2x80x128xf32, #tpu.memory_space<vmem>> -> memref<1x80x128xf32, #tpu.memory_space<vmem>>
      %parallel_loop3A_704 = tpu.memref_squeeze %parallel_loop3A_703 : memref<1x80x128xf32, #tpu.memory_space<vmem>> -> memref<80x128xf32, #tpu.memory_space<vmem>>
      %parallel_loop3A_705 = arith.index_cast %parallel_loop3A_536 : i32 to index
      %parallel_loop3A_706 = arith.constant 96 : index
      %parallel_loop3A_707 = tpu.vector_load %parallel_loop3A_704[%parallel_loop3A_705, %parallel_loop3A_706] {strides = array<i32>} : memref<80x128xf32, #tpu.memory_space<vmem>>, vector<1x16xf32>,
      %parallel_loop3A_708 = vector.shape_cast %parallel_loop3A_707 : vector<1x16xf32> to vector<16xf32>
      %parallel_loop3A_709 = arith.mulf %parallel_loop3A_700, %parallel_loop3A_708 : vector<16xf32>
      %parallel_loop3A_710 = arith.constant 0 : i32
      %parallel_loop3A_711 = arith.constant 0 : i32
      %parallel_loop3A_712 = tpu.memref_slice %arg8[%parallel_loop3A_188, %parallel_loop3A_710, %parallel_loop3A_711] : memref<2x80x128xf32, #tpu.memory_space<vmem>> -> memref<1x80x128xf32, #tpu.memory_space<vmem>>
      %parallel_loop3A_713 = tpu.memref_squeeze %parallel_loop3A_712 : memref<1x80x128xf32, #tpu.memory_space<vmem>> -> memref<80x128xf32, #tpu.memory_space<vmem>>
      %parallel_loop3A_714 = arith.index_cast %parallel_loop3A_536 : i32 to index
      %parallel_loop3A_715 = arith.constant 96 : index
      %parallel_loop3A_716 = tpu.vector_load %parallel_loop3A_713[%parallel_loop3A_714, %parallel_loop3A_715] {strides = array<i32>} : memref<80x128xf32, #tpu.memory_space<vmem>>, vector<1x16xf32>,
      %parallel_loop3A_717 = vector.shape_cast %parallel_loop3A_716 : vector<1x16xf32> to vector<16xf32>
      %parallel_loop3A_718 = vector.shape_cast %parallel_loop3A_709 : vector<16xf32> to vector<1x16xf32>
      tpu.vector_store %parallel_loop3A_713[%parallel_loop3A_714, %parallel_loop3A_715], %parallel_loop3A_718 {strides = array<i32>} : memref<80x128xf32, #tpu.memory_space<vmem>>, vector<1x16xf32>,
      %parallel_loop3A_719 = arith.constant 0 : i32
      %parallel_loop3A_720 = arith.constant 0 : i32
      %parallel_loop3A_721 = tpu.memref_slice %arg8[%parallel_loop3A_188, %parallel_loop3A_719, %parallel_loop3A_720] : memref<2x80x128xf32, #tpu.memory_space<vmem>> -> memref<1x80x128xf32, #tpu.memory_space<vmem>>
      %parallel_loop3A_722 = tpu.memref_squeeze %parallel_loop3A_721 : memref<1x80x128xf32, #tpu.memory_space<vmem>> -> memref<80x128xf32, #tpu.memory_space<vmem>>
      %parallel_loop3A_723 = arith.index_cast %parallel_loop3A_536 : i32 to index
      %parallel_loop3A_724 = arith.constant 112 : index
      %parallel_loop3A_725 = tpu.vector_load %parallel_loop3A_722[%parallel_loop3A_723, %parallel_loop3A_724] {strides = array<i32>} : memref<80x128xf32, #tpu.memory_space<vmem>>, vector<1x16xf32>,
      %parallel_loop3A_726 = vector.shape_cast %parallel_loop3A_725 : vector<1x16xf32> to vector<16xf32>
      %parallel_loop3A_727 = arith.constant 0 : i32
      %parallel_loop3A_728 = arith.constant 0 : i32
      %parallel_loop3A_729 = tpu.memref_slice %arg9[%parallel_loop3A_189, %parallel_loop3A_727, %parallel_loop3A_728] : memref<2x80x128xf32, #tpu.memory_space<vmem>> -> memref<1x80x128xf32, #tpu.memory_space<vmem>>
      %parallel_loop3A_730 = tpu.memref_squeeze %parallel_loop3A_729 : memref<1x80x128xf32, #tpu.memory_space<vmem>> -> memref<80x128xf32, #tpu.memory_space<vmem>>
      %parallel_loop3A_731 = arith.index_cast %parallel_loop3A_536 : i32 to index
      %parallel_loop3A_732 = arith.constant 112 : index
      %parallel_loop3A_733 = tpu.vector_load %parallel_loop3A_730[%parallel_loop3A_731, %parallel_loop3A_732] {strides = array<i32>} : memref<80x128xf32, #tpu.memory_space<vmem>>, vector<1x16xf32>,
      %parallel_loop3A_734 = vector.shape_cast %parallel_loop3A_733 : vector<1x16xf32> to vector<16xf32>
      %parallel_loop3A_735 = arith.mulf %parallel_loop3A_726, %parallel_loop3A_734 : vector<16xf32>
      %parallel_loop3A_736 = arith.constant 0 : i32
      %parallel_loop3A_737 = arith.constant 0 : i32
      %parallel_loop3A_738 = tpu.memref_slice %arg8[%parallel_loop3A_188, %parallel_loop3A_736, %parallel_loop3A_737] : memref<2x80x128xf32, #tpu.memory_space<vmem>> -> memref<1x80x128xf32, #tpu.memory_space<vmem>>
      %parallel_loop3A_739 = tpu.memref_squeeze %parallel_loop3A_738 : memref<1x80x128xf32, #tpu.memory_space<vmem>> -> memref<80x128xf32, #tpu.memory_space<vmem>>
      %parallel_loop3A_740 = arith.index_cast %parallel_loop3A_536 : i32 to index
      %parallel_loop3A_741 = arith.constant 112 : index
      %parallel_loop3A_742 = tpu.vector_load %parallel_loop3A_739[%parallel_loop3A_740, %parallel_loop3A_741] {strides = array<i32>} : memref<80x128xf32, #tpu.memory_space<vmem>>, vector<1x16xf32>,
      %parallel_loop3A_743 = vector.shape_cast %parallel_loop3A_742 : vector<1x16xf32> to vector<16xf32>
      %parallel_loop3A_744 = vector.shape_cast %parallel_loop3A_735 : vector<16xf32> to vector<1x16xf32>
      tpu.vector_store %parallel_loop3A_739[%parallel_loop3A_740, %parallel_loop3A_741], %parallel_loop3A_744 {strides = array<i32>} : memref<80x128xf32, #tpu.memory_space<vmem>>, vector<1x16xf32>,
    } {sc.loop_unroll_factor = 4 : i64, sc.parallel_access}
    %add3A_190 = arith.constant 0 : i32
    %add3A_191 = arith.addi %add3A, %add3A_190 : i32
    %mul3A_192 = arith.constant 80 : i32
    %mul3A_193 = arith.muli %add3A_191, %mul3A_192 : i32
    %add3A_194 = arith.constant 320000 : i32
    %add3A_195 = arith.addi %add3A_194, %mul3A_193 : i32
    %dma_wait3A_196 = arith.constant 0 : i32
    %dma_wait3A_197 = arith.constant 0 : i32
    %dma_wait3A_198 = arith.constant 0 : i32
    %dma_wait3A_199 = tpu.memref_slice %arg7[%dma_wait3A_196, %dma_wait3A_198] : memref<2x80xi32, #tpu.memory_space<vmem>> -> memref<1x80xi32, #tpu.memory_space<vmem>>
    %dma_wait3A_200 = tpu.memref_squeeze %dma_wait3A_199 : memref<1x80xi32, #tpu.memory_space<vmem>> -> memref<80xi32, #tpu.memory_space<vmem>>
    %dma_wait3A_201 = tpu.memref_slice %arg4[%add3A_195] : memref<640000xi32, #tpu.memory_space<hbm>> -> memref<80xi32, #tpu.memory_space<hbm>>
    %dma_wait3A_202 = tpu.memref_slice %arg13[%dma_wait3A_197] : memref<2x!tpu.dma_semaphore, #tpu.memory_space<semaphore_mem>> -> memref<1x!tpu.dma_semaphore, #tpu.memory_space<semaphore_mem>>
    %dma_wait3A_203 = tpu.memref_squeeze %dma_wait3A_202 : memref<1x!tpu.dma_semaphore, #tpu.memory_space<semaphore_mem>> -> memref<!tpu.dma_semaphore, #tpu.memory_space<semaphore_mem>>
    %dma_wait3A_204 = arith.constant 0 : i32
    %dma_wait3A_205 = tpu.memref_slice %arg7[%dma_wait3A_196, %dma_wait3A_204] : memref<2x80xi32, #tpu.memory_space<vmem>> -> memref<1x80xi32, #tpu.memory_space<vmem>>
    %dma_wait3A_206 = tpu.memref_squeeze %dma_wait3A_205 : memref<1x80xi32, #tpu.memory_space<vmem>> -> memref<80xi32, #tpu.memory_space<vmem>>
    %dma_wait3A_207 = tpu.memref_slice %arg4[%add3A_195] : memref<640000xi32, #tpu.memory_space<hbm>> -> memref<80xi32, #tpu.memory_space<hbm>>
    tpu.wait_dma2 semaphore(%dma_wait3A_203 : memref<!tpu.dma_semaphore, #tpu.memory_space<semaphore_mem>>) src(%dma_wait3A_207 : memref<80xi32, #tpu.memory_space<hbm>>) dst(%dma_wait3A_206 : memref<80xi32, #tpu.memory_space<vmem>>)
    %dma_start3A_208 = arith.constant 0 : i32
    %dma_start3A_209 = arith.constant 0 : i32
    %dma_start3A_210 = arith.constant 0 : i32
    %dma_start3A_211 = arith.constant 0 : i32
    %dma_start3A_212 = arith.constant 0 : i32
    %dma_start3A_213 = tpu.memref_slice %arg8[%dma_start3A_208, %dma_start3A_211, %dma_start3A_212] : memref<2x80x128xf32, #tpu.memory_space<vmem>> -> memref<1x80x128xf32, #tpu.memory_space<vmem>>
    %dma_start3A_214 = tpu.memref_squeeze %dma_start3A_213 : memref<1x80x128xf32, #tpu.memory_space<vmem>> -> memref<80x128xf32, #tpu.memory_space<vmem>>
    %dma_start3A_215 = arith.constant 0 : i32
    %dma_start3A_216 = tpu.memref_slice %arg7[%dma_start3A_209, %dma_start3A_215] : memref<2x80xi32, #tpu.memory_space<vmem>> -> memref<1x80xi32, #tpu.memory_space<vmem>>
    %dma_start3A_217 = tpu.memref_squeeze %dma_start3A_216 : memref<1x80xi32, #tpu.memory_space<vmem>> -> memref<80xi32, #tpu.memory_space<vmem>>
    %dma_start3A_218 = arith.constant 0 : i32
    %dma_start3A_219 = arith.constant 0 : i32
    %dma_start3A_220 = tpu.memref_slice %arg11[%dma_start3A_218, %dma_start3A_219] : memref<10000x128xf32, #tpu.memory_space<vmem_shared>> -> memref<10000x128xf32, #tpu.memory_space<vmem_shared>>
    %dma_start3A_221 = tpu.memref_slice %arg16[%dma_start3A_210] : memref<2x!tpu.dma_semaphore, #tpu.memory_space<semaphore_mem>> -> memref<1x!tpu.dma_semaphore, #tpu.memory_space<semaphore_mem>>
    %dma_start3A_222 = tpu.memref_squeeze %dma_start3A_221 : memref<1x!tpu.dma_semaphore, #tpu.memory_space<semaphore_mem>> -> memref<!tpu.dma_semaphore, #tpu.memory_space<semaphore_mem>>
    tpu.enqueue_indirect_dma source(%dma_start3A_214 : memref<80x128xf32, #tpu.memory_space<vmem>>) target(%dma_start3A_220 : memref<10000x128xf32, #tpu.memory_space<vmem_shared>>) offsets(%dma_start3A_217 : memref<80xi32, #tpu.memory_space<vmem>>) semaphore(%dma_start3A_222 : memref<!tpu.dma_semaphore, #tpu.memory_space<semaphore_mem>>) {add = true}
    %add3A_223 = arith.constant 32 : i32
    %add3A_224 = arith.addi %add3A, %add3A_223 : i32
    %mul3A_225 = arith.constant 80 : i32
    %mul3A_226 = arith.muli %add3A_224, %mul3A_225 : i32
    %dma_wait3A_227 = arith.constant 1 : i32
    %dma_wait3A_228 = arith.constant 1 : i32
    %dma_wait3A_229 = arith.constant 0 : i32
    %dma_wait3A_230 = tpu.memref_slice %arg6[%dma_wait3A_227, %dma_wait3A_229] : memref<2x80xi32, #tpu.memory_space<vmem>> -> memref<1x80xi32, #tpu.memory_space<vmem>>
    %dma_wait3A_231 = tpu.memref_squeeze %dma_wait3A_230 : memref<1x80xi32, #tpu.memory_space<vmem>> -> memref<80xi32, #tpu.memory_space<vmem>>
    %dma_wait3A_232 = tpu.memref_slice %arg4[%mul3A_226] : memref<640000xi32, #tpu.memory_space<hbm>> -> memref<80xi32, #tpu.memory_space<hbm>>
    %dma_wait3A_233 = tpu.memref_slice %arg12[%dma_wait3A_228] : memref<2x!tpu.dma_semaphore, #tpu.memory_space<semaphore_mem>> -> memref<1x!tpu.dma_semaphore, #tpu.memory_space<semaphore_mem>>
    %dma_wait3A_234 = tpu.memref_squeeze %dma_wait3A_233 : memref<1x!tpu.dma_semaphore, #tpu.memory_space<semaphore_mem>> -> memref<!tpu.dma_semaphore, #tpu.memory_space<semaphore_mem>>
    %dma_wait3A_235 = arith.constant 0 : i32
    %dma_wait3A_236 = tpu.memref_slice %arg6[%dma_wait3A_227, %dma_wait3A_235] : memref<2x80xi32, #tpu.memory_space<vmem>> -> memref<1x80xi32, #tpu.memory_space<vmem>>
    %dma_wait3A_237 = tpu.memref_squeeze %dma_wait3A_236 : memref<1x80xi32, #tpu.memory_space<vmem>> -> memref<80xi32, #tpu.memory_space<vmem>>
    %dma_wait3A_238 = tpu.memref_slice %arg4[%mul3A_226] : memref<640000xi32, #tpu.memory_space<hbm>> -> memref<80xi32, #tpu.memory_space<hbm>>
    tpu.wait_dma2 semaphore(%dma_wait3A_234 : memref<!tpu.dma_semaphore, #tpu.memory_space<semaphore_mem>>) src(%dma_wait3A_238 : memref<80xi32, #tpu.memory_space<hbm>>) dst(%dma_wait3A_237 : memref<80xi32, #tpu.memory_space<vmem>>)
    %dma_start3A_239 = arith.constant 1 : i32
    %dma_start3A_240 = arith.constant 1 : i32
    %dma_start3A_241 = arith.constant 1 : i32
    %dma_start3A_242 = arith.constant 0 : i32
    %dma_start3A_243 = arith.constant 0 : i32
    %dma_start3A_244 = tpu.memref_slice %arg8[%dma_start3A_240, %dma_start3A_242, %dma_start3A_243] : memref<2x80x128xf32, #tpu.memory_space<vmem>> -> memref<1x80x128xf32, #tpu.memory_space<vmem>>
    %dma_start3A_245 = tpu.memref_squeeze %dma_start3A_244 : memref<1x80x128xf32, #tpu.memory_space<vmem>> -> memref<80x128xf32, #tpu.memory_space<vmem>>
    %dma_start3A_246 = arith.constant 0 : i32
    %dma_start3A_247 = tpu.memref_slice %arg6[%dma_start3A_239, %dma_start3A_246] : memref<2x80xi32, #tpu.memory_space<vmem>> -> memref<1x80xi32, #tpu.memory_space<vmem>>
    %dma_start3A_248 = tpu.memref_squeeze %dma_start3A_247 : memref<1x80xi32, #tpu.memory_space<vmem>> -> memref<80xi32, #tpu.memory_space<vmem>>
    %dma_start3A_249 = arith.constant 0 : i32
    %dma_start3A_250 = arith.constant 0 : i32
    %dma_start3A_251 = tpu.memref_slice %arg2[%dma_start3A_249, %dma_start3A_250] : memref<10000x128xf32, #tpu.memory_space<hbm>> -> memref<10000x128xf32, #tpu.memory_space<hbm>>
    %dma_start3A_252 = tpu.memref_slice %arg15[%dma_start3A_241] : memref<2x!tpu.dma_semaphore, #tpu.memory_space<semaphore_mem>> -> memref<1x!tpu.dma_semaphore, #tpu.memory_space<semaphore_mem>>
    %dma_start3A_253 = tpu.memref_squeeze %dma_start3A_252 : memref<1x!tpu.dma_semaphore, #tpu.memory_space<semaphore_mem>> -> memref<!tpu.dma_semaphore, #tpu.memory_space<semaphore_mem>>
    tpu.enqueue_indirect_dma source(%dma_start3A_251 : memref<10000x128xf32, #tpu.memory_space<hbm>>) target(%dma_start3A_245 : memref<80x128xf32, #tpu.memory_space<vmem>>) offsets(%dma_start3A_248 : memref<80xi32, #tpu.memory_space<vmem>>) semaphore(%dma_start3A_253 : memref<!tpu.dma_semaphore, #tpu.memory_space<semaphore_mem>>)
    %scan3A_254 = arith.constant 0 : i32
    %scan3A_255 = arith.constant 0 : i32
    %scan3A_256 = arith.constant 61 : i32
    %scan3A_257 = arith.addi %scan3A_255, %scan3A_256 : i32
    %scan3A_258 = arith.constant 1 : i32
    scf.for %scan3A_536 = %scan3A_255 to %scan3A_257 step %scan3A_258  : i32 {
      %mul3A_537 = arith.constant 2 : i32
      %mul3A_538 = arith.muli %mul3A_537, %scan3A_536 : i32
      %add3A_539 = arith.constant 1 : i32
      %add3A_540 = arith.addi %mul3A_538, %add3A_539 : i32
      %dma_wait3A_541 = arith.constant 0 : i32
      %dma_wait3A_542 = arith.constant 0 : i32
      %dma_wait3A_543 = arith.constant 0 : i32
      %dma_wait3A_544 = arith.constant 0 : i32
      %dma_wait3A_545 = arith.constant 0 : i32
      %dma_wait3A_546 = tpu.memref_slice %arg8[%dma_wait3A_541, %dma_wait3A_544, %dma_wait3A_545] : memref<2x80x128xf32, #tpu.memory_space<vmem>> -> memref<1x80x128xf32, #tpu.memory_space<vmem>>
      %dma_wait3A_547 = tpu.memref_squeeze %dma_wait3A_546 : memref<1x80x128xf32, #tpu.memory_space<vmem>> -> memref<80x128xf32, #tpu.memory_space<vmem>>
      %dma_wait3A_548 = arith.constant 0 : i32
      %dma_wait3A_549 = tpu.memref_slice %arg7[%dma_wait3A_542, %dma_wait3A_548] : memref<2x80xi32, #tpu.memory_space<vmem>> -> memref<1x80xi32, #tpu.memory_space<vmem>>
      %dma_wait3A_550 = tpu.memref_squeeze %dma_wait3A_549 : memref<1x80xi32, #tpu.memory_space<vmem>> -> memref<80xi32, #tpu.memory_space<vmem>>
      %dma_wait3A_551 = arith.constant 0 : i32
      %dma_wait3A_552 = arith.constant 0 : i32
      %dma_wait3A_553 = tpu.memref_slice %arg11[%dma_wait3A_551, %dma_wait3A_552] : memref<10000x128xf32, #tpu.memory_space<vmem_shared>> -> memref<10000x128xf32, #tpu.memory_space<vmem_shared>>
      %dma_wait3A_554 = tpu.memref_slice %arg16[%dma_wait3A_543] : memref<2x!tpu.dma_semaphore, #tpu.memory_space<semaphore_mem>> -> memref<1x!tpu.dma_semaphore, #tpu.memory_space<semaphore_mem>>
      %dma_wait3A_555 = tpu.memref_squeeze %dma_wait3A_554 : memref<1x!tpu.dma_semaphore, #tpu.memory_space<semaphore_mem>> -> memref<!tpu.dma_semaphore, #tpu.memory_space<semaphore_mem>>
      tpu.wait_indirect_dma semaphore(%dma_wait3A_555 : memref<!tpu.dma_semaphore, #tpu.memory_space<semaphore_mem>>) src(%dma_wait3A_547 : memref<80x128xf32, #tpu.memory_space<vmem>>) dst(%dma_wait3A_553 : memref<10000x128xf32, #tpu.memory_space<vmem_shared>>)
      %add3A_556 = arith.constant 1 : i32
      %add3A_557 = arith.addi %add3A_540, %add3A_556 : i32
      %mul3A_558 = arith.constant 32 : i32
      %mul3A_559 = arith.muli %mul3A_558, %add3A_557 : i32
      %add3A_560 = arith.addi %add3A, %mul3A_559 : i32
      %mul3A_561 = arith.constant 80 : i32
      %mul3A_562 = arith.muli %add3A_560, %mul3A_561 : i32
      %dma_start3A_563 = arith.constant 0 : i32
      %dma_start3A_564 = arith.constant 0 : i32
      %dma_start3A_565 = arith.constant 0 : i32
      %dma_start3A_566 = tpu.memref_slice %arg6[%dma_start3A_563, %dma_start3A_565] : memref<2x80xi32, #tpu.memory_space<vmem>> -> memref<1x80xi32, #tpu.memory_space<vmem>>
      %dma_start3A_567 = tpu.memref_squeeze %dma_start3A_566 : memref<1x80xi32, #tpu.memory_space<vmem>> -> memref<80xi32, #tpu.memory_space<vmem>>
      %dma_start3A_568 = tpu.memref_slice %arg4[%mul3A_562] : memref<640000xi32, #tpu.memory_space<hbm>> -> memref<80xi32, #tpu.memory_space<hbm>>
      %dma_start3A_569 = tpu.memref_slice %arg12[%dma_start3A_564] : memref<2x!tpu.dma_semaphore, #tpu.memory_space<semaphore_mem>> -> memref<1x!tpu.dma_semaphore, #tpu.memory_space<semaphore_mem>>
      %dma_start3A_570 = tpu.memref_squeeze %dma_start3A_569 : memref<1x!tpu.dma_semaphore, #tpu.memory_space<semaphore_mem>> -> memref<!tpu.dma_semaphore, #tpu.memory_space<semaphore_mem>>
      %dma_start3A_571 = arith.constant 0 : i32
      %dma_start3A_572 = tpu.memref_slice %arg6[%dma_start3A_563, %dma_start3A_571] : memref<2x80xi32, #tpu.memory_space<vmem>> -> memref<1x80xi32, #tpu.memory_space<vmem>>
      %dma_start3A_573 = tpu.memref_squeeze %dma_start3A_572 : memref<1x80xi32, #tpu.memory_space<vmem>> -> memref<80xi32, #tpu.memory_space<vmem>>
      %dma_start3A_574 = tpu.memref_slice %arg4[%mul3A_562] : memref<640000xi32, #tpu.memory_space<hbm>> -> memref<80xi32, #tpu.memory_space<hbm>>
      tpu.enqueue_dma source(%dma_start3A_574 : memref<80xi32, #tpu.memory_space<hbm>>) target(%dma_start3A_573 : memref<80xi32, #tpu.memory_space<vmem>>) target_semaphore(%dma_start3A_570 : memref<!tpu.dma_semaphore, #tpu.memory_space<semaphore_mem>>)
      %add3A_575 = arith.constant 320000 : i32
      %add3A_576 = arith.addi %add3A_575, %mul3A_562 : i32
      %dma_start3A_577 = arith.constant 0 : i32
      %dma_start3A_578 = arith.constant 0 : i32
      %dma_start3A_579 = arith.constant 0 : i32
      %dma_start3A_580 = tpu.memref_slice %arg7[%dma_start3A_577, %dma_start3A_579] : memref<2x80xi32, #tpu.memory_space<vmem>> -> memref<1x80xi32, #tpu.memory_space<vmem>>
      %dma_start3A_581 = tpu.memref_squeeze %dma_start3A_580 : memref<1x80xi32, #tpu.memory_space<vmem>> -> memref<80xi32, #tpu.memory_space<vmem>>
      %dma_start3A_582 = tpu.memref_slice %arg4[%add3A_576] : memref<640000xi32, #tpu.memory_space<hbm>> -> memref<80xi32, #tpu.memory_space<hbm>>
      %dma_start3A_583 = tpu.memref_slice %arg13[%dma_start3A_578] : memref<2x!tpu.dma_semaphore, #tpu.memory_space<semaphore_mem>> -> memref<1x!tpu.dma_semaphore, #tpu.memory_space<semaphore_mem>>
      %dma_start3A_584 = tpu.memref_squeeze %dma_start3A_583 : memref<1x!tpu.dma_semaphore, #tpu.memory_space<semaphore_mem>> -> memref<!tpu.dma_semaphore, #tpu.memory_space<semaphore_mem>>
      %dma_start3A_585 = arith.constant 0 : i32
      %dma_start3A_586 = tpu.memref_slice %arg7[%dma_start3A_577, %dma_start3A_585] : memref<2x80xi32, #tpu.memory_space<vmem>> -> memref<1x80xi32, #tpu.memory_space<vmem>>
      %dma_start3A_587 = tpu.memref_squeeze %dma_start3A_586 : memref<1x80xi32, #tpu.memory_space<vmem>> -> memref<80xi32, #tpu.memory_space<vmem>>
      %dma_start3A_588 = tpu.memref_slice %arg4[%add3A_576] : memref<640000xi32, #tpu.memory_space<hbm>> -> memref<80xi32, #tpu.memory_space<hbm>>
      tpu.enqueue_dma source(%dma_start3A_588 : memref<80xi32, #tpu.memory_space<hbm>>) target(%dma_start3A_587 : memref<80xi32, #tpu.memory_space<vmem>>) target_semaphore(%dma_start3A_584 : memref<!tpu.dma_semaphore, #tpu.memory_space<semaphore_mem>>)
      %dma_start3A_589 = arith.constant 0 : i32
      %dma_start3A_590 = arith.constant 0 : i32
      %dma_start3A_591 = arith.constant 0 : i32
      %dma_start3A_592 = arith.constant 0 : i32
      %dma_start3A_593 = tpu.memref_slice %arg9[%dma_start3A_589, %dma_start3A_591, %dma_start3A_592] : memref<2x80x128xf32, #tpu.memory_space<vmem>> -> memref<1x80x128xf32, #tpu.memory_space<vmem>>
      %dma_start3A_594 = tpu.memref_squeeze %dma_start3A_593 : memref<1x80x128xf32, #tpu.memory_space<vmem>> -> memref<80x128xf32, #tpu.memory_space<vmem>>
      %dma_start3A_595 = arith.constant 0 : i32
      %dma_start3A_596 = tpu.memref_slice %arg3[%mul3A_562, %dma_start3A_595] : memref<320000x128xf32, #tpu.memory_space<hbm>> -> memref<80x128xf32, #tpu.memory_space<hbm>>
      %dma_start3A_597 = tpu.memref_slice %arg14[%dma_start3A_590] : memref<2x!tpu.dma_semaphore, #tpu.memory_space<semaphore_mem>> -> memref<1x!tpu.dma_semaphore, #tpu.memory_space<semaphore_mem>>
      %dma_start3A_598 = tpu.memref_squeeze %dma_start3A_597 : memref<1x!tpu.dma_semaphore, #tpu.memory_space<semaphore_mem>> -> memref<!tpu.dma_semaphore, #tpu.memory_space<semaphore_mem>>
      %dma_start3A_599 = arith.constant 0 : i32
      %dma_start3A_600 = arith.constant 0 : i32
      %dma_start3A_601 = tpu.memref_slice %arg9[%dma_start3A_589, %dma_start3A_599, %dma_start3A_600] : memref<2x80x128xf32, #tpu.memory_space<vmem>> -> memref<1x80x128xf32, #tpu.memory_space<vmem>>
      %dma_start3A_602 = tpu.memref_squeeze %dma_start3A_601 : memref<1x80x128xf32, #tpu.memory_space<vmem>> -> memref<80x128xf32, #tpu.memory_space<vmem>>
      %dma_start3A_603 = arith.constant 0 : i32
      %dma_start3A_604 = tpu.memref_slice %arg3[%mul3A_562, %dma_start3A_603] : memref<320000x128xf32, #tpu.memory_space<hbm>> -> memref<80x128xf32, #tpu.memory_space<hbm>>
      tpu.enqueue_dma source(%dma_start3A_604 : memref<80x128xf32, #tpu.memory_space<hbm>>) target(%dma_start3A_602 : memref<80x128xf32, #tpu.memory_space<vmem>>) target_semaphore(%dma_start3A_598 : memref<!tpu.dma_semaphore, #tpu.memory_space<semaphore_mem>>)
      %dma_wait3A_605 = arith.constant 1 : i32
      %dma_wait3A_606 = arith.constant 1 : i32
      %dma_wait3A_607 = arith.constant 1 : i32
      %dma_wait3A_608 = arith.constant 0 : i32
      %dma_wait3A_609 = arith.constant 0 : i32
      %dma_wait3A_610 = tpu.memref_slice %arg8[%dma_wait3A_606, %dma_wait3A_608, %dma_wait3A_609] : memref<2x80x128xf32, #tpu.memory_space<vmem>> -> memref<1x80x128xf32, #tpu.memory_space<vmem>>
      %dma_wait3A_611 = tpu.memref_squeeze %dma_wait3A_610 : memref<1x80x128xf32, #tpu.memory_space<vmem>> -> memref<80x128xf32, #tpu.memory_space<vmem>>
      %dma_wait3A_612 = arith.constant 0 : i32
      %dma_wait3A_613 = tpu.memref_slice %arg6[%dma_wait3A_605, %dma_wait3A_612] : memref<2x80xi32, #tpu.memory_space<vmem>> -> memref<1x80xi32, #tpu.memory_space<vmem>>
      %dma_wait3A_614 = tpu.memref_squeeze %dma_wait3A_613 : memref<1x80xi32, #tpu.memory_space<vmem>> -> memref<80xi32, #tpu.memory_space<vmem>>
      %dma_wait3A_615 = arith.constant 0 : i32
      %dma_wait3A_616 = arith.constant 0 : i32
      %dma_wait3A_617 = tpu.memref_slice %arg2[%dma_wait3A_615, %dma_wait3A_616] : memref<10000x128xf32, #tpu.memory_space<hbm>> -> memref<10000x128xf32, #tpu.memory_space<hbm>>
      %dma_wait3A_618 = tpu.memref_slice %arg15[%dma_wait3A_607] : memref<2x!tpu.dma_semaphore, #tpu.memory_space<semaphore_mem>> -> memref<1x!tpu.dma_semaphore, #tpu.memory_space<semaphore_mem>>
      %dma_wait3A_619 = tpu.memref_squeeze %dma_wait3A_618 : memref<1x!tpu.dma_semaphore, #tpu.memory_space<semaphore_mem>> -> memref<!tpu.dma_semaphore, #tpu.memory_space<semaphore_mem>>
      tpu.wait_indirect_dma semaphore(%dma_wait3A_619 : memref<!tpu.dma_semaphore, #tpu.memory_space<semaphore_mem>>) src(%dma_wait3A_617 : memref<10000x128xf32, #tpu.memory_space<hbm>>) dst(%dma_wait3A_611 : memref<80x128xf32, #tpu.memory_space<vmem>>)
      %mul3A_620 = arith.constant 32 : i32
      %mul3A_621 = arith.muli %mul3A_620, %add3A_540 : i32
      %add3A_622 = arith.addi %add3A, %mul3A_621 : i32
      %mul3A_623 = arith.constant 80 : i32
      %mul3A_624 = arith.muli %add3A_622, %mul3A_623 : i32
      %dma_wait3A_625 = arith.constant 1 : i32
      %dma_wait3A_626 = arith.constant 1 : i32
      %dma_wait3A_627 = arith.constant 0 : i32
      %dma_wait3A_628 = arith.constant 0 : i32
      %dma_wait3A_629 = tpu.memref_slice %arg9[%dma_wait3A_625, %dma_wait3A_627, %dma_wait3A_628] : memref<2x80x128xf32, #tpu.memory_space<vmem>> -> memref<1x80x128xf32, #tpu.memory_space<vmem>>
      %dma_wait3A_630 = tpu.memref_squeeze %dma_wait3A_629 : memref<1x80x128xf32, #tpu.memory_space<vmem>> -> memref<80x128xf32, #tpu.memory_space<vmem>>
      %dma_wait3A_631 = arith.constant 0 : i32
      %dma_wait3A_632 = tpu.memref_slice %arg3[%mul3A_624, %dma_wait3A_631] : memref<320000x128xf32, #tpu.memory_space<hbm>> -> memref<80x128xf32, #tpu.memory_space<hbm>>
      %dma_wait3A_633 = tpu.memref_slice %arg14[%dma_wait3A_626] : memref<2x!tpu.dma_semaphore, #tpu.memory_space<semaphore_mem>> -> memref<1x!tpu.dma_semaphore, #tpu.memory_space<semaphore_mem>>
      %dma_wait3A_634 = tpu.memref_squeeze %dma_wait3A_633 : memref<1x!tpu.dma_semaphore, #tpu.memory_space<semaphore_mem>> -> memref<!tpu.dma_semaphore, #tpu.memory_space<semaphore_mem>>
      %dma_wait3A_635 = arith.constant 0 : i32
      %dma_wait3A_636 = arith.constant 0 : i32
      %dma_wait3A_637 = tpu.memref_slice %arg9[%dma_wait3A_625, %dma_wait3A_635, %dma_wait3A_636] : memref<2x80x128xf32, #tpu.memory_space<vmem>> -> memref<1x80x128xf32, #tpu.memory_space<vmem>>
      %dma_wait3A_638 = tpu.memref_squeeze %dma_wait3A_637 : memref<1x80x128xf32, #tpu.memory_space<vmem>> -> memref<80x128xf32, #tpu.memory_space<vmem>>
      %dma_wait3A_639 = arith.constant 0 : i32
      %dma_wait3A_640 = tpu.memref_slice %arg3[%mul3A_624, %dma_wait3A_639] : memref<320000x128xf32, #tpu.memory_space<hbm>> -> memref<80x128xf32, #tpu.memory_space<hbm>>
      tpu.wait_dma2 semaphore(%dma_wait3A_634 : memref<!tpu.dma_semaphore, #tpu.memory_space<semaphore_mem>>) src(%dma_wait3A_640 : memref<80x128xf32, #tpu.memory_space<hbm>>) dst(%dma_wait3A_638 : memref<80x128xf32, #tpu.memory_space<vmem>>)
      %parallel_loop3A_641 = arith.constant 0 : i32
      %parallel_loop3A_642 = arith.constant 80 : i32
      %parallel_loop3A_643 = arith.constant 1 : i32
      %parallel_loop3A_644 = arith.constant 1 : i32
      %parallel_loop3A_645 = arith.constant 1 : i32
      scf.for %parallel_loop3A_891 = %parallel_loop3A_641 to %parallel_loop3A_642 step %parallel_loop3A_643  : i32 {
        %parallel_loop3A_892 = arith.constant 0 : i32
        %parallel_loop3A_893 = arith.constant 0 : i32
        %parallel_loop3A_894 = tpu.memref_slice %arg8[%parallel_loop3A_644, %parallel_loop3A_892, %parallel_loop3A_893] : memref<2x80x128xf32, #tpu.memory_space<vmem>> -> memref<1x80x128xf32, #tpu.memory_space<vmem>>
        %parallel_loop3A_895 = tpu.memref_squeeze %parallel_loop3A_894 : memref<1x80x128xf32, #tpu.memory_space<vmem>> -> memref<80x128xf32, #tpu.memory_space<vmem>>
        %parallel_loop3A_896 = arith.index_cast %parallel_loop3A_891 : i32 to index
        %parallel_loop3A_897 = arith.constant 0 : index
        %parallel_loop3A_898 = tpu.vector_load %parallel_loop3A_895[%parallel_loop3A_896, %parallel_loop3A_897] {strides = array<i32>} : memref<80x128xf32, #tpu.memory_space<vmem>>, vector<1x16xf32>,
        %parallel_loop3A_899 = vector.shape_cast %parallel_loop3A_898 : vector<1x16xf32> to vector<16xf32>
        %parallel_loop3A_900 = arith.constant 0 : i32
        %parallel_loop3A_901 = arith.constant 0 : i32
        %parallel_loop3A_902 = tpu.memref_slice %arg9[%parallel_loop3A_645, %parallel_loop3A_900, %parallel_loop3A_901] : memref<2x80x128xf32, #tpu.memory_space<vmem>> -> memref<1x80x128xf32, #tpu.memory_space<vmem>>
        %parallel_loop3A_903 = tpu.memref_squeeze %parallel_loop3A_902 : memref<1x80x128xf32, #tpu.memory_space<vmem>> -> memref<80x128xf32, #tpu.memory_space<vmem>>
        %parallel_loop3A_904 = arith.index_cast %parallel_loop3A_891 : i32 to index
        %parallel_loop3A_905 = arith.constant 0 : index
        %parallel_loop3A_906 = tpu.vector_load %parallel_loop3A_903[%parallel_loop3A_904, %parallel_loop3A_905] {strides = array<i32>} : memref<80x128xf32, #tpu.memory_space<vmem>>, vector<1x16xf32>,
        %parallel_loop3A_907 = vector.shape_cast %parallel_loop3A_906 : vector<1x16xf32> to vector<16xf32>
        %parallel_loop3A_908 = arith.mulf %parallel_loop3A_899, %parallel_loop3A_907 : vector<16xf32>
        %parallel_loop3A_909 = arith.constant 0 : i32
        %parallel_loop3A_910 = arith.constant 0 : i32
        %parallel_loop3A_911 = tpu.memref_slice %arg8[%parallel_loop3A_644, %parallel_loop3A_909, %parallel_loop3A_910] : memref<2x80x128xf32, #tpu.memory_space<vmem>> -> memref<1x80x128xf32, #tpu.memory_space<vmem>>
        %parallel_loop3A_912 = tpu.memref_squeeze %parallel_loop3A_911 : memref<1x80x128xf32, #tpu.memory_space<vmem>> -> memref<80x128xf32, #tpu.memory_space<vmem>>
        %parallel_loop3A_913 = arith.index_cast %parallel_loop3A_891 : i32 to index
        %parallel_loop3A_914 = arith.constant 0 : index
        %parallel_loop3A_915 = tpu.vector_load %parallel_loop3A_912[%parallel_loop3A_913, %parallel_loop3A_914] {strides = array<i32>} : memref<80x128xf32, #tpu.memory_space<vmem>>, vector<1x16xf32>,
        %parallel_loop3A_916 = vector.shape_cast %parallel_loop3A_915 : vector<1x16xf32> to vector<16xf32>
        %parallel_loop3A_917 = vector.shape_cast %parallel_loop3A_908 : vector<16xf32> to vector<1x16xf32>
        tpu.vector_store %parallel_loop3A_912[%parallel_loop3A_913, %parallel_loop3A_914], %parallel_loop3A_917 {strides = array<i32>} : memref<80x128xf32, #tpu.memory_space<vmem>>, vector<1x16xf32>,
        %parallel_loop3A_918 = arith.constant 0 : i32
        %parallel_loop3A_919 = arith.constant 0 : i32
        %parallel_loop3A_920 = tpu.memref_slice %arg8[%parallel_loop3A_644, %parallel_loop3A_918, %parallel_loop3A_919] : memref<2x80x128xf32, #tpu.memory_space<vmem>> -> memref<1x80x128xf32, #tpu.memory_space<vmem>>
        %parallel_loop3A_921 = tpu.memref_squeeze %parallel_loop3A_920 : memref<1x80x128xf32, #tpu.memory_space<vmem>> -> memref<80x128xf32, #tpu.memory_space<vmem>>
        %parallel_loop3A_922 = arith.index_cast %parallel_loop3A_891 : i32 to index
        %parallel_loop3A_923 = arith.constant 16 : index
        %parallel_loop3A_924 = tpu.vector_load %parallel_loop3A_921[%parallel_loop3A_922, %parallel_loop3A_923] {strides = array<i32>} : memref<80x128xf32, #tpu.memory_space<vmem>>, vector<1x16xf32>,
        %parallel_loop3A_925 = vector.shape_cast %parallel_loop3A_924 : vector<1x16xf32> to vector<16xf32>
        %parallel_loop3A_926 = arith.constant 0 : i32
        %parallel_loop3A_927 = arith.constant 0 : i32
        %parallel_loop3A_928 = tpu.memref_slice %arg9[%parallel_loop3A_645, %parallel_loop3A_926, %parallel_loop3A_927] : memref<2x80x128xf32, #tpu.memory_space<vmem>> -> memref<1x80x128xf32, #tpu.memory_space<vmem>>
        %parallel_loop3A_929 = tpu.memref_squeeze %parallel_loop3A_928 : memref<1x80x128xf32, #tpu.memory_space<vmem>> -> memref<80x128xf32, #tpu.memory_space<vmem>>
        %parallel_loop3A_930 = arith.index_cast %parallel_loop3A_891 : i32 to index
        %parallel_loop3A_931 = arith.constant 16 : index
        %parallel_loop3A_932 = tpu.vector_load %parallel_loop3A_929[%parallel_loop3A_930, %parallel_loop3A_931] {strides = array<i32>} : memref<80x128xf32, #tpu.memory_space<vmem>>, vector<1x16xf32>,
        %parallel_loop3A_933 = vector.shape_cast %parallel_loop3A_932 : vector<1x16xf32> to vector<16xf32>
        %parallel_loop3A_934 = arith.mulf %parallel_loop3A_925, %parallel_loop3A_933 : vector<16xf32>
        %parallel_loop3A_935 = arith.constant 0 : i32
        %parallel_loop3A_936 = arith.constant 0 : i32
        %parallel_loop3A_937 = tpu.memref_slice %arg8[%parallel_loop3A_644, %parallel_loop3A_935, %parallel_loop3A_936] : memref<2x80x128xf32, #tpu.memory_space<vmem>> -> memref<1x80x128xf32, #tpu.memory_space<vmem>>
        %parallel_loop3A_938 = tpu.memref_squeeze %parallel_loop3A_937 : memref<1x80x128xf32, #tpu.memory_space<vmem>> -> memref<80x128xf32, #tpu.memory_space<vmem>>
        %parallel_loop3A_939 = arith.index_cast %parallel_loop3A_891 : i32 to index
        %parallel_loop3A_940 = arith.constant 16 : index
        %parallel_loop3A_941 = tpu.vector_load %parallel_loop3A_938[%parallel_loop3A_939, %parallel_loop3A_940] {strides = array<i32>} : memref<80x128xf32, #tpu.memory_space<vmem>>, vector<1x16xf32>,
        %parallel_loop3A_942 = vector.shape_cast %parallel_loop3A_941 : vector<1x16xf32> to vector<16xf32>
        %parallel_loop3A_943 = vector.shape_cast %parallel_loop3A_934 : vector<16xf32> to vector<1x16xf32>
        tpu.vector_store %parallel_loop3A_938[%parallel_loop3A_939, %parallel_loop3A_940], %parallel_loop3A_943 {strides = array<i32>} : memref<80x128xf32, #tpu.memory_space<vmem>>, vector<1x16xf32>,
        %parallel_loop3A_944 = arith.constant 0 : i32
        %parallel_loop3A_945 = arith.constant 0 : i32
        %parallel_loop3A_946 = tpu.memref_slice %arg8[%parallel_loop3A_644, %parallel_loop3A_944, %parallel_loop3A_945] : memref<2x80x128xf32, #tpu.memory_space<vmem>> -> memref<1x80x128xf32, #tpu.memory_space<vmem>>
        %parallel_loop3A_947 = tpu.memref_squeeze %parallel_loop3A_946 : memref<1x80x128xf32, #tpu.memory_space<vmem>> -> memref<80x128xf32, #tpu.memory_space<vmem>>
        %parallel_loop3A_948 = arith.index_cast %parallel_loop3A_891 : i32 to index
        %parallel_loop3A_949 = arith.constant 32 : index
        %parallel_loop3A_950 = tpu.vector_load %parallel_loop3A_947[%parallel_loop3A_948, %parallel_loop3A_949] {strides = array<i32>} : memref<80x128xf32, #tpu.memory_space<vmem>>, vector<1x16xf32>,
        %parallel_loop3A_951 = vector.shape_cast %parallel_loop3A_950 : vector<1x16xf32> to vector<16xf32>
        %parallel_loop3A_952 = arith.constant 0 : i32
        %parallel_loop3A_953 = arith.constant 0 : i32
        %parallel_loop3A_954 = tpu.memref_slice %arg9[%parallel_loop3A_645, %parallel_loop3A_952, %parallel_loop3A_953] : memref<2x80x128xf32, #tpu.memory_space<vmem>> -> memref<1x80x128xf32, #tpu.memory_space<vmem>>
        %parallel_loop3A_955 = tpu.memref_squeeze %parallel_loop3A_954 : memref<1x80x128xf32, #tpu.memory_space<vmem>> -> memref<80x128xf32, #tpu.memory_space<vmem>>
        %parallel_loop3A_956 = arith.index_cast %parallel_loop3A_891 : i32 to index
        %parallel_loop3A_957 = arith.constant 32 : index
        %parallel_loop3A_958 = tpu.vector_load %parallel_loop3A_955[%parallel_loop3A_956, %parallel_loop3A_957] {strides = array<i32>} : memref<80x128xf32, #tpu.memory_space<vmem>>, vector<1x16xf32>,
        %parallel_loop3A_959 = vector.shape_cast %parallel_loop3A_958 : vector<1x16xf32> to vector<16xf32>
        %parallel_loop3A_960 = arith.mulf %parallel_loop3A_951, %parallel_loop3A_959 : vector<16xf32>
        %parallel_loop3A_961 = arith.constant 0 : i32
        %parallel_loop3A_962 = arith.constant 0 : i32
        %parallel_loop3A_963 = tpu.memref_slice %arg8[%parallel_loop3A_644, %parallel_loop3A_961, %parallel_loop3A_962] : memref<2x80x128xf32, #tpu.memory_space<vmem>> -> memref<1x80x128xf32, #tpu.memory_space<vmem>>
        %parallel_loop3A_964 = tpu.memref_squeeze %parallel_loop3A_963 : memref<1x80x128xf32, #tpu.memory_space<vmem>> -> memref<80x128xf32, #tpu.memory_space<vmem>>
        %parallel_loop3A_965 = arith.index_cast %parallel_loop3A_891 : i32 to index
        %parallel_loop3A_966 = arith.constant 32 : index
        %parallel_loop3A_967 = tpu.vector_load %parallel_loop3A_964[%parallel_loop3A_965, %parallel_loop3A_966] {strides = array<i32>} : memref<80x128xf32, #tpu.memory_space<vmem>>, vector<1x16xf32>,
        %parallel_loop3A_968 = vector.shape_cast %parallel_loop3A_967 : vector<1x16xf32> to vector<16xf32>
        %parallel_loop3A_969 = vector.shape_cast %parallel_loop3A_960 : vector<16xf32> to vector<1x16xf32>
        tpu.vector_store %parallel_loop3A_964[%parallel_loop3A_965, %parallel_loop3A_966], %parallel_loop3A_969 {strides = array<i32>} : memref<80x128xf32, #tpu.memory_space<vmem>>, vector<1x16xf32>,
        %parallel_loop3A_970 = arith.constant 0 : i32
        %parallel_loop3A_971 = arith.constant 0 : i32
        %parallel_loop3A_972 = tpu.memref_slice %arg8[%parallel_loop3A_644, %parallel_loop3A_970, %parallel_loop3A_971] : memref<2x80x128xf32, #tpu.memory_space<vmem>> -> memref<1x80x128xf32, #tpu.memory_space<vmem>>
        %parallel_loop3A_973 = tpu.memref_squeeze %parallel_loop3A_972 : memref<1x80x128xf32, #tpu.memory_space<vmem>> -> memref<80x128xf32, #tpu.memory_space<vmem>>
        %parallel_loop3A_974 = arith.index_cast %parallel_loop3A_891 : i32 to index
        %parallel_loop3A_975 = arith.constant 48 : index
        %parallel_loop3A_976 = tpu.vector_load %parallel_loop3A_973[%parallel_loop3A_974, %parallel_loop3A_975] {strides = array<i32>} : memref<80x128xf32, #tpu.memory_space<vmem>>, vector<1x16xf32>,
        %parallel_loop3A_977 = vector.shape_cast %parallel_loop3A_976 : vector<1x16xf32> to vector<16xf32>
        %parallel_loop3A_978 = arith.constant 0 : i32
        %parallel_loop3A_979 = arith.constant 0 : i32
        %parallel_loop3A_980 = tpu.memref_slice %arg9[%parallel_loop3A_645, %parallel_loop3A_978, %parallel_loop3A_979] : memref<2x80x128xf32, #tpu.memory_space<vmem>> -> memref<1x80x128xf32, #tpu.memory_space<vmem>>
        %parallel_loop3A_981 = tpu.memref_squeeze %parallel_loop3A_980 : memref<1x80x128xf32, #tpu.memory_space<vmem>> -> memref<80x128xf32, #tpu.memory_space<vmem>>
        %parallel_loop3A_982 = arith.index_cast %parallel_loop3A_891 : i32 to index
        %parallel_loop3A_983 = arith.constant 48 : index
        %parallel_loop3A_984 = tpu.vector_load %parallel_loop3A_981[%parallel_loop3A_982, %parallel_loop3A_983] {strides = array<i32>} : memref<80x128xf32, #tpu.memory_space<vmem>>, vector<1x16xf32>,
        %parallel_loop3A_985 = vector.shape_cast %parallel_loop3A_984 : vector<1x16xf32> to vector<16xf32>
        %parallel_loop3A_986 = arith.mulf %parallel_loop3A_977, %parallel_loop3A_985 : vector<16xf32>
        %parallel_loop3A_987 = arith.constant 0 : i32
        %parallel_loop3A_988 = arith.constant 0 : i32
        %parallel_loop3A_989 = tpu.memref_slice %arg8[%parallel_loop3A_644, %parallel_loop3A_987, %parallel_loop3A_988] : memref<2x80x128xf32, #tpu.memory_space<vmem>> -> memref<1x80x128xf32, #tpu.memory_space<vmem>>
        %parallel_loop3A_990 = tpu.memref_squeeze %parallel_loop3A_989 : memref<1x80x128xf32, #tpu.memory_space<vmem>> -> memref<80x128xf32, #tpu.memory_space<vmem>>
        %parallel_loop3A_991 = arith.index_cast %parallel_loop3A_891 : i32 to index
        %parallel_loop3A_992 = arith.constant 48 : index
        %parallel_loop3A_993 = tpu.vector_load %parallel_loop3A_990[%parallel_loop3A_991, %parallel_loop3A_992] {strides = array<i32>} : memref<80x128xf32, #tpu.memory_space<vmem>>, vector<1x16xf32>,
        %parallel_loop3A_994 = vector.shape_cast %parallel_loop3A_993 : vector<1x16xf32> to vector<16xf32>
        %parallel_loop3A_995 = vector.shape_cast %parallel_loop3A_986 : vector<16xf32> to vector<1x16xf32>
        tpu.vector_store %parallel_loop3A_990[%parallel_loop3A_991, %parallel_loop3A_992], %parallel_loop3A_995 {strides = array<i32>} : memref<80x128xf32, #tpu.memory_space<vmem>>, vector<1x16xf32>,
        %parallel_loop3A_996 = arith.constant 0 : i32
        %parallel_loop3A_997 = arith.constant 0 : i32
        %parallel_loop3A_998 = tpu.memref_slice %arg8[%parallel_loop3A_644, %parallel_loop3A_996, %parallel_loop3A_997] : memref<2x80x128xf32, #tpu.memory_space<vmem>> -> memref<1x80x128xf32, #tpu.memory_space<vmem>>
        %parallel_loop3A_999 = tpu.memref_squeeze %parallel_loop3A_998 : memref<1x80x128xf32, #tpu.memory_space<vmem>> -> memref<80x128xf32, #tpu.memory_space<vmem>>
        %parallel_loop3A_1000 = arith.index_cast %parallel_loop3A_891 : i32 to index
        %parallel_loop3A_1001 = arith.constant 64 : index
        %parallel_loop3A_1002 = tpu.vector_load %parallel_loop3A_999[%parallel_loop3A_1000, %parallel_loop3A_1001] {strides = array<i32>} : memref<80x128xf32, #tpu.memory_space<vmem>>, vector<1x16xf32>,
        %parallel_loop3A_1003 = vector.shape_cast %parallel_loop3A_1002 : vector<1x16xf32> to vector<16xf32>
        %parallel_loop3A_1004 = arith.constant 0 : i32
        %parallel_loop3A_1005 = arith.constant 0 : i32
        %parallel_loop3A_1006 = tpu.memref_slice %arg9[%parallel_loop3A_645, %parallel_loop3A_1004, %parallel_loop3A_1005] : memref<2x80x128xf32, #tpu.memory_space<vmem>> -> memref<1x80x128xf32, #tpu.memory_space<vmem>>
        %parallel_loop3A_1007 = tpu.memref_squeeze %parallel_loop3A_1006 : memref<1x80x128xf32, #tpu.memory_space<vmem>> -> memref<80x128xf32, #tpu.memory_space<vmem>>
        %parallel_loop3A_1008 = arith.index_cast %parallel_loop3A_891 : i32 to index
        %parallel_loop3A_1009 = arith.constant 64 : index
        %parallel_loop3A_1010 = tpu.vector_load %parallel_loop3A_1007[%parallel_loop3A_1008, %parallel_loop3A_1009] {strides = array<i32>} : memref<80x128xf32, #tpu.memory_space<vmem>>, vector<1x16xf32>,
        %parallel_loop3A_1011 = vector.shape_cast %parallel_loop3A_1010 : vector<1x16xf32> to vector<16xf32>
        %parallel_loop3A_1012 = arith.mulf %parallel_loop3A_1003, %parallel_loop3A_1011 : vector<16xf32>
        %parallel_loop3A_1013 = arith.constant 0 : i32
        %parallel_loop3A_1014 = arith.constant 0 : i32
        %parallel_loop3A_1015 = tpu.memref_slice %arg8[%parallel_loop3A_644, %parallel_loop3A_1013, %parallel_loop3A_1014] : memref<2x80x128xf32, #tpu.memory_space<vmem>> -> memref<1x80x128xf32, #tpu.memory_space<vmem>>
        %parallel_loop3A_1016 = tpu.memref_squeeze %parallel_loop3A_1015 : memref<1x80x128xf32, #tpu.memory_space<vmem>> -> memref<80x128xf32, #tpu.memory_space<vmem>>
        %parallel_loop3A_1017 = arith.index_cast %parallel_loop3A_891 : i32 to index
        %parallel_loop3A_1018 = arith.constant 64 : index
        %parallel_loop3A_1019 = tpu.vector_load %parallel_loop3A_1016[%parallel_loop3A_1017, %parallel_loop3A_1018] {strides = array<i32>} : memref<80x128xf32, #tpu.memory_space<vmem>>, vector<1x16xf32>,
        %parallel_loop3A_1020 = vector.shape_cast %parallel_loop3A_1019 : vector<1x16xf32> to vector<16xf32>
        %parallel_loop3A_1021 = vector.shape_cast %parallel_loop3A_1012 : vector<16xf32> to vector<1x16xf32>
        tpu.vector_store %parallel_loop3A_1016[%parallel_loop3A_1017, %parallel_loop3A_1018], %parallel_loop3A_1021 {strides = array<i32>} : memref<80x128xf32, #tpu.memory_space<vmem>>, vector<1x16xf32>,
        %parallel_loop3A_1022 = arith.constant 0 : i32
        %parallel_loop3A_1023 = arith.constant 0 : i32
        %parallel_loop3A_1024 = tpu.memref_slice %arg8[%parallel_loop3A_644, %parallel_loop3A_1022, %parallel_loop3A_1023] : memref<2x80x128xf32, #tpu.memory_space<vmem>> -> memref<1x80x128xf32, #tpu.memory_space<vmem>>
        %parallel_loop3A_1025 = tpu.memref_squeeze %parallel_loop3A_1024 : memref<1x80x128xf32, #tpu.memory_space<vmem>> -> memref<80x128xf32, #tpu.memory_space<vmem>>
        %parallel_loop3A_1026 = arith.index_cast %parallel_loop3A_891 : i32 to index
        %parallel_loop3A_1027 = arith.constant 80 : index
        %parallel_loop3A_1028 = tpu.vector_load %parallel_loop3A_1025[%parallel_loop3A_1026, %parallel_loop3A_1027] {strides = array<i32>} : memref<80x128xf32, #tpu.memory_space<vmem>>, vector<1x16xf32>,
        %parallel_loop3A_1029 = vector.shape_cast %parallel_loop3A_1028 : vector<1x16xf32> to vector<16xf32>
        %parallel_loop3A_1030 = arith.constant 0 : i32
        %parallel_loop3A_1031 = arith.constant 0 : i32
        %parallel_loop3A_1032 = tpu.memref_slice %arg9[%parallel_loop3A_645, %parallel_loop3A_1030, %parallel_loop3A_1031] : memref<2x80x128xf32, #tpu.memory_space<vmem>> -> memref<1x80x128xf32, #tpu.memory_space<vmem>>
        %parallel_loop3A_1033 = tpu.memref_squeeze %parallel_loop3A_1032 : memref<1x80x128xf32, #tpu.memory_space<vmem>> -> memref<80x128xf32, #tpu.memory_space<vmem>>
        %parallel_loop3A_1034 = arith.index_cast %parallel_loop3A_891 : i32 to index
        %parallel_loop3A_1035 = arith.constant 80 : index
        %parallel_loop3A_1036 = tpu.vector_load %parallel_loop3A_1033[%parallel_loop3A_1034, %parallel_loop3A_1035] {strides = array<i32>} : memref<80x128xf32, #tpu.memory_space<vmem>>, vector<1x16xf32>,
        %parallel_loop3A_1037 = vector.shape_cast %parallel_loop3A_1036 : vector<1x16xf32> to vector<16xf32>
        %parallel_loop3A_1038 = arith.mulf %parallel_loop3A_1029, %parallel_loop3A_1037 : vector<16xf32>
        %parallel_loop3A_1039 = arith.constant 0 : i32
        %parallel_loop3A_1040 = arith.constant 0 : i32
        %parallel_loop3A_1041 = tpu.memref_slice %arg8[%parallel_loop3A_644, %parallel_loop3A_1039, %parallel_loop3A_1040] : memref<2x80x128xf32, #tpu.memory_space<vmem>> -> memref<1x80x128xf32, #tpu.memory_space<vmem>>
        %parallel_loop3A_1042 = tpu.memref_squeeze %parallel_loop3A_1041 : memref<1x80x128xf32, #tpu.memory_space<vmem>> -> memref<80x128xf32, #tpu.memory_space<vmem>>
        %parallel_loop3A_1043 = arith.index_cast %parallel_loop3A_891 : i32 to index
        %parallel_loop3A_1044 = arith.constant 80 : index
        %parallel_loop3A_1045 = tpu.vector_load %parallel_loop3A_1042[%parallel_loop3A_1043, %parallel_loop3A_1044] {strides = array<i32>} : memref<80x128xf32, #tpu.memory_space<vmem>>, vector<1x16xf32>,
        %parallel_loop3A_1046 = vector.shape_cast %parallel_loop3A_1045 : vector<1x16xf32> to vector<16xf32>
        %parallel_loop3A_1047 = vector.shape_cast %parallel_loop3A_1038 : vector<16xf32> to vector<1x16xf32>
        tpu.vector_store %parallel_loop3A_1042[%parallel_loop3A_1043, %parallel_loop3A_1044], %parallel_loop3A_1047 {strides = array<i32>} : memref<80x128xf32, #tpu.memory_space<vmem>>, vector<1x16xf32>,
        %parallel_loop3A_1048 = arith.constant 0 : i32
        %parallel_loop3A_1049 = arith.constant 0 : i32
        %parallel_loop3A_1050 = tpu.memref_slice %arg8[%parallel_loop3A_644, %parallel_loop3A_1048, %parallel_loop3A_1049] : memref<2x80x128xf32, #tpu.memory_space<vmem>> -> memref<1x80x128xf32, #tpu.memory_space<vmem>>
        %parallel_loop3A_1051 = tpu.memref_squeeze %parallel_loop3A_1050 : memref<1x80x128xf32, #tpu.memory_space<vmem>> -> memref<80x128xf32, #tpu.memory_space<vmem>>
        %parallel_loop3A_1052 = arith.index_cast %parallel_loop3A_891 : i32 to index
        %parallel_loop3A_1053 = arith.constant 96 : index
        %parallel_loop3A_1054 = tpu.vector_load %parallel_loop3A_1051[%parallel_loop3A_1052, %parallel_loop3A_1053] {strides = array<i32>} : memref<80x128xf32, #tpu.memory_space<vmem>>, vector<1x16xf32>,
        %parallel_loop3A_1055 = vector.shape_cast %parallel_loop3A_1054 : vector<1x16xf32> to vector<16xf32>
        %parallel_loop3A_1056 = arith.constant 0 : i32
        %parallel_loop3A_1057 = arith.constant 0 : i32
        %parallel_loop3A_1058 = tpu.memref_slice %arg9[%parallel_loop3A_645, %parallel_loop3A_1056, %parallel_loop3A_1057] : memref<2x80x128xf32, #tpu.memory_space<vmem>> -> memref<1x80x128xf32, #tpu.memory_space<vmem>>
        %parallel_loop3A_1059 = tpu.memref_squeeze %parallel_loop3A_1058 : memref<1x80x128xf32, #tpu.memory_space<vmem>> -> memref<80x128xf32, #tpu.memory_space<vmem>>
        %parallel_loop3A_1060 = arith.index_cast %parallel_loop3A_891 : i32 to index
        %parallel_loop3A_1061 = arith.constant 96 : index
        %parallel_loop3A_1062 = tpu.vector_load %parallel_loop3A_1059[%parallel_loop3A_1060, %parallel_loop3A_1061] {strides = array<i32>} : memref<80x128xf32, #tpu.memory_space<vmem>>, vector<1x16xf32>,
        %parallel_loop3A_1063 = vector.shape_cast %parallel_loop3A_1062 : vector<1x16xf32> to vector<16xf32>
        %parallel_loop3A_1064 = arith.mulf %parallel_loop3A_1055, %parallel_loop3A_1063 : vector<16xf32>
        %parallel_loop3A_1065 = arith.constant 0 : i32
        %parallel_loop3A_1066 = arith.constant 0 : i32
        %parallel_loop3A_1067 = tpu.memref_slice %arg8[%parallel_loop3A_644, %parallel_loop3A_1065, %parallel_loop3A_1066] : memref<2x80x128xf32, #tpu.memory_space<vmem>> -> memref<1x80x128xf32, #tpu.memory_space<vmem>>
        %parallel_loop3A_1068 = tpu.memref_squeeze %parallel_loop3A_1067 : memref<1x80x128xf32, #tpu.memory_space<vmem>> -> memref<80x128xf32, #tpu.memory_space<vmem>>
        %parallel_loop3A_1069 = arith.index_cast %parallel_loop3A_891 : i32 to index
        %parallel_loop3A_1070 = arith.constant 96 : index
        %parallel_loop3A_1071 = tpu.vector_load %parallel_loop3A_1068[%parallel_loop3A_1069, %parallel_loop3A_1070] {strides = array<i32>} : memref<80x128xf32, #tpu.memory_space<vmem>>, vector<1x16xf32>,
        %parallel_loop3A_1072 = vector.shape_cast %parallel_loop3A_1071 : vector<1x16xf32> to vector<16xf32>
        %parallel_loop3A_1073 = vector.shape_cast %parallel_loop3A_1064 : vector<16xf32> to vector<1x16xf32>
        tpu.vector_store %parallel_loop3A_1068[%parallel_loop3A_1069, %parallel_loop3A_1070], %parallel_loop3A_1073 {strides = array<i32>} : memref<80x128xf32, #tpu.memory_space<vmem>>, vector<1x16xf32>,
        %parallel_loop3A_1074 = arith.constant 0 : i32
        %parallel_loop3A_1075 = arith.constant 0 : i32
        %parallel_loop3A_1076 = tpu.memref_slice %arg8[%parallel_loop3A_644, %parallel_loop3A_1074, %parallel_loop3A_1075] : memref<2x80x128xf32, #tpu.memory_space<vmem>> -> memref<1x80x128xf32, #tpu.memory_space<vmem>>
        %parallel_loop3A_1077 = tpu.memref_squeeze %parallel_loop3A_1076 : memref<1x80x128xf32, #tpu.memory_space<vmem>> -> memref<80x128xf32, #tpu.memory_space<vmem>>
        %parallel_loop3A_1078 = arith.index_cast %parallel_loop3A_891 : i32 to index
        %parallel_loop3A_1079 = arith.constant 112 : index
        %parallel_loop3A_1080 = tpu.vector_load %parallel_loop3A_1077[%parallel_loop3A_1078, %parallel_loop3A_1079] {strides = array<i32>} : memref<80x128xf32, #tpu.memory_space<vmem>>, vector<1x16xf32>,
        %parallel_loop3A_1081 = vector.shape_cast %parallel_loop3A_1080 : vector<1x16xf32> to vector<16xf32>
        %parallel_loop3A_1082 = arith.constant 0 : i32
        %parallel_loop3A_1083 = arith.constant 0 : i32
        %parallel_loop3A_1084 = tpu.memref_slice %arg9[%parallel_loop3A_645, %parallel_loop3A_1082, %parallel_loop3A_1083] : memref<2x80x128xf32, #tpu.memory_space<vmem>> -> memref<1x80x128xf32, #tpu.memory_space<vmem>>
        %parallel_loop3A_1085 = tpu.memref_squeeze %parallel_loop3A_1084 : memref<1x80x128xf32, #tpu.memory_space<vmem>> -> memref<80x128xf32, #tpu.memory_space<vmem>>
        %parallel_loop3A_1086 = arith.index_cast %parallel_loop3A_891 : i32 to index
        %parallel_loop3A_1087 = arith.constant 112 : index
        %parallel_loop3A_1088 = tpu.vector_load %parallel_loop3A_1085[%parallel_loop3A_1086, %parallel_loop3A_1087] {strides = array<i32>} : memref<80x128xf32, #tpu.memory_space<vmem>>, vector<1x16xf32>,
        %parallel_loop3A_1089 = vector.shape_cast %parallel_loop3A_1088 : vector<1x16xf32> to vector<16xf32>
        %parallel_loop3A_1090 = arith.mulf %parallel_loop3A_1081, %parallel_loop3A_1089 : vector<16xf32>
        %parallel_loop3A_1091 = arith.constant 0 : i32
        %parallel_loop3A_1092 = arith.constant 0 : i32
        %parallel_loop3A_1093 = tpu.memref_slice %arg8[%parallel_loop3A_644, %parallel_loop3A_1091, %parallel_loop3A_1092] : memref<2x80x128xf32, #tpu.memory_space<vmem>> -> memref<1x80x128xf32, #tpu.memory_space<vmem>>
        %parallel_loop3A_1094 = tpu.memref_squeeze %parallel_loop3A_1093 : memref<1x80x128xf32, #tpu.memory_space<vmem>> -> memref<80x128xf32, #tpu.memory_space<vmem>>
        %parallel_loop3A_1095 = arith.index_cast %parallel_loop3A_891 : i32 to index
        %parallel_loop3A_1096 = arith.constant 112 : index
        %parallel_loop3A_1097 = tpu.vector_load %parallel_loop3A_1094[%parallel_loop3A_1095, %parallel_loop3A_1096] {strides = array<i32>} : memref<80x128xf32, #tpu.memory_space<vmem>>, vector<1x16xf32>,
        %parallel_loop3A_1098 = vector.shape_cast %parallel_loop3A_1097 : vector<1x16xf32> to vector<16xf32>
        %parallel_loop3A_1099 = vector.shape_cast %parallel_loop3A_1090 : vector<16xf32> to vector<1x16xf32>
        tpu.vector_store %parallel_loop3A_1094[%parallel_loop3A_1095, %parallel_loop3A_1096], %parallel_loop3A_1099 {strides = array<i32>} : memref<80x128xf32, #tpu.memory_space<vmem>>, vector<1x16xf32>,
      } {sc.loop_unroll_factor = 4 : i64, sc.parallel_access}
      %mul3A_646 = arith.constant 32 : i32
      %mul3A_647 = arith.muli %mul3A_646, %add3A_540 : i32
      %add3A_648 = arith.addi %add3A, %mul3A_647 : i32
      %mul3A_649 = arith.constant 80 : i32
      %mul3A_650 = arith.muli %add3A_648, %mul3A_649 : i32
      %add3A_651 = arith.constant 320000 : i32
      %add3A_652 = arith.addi %add3A_651, %mul3A_650 : i32
      %dma_wait3A_653 = arith.constant 1 : i32
      %dma_wait3A_654 = arith.constant 1 : i32
      %dma_wait3A_655 = arith.constant 0 : i32
      %dma_wait3A_656 = tpu.memref_slice %arg7[%dma_wait3A_653, %dma_wait3A_655] : memref<2x80xi32, #tpu.memory_space<vmem>> -> memref<1x80xi32, #tpu.memory_space<vmem>>
      %dma_wait3A_657 = tpu.memref_squeeze %dma_wait3A_656 : memref<1x80xi32, #tpu.memory_space<vmem>> -> memref<80xi32, #tpu.memory_space<vmem>>
      %dma_wait3A_658 = tpu.memref_slice %arg4[%add3A_652] : memref<640000xi32, #tpu.memory_space<hbm>> -> memref<80xi32, #tpu.memory_space<hbm>>
      %dma_wait3A_659 = tpu.memref_slice %arg13[%dma_wait3A_654] : memref<2x!tpu.dma_semaphore, #tpu.memory_space<semaphore_mem>> -> memref<1x!tpu.dma_semaphore, #tpu.memory_space<semaphore_mem>>
      %dma_wait3A_660 = tpu.memref_squeeze %dma_wait3A_659 : memref<1x!tpu.dma_semaphore, #tpu.memory_space<semaphore_mem>> -> memref<!tpu.dma_semaphore, #tpu.memory_space<semaphore_mem>>
      %dma_wait3A_661 = arith.constant 0 : i32
      %dma_wait3A_662 = tpu.memref_slice %arg7[%dma_wait3A_653, %dma_wait3A_661] : memref<2x80xi32, #tpu.memory_space<vmem>> -> memref<1x80xi32, #tpu.memory_space<vmem>>
      %dma_wait3A_663 = tpu.memref_squeeze %dma_wait3A_662 : memref<1x80xi32, #tpu.memory_space<vmem>> -> memref<80xi32, #tpu.memory_space<vmem>>
      %dma_wait3A_664 = tpu.memref_slice %arg4[%add3A_652] : memref<640000xi32, #tpu.memory_space<hbm>> -> memref<80xi32, #tpu.memory_space<hbm>>
      tpu.wait_dma2 semaphore(%dma_wait3A_660 : memref<!tpu.dma_semaphore, #tpu.memory_space<semaphore_mem>>) src(%dma_wait3A_664 : memref<80xi32, #tpu.memory_space<hbm>>) dst(%dma_wait3A_663 : memref<80xi32, #tpu.memory_space<vmem>>)
      %dma_start3A_665 = arith.constant 1 : i32
      %dma_start3A_666 = arith.constant 1 : i32
      %dma_start3A_667 = arith.constant 1 : i32
      %dma_start3A_668 = arith.constant 0 : i32
      %dma_start3A_669 = arith.constant 0 : i32
      %dma_start3A_670 = tpu.memref_slice %arg8[%dma_start3A_665, %dma_start3A_668, %dma_start3A_669] : memref<2x80x128xf32, #tpu.memory_space<vmem>> -> memref<1x80x128xf32, #tpu.memory_space<vmem>>
      %dma_start3A_671 = tpu.memref_squeeze %dma_start3A_670 : memref<1x80x128xf32, #tpu.memory_space<vmem>> -> memref<80x128xf32, #tpu.memory_space<vmem>>
      %dma_start3A_672 = arith.constant 0 : i32
      %dma_start3A_673 = tpu.memref_slice %arg7[%dma_start3A_666, %dma_start3A_672] : memref<2x80xi32, #tpu.memory_space<vmem>> -> memref<1x80xi32, #tpu.memory_space<vmem>>
      %dma_start3A_674 = tpu.memref_squeeze %dma_start3A_673 : memref<1x80xi32, #tpu.memory_space<vmem>> -> memref<80xi32, #tpu.memory_space<vmem>>
      %dma_start3A_675 = arith.constant 0 : i32
      %dma_start3A_676 = arith.constant 0 : i32
      %dma_start3A_677 = tpu.memref_slice %arg11[%dma_start3A_675, %dma_start3A_676] : memref<10000x128xf32, #tpu.memory_space<vmem_shared>> -> memref<10000x128xf32, #tpu.memory_space<vmem_shared>>
      %dma_start3A_678 = tpu.memref_slice %arg16[%dma_start3A_667] : memref<2x!tpu.dma_semaphore, #tpu.memory_space<semaphore_mem>> -> memref<1x!tpu.dma_semaphore, #tpu.memory_space<semaphore_mem>>
      %dma_start3A_679 = tpu.memref_squeeze %dma_start3A_678 : memref<1x!tpu.dma_semaphore, #tpu.memory_space<semaphore_mem>> -> memref<!tpu.dma_semaphore, #tpu.memory_space<semaphore_mem>>
      tpu.enqueue_indirect_dma source(%dma_start3A_671 : memref<80x128xf32, #tpu.memory_space<vmem>>) target(%dma_start3A_677 : memref<10000x128xf32, #tpu.memory_space<vmem_shared>>) offsets(%dma_start3A_674 : memref<80xi32, #tpu.memory_space<vmem>>) semaphore(%dma_start3A_679 : memref<!tpu.dma_semaphore, #tpu.memory_space<semaphore_mem>>) {add = true}
      %add3A_680 = arith.constant 1 : i32
      %add3A_681 = arith.addi %add3A_540, %add3A_680 : i32
      %mul3A_682 = arith.constant 32 : i32
      %mul3A_683 = arith.muli %mul3A_682, %add3A_681 : i32
      %add3A_684 = arith.addi %add3A, %mul3A_683 : i32
      %mul3A_685 = arith.constant 80 : i32
      %mul3A_686 = arith.muli %add3A_684, %mul3A_685 : i32
      %dma_wait3A_687 = arith.constant 0 : i32
      %dma_wait3A_688 = arith.constant 0 : i32
      %dma_wait3A_689 = arith.constant 0 : i32
      %dma_wait3A_690 = tpu.memref_slice %arg6[%dma_wait3A_687, %dma_wait3A_689] : memref<2x80xi32, #tpu.memory_space<vmem>> -> memref<1x80xi32, #tpu.memory_space<vmem>>
      %dma_wait3A_691 = tpu.memref_squeeze %dma_wait3A_690 : memref<1x80xi32, #tpu.memory_space<vmem>> -> memref<80xi32, #tpu.memory_space<vmem>>
      %dma_wait3A_692 = tpu.memref_slice %arg4[%mul3A_686] : memref<640000xi32, #tpu.memory_space<hbm>> -> memref<80xi32, #tpu.memory_space<hbm>>
      %dma_wait3A_693 = tpu.memref_slice %arg12[%dma_wait3A_688] : memref<2x!tpu.dma_semaphore, #tpu.memory_space<semaphore_mem>> -> memref<1x!tpu.dma_semaphore, #tpu.memory_space<semaphore_mem>>
      %dma_wait3A_694 = tpu.memref_squeeze %dma_wait3A_693 : memref<1x!tpu.dma_semaphore, #tpu.memory_space<semaphore_mem>> -> memref<!tpu.dma_semaphore, #tpu.memory_space<semaphore_mem>>
      %dma_wait3A_695 = arith.constant 0 : i32
      %dma_wait3A_696 = tpu.memref_slice %arg6[%dma_wait3A_687, %dma_wait3A_695] : memref<2x80xi32, #tpu.memory_space<vmem>> -> memref<1x80xi32, #tpu.memory_space<vmem>>
      %dma_wait3A_697 = tpu.memref_squeeze %dma_wait3A_696 : memref<1x80xi32, #tpu.memory_space<vmem>> -> memref<80xi32, #tpu.memory_space<vmem>>
      %dma_wait3A_698 = tpu.memref_slice %arg4[%mul3A_686] : memref<640000xi32, #tpu.memory_space<hbm>> -> memref<80xi32, #tpu.memory_space<hbm>>
      tpu.wait_dma2 semaphore(%dma_wait3A_694 : memref<!tpu.dma_semaphore, #tpu.memory_space<semaphore_mem>>) src(%dma_wait3A_698 : memref<80xi32, #tpu.memory_space<hbm>>) dst(%dma_wait3A_697 : memref<80xi32, #tpu.memory_space<vmem>>)
      %dma_start3A_699 = arith.constant 0 : i32
      %dma_start3A_700 = arith.constant 0 : i32
      %dma_start3A_701 = arith.constant 0 : i32
      %dma_start3A_702 = arith.constant 0 : i32
      %dma_start3A_703 = arith.constant 0 : i32
      %dma_start3A_704 = tpu.memref_slice %arg8[%dma_start3A_700, %dma_start3A_702, %dma_start3A_703] : memref<2x80x128xf32, #tpu.memory_space<vmem>> -> memref<1x80x128xf32, #tpu.memory_space<vmem>>
      %dma_start3A_705 = tpu.memref_squeeze %dma_start3A_704 : memref<1x80x128xf32, #tpu.memory_space<vmem>> -> memref<80x128xf32, #tpu.memory_space<vmem>>
      %dma_start3A_706 = arith.constant 0 : i32
      %dma_start3A_707 = tpu.memref_slice %arg6[%dma_start3A_699, %dma_start3A_706] : memref<2x80xi32, #tpu.memory_space<vmem>> -> memref<1x80xi32, #tpu.memory_space<vmem>>
      %dma_start3A_708 = tpu.memref_squeeze %dma_start3A_707 : memref<1x80xi32, #tpu.memory_space<vmem>> -> memref<80xi32, #tpu.memory_space<vmem>>
      %dma_start3A_709 = arith.constant 0 : i32
      %dma_start3A_710 = arith.constant 0 : i32
      %dma_start3A_711 = tpu.memref_slice %arg2[%dma_start3A_709, %dma_start3A_710] : memref<10000x128xf32, #tpu.memory_space<hbm>> -> memref<10000x128xf32, #tpu.memory_space<hbm>>
      %dma_start3A_712 = tpu.memref_slice %arg15[%dma_start3A_701] : memref<2x!tpu.dma_semaphore, #tpu.memory_space<semaphore_mem>> -> memref<1x!tpu.dma_semaphore, #tpu.memory_space<semaphore_mem>>
      %dma_start3A_713 = tpu.memref_squeeze %dma_start3A_712 : memref<1x!tpu.dma_semaphore, #tpu.memory_space<semaphore_mem>> -> memref<!tpu.dma_semaphore, #tpu.memory_space<semaphore_mem>>
      tpu.enqueue_indirect_dma source(%dma_start3A_711 : memref<10000x128xf32, #tpu.memory_space<hbm>>) target(%dma_start3A_705 : memref<80x128xf32, #tpu.memory_space<vmem>>) offsets(%dma_start3A_708 : memref<80xi32, #tpu.memory_space<vmem>>) semaphore(%dma_start3A_713 : memref<!tpu.dma_semaphore, #tpu.memory_space<semaphore_mem>>)
      %mul3A_714 = arith.constant 2 : i32
      %mul3A_715 = arith.muli %mul3A_714, %scan3A_536 : i32
      %add3A_716 = arith.constant 2 : i32
      %add3A_717 = arith.addi %mul3A_715, %add3A_716 : i32
      %dma_wait3A_718 = arith.constant 1 : i32
      %dma_wait3A_719 = arith.constant 1 : i32
      %dma_wait3A_720 = arith.constant 1 : i32
      %dma_wait3A_721 = arith.constant 0 : i32
      %dma_wait3A_722 = arith.constant 0 : i32
      %dma_wait3A_723 = tpu.memref_slice %arg8[%dma_wait3A_718, %dma_wait3A_721, %dma_wait3A_722] : memref<2x80x128xf32, #tpu.memory_space<vmem>> -> memref<1x80x128xf32, #tpu.memory_space<vmem>>
      %dma_wait3A_724 = tpu.memref_squeeze %dma_wait3A_723 : memref<1x80x128xf32, #tpu.memory_space<vmem>> -> memref<80x128xf32, #tpu.memory_space<vmem>>
      %dma_wait3A_725 = arith.constant 0 : i32
      %dma_wait3A_726 = tpu.memref_slice %arg7[%dma_wait3A_719, %dma_wait3A_725] : memref<2x80xi32, #tpu.memory_space<vmem>> -> memref<1x80xi32, #tpu.memory_space<vmem>>
      %dma_wait3A_727 = tpu.memref_squeeze %dma_wait3A_726 : memref<1x80xi32, #tpu.memory_space<vmem>> -> memref<80xi32, #tpu.memory_space<vmem>>
      %dma_wait3A_728 = arith.constant 0 : i32
      %dma_wait3A_729 = arith.constant 0 : i32
      %dma_wait3A_730 = tpu.memref_slice %arg11[%dma_wait3A_728, %dma_wait3A_729] : memref<10000x128xf32, #tpu.memory_space<vmem_shared>> -> memref<10000x128xf32, #tpu.memory_space<vmem_shared>>
      %dma_wait3A_731 = tpu.memref_slice %arg16[%dma_wait3A_720] : memref<2x!tpu.dma_semaphore, #tpu.memory_space<semaphore_mem>> -> memref<1x!tpu.dma_semaphore, #tpu.memory_space<semaphore_mem>>
      %dma_wait3A_732 = tpu.memref_squeeze %dma_wait3A_731 : memref<1x!tpu.dma_semaphore, #tpu.memory_space<semaphore_mem>> -> memref<!tpu.dma_semaphore, #tpu.memory_space<semaphore_mem>>
      tpu.wait_indirect_dma semaphore(%dma_wait3A_732 : memref<!tpu.dma_semaphore, #tpu.memory_space<semaphore_mem>>) src(%dma_wait3A_724 : memref<80x128xf32, #tpu.memory_space<vmem>>) dst(%dma_wait3A_730 : memref<10000x128xf32, #tpu.memory_space<vmem_shared>>)
      %add3A_733 = arith.constant 1 : i32
      %add3A_734 = arith.addi %add3A_717, %add3A_733 : i32
      %mul3A_735 = arith.constant 32 : i32
      %mul3A_736 = arith.muli %mul3A_735, %add3A_734 : i32
      %add3A_737 = arith.addi %add3A, %mul3A_736 : i32
      %mul3A_738 = arith.constant 80 : i32
      %mul3A_739 = arith.muli %add3A_737, %mul3A_738 : i32
      %dma_start3A_740 = arith.constant 1 : i32
      %dma_start3A_741 = arith.constant 1 : i32
      %dma_start3A_742 = arith.constant 0 : i32
      %dma_start3A_743 = tpu.memref_slice %arg6[%dma_start3A_740, %dma_start3A_742] : memref<2x80xi32, #tpu.memory_space<vmem>> -> memref<1x80xi32, #tpu.memory_space<vmem>>
      %dma_start3A_744 = tpu.memref_squeeze %dma_start3A_743 : memref<1x80xi32, #tpu.memory_space<vmem>> -> memref<80xi32, #tpu.memory_space<vmem>>
      %dma_start3A_745 = tpu.memref_slice %arg4[%mul3A_739] : memref<640000xi32, #tpu.memory_space<hbm>> -> memref<80xi32, #tpu.memory_space<hbm>>
      %dma_start3A_746 = tpu.memref_slice %arg12[%dma_start3A_741] : memref<2x!tpu.dma_semaphore, #tpu.memory_space<semaphore_mem>> -> memref<1x!tpu.dma_semaphore, #tpu.memory_space<semaphore_mem>>
      %dma_start3A_747 = tpu.memref_squeeze %dma_start3A_746 : memref<1x!tpu.dma_semaphore, #tpu.memory_space<semaphore_mem>> -> memref<!tpu.dma_semaphore, #tpu.memory_space<semaphore_mem>>
      %dma_start3A_748 = arith.constant 0 : i32
      %dma_start3A_749 = tpu.memref_slice %arg6[%dma_start3A_740, %dma_start3A_748] : memref<2x80xi32, #tpu.memory_space<vmem>> -> memref<1x80xi32, #tpu.memory_space<vmem>>
      %dma_start3A_750 = tpu.memref_squeeze %dma_start3A_749 : memref<1x80xi32, #tpu.memory_space<vmem>> -> memref<80xi32, #tpu.memory_space<vmem>>
      %dma_start3A_751 = tpu.memref_slice %arg4[%mul3A_739] : memref<640000xi32, #tpu.memory_space<hbm>> -> memref<80xi32, #tpu.memory_space<hbm>>
      tpu.enqueue_dma source(%dma_start3A_751 : memref<80xi32, #tpu.memory_space<hbm>>) target(%dma_start3A_750 : memref<80xi32, #tpu.memory_space<vmem>>) target_semaphore(%dma_start3A_747 : memref<!tpu.dma_semaphore, #tpu.memory_space<semaphore_mem>>)
      %add3A_752 = arith.constant 320000 : i32
      %add3A_753 = arith.addi %add3A_752, %mul3A_739 : i32
      %dma_start3A_754 = arith.constant 1 : i32
      %dma_start3A_755 = arith.constant 1 : i32
      %dma_start3A_756 = arith.constant 0 : i32
      %dma_start3A_757 = tpu.memref_slice %arg7[%dma_start3A_754, %dma_start3A_756] : memref<2x80xi32, #tpu.memory_space<vmem>> -> memref<1x80xi32, #tpu.memory_space<vmem>>
      %dma_start3A_758 = tpu.memref_squeeze %dma_start3A_757 : memref<1x80xi32, #tpu.memory_space<vmem>> -> memref<80xi32, #tpu.memory_space<vmem>>
      %dma_start3A_759 = tpu.memref_slice %arg4[%add3A_753] : memref<640000xi32, #tpu.memory_space<hbm>> -> memref<80xi32, #tpu.memory_space<hbm>>
      %dma_start3A_760 = tpu.memref_slice %arg13[%dma_start3A_755] : memref<2x!tpu.dma_semaphore, #tpu.memory_space<semaphore_mem>> -> memref<1x!tpu.dma_semaphore, #tpu.memory_space<semaphore_mem>>
      %dma_start3A_761 = tpu.memref_squeeze %dma_start3A_760 : memref<1x!tpu.dma_semaphore, #tpu.memory_space<semaphore_mem>> -> memref<!tpu.dma_semaphore, #tpu.memory_space<semaphore_mem>>
      %dma_start3A_762 = arith.constant 0 : i32
      %dma_start3A_763 = tpu.memref_slice %arg7[%dma_start3A_754, %dma_start3A_762] : memref<2x80xi32, #tpu.memory_space<vmem>> -> memref<1x80xi32, #tpu.memory_space<vmem>>
      %dma_start3A_764 = tpu.memref_squeeze %dma_start3A_763 : memref<1x80xi32, #tpu.memory_space<vmem>> -> memref<80xi32, #tpu.memory_space<vmem>>
      %dma_start3A_765 = tpu.memref_slice %arg4[%add3A_753] : memref<640000xi32, #tpu.memory_space<hbm>> -> memref<80xi32, #tpu.memory_space<hbm>>
      tpu.enqueue_dma source(%dma_start3A_765 : memref<80xi32, #tpu.memory_space<hbm>>) target(%dma_start3A_764 : memref<80xi32, #tpu.memory_space<vmem>>) target_semaphore(%dma_start3A_761 : memref<!tpu.dma_semaphore, #tpu.memory_space<semaphore_mem>>)
      %dma_start3A_766 = arith.constant 1 : i32
      %dma_start3A_767 = arith.constant 1 : i32
      %dma_start3A_768 = arith.constant 0 : i32
      %dma_start3A_769 = arith.constant 0 : i32
      %dma_start3A_770 = tpu.memref_slice %arg9[%dma_start3A_766, %dma_start3A_768, %dma_start3A_769] : memref<2x80x128xf32, #tpu.memory_space<vmem>> -> memref<1x80x128xf32, #tpu.memory_space<vmem>>
      %dma_start3A_771 = tpu.memref_squeeze %dma_start3A_770 : memref<1x80x128xf32, #tpu.memory_space<vmem>> -> memref<80x128xf32, #tpu.memory_space<vmem>>
      %dma_start3A_772 = arith.constant 0 : i32
      %dma_start3A_773 = tpu.memref_slice %arg3[%mul3A_739, %dma_start3A_772] : memref<320000x128xf32, #tpu.memory_space<hbm>> -> memref<80x128xf32, #tpu.memory_space<hbm>>
      %dma_start3A_774 = tpu.memref_slice %arg14[%dma_start3A_767] : memref<2x!tpu.dma_semaphore, #tpu.memory_space<semaphore_mem>> -> memref<1x!tpu.dma_semaphore, #tpu.memory_space<semaphore_mem>>
      %dma_start3A_775 = tpu.memref_squeeze %dma_start3A_774 : memref<1x!tpu.dma_semaphore, #tpu.memory_space<semaphore_mem>> -> memref<!tpu.dma_semaphore, #tpu.memory_space<semaphore_mem>>
      %dma_start3A_776 = arith.constant 0 : i32
      %dma_start3A_777 = arith.constant 0 : i32
      %dma_start3A_778 = tpu.memref_slice %arg9[%dma_start3A_766, %dma_start3A_776, %dma_start3A_777] : memref<2x80x128xf32, #tpu.memory_space<vmem>> -> memref<1x80x128xf32, #tpu.memory_space<vmem>>
      %dma_start3A_779 = tpu.memref_squeeze %dma_start3A_778 : memref<1x80x128xf32, #tpu.memory_space<vmem>> -> memref<80x128xf32, #tpu.memory_space<vmem>>
      %dma_start3A_780 = arith.constant 0 : i32
      %dma_start3A_781 = tpu.memref_slice %arg3[%mul3A_739, %dma_start3A_780] : memref<320000x128xf32, #tpu.memory_space<hbm>> -> memref<80x128xf32, #tpu.memory_space<hbm>>
      tpu.enqueue_dma source(%dma_start3A_781 : memref<80x128xf32, #tpu.memory_space<hbm>>) target(%dma_start3A_779 : memref<80x128xf32, #tpu.memory_space<vmem>>) target_semaphore(%dma_start3A_775 : memref<!tpu.dma_semaphore, #tpu.memory_space<semaphore_mem>>)
      %dma_wait3A_782 = arith.constant 0 : i32
      %dma_wait3A_783 = arith.constant 0 : i32
      %dma_wait3A_784 = arith.constant 0 : i32
      %dma_wait3A_785 = arith.constant 0 : i32
      %dma_wait3A_786 = arith.constant 0 : i32
      %dma_wait3A_787 = tpu.memref_slice %arg8[%dma_wait3A_783, %dma_wait3A_785, %dma_wait3A_786] : memref<2x80x128xf32, #tpu.memory_space<vmem>> -> memref<1x80x128xf32, #tpu.memory_space<vmem>>
      %dma_wait3A_788 = tpu.memref_squeeze %dma_wait3A_787 : memref<1x80x128xf32, #tpu.memory_space<vmem>> -> memref<80x128xf32, #tpu.memory_space<vmem>>
      %dma_wait3A_789 = arith.constant 0 : i32
      %dma_wait3A_790 = tpu.memref_slice %arg6[%dma_wait3A_782, %dma_wait3A_789] : memref<2x80xi32, #tpu.memory_space<vmem>> -> memref<1x80xi32, #tpu.memory_space<vmem>>
      %dma_wait3A_791 = tpu.memref_squeeze %dma_wait3A_790 : memref<1x80xi32, #tpu.memory_space<vmem>> -> memref<80xi32, #tpu.memory_space<vmem>>
      %dma_wait3A_792 = arith.constant 0 : i32
      %dma_wait3A_793 = arith.constant 0 : i32
      %dma_wait3A_794 = tpu.memref_slice %arg2[%dma_wait3A_792, %dma_wait3A_793] : memref<10000x128xf32, #tpu.memory_space<hbm>> -> memref<10000x128xf32, #tpu.memory_space<hbm>>
      %dma_wait3A_795 = tpu.memref_slice %arg15[%dma_wait3A_784] : memref<2x!tpu.dma_semaphore, #tpu.memory_space<semaphore_mem>> -> memref<1x!tpu.dma_semaphore, #tpu.memory_space<semaphore_mem>>
      %dma_wait3A_796 = tpu.memref_squeeze %dma_wait3A_795 : memref<1x!tpu.dma_semaphore, #tpu.memory_space<semaphore_mem>> -> memref<!tpu.dma_semaphore, #tpu.memory_space<semaphore_mem>>
      tpu.wait_indirect_dma semaphore(%dma_wait3A_796 : memref<!tpu.dma_semaphore, #tpu.memory_space<semaphore_mem>>) src(%dma_wait3A_794 : memref<10000x128xf32, #tpu.memory_space<hbm>>) dst(%dma_wait3A_788 : memref<80x128xf32, #tpu.memory_space<vmem>>)
      %mul3A_797 = arith.constant 32 : i32
      %mul3A_798 = arith.muli %mul3A_797, %add3A_717 : i32
      %add3A_799 = arith.addi %add3A, %mul3A_798 : i32
      %mul3A_800 = arith.constant 80 : i32
      %mul3A_801 = arith.muli %add3A_799, %mul3A_800 : i32
      %dma_wait3A_802 = arith.constant 0 : i32
      %dma_wait3A_803 = arith.constant 0 : i32
      %dma_wait3A_804 = arith.constant 0 : i32
      %dma_wait3A_805 = arith.constant 0 : i32
      %dma_wait3A_806 = tpu.memref_slice %arg9[%dma_wait3A_802, %dma_wait3A_804, %dma_wait3A_805] : memref<2x80x128xf32, #tpu.memory_space<vmem>> -> memref<1x80x128xf32, #tpu.memory_space<vmem>>
      %dma_wait3A_807 = tpu.memref_squeeze %dma_wait3A_806 : memref<1x80x128xf32, #tpu.memory_space<vmem>> -> memref<80x128xf32, #tpu.memory_space<vmem>>
      %dma_wait3A_808 = arith.constant 0 : i32
      %dma_wait3A_809 = tpu.memref_slice %arg3[%mul3A_801, %dma_wait3A_808] : memref<320000x128xf32, #tpu.memory_space<hbm>> -> memref<80x128xf32, #tpu.memory_space<hbm>>
      %dma_wait3A_810 = tpu.memref_slice %arg14[%dma_wait3A_803] : memref<2x!tpu.dma_semaphore, #tpu.memory_space<semaphore_mem>> -> memref<1x!tpu.dma_semaphore, #tpu.memory_space<semaphore_mem>>
      %dma_wait3A_811 = tpu.memref_squeeze %dma_wait3A_810 : memref<1x!tpu.dma_semaphore, #tpu.memory_space<semaphore_mem>> -> memref<!tpu.dma_semaphore, #tpu.memory_space<semaphore_mem>>
      %dma_wait3A_812 = arith.constant 0 : i32
      %dma_wait3A_813 = arith.constant 0 : i32
      %dma_wait3A_814 = tpu.memref_slice %arg9[%dma_wait3A_802, %dma_wait3A_812, %dma_wait3A_813] : memref<2x80x128xf32, #tpu.memory_space<vmem>> -> memref<1x80x128xf32, #tpu.memory_space<vmem>>
      %dma_wait3A_815 = tpu.memref_squeeze %dma_wait3A_814 : memref<1x80x128xf32, #tpu.memory_space<vmem>> -> memref<80x128xf32, #tpu.memory_space<vmem>>
      %dma_wait3A_816 = arith.constant 0 : i32
      %dma_wait3A_817 = tpu.memref_slice %arg3[%mul3A_801, %dma_wait3A_816] : memref<320000x128xf32, #tpu.memory_space<hbm>> -> memref<80x128xf32, #tpu.memory_space<hbm>>
      tpu.wait_dma2 semaphore(%dma_wait3A_811 : memref<!tpu.dma_semaphore, #tpu.memory_space<semaphore_mem>>) src(%dma_wait3A_817 : memref<80x128xf32, #tpu.memory_space<hbm>>) dst(%dma_wait3A_815 : memref<80x128xf32, #tpu.memory_space<vmem>>)
      %parallel_loop3A_818 = arith.constant 0 : i32
      %parallel_loop3A_819 = arith.constant 80 : i32
      %parallel_loop3A_820 = arith.constant 1 : i32
      %parallel_loop3A_821 = arith.constant 0 : i32
      %parallel_loop3A_822 = arith.constant 0 : i32
      scf.for %parallel_loop3A_891 = %parallel_loop3A_818 to %parallel_loop3A_819 step %parallel_loop3A_820  : i32 {
        %parallel_loop3A_892 = arith.constant 0 : i32
        %parallel_loop3A_893 = arith.constant 0 : i32
        %parallel_loop3A_894 = tpu.memref_slice %arg8[%parallel_loop3A_821, %parallel_loop3A_892, %parallel_loop3A_893] : memref<2x80x128xf32, #tpu.memory_space<vmem>> -> memref<1x80x128xf32, #tpu.memory_space<vmem>>
        %parallel_loop3A_895 = tpu.memref_squeeze %parallel_loop3A_894 : memref<1x80x128xf32, #tpu.memory_space<vmem>> -> memref<80x128xf32, #tpu.memory_space<vmem>>
        %parallel_loop3A_896 = arith.index_cast %parallel_loop3A_891 : i32 to index
        %parallel_loop3A_897 = arith.constant 0 : index
        %parallel_loop3A_898 = tpu.vector_load %parallel_loop3A_895[%parallel_loop3A_896, %parallel_loop3A_897] {strides = array<i32>} : memref<80x128xf32, #tpu.memory_space<vmem>>, vector<1x16xf32>,
        %parallel_loop3A_899 = vector.shape_cast %parallel_loop3A_898 : vector<1x16xf32> to vector<16xf32>
        %parallel_loop3A_900 = arith.constant 0 : i32
        %parallel_loop3A_901 = arith.constant 0 : i32
        %parallel_loop3A_902 = tpu.memref_slice %arg9[%parallel_loop3A_822, %parallel_loop3A_900, %parallel_loop3A_901] : memref<2x80x128xf32, #tpu.memory_space<vmem>> -> memref<1x80x128xf32, #tpu.memory_space<vmem>>
        %parallel_loop3A_903 = tpu.memref_squeeze %parallel_loop3A_902 : memref<1x80x128xf32, #tpu.memory_space<vmem>> -> memref<80x128xf32, #tpu.memory_space<vmem>>
        %parallel_loop3A_904 = arith.index_cast %parallel_loop3A_891 : i32 to index
        %parallel_loop3A_905 = arith.constant 0 : index
        %parallel_loop3A_906 = tpu.vector_load %parallel_loop3A_903[%parallel_loop3A_904, %parallel_loop3A_905] {strides = array<i32>} : memref<80x128xf32, #tpu.memory_space<vmem>>, vector<1x16xf32>,
        %parallel_loop3A_907 = vector.shape_cast %parallel_loop3A_906 : vector<1x16xf32> to vector<16xf32>
        %parallel_loop3A_908 = arith.mulf %parallel_loop3A_899, %parallel_loop3A_907 : vector<16xf32>
        %parallel_loop3A_909 = arith.constant 0 : i32
        %parallel_loop3A_910 = arith.constant 0 : i32
        %parallel_loop3A_911 = tpu.memref_slice %arg8[%parallel_loop3A_821, %parallel_loop3A_909, %parallel_loop3A_910] : memref<2x80x128xf32, #tpu.memory_space<vmem>> -> memref<1x80x128xf32, #tpu.memory_space<vmem>>
        %parallel_loop3A_912 = tpu.memref_squeeze %parallel_loop3A_911 : memref<1x80x128xf32, #tpu.memory_space<vmem>> -> memref<80x128xf32, #tpu.memory_space<vmem>>
        %parallel_loop3A_913 = arith.index_cast %parallel_loop3A_891 : i32 to index
        %parallel_loop3A_914 = arith.constant 0 : index
        %parallel_loop3A_915 = tpu.vector_load %parallel_loop3A_912[%parallel_loop3A_913, %parallel_loop3A_914] {strides = array<i32>} : memref<80x128xf32, #tpu.memory_space<vmem>>, vector<1x16xf32>,
        %parallel_loop3A_916 = vector.shape_cast %parallel_loop3A_915 : vector<1x16xf32> to vector<16xf32>
        %parallel_loop3A_917 = vector.shape_cast %parallel_loop3A_908 : vector<16xf32> to vector<1x16xf32>
        tpu.vector_store %parallel_loop3A_912[%parallel_loop3A_913, %parallel_loop3A_914], %parallel_loop3A_917 {strides = array<i32>} : memref<80x128xf32, #tpu.memory_space<vmem>>, vector<1x16xf32>,
        %parallel_loop3A_918 = arith.constant 0 : i32
        %parallel_loop3A_919 = arith.constant 0 : i32
        %parallel_loop3A_920 = tpu.memref_slice %arg8[%parallel_loop3A_821, %parallel_loop3A_918, %parallel_loop3A_919] : memref<2x80x128xf32, #tpu.memory_space<vmem>> -> memref<1x80x128xf32, #tpu.memory_space<vmem>>
        %parallel_loop3A_921 = tpu.memref_squeeze %parallel_loop3A_920 : memref<1x80x128xf32, #tpu.memory_space<vmem>> -> memref<80x128xf32, #tpu.memory_space<vmem>>
        %parallel_loop3A_922 = arith.index_cast %parallel_loop3A_891 : i32 to index
        %parallel_loop3A_923 = arith.constant 16 : index
        %parallel_loop3A_924 = tpu.vector_load %parallel_loop3A_921[%parallel_loop3A_922, %parallel_loop3A_923] {strides = array<i32>} : memref<80x128xf32, #tpu.memory_space<vmem>>, vector<1x16xf32>,
        %parallel_loop3A_925 = vector.shape_cast %parallel_loop3A_924 : vector<1x16xf32> to vector<16xf32>
        %parallel_loop3A_926 = arith.constant 0 : i32
        %parallel_loop3A_927 = arith.constant 0 : i32
        %parallel_loop3A_928 = tpu.memref_slice %arg9[%parallel_loop3A_822, %parallel_loop3A_926, %parallel_loop3A_927] : memref<2x80x128xf32, #tpu.memory_space<vmem>> -> memref<1x80x128xf32, #tpu.memory_space<vmem>>
        %parallel_loop3A_929 = tpu.memref_squeeze %parallel_loop3A_928 : memref<1x80x128xf32, #tpu.memory_space<vmem>> -> memref<80x128xf32, #tpu.memory_space<vmem>>
        %parallel_loop3A_930 = arith.index_cast %parallel_loop3A_891 : i32 to index
        %parallel_loop3A_931 = arith.constant 16 : index
        %parallel_loop3A_932 = tpu.vector_load %parallel_loop3A_929[%parallel_loop3A_930, %parallel_loop3A_931] {strides = array<i32>} : memref<80x128xf32, #tpu.memory_space<vmem>>, vector<1x16xf32>,
        %parallel_loop3A_933 = vector.shape_cast %parallel_loop3A_932 : vector<1x16xf32> to vector<16xf32>
        %parallel_loop3A_934 = arith.mulf %parallel_loop3A_925, %parallel_loop3A_933 : vector<16xf32>
        %parallel_loop3A_935 = arith.constant 0 : i32
        %parallel_loop3A_936 = arith.constant 0 : i32
        %parallel_loop3A_937 = tpu.memref_slice %arg8[%parallel_loop3A_821, %parallel_loop3A_935, %parallel_loop3A_936] : memref<2x80x128xf32, #tpu.memory_space<vmem>> -> memref<1x80x128xf32, #tpu.memory_space<vmem>>
        %parallel_loop3A_938 = tpu.memref_squeeze %parallel_loop3A_937 : memref<1x80x128xf32, #tpu.memory_space<vmem>> -> memref<80x128xf32, #tpu.memory_space<vmem>>
        %parallel_loop3A_939 = arith.index_cast %parallel_loop3A_891 : i32 to index
        %parallel_loop3A_940 = arith.constant 16 : index
        %parallel_loop3A_941 = tpu.vector_load %parallel_loop3A_938[%parallel_loop3A_939, %parallel_loop3A_940] {strides = array<i32>} : memref<80x128xf32, #tpu.memory_space<vmem>>, vector<1x16xf32>,
        %parallel_loop3A_942 = vector.shape_cast %parallel_loop3A_941 : vector<1x16xf32> to vector<16xf32>
        %parallel_loop3A_943 = vector.shape_cast %parallel_loop3A_934 : vector<16xf32> to vector<1x16xf32>
        tpu.vector_store %parallel_loop3A_938[%parallel_loop3A_939, %parallel_loop3A_940], %parallel_loop3A_943 {strides = array<i32>} : memref<80x128xf32, #tpu.memory_space<vmem>>, vector<1x16xf32>,
        %parallel_loop3A_944 = arith.constant 0 : i32
        %parallel_loop3A_945 = arith.constant 0 : i32
        %parallel_loop3A_946 = tpu.memref_slice %arg8[%parallel_loop3A_821, %parallel_loop3A_944, %parallel_loop3A_945] : memref<2x80x128xf32, #tpu.memory_space<vmem>> -> memref<1x80x128xf32, #tpu.memory_space<vmem>>
        %parallel_loop3A_947 = tpu.memref_squeeze %parallel_loop3A_946 : memref<1x80x128xf32, #tpu.memory_space<vmem>> -> memref<80x128xf32, #tpu.memory_space<vmem>>
        %parallel_loop3A_948 = arith.index_cast %parallel_loop3A_891 : i32 to index
        %parallel_loop3A_949 = arith.constant 32 : index
        %parallel_loop3A_950 = tpu.vector_load %parallel_loop3A_947[%parallel_loop3A_948, %parallel_loop3A_949] {strides = array<i32>} : memref<80x128xf32, #tpu.memory_space<vmem>>, vector<1x16xf32>,
        %parallel_loop3A_951 = vector.shape_cast %parallel_loop3A_950 : vector<1x16xf32> to vector<16xf32>
        %parallel_loop3A_952 = arith.constant 0 : i32
        %parallel_loop3A_953 = arith.constant 0 : i32
        %parallel_loop3A_954 = tpu.memref_slice %arg9[%parallel_loop3A_822, %parallel_loop3A_952, %parallel_loop3A_953] : memref<2x80x128xf32, #tpu.memory_space<vmem>> -> memref<1x80x128xf32, #tpu.memory_space<vmem>>
        %parallel_loop3A_955 = tpu.memref_squeeze %parallel_loop3A_954 : memref<1x80x128xf32, #tpu.memory_space<vmem>> -> memref<80x128xf32, #tpu.memory_space<vmem>>
        %parallel_loop3A_956 = arith.index_cast %parallel_loop3A_891 : i32 to index
        %parallel_loop3A_957 = arith.constant 32 : index
        %parallel_loop3A_958 = tpu.vector_load %parallel_loop3A_955[%parallel_loop3A_956, %parallel_loop3A_957] {strides = array<i32>} : memref<80x128xf32, #tpu.memory_space<vmem>>, vector<1x16xf32>,
        %parallel_loop3A_959 = vector.shape_cast %parallel_loop3A_958 : vector<1x16xf32> to vector<16xf32>
        %parallel_loop3A_960 = arith.mulf %parallel_loop3A_951, %parallel_loop3A_959 : vector<16xf32>
        %parallel_loop3A_961 = arith.constant 0 : i32
        %parallel_loop3A_962 = arith.constant 0 : i32
        %parallel_loop3A_963 = tpu.memref_slice %arg8[%parallel_loop3A_821, %parallel_loop3A_961, %parallel_loop3A_962] : memref<2x80x128xf32, #tpu.memory_space<vmem>> -> memref<1x80x128xf32, #tpu.memory_space<vmem>>
        %parallel_loop3A_964 = tpu.memref_squeeze %parallel_loop3A_963 : memref<1x80x128xf32, #tpu.memory_space<vmem>> -> memref<80x128xf32, #tpu.memory_space<vmem>>
        %parallel_loop3A_965 = arith.index_cast %parallel_loop3A_891 : i32 to index
        %parallel_loop3A_966 = arith.constant 32 : index
        %parallel_loop3A_967 = tpu.vector_load %parallel_loop3A_964[%parallel_loop3A_965, %parallel_loop3A_966] {strides = array<i32>} : memref<80x128xf32, #tpu.memory_space<vmem>>, vector<1x16xf32>,
        %parallel_loop3A_968 = vector.shape_cast %parallel_loop3A_967 : vector<1x16xf32> to vector<16xf32>
        %parallel_loop3A_969 = vector.shape_cast %parallel_loop3A_960 : vector<16xf32> to vector<1x16xf32>
        tpu.vector_store %parallel_loop3A_964[%parallel_loop3A_965, %parallel_loop3A_966], %parallel_loop3A_969 {strides = array<i32>} : memref<80x128xf32, #tpu.memory_space<vmem>>, vector<1x16xf32>,
        %parallel_loop3A_970 = arith.constant 0 : i32
        %parallel_loop3A_971 = arith.constant 0 : i32
        %parallel_loop3A_972 = tpu.memref_slice %arg8[%parallel_loop3A_821, %parallel_loop3A_970, %parallel_loop3A_971] : memref<2x80x128xf32, #tpu.memory_space<vmem>> -> memref<1x80x128xf32, #tpu.memory_space<vmem>>
        %parallel_loop3A_973 = tpu.memref_squeeze %parallel_loop3A_972 : memref<1x80x128xf32, #tpu.memory_space<vmem>> -> memref<80x128xf32, #tpu.memory_space<vmem>>
        %parallel_loop3A_974 = arith.index_cast %parallel_loop3A_891 : i32 to index
        %parallel_loop3A_975 = arith.constant 48 : index
        %parallel_loop3A_976 = tpu.vector_load %parallel_loop3A_973[%parallel_loop3A_974, %parallel_loop3A_975] {strides = array<i32>} : memref<80x128xf32, #tpu.memory_space<vmem>>, vector<1x16xf32>,
        %parallel_loop3A_977 = vector.shape_cast %parallel_loop3A_976 : vector<1x16xf32> to vector<16xf32>
        %parallel_loop3A_978 = arith.constant 0 : i32
        %parallel_loop3A_979 = arith.constant 0 : i32
        %parallel_loop3A_980 = tpu.memref_slice %arg9[%parallel_loop3A_822, %parallel_loop3A_978, %parallel_loop3A_979] : memref<2x80x128xf32, #tpu.memory_space<vmem>> -> memref<1x80x128xf32, #tpu.memory_space<vmem>>
        %parallel_loop3A_981 = tpu.memref_squeeze %parallel_loop3A_980 : memref<1x80x128xf32, #tpu.memory_space<vmem>> -> memref<80x128xf32, #tpu.memory_space<vmem>>
        %parallel_loop3A_982 = arith.index_cast %parallel_loop3A_891 : i32 to index
        %parallel_loop3A_983 = arith.constant 48 : index
        %parallel_loop3A_984 = tpu.vector_load %parallel_loop3A_981[%parallel_loop3A_982, %parallel_loop3A_983] {strides = array<i32>} : memref<80x128xf32, #tpu.memory_space<vmem>>, vector<1x16xf32>,
        %parallel_loop3A_985 = vector.shape_cast %parallel_loop3A_984 : vector<1x16xf32> to vector<16xf32>
        %parallel_loop3A_986 = arith.mulf %parallel_loop3A_977, %parallel_loop3A_985 : vector<16xf32>
        %parallel_loop3A_987 = arith.constant 0 : i32
        %parallel_loop3A_988 = arith.constant 0 : i32
        %parallel_loop3A_989 = tpu.memref_slice %arg8[%parallel_loop3A_821, %parallel_loop3A_987, %parallel_loop3A_988] : memref<2x80x128xf32, #tpu.memory_space<vmem>> -> memref<1x80x128xf32, #tpu.memory_space<vmem>>
        %parallel_loop3A_990 = tpu.memref_squeeze %parallel_loop3A_989 : memref<1x80x128xf32, #tpu.memory_space<vmem>> -> memref<80x128xf32, #tpu.memory_space<vmem>>
        %parallel_loop3A_991 = arith.index_cast %parallel_loop3A_891 : i32 to index
        %parallel_loop3A_992 = arith.constant 48 : index
        %parallel_loop3A_993 = tpu.vector_load %parallel_loop3A_990[%parallel_loop3A_991, %parallel_loop3A_992] {strides = array<i32>} : memref<80x128xf32, #tpu.memory_space<vmem>>, vector<1x16xf32>,
        %parallel_loop3A_994 = vector.shape_cast %parallel_loop3A_993 : vector<1x16xf32> to vector<16xf32>
        %parallel_loop3A_995 = vector.shape_cast %parallel_loop3A_986 : vector<16xf32> to vector<1x16xf32>
        tpu.vector_store %parallel_loop3A_990[%parallel_loop3A_991, %parallel_loop3A_992], %parallel_loop3A_995 {strides = array<i32>} : memref<80x128xf32, #tpu.memory_space<vmem>>, vector<1x16xf32>,
        %parallel_loop3A_996 = arith.constant 0 : i32
        %parallel_loop3A_997 = arith.constant 0 : i32
        %parallel_loop3A_998 = tpu.memref_slice %arg8[%parallel_loop3A_821, %parallel_loop3A_996, %parallel_loop3A_997] : memref<2x80x128xf32, #tpu.memory_space<vmem>> -> memref<1x80x128xf32, #tpu.memory_space<vmem>>
        %parallel_loop3A_999 = tpu.memref_squeeze %parallel_loop3A_998 : memref<1x80x128xf32, #tpu.memory_space<vmem>> -> memref<80x128xf32, #tpu.memory_space<vmem>>
        %parallel_loop3A_1000 = arith.index_cast %parallel_loop3A_891 : i32 to index
        %parallel_loop3A_1001 = arith.constant 64 : index
        %parallel_loop3A_1002 = tpu.vector_load %parallel_loop3A_999[%parallel_loop3A_1000, %parallel_loop3A_1001] {strides = array<i32>} : memref<80x128xf32, #tpu.memory_space<vmem>>, vector<1x16xf32>,
        %parallel_loop3A_1003 = vector.shape_cast %parallel_loop3A_1002 : vector<1x16xf32> to vector<16xf32>
        %parallel_loop3A_1004 = arith.constant 0 : i32
        %parallel_loop3A_1005 = arith.constant 0 : i32
        %parallel_loop3A_1006 = tpu.memref_slice %arg9[%parallel_loop3A_822, %parallel_loop3A_1004, %parallel_loop3A_1005] : memref<2x80x128xf32, #tpu.memory_space<vmem>> -> memref<1x80x128xf32, #tpu.memory_space<vmem>>
        %parallel_loop3A_1007 = tpu.memref_squeeze %parallel_loop3A_1006 : memref<1x80x128xf32, #tpu.memory_space<vmem>> -> memref<80x128xf32, #tpu.memory_space<vmem>>
        %parallel_loop3A_1008 = arith.index_cast %parallel_loop3A_891 : i32 to index
        %parallel_loop3A_1009 = arith.constant 64 : index
        %parallel_loop3A_1010 = tpu.vector_load %parallel_loop3A_1007[%parallel_loop3A_1008, %parallel_loop3A_1009] {strides = array<i32>} : memref<80x128xf32, #tpu.memory_space<vmem>>, vector<1x16xf32>,
        %parallel_loop3A_1011 = vector.shape_cast %parallel_loop3A_1010 : vector<1x16xf32> to vector<16xf32>
        %parallel_loop3A_1012 = arith.mulf %parallel_loop3A_1003, %parallel_loop3A_1011 : vector<16xf32>
        %parallel_loop3A_1013 = arith.constant 0 : i32
        %parallel_loop3A_1014 = arith.constant 0 : i32
        %parallel_loop3A_1015 = tpu.memref_slice %arg8[%parallel_loop3A_821, %parallel_loop3A_1013, %parallel_loop3A_1014] : memref<2x80x128xf32, #tpu.memory_space<vmem>> -> memref<1x80x128xf32, #tpu.memory_space<vmem>>
        %parallel_loop3A_1016 = tpu.memref_squeeze %parallel_loop3A_1015 : memref<1x80x128xf32, #tpu.memory_space<vmem>> -> memref<80x128xf32, #tpu.memory_space<vmem>>
        %parallel_loop3A_1017 = arith.index_cast %parallel_loop3A_891 : i32 to index
        %parallel_loop3A_1018 = arith.constant 64 : index
        %parallel_loop3A_1019 = tpu.vector_load %parallel_loop3A_1016[%parallel_loop3A_1017, %parallel_loop3A_1018] {strides = array<i32>} : memref<80x128xf32, #tpu.memory_space<vmem>>, vector<1x16xf32>,
        %parallel_loop3A_1020 = vector.shape_cast %parallel_loop3A_1019 : vector<1x16xf32> to vector<16xf32>
        %parallel_loop3A_1021 = vector.shape_cast %parallel_loop3A_1012 : vector<16xf32> to vector<1x16xf32>
        tpu.vector_store %parallel_loop3A_1016[%parallel_loop3A_1017, %parallel_loop3A_1018], %parallel_loop3A_1021 {strides = array<i32>} : memref<80x128xf32, #tpu.memory_space<vmem>>, vector<1x16xf32>,
        %parallel_loop3A_1022 = arith.constant 0 : i32
        %parallel_loop3A_1023 = arith.constant 0 : i32
        %parallel_loop3A_1024 = tpu.memref_slice %arg8[%parallel_loop3A_821, %parallel_loop3A_1022, %parallel_loop3A_1023] : memref<2x80x128xf32, #tpu.memory_space<vmem>> -> memref<1x80x128xf32, #tpu.memory_space<vmem>>
        %parallel_loop3A_1025 = tpu.memref_squeeze %parallel_loop3A_1024 : memref<1x80x128xf32, #tpu.memory_space<vmem>> -> memref<80x128xf32, #tpu.memory_space<vmem>>
        %parallel_loop3A_1026 = arith.index_cast %parallel_loop3A_891 : i32 to index
        %parallel_loop3A_1027 = arith.constant 80 : index
        %parallel_loop3A_1028 = tpu.vector_load %parallel_loop3A_1025[%parallel_loop3A_1026, %parallel_loop3A_1027] {strides = array<i32>} : memref<80x128xf32, #tpu.memory_space<vmem>>, vector<1x16xf32>,
        %parallel_loop3A_1029 = vector.shape_cast %parallel_loop3A_1028 : vector<1x16xf32> to vector<16xf32>
        %parallel_loop3A_1030 = arith.constant 0 : i32
        %parallel_loop3A_1031 = arith.constant 0 : i32
        %parallel_loop3A_1032 = tpu.memref_slice %arg9[%parallel_loop3A_822, %parallel_loop3A_1030, %parallel_loop3A_1031] : memref<2x80x128xf32, #tpu.memory_space<vmem>> -> memref<1x80x128xf32, #tpu.memory_space<vmem>>
        %parallel_loop3A_1033 = tpu.memref_squeeze %parallel_loop3A_1032 : memref<1x80x128xf32, #tpu.memory_space<vmem>> -> memref<80x128xf32, #tpu.memory_space<vmem>>
        %parallel_loop3A_1034 = arith.index_cast %parallel_loop3A_891 : i32 to index
        %parallel_loop3A_1035 = arith.constant 80 : index
        %parallel_loop3A_1036 = tpu.vector_load %parallel_loop3A_1033[%parallel_loop3A_1034, %parallel_loop3A_1035] {strides = array<i32>} : memref<80x128xf32, #tpu.memory_space<vmem>>, vector<1x16xf32>,
        %parallel_loop3A_1037 = vector.shape_cast %parallel_loop3A_1036 : vector<1x16xf32> to vector<16xf32>
        %parallel_loop3A_1038 = arith.mulf %parallel_loop3A_1029, %parallel_loop3A_1037 : vector<16xf32>
        %parallel_loop3A_1039 = arith.constant 0 : i32
        %parallel_loop3A_1040 = arith.constant 0 : i32
        %parallel_loop3A_1041 = tpu.memref_slice %arg8[%parallel_loop3A_821, %parallel_loop3A_1039, %parallel_loop3A_1040] : memref<2x80x128xf32, #tpu.memory_space<vmem>> -> memref<1x80x128xf32, #tpu.memory_space<vmem>>
        %parallel_loop3A_1042 = tpu.memref_squeeze %parallel_loop3A_1041 : memref<1x80x128xf32, #tpu.memory_space<vmem>> -> memref<80x128xf32, #tpu.memory_space<vmem>>
        %parallel_loop3A_1043 = arith.index_cast %parallel_loop3A_891 : i32 to index
        %parallel_loop3A_1044 = arith.constant 80 : index
        %parallel_loop3A_1045 = tpu.vector_load %parallel_loop3A_1042[%parallel_loop3A_1043, %parallel_loop3A_1044] {strides = array<i32>} : memref<80x128xf32, #tpu.memory_space<vmem>>, vector<1x16xf32>,
        %parallel_loop3A_1046 = vector.shape_cast %parallel_loop3A_1045 : vector<1x16xf32> to vector<16xf32>
        %parallel_loop3A_1047 = vector.shape_cast %parallel_loop3A_1038 : vector<16xf32> to vector<1x16xf32>
        tpu.vector_store %parallel_loop3A_1042[%parallel_loop3A_1043, %parallel_loop3A_1044], %parallel_loop3A_1047 {strides = array<i32>} : memref<80x128xf32, #tpu.memory_space<vmem>>, vector<1x16xf32>,
        %parallel_loop3A_1048 = arith.constant 0 : i32
        %parallel_loop3A_1049 = arith.constant 0 : i32
        %parallel_loop3A_1050 = tpu.memref_slice %arg8[%parallel_loop3A_821, %parallel_loop3A_1048, %parallel_loop3A_1049] : memref<2x80x128xf32, #tpu.memory_space<vmem>> -> memref<1x80x128xf32, #tpu.memory_space<vmem>>
        %parallel_loop3A_1051 = tpu.memref_squeeze %parallel_loop3A_1050 : memref<1x80x128xf32, #tpu.memory_space<vmem>> -> memref<80x128xf32, #tpu.memory_space<vmem>>
        %parallel_loop3A_1052 = arith.index_cast %parallel_loop3A_891 : i32 to index
        %parallel_loop3A_1053 = arith.constant 96 : index
        %parallel_loop3A_1054 = tpu.vector_load %parallel_loop3A_1051[%parallel_loop3A_1052, %parallel_loop3A_1053] {strides = array<i32>} : memref<80x128xf32, #tpu.memory_space<vmem>>, vector<1x16xf32>,
        %parallel_loop3A_1055 = vector.shape_cast %parallel_loop3A_1054 : vector<1x16xf32> to vector<16xf32>
        %parallel_loop3A_1056 = arith.constant 0 : i32
        %parallel_loop3A_1057 = arith.constant 0 : i32
        %parallel_loop3A_1058 = tpu.memref_slice %arg9[%parallel_loop3A_822, %parallel_loop3A_1056, %parallel_loop3A_1057] : memref<2x80x128xf32, #tpu.memory_space<vmem>> -> memref<1x80x128xf32, #tpu.memory_space<vmem>>
        %parallel_loop3A_1059 = tpu.memref_squeeze %parallel_loop3A_1058 : memref<1x80x128xf32, #tpu.memory_space<vmem>> -> memref<80x128xf32, #tpu.memory_space<vmem>>
        %parallel_loop3A_1060 = arith.index_cast %parallel_loop3A_891 : i32 to index
        %parallel_loop3A_1061 = arith.constant 96 : index
        %parallel_loop3A_1062 = tpu.vector_load %parallel_loop3A_1059[%parallel_loop3A_1060, %parallel_loop3A_1061] {strides = array<i32>} : memref<80x128xf32, #tpu.memory_space<vmem>>, vector<1x16xf32>,
        %parallel_loop3A_1063 = vector.shape_cast %parallel_loop3A_1062 : vector<1x16xf32> to vector<16xf32>
        %parallel_loop3A_1064 = arith.mulf %parallel_loop3A_1055, %parallel_loop3A_1063 : vector<16xf32>
        %parallel_loop3A_1065 = arith.constant 0 : i32
        %parallel_loop3A_1066 = arith.constant 0 : i32
        %parallel_loop3A_1067 = tpu.memref_slice %arg8[%parallel_loop3A_821, %parallel_loop3A_1065, %parallel_loop3A_1066] : memref<2x80x128xf32, #tpu.memory_space<vmem>> -> memref<1x80x128xf32, #tpu.memory_space<vmem>>
        %parallel_loop3A_1068 = tpu.memref_squeeze %parallel_loop3A_1067 : memref<1x80x128xf32, #tpu.memory_space<vmem>> -> memref<80x128xf32, #tpu.memory_space<vmem>>
        %parallel_loop3A_1069 = arith.index_cast %parallel_loop3A_891 : i32 to index
        %parallel_loop3A_1070 = arith.constant 96 : index
        %parallel_loop3A_1071 = tpu.vector_load %parallel_loop3A_1068[%parallel_loop3A_1069, %parallel_loop3A_1070] {strides = array<i32>} : memref<80x128xf32, #tpu.memory_space<vmem>>, vector<1x16xf32>,
        %parallel_loop3A_1072 = vector.shape_cast %parallel_loop3A_1071 : vector<1x16xf32> to vector<16xf32>
        %parallel_loop3A_1073 = vector.shape_cast %parallel_loop3A_1064 : vector<16xf32> to vector<1x16xf32>
        tpu.vector_store %parallel_loop3A_1068[%parallel_loop3A_1069, %parallel_loop3A_1070], %parallel_loop3A_1073 {strides = array<i32>} : memref<80x128xf32, #tpu.memory_space<vmem>>, vector<1x16xf32>,
        %parallel_loop3A_1074 = arith.constant 0 : i32
        %parallel_loop3A_1075 = arith.constant 0 : i32
        %parallel_loop3A_1076 = tpu.memref_slice %arg8[%parallel_loop3A_821, %parallel_loop3A_1074, %parallel_loop3A_1075] : memref<2x80x128xf32, #tpu.memory_space<vmem>> -> memref<1x80x128xf32, #tpu.memory_space<vmem>>
        %parallel_loop3A_1077 = tpu.memref_squeeze %parallel_loop3A_1076 : memref<1x80x128xf32, #tpu.memory_space<vmem>> -> memref<80x128xf32, #tpu.memory_space<vmem>>
        %parallel_loop3A_1078 = arith.index_cast %parallel_loop3A_891 : i32 to index
        %parallel_loop3A_1079 = arith.constant 112 : index
        %parallel_loop3A_1080 = tpu.vector_load %parallel_loop3A_1077[%parallel_loop3A_1078, %parallel_loop3A_1079] {strides = array<i32>} : memref<80x128xf32, #tpu.memory_space<vmem>>, vector<1x16xf32>,
        %parallel_loop3A_1081 = vector.shape_cast %parallel_loop3A_1080 : vector<1x16xf32> to vector<16xf32>
        %parallel_loop3A_1082 = arith.constant 0 : i32
        %parallel_loop3A_1083 = arith.constant 0 : i32
        %parallel_loop3A_1084 = tpu.memref_slice %arg9[%parallel_loop3A_822, %parallel_loop3A_1082, %parallel_loop3A_1083] : memref<2x80x128xf32, #tpu.memory_space<vmem>> -> memref<1x80x128xf32, #tpu.memory_space<vmem>>
        %parallel_loop3A_1085 = tpu.memref_squeeze %parallel_loop3A_1084 : memref<1x80x128xf32, #tpu.memory_space<vmem>> -> memref<80x128xf32, #tpu.memory_space<vmem>>
        %parallel_loop3A_1086 = arith.index_cast %parallel_loop3A_891 : i32 to index
        %parallel_loop3A_1087 = arith.constant 112 : index
        %parallel_loop3A_1088 = tpu.vector_load %parallel_loop3A_1085[%parallel_loop3A_1086, %parallel_loop3A_1087] {strides = array<i32>} : memref<80x128xf32, #tpu.memory_space<vmem>>, vector<1x16xf32>,
        %parallel_loop3A_1089 = vector.shape_cast %parallel_loop3A_1088 : vector<1x16xf32> to vector<16xf32>
        %parallel_loop3A_1090 = arith.mulf %parallel_loop3A_1081, %parallel_loop3A_1089 : vector<16xf32>
        %parallel_loop3A_1091 = arith.constant 0 : i32
        %parallel_loop3A_1092 = arith.constant 0 : i32
        %parallel_loop3A_1093 = tpu.memref_slice %arg8[%parallel_loop3A_821, %parallel_loop3A_1091, %parallel_loop3A_1092] : memref<2x80x128xf32, #tpu.memory_space<vmem>> -> memref<1x80x128xf32, #tpu.memory_space<vmem>>
        %parallel_loop3A_1094 = tpu.memref_squeeze %parallel_loop3A_1093 : memref<1x80x128xf32, #tpu.memory_space<vmem>> -> memref<80x128xf32, #tpu.memory_space<vmem>>
        %parallel_loop3A_1095 = arith.index_cast %parallel_loop3A_891 : i32 to index
        %parallel_loop3A_1096 = arith.constant 112 : index
        %parallel_loop3A_1097 = tpu.vector_load %parallel_loop3A_1094[%parallel_loop3A_1095, %parallel_loop3A_1096] {strides = array<i32>} : memref<80x128xf32, #tpu.memory_space<vmem>>, vector<1x16xf32>,
        %parallel_loop3A_1098 = vector.shape_cast %parallel_loop3A_1097 : vector<1x16xf32> to vector<16xf32>
        %parallel_loop3A_1099 = vector.shape_cast %parallel_loop3A_1090 : vector<16xf32> to vector<1x16xf32>
        tpu.vector_store %parallel_loop3A_1094[%parallel_loop3A_1095, %parallel_loop3A_1096], %parallel_loop3A_1099 {strides = array<i32>} : memref<80x128xf32, #tpu.memory_space<vmem>>, vector<1x16xf32>,
      } {sc.loop_unroll_factor = 4 : i64, sc.parallel_access}
      %mul3A_823 = arith.constant 32 : i32
      %mul3A_824 = arith.muli %mul3A_823, %add3A_717 : i32
      %add3A_825 = arith.addi %add3A, %mul3A_824 : i32
      %mul3A_826 = arith.constant 80 : i32
      %mul3A_827 = arith.muli %add3A_825, %mul3A_826 : i32
      %add3A_828 = arith.constant 320000 : i32
      %add3A_829 = arith.addi %add3A_828, %mul3A_827 : i32
      %dma_wait3A_830 = arith.constant 0 : i32
      %dma_wait3A_831 = arith.constant 0 : i32
      %dma_wait3A_832 = arith.constant 0 : i32
      %dma_wait3A_833 = tpu.memref_slice %arg7[%dma_wait3A_830, %dma_wait3A_832] : memref<2x80xi32, #tpu.memory_space<vmem>> -> memref<1x80xi32, #tpu.memory_space<vmem>>
      %dma_wait3A_834 = tpu.memref_squeeze %dma_wait3A_833 : memref<1x80xi32, #tpu.memory_space<vmem>> -> memref<80xi32, #tpu.memory_space<vmem>>
      %dma_wait3A_835 = tpu.memref_slice %arg4[%add3A_829] : memref<640000xi32, #tpu.memory_space<hbm>> -> memref<80xi32, #tpu.memory_space<hbm>>
      %dma_wait3A_836 = tpu.memref_slice %arg13[%dma_wait3A_831] : memref<2x!tpu.dma_semaphore, #tpu.memory_space<semaphore_mem>> -> memref<1x!tpu.dma_semaphore, #tpu.memory_space<semaphore_mem>>
      %dma_wait3A_837 = tpu.memref_squeeze %dma_wait3A_836 : memref<1x!tpu.dma_semaphore, #tpu.memory_space<semaphore_mem>> -> memref<!tpu.dma_semaphore, #tpu.memory_space<semaphore_mem>>
      %dma_wait3A_838 = arith.constant 0 : i32
      %dma_wait3A_839 = tpu.memref_slice %arg7[%dma_wait3A_830, %dma_wait3A_838] : memref<2x80xi32, #tpu.memory_space<vmem>> -> memref<1x80xi32, #tpu.memory_space<vmem>>
      %dma_wait3A_840 = tpu.memref_squeeze %dma_wait3A_839 : memref<1x80xi32, #tpu.memory_space<vmem>> -> memref<80xi32, #tpu.memory_space<vmem>>
      %dma_wait3A_841 = tpu.memref_slice %arg4[%add3A_829] : memref<640000xi32, #tpu.memory_space<hbm>> -> memref<80xi32, #tpu.memory_space<hbm>>
      tpu.wait_dma2 semaphore(%dma_wait3A_837 : memref<!tpu.dma_semaphore, #tpu.memory_space<semaphore_mem>>) src(%dma_wait3A_841 : memref<80xi32, #tpu.memory_space<hbm>>) dst(%dma_wait3A_840 : memref<80xi32, #tpu.memory_space<vmem>>)
      %dma_start3A_842 = arith.constant 0 : i32
      %dma_start3A_843 = arith.constant 0 : i32
      %dma_start3A_844 = arith.constant 0 : i32
      %dma_start3A_845 = arith.constant 0 : i32
      %dma_start3A_846 = arith.constant 0 : i32
      %dma_start3A_847 = tpu.memref_slice %arg8[%dma_start3A_842, %dma_start3A_845, %dma_start3A_846] : memref<2x80x128xf32, #tpu.memory_space<vmem>> -> memref<1x80x128xf32, #tpu.memory_space<vmem>>
      %dma_start3A_848 = tpu.memref_squeeze %dma_start3A_847 : memref<1x80x128xf32, #tpu.memory_space<vmem>> -> memref<80x128xf32, #tpu.memory_space<vmem>>
      %dma_start3A_849 = arith.constant 0 : i32
      %dma_start3A_850 = tpu.memref_slice %arg7[%dma_start3A_843, %dma_start3A_849] : memref<2x80xi32, #tpu.memory_space<vmem>> -> memref<1x80xi32, #tpu.memory_space<vmem>>
      %dma_start3A_851 = tpu.memref_squeeze %dma_start3A_850 : memref<1x80xi32, #tpu.memory_space<vmem>> -> memref<80xi32, #tpu.memory_space<vmem>>
      %dma_start3A_852 = arith.constant 0 : i32
      %dma_start3A_853 = arith.constant 0 : i32
      %dma_start3A_854 = tpu.memref_slice %arg11[%dma_start3A_852, %dma_start3A_853] : memref<10000x128xf32, #tpu.memory_space<vmem_shared>> -> memref<10000x128xf32, #tpu.memory_space<vmem_shared>>
      %dma_start3A_855 = tpu.memref_slice %arg16[%dma_start3A_844] : memref<2x!tpu.dma_semaphore, #tpu.memory_space<semaphore_mem>> -> memref<1x!tpu.dma_semaphore, #tpu.memory_space<semaphore_mem>>
      %dma_start3A_856 = tpu.memref_squeeze %dma_start3A_855 : memref<1x!tpu.dma_semaphore, #tpu.memory_space<semaphore_mem>> -> memref<!tpu.dma_semaphore, #tpu.memory_space<semaphore_mem>>
      tpu.enqueue_indirect_dma source(%dma_start3A_848 : memref<80x128xf32, #tpu.memory_space<vmem>>) target(%dma_start3A_854 : memref<10000x128xf32, #tpu.memory_space<vmem_shared>>) offsets(%dma_start3A_851 : memref<80xi32, #tpu.memory_space<vmem>>) semaphore(%dma_start3A_856 : memref<!tpu.dma_semaphore, #tpu.memory_space<semaphore_mem>>) {add = true}
      %add3A_857 = arith.constant 1 : i32
      %add3A_858 = arith.addi %add3A_717, %add3A_857 : i32
      %mul3A_859 = arith.constant 32 : i32
      %mul3A_860 = arith.muli %mul3A_859, %add3A_858 : i32
      %add3A_861 = arith.addi %add3A, %mul3A_860 : i32
      %mul3A_862 = arith.constant 80 : i32
      %mul3A_863 = arith.muli %add3A_861, %mul3A_862 : i32
      %dma_wait3A_864 = arith.constant 1 : i32
      %dma_wait3A_865 = arith.constant 1 : i32
      %dma_wait3A_866 = arith.constant 0 : i32
      %dma_wait3A_867 = tpu.memref_slice %arg6[%dma_wait3A_864, %dma_wait3A_866] : memref<2x80xi32, #tpu.memory_space<vmem>> -> memref<1x80xi32, #tpu.memory_space<vmem>>
      %dma_wait3A_868 = tpu.memref_squeeze %dma_wait3A_867 : memref<1x80xi32, #tpu.memory_space<vmem>> -> memref<80xi32, #tpu.memory_space<vmem>>
      %dma_wait3A_869 = tpu.memref_slice %arg4[%mul3A_863] : memref<640000xi32, #tpu.memory_space<hbm>> -> memref<80xi32, #tpu.memory_space<hbm>>
      %dma_wait3A_870 = tpu.memref_slice %arg12[%dma_wait3A_865] : memref<2x!tpu.dma_semaphore, #tpu.memory_space<semaphore_mem>> -> memref<1x!tpu.dma_semaphore, #tpu.memory_space<semaphore_mem>>
      %dma_wait3A_871 = tpu.memref_squeeze %dma_wait3A_870 : memref<1x!tpu.dma_semaphore, #tpu.memory_space<semaphore_mem>> -> memref<!tpu.dma_semaphore, #tpu.memory_space<semaphore_mem>>
      %dma_wait3A_872 = arith.constant 0 : i32
      %dma_wait3A_873 = tpu.memref_slice %arg6[%dma_wait3A_864, %dma_wait3A_872] : memref<2x80xi32, #tpu.memory_space<vmem>> -> memref<1x80xi32, #tpu.memory_space<vmem>>
      %dma_wait3A_874 = tpu.memref_squeeze %dma_wait3A_873 : memref<1x80xi32, #tpu.memory_space<vmem>> -> memref<80xi32, #tpu.memory_space<vmem>>
      %dma_wait3A_875 = tpu.memref_slice %arg4[%mul3A_863] : memref<640000xi32, #tpu.memory_space<hbm>> -> memref<80xi32, #tpu.memory_space<hbm>>
      tpu.wait_dma2 semaphore(%dma_wait3A_871 : memref<!tpu.dma_semaphore, #tpu.memory_space<semaphore_mem>>) src(%dma_wait3A_875 : memref<80xi32, #tpu.memory_space<hbm>>) dst(%dma_wait3A_874 : memref<80xi32, #tpu.memory_space<vmem>>)
      %dma_start3A_876 = arith.constant 1 : i32
      %dma_start3A_877 = arith.constant 1 : i32
      %dma_start3A_878 = arith.constant 1 : i32
      %dma_start3A_879 = arith.constant 0 : i32
      %dma_start3A_880 = arith.constant 0 : i32
      %dma_start3A_881 = tpu.memref_slice %arg8[%dma_start3A_877, %dma_start3A_879, %dma_start3A_880] : memref<2x80x128xf32, #tpu.memory_space<vmem>> -> memref<1x80x128xf32, #tpu.memory_space<vmem>>
      %dma_start3A_882 = tpu.memref_squeeze %dma_start3A_881 : memref<1x80x128xf32, #tpu.memory_space<vmem>> -> memref<80x128xf32, #tpu.memory_space<vmem>>
      %dma_start3A_883 = arith.constant 0 : i32
      %dma_start3A_884 = tpu.memref_slice %arg6[%dma_start3A_876, %dma_start3A_883] : memref<2x80xi32, #tpu.memory_space<vmem>> -> memref<1x80xi32, #tpu.memory_space<vmem>>
      %dma_start3A_885 = tpu.memref_squeeze %dma_start3A_884 : memref<1x80xi32, #tpu.memory_space<vmem>> -> memref<80xi32, #tpu.memory_space<vmem>>
      %dma_start3A_886 = arith.constant 0 : i32
      %dma_start3A_887 = arith.constant 0 : i32
      %dma_start3A_888 = tpu.memref_slice %arg2[%dma_start3A_886, %dma_start3A_887] : memref<10000x128xf32, #tpu.memory_space<hbm>> -> memref<10000x128xf32, #tpu.memory_space<hbm>>
      %dma_start3A_889 = tpu.memref_slice %arg15[%dma_start3A_878] : memref<2x!tpu.dma_semaphore, #tpu.memory_space<semaphore_mem>> -> memref<1x!tpu.dma_semaphore, #tpu.memory_space<semaphore_mem>>
      %dma_start3A_890 = tpu.memref_squeeze %dma_start3A_889 : memref<1x!tpu.dma_semaphore, #tpu.memory_space<semaphore_mem>> -> memref<!tpu.dma_semaphore, #tpu.memory_space<semaphore_mem>>
      tpu.enqueue_indirect_dma source(%dma_start3A_888 : memref<10000x128xf32, #tpu.memory_space<hbm>>) target(%dma_start3A_882 : memref<80x128xf32, #tpu.memory_space<vmem>>) offsets(%dma_start3A_885 : memref<80xi32, #tpu.memory_space<vmem>>) semaphore(%dma_start3A_890 : memref<!tpu.dma_semaphore, #tpu.memory_space<semaphore_mem>>)
    }
    %scan3A_259 = arith.constant 61 : i32
    %dma_wait3A_260 = arith.constant 0 : i32
    %dma_wait3A_261 = arith.constant 0 : i32
    %dma_wait3A_262 = arith.constant 0 : i32
    %dma_wait3A_263 = arith.constant 0 : i32
    %dma_wait3A_264 = arith.constant 0 : i32
    %dma_wait3A_265 = tpu.memref_slice %arg8[%dma_wait3A_260, %dma_wait3A_263, %dma_wait3A_264] : memref<2x80x128xf32, #tpu.memory_space<vmem>> -> memref<1x80x128xf32, #tpu.memory_space<vmem>>
    %dma_wait3A_266 = tpu.memref_squeeze %dma_wait3A_265 : memref<1x80x128xf32, #tpu.memory_space<vmem>> -> memref<80x128xf32, #tpu.memory_space<vmem>>
    %dma_wait3A_267 = arith.constant 0 : i32
    %dma_wait3A_268 = tpu.memref_slice %arg7[%dma_wait3A_261, %dma_wait3A_267] : memref<2x80xi32, #tpu.memory_space<vmem>> -> memref<1x80xi32, #tpu.memory_space<vmem>>
    %dma_wait3A_269 = tpu.memref_squeeze %dma_wait3A_268 : memref<1x80xi32, #tpu.memory_space<vmem>> -> memref<80xi32, #tpu.memory_space<vmem>>
    %dma_wait3A_270 = arith.constant 0 : i32
    %dma_wait3A_271 = arith.constant 0 : i32
    %dma_wait3A_272 = tpu.memref_slice %arg11[%dma_wait3A_270, %dma_wait3A_271] : memref<10000x128xf32, #tpu.memory_space<vmem_shared>> -> memref<10000x128xf32, #tpu.memory_space<vmem_shared>>
    %dma_wait3A_273 = tpu.memref_slice %arg16[%dma_wait3A_262] : memref<2x!tpu.dma_semaphore, #tpu.memory_space<semaphore_mem>> -> memref<1x!tpu.dma_semaphore, #tpu.memory_space<semaphore_mem>>
    %dma_wait3A_274 = tpu.memref_squeeze %dma_wait3A_273 : memref<1x!tpu.dma_semaphore, #tpu.memory_space<semaphore_mem>> -> memref<!tpu.dma_semaphore, #tpu.memory_space<semaphore_mem>>
    tpu.wait_indirect_dma semaphore(%dma_wait3A_274 : memref<!tpu.dma_semaphore, #tpu.memory_space<semaphore_mem>>) src(%dma_wait3A_266 : memref<80x128xf32, #tpu.memory_space<vmem>>) dst(%dma_wait3A_272 : memref<10000x128xf32, #tpu.memory_space<vmem_shared>>)
    %add3A_275 = arith.constant 3968 : i32
    %add3A_276 = arith.addi %add3A, %add3A_275 : i32
    %mul3A_277 = arith.constant 80 : i32
    %mul3A_278 = arith.muli %add3A_276, %mul3A_277 : i32
    %dma_start3A_279 = arith.constant 0 : i32
    %dma_start3A_280 = arith.constant 0 : i32
    %dma_start3A_281 = arith.constant 0 : i32
    %dma_start3A_282 = tpu.memref_slice %arg6[%dma_start3A_279, %dma_start3A_281] : memref<2x80xi32, #tpu.memory_space<vmem>> -> memref<1x80xi32, #tpu.memory_space<vmem>>
    %dma_start3A_283 = tpu.memref_squeeze %dma_start3A_282 : memref<1x80xi32, #tpu.memory_space<vmem>> -> memref<80xi32, #tpu.memory_space<vmem>>
    %dma_start3A_284 = tpu.memref_slice %arg4[%mul3A_278] : memref<640000xi32, #tpu.memory_space<hbm>> -> memref<80xi32, #tpu.memory_space<hbm>>
    %dma_start3A_285 = tpu.memref_slice %arg12[%dma_start3A_280] : memref<2x!tpu.dma_semaphore, #tpu.memory_space<semaphore_mem>> -> memref<1x!tpu.dma_semaphore, #tpu.memory_space<semaphore_mem>>
    %dma_start3A_286 = tpu.memref_squeeze %dma_start3A_285 : memref<1x!tpu.dma_semaphore, #tpu.memory_space<semaphore_mem>> -> memref<!tpu.dma_semaphore, #tpu.memory_space<semaphore_mem>>
    %dma_start3A_287 = arith.constant 0 : i32
    %dma_start3A_288 = tpu.memref_slice %arg6[%dma_start3A_279, %dma_start3A_287] : memref<2x80xi32, #tpu.memory_space<vmem>> -> memref<1x80xi32, #tpu.memory_space<vmem>>
    %dma_start3A_289 = tpu.memref_squeeze %dma_start3A_288 : memref<1x80xi32, #tpu.memory_space<vmem>> -> memref<80xi32, #tpu.memory_space<vmem>>
    %dma_start3A_290 = tpu.memref_slice %arg4[%mul3A_278] : memref<640000xi32, #tpu.memory_space<hbm>> -> memref<80xi32, #tpu.memory_space<hbm>>
    tpu.enqueue_dma source(%dma_start3A_290 : memref<80xi32, #tpu.memory_space<hbm>>) target(%dma_start3A_289 : memref<80xi32, #tpu.memory_space<vmem>>) target_semaphore(%dma_start3A_286 : memref<!tpu.dma_semaphore, #tpu.memory_space<semaphore_mem>>)
    %add3A_291 = arith.constant 320000 : i32
    %add3A_292 = arith.addi %add3A_291, %mul3A_278 : i32
    %dma_start3A_293 = arith.constant 0 : i32
    %dma_start3A_294 = arith.constant 0 : i32
    %dma_start3A_295 = arith.constant 0 : i32
    %dma_start3A_296 = tpu.memref_slice %arg7[%dma_start3A_293, %dma_start3A_295] : memref<2x80xi32, #tpu.memory_space<vmem>> -> memref<1x80xi32, #tpu.memory_space<vmem>>
    %dma_start3A_297 = tpu.memref_squeeze %dma_start3A_296 : memref<1x80xi32, #tpu.memory_space<vmem>> -> memref<80xi32, #tpu.memory_space<vmem>>
    %dma_start3A_298 = tpu.memref_slice %arg4[%add3A_292] : memref<640000xi32, #tpu.memory_space<hbm>> -> memref<80xi32, #tpu.memory_space<hbm>>
    %dma_start3A_299 = tpu.memref_slice %arg13[%dma_start3A_294] : memref<2x!tpu.dma_semaphore, #tpu.memory_space<semaphore_mem>> -> memref<1x!tpu.dma_semaphore, #tpu.memory_space<semaphore_mem>>
    %dma_start3A_300 = tpu.memref_squeeze %dma_start3A_299 : memref<1x!tpu.dma_semaphore, #tpu.memory_space<semaphore_mem>> -> memref<!tpu.dma_semaphore, #tpu.memory_space<semaphore_mem>>
    %dma_start3A_301 = arith.constant 0 : i32
    %dma_start3A_302 = tpu.memref_slice %arg7[%dma_start3A_293, %dma_start3A_301] : memref<2x80xi32, #tpu.memory_space<vmem>> -> memref<1x80xi32, #tpu.memory_space<vmem>>
    %dma_start3A_303 = tpu.memref_squeeze %dma_start3A_302 : memref<1x80xi32, #tpu.memory_space<vmem>> -> memref<80xi32, #tpu.memory_space<vmem>>
    %dma_start3A_304 = tpu.memref_slice %arg4[%add3A_292] : memref<640000xi32, #tpu.memory_space<hbm>> -> memref<80xi32, #tpu.memory_space<hbm>>
    tpu.enqueue_dma source(%dma_start3A_304 : memref<80xi32, #tpu.memory_space<hbm>>) target(%dma_start3A_303 : memref<80xi32, #tpu.memory_space<vmem>>) target_semaphore(%dma_start3A_300 : memref<!tpu.dma_semaphore, #tpu.memory_space<semaphore_mem>>)
    %dma_start3A_305 = arith.constant 0 : i32
    %dma_start3A_306 = arith.constant 0 : i32
    %dma_start3A_307 = arith.constant 0 : i32
    %dma_start3A_308 = arith.constant 0 : i32
    %dma_start3A_309 = tpu.memref_slice %arg9[%dma_start3A_305, %dma_start3A_307, %dma_start3A_308] : memref<2x80x128xf32, #tpu.memory_space<vmem>> -> memref<1x80x128xf32, #tpu.memory_space<vmem>>
    %dma_start3A_310 = tpu.memref_squeeze %dma_start3A_309 : memref<1x80x128xf32, #tpu.memory_space<vmem>> -> memref<80x128xf32, #tpu.memory_space<vmem>>
    %dma_start3A_311 = arith.constant 0 : i32
    %dma_start3A_312 = tpu.memref_slice %arg3[%mul3A_278, %dma_start3A_311] : memref<320000x128xf32, #tpu.memory_space<hbm>> -> memref<80x128xf32, #tpu.memory_space<hbm>>
    %dma_start3A_313 = tpu.memref_slice %arg14[%dma_start3A_306] : memref<2x!tpu.dma_semaphore, #tpu.memory_space<semaphore_mem>> -> memref<1x!tpu.dma_semaphore, #tpu.memory_space<semaphore_mem>>
    %dma_start3A_314 = tpu.memref_squeeze %dma_start3A_313 : memref<1x!tpu.dma_semaphore, #tpu.memory_space<semaphore_mem>> -> memref<!tpu.dma_semaphore, #tpu.memory_space<semaphore_mem>>
    %dma_start3A_315 = arith.constant 0 : i32
    %dma_start3A_316 = arith.constant 0 : i32
    %dma_start3A_317 = tpu.memref_slice %arg9[%dma_start3A_305, %dma_start3A_315, %dma_start3A_316] : memref<2x80x128xf32, #tpu.memory_space<vmem>> -> memref<1x80x128xf32, #tpu.memory_space<vmem>>
    %dma_start3A_318 = tpu.memref_squeeze %dma_start3A_317 : memref<1x80x128xf32, #tpu.memory_space<vmem>> -> memref<80x128xf32, #tpu.memory_space<vmem>>
    %dma_start3A_319 = arith.constant 0 : i32
    %dma_start3A_320 = tpu.memref_slice %arg3[%mul3A_278, %dma_start3A_319] : memref<320000x128xf32, #tpu.memory_space<hbm>> -> memref<80x128xf32, #tpu.memory_space<hbm>>
    tpu.enqueue_dma source(%dma_start3A_320 : memref<80x128xf32, #tpu.memory_space<hbm>>) target(%dma_start3A_318 : memref<80x128xf32, #tpu.memory_space<vmem>>) target_semaphore(%dma_start3A_314 : memref<!tpu.dma_semaphore, #tpu.memory_space<semaphore_mem>>)
    %dma_wait3A_321 = arith.constant 1 : i32
    %dma_wait3A_322 = arith.constant 1 : i32
    %dma_wait3A_323 = arith.constant 1 : i32
    %dma_wait3A_324 = arith.constant 0 : i32
    %dma_wait3A_325 = arith.constant 0 : i32
    %dma_wait3A_326 = tpu.memref_slice %arg8[%dma_wait3A_322, %dma_wait3A_324, %dma_wait3A_325] : memref<2x80x128xf32, #tpu.memory_space<vmem>> -> memref<1x80x128xf32, #tpu.memory_space<vmem>>
    %dma_wait3A_327 = tpu.memref_squeeze %dma_wait3A_326 : memref<1x80x128xf32, #tpu.memory_space<vmem>> -> memref<80x128xf32, #tpu.memory_space<vmem>>
    %dma_wait3A_328 = arith.constant 0 : i32
    %dma_wait3A_329 = tpu.memref_slice %arg6[%dma_wait3A_321, %dma_wait3A_328] : memref<2x80xi32, #tpu.memory_space<vmem>> -> memref<1x80xi32, #tpu.memory_space<vmem>>
    %dma_wait3A_330 = tpu.memref_squeeze %dma_wait3A_329 : memref<1x80xi32, #tpu.memory_space<vmem>> -> memref<80xi32, #tpu.memory_space<vmem>>
    %dma_wait3A_331 = arith.constant 0 : i32
    %dma_wait3A_332 = arith.constant 0 : i32
    %dma_wait3A_333 = tpu.memref_slice %arg2[%dma_wait3A_331, %dma_wait3A_332] : memref<10000x128xf32, #tpu.memory_space<hbm>> -> memref<10000x128xf32, #tpu.memory_space<hbm>>
    %dma_wait3A_334 = tpu.memref_slice %arg15[%dma_wait3A_323] : memref<2x!tpu.dma_semaphore, #tpu.memory_space<semaphore_mem>> -> memref<1x!tpu.dma_semaphore, #tpu.memory_space<semaphore_mem>>
    %dma_wait3A_335 = tpu.memref_squeeze %dma_wait3A_334 : memref<1x!tpu.dma_semaphore, #tpu.memory_space<semaphore_mem>> -> memref<!tpu.dma_semaphore, #tpu.memory_space<semaphore_mem>>
    tpu.wait_indirect_dma semaphore(%dma_wait3A_335 : memref<!tpu.dma_semaphore, #tpu.memory_space<semaphore_mem>>) src(%dma_wait3A_333 : memref<10000x128xf32, #tpu.memory_space<hbm>>) dst(%dma_wait3A_327 : memref<80x128xf32, #tpu.memory_space<vmem>>)
    %add3A_336 = arith.constant 3936 : i32
    %add3A_337 = arith.addi %add3A, %add3A_336 : i32
    %mul3A_338 = arith.constant 80 : i32
    %mul3A_339 = arith.muli %add3A_337, %mul3A_338 : i32
    %dma_wait3A_340 = arith.constant 1 : i32
    %dma_wait3A_341 = arith.constant 1 : i32
    %dma_wait3A_342 = arith.constant 0 : i32
    %dma_wait3A_343 = arith.constant 0 : i32
    %dma_wait3A_344 = tpu.memref_slice %arg9[%dma_wait3A_340, %dma_wait3A_342, %dma_wait3A_343] : memref<2x80x128xf32, #tpu.memory_space<vmem>> -> memref<1x80x128xf32, #tpu.memory_space<vmem>>
    %dma_wait3A_345 = tpu.memref_squeeze %dma_wait3A_344 : memref<1x80x128xf32, #tpu.memory_space<vmem>> -> memref<80x128xf32, #tpu.memory_space<vmem>>
    %dma_wait3A_346 = arith.constant 0 : i32
    %dma_wait3A_347 = tpu.memref_slice %arg3[%mul3A_339, %dma_wait3A_346] : memref<320000x128xf32, #tpu.memory_space<hbm>> -> memref<80x128xf32, #tpu.memory_space<hbm>>
    %dma_wait3A_348 = tpu.memref_slice %arg14[%dma_wait3A_341] : memref<2x!tpu.dma_semaphore, #tpu.memory_space<semaphore_mem>> -> memref<1x!tpu.dma_semaphore, #tpu.memory_space<semaphore_mem>>
    %dma_wait3A_349 = tpu.memref_squeeze %dma_wait3A_348 : memref<1x!tpu.dma_semaphore, #tpu.memory_space<semaphore_mem>> -> memref<!tpu.dma_semaphore, #tpu.memory_space<semaphore_mem>>
    %dma_wait3A_350 = arith.constant 0 : i32
    %dma_wait3A_351 = arith.constant 0 : i32
    %dma_wait3A_352 = tpu.memref_slice %arg9[%dma_wait3A_340, %dma_wait3A_350, %dma_wait3A_351] : memref<2x80x128xf32, #tpu.memory_space<vmem>> -> memref<1x80x128xf32, #tpu.memory_space<vmem>>
    %dma_wait3A_353 = tpu.memref_squeeze %dma_wait3A_352 : memref<1x80x128xf32, #tpu.memory_space<vmem>> -> memref<80x128xf32, #tpu.memory_space<vmem>>
    %dma_wait3A_354 = arith.constant 0 : i32
    %dma_wait3A_355 = tpu.memref_slice %arg3[%mul3A_339, %dma_wait3A_354] : memref<320000x128xf32, #tpu.memory_space<hbm>> -> memref<80x128xf32, #tpu.memory_space<hbm>>
    tpu.wait_dma2 semaphore(%dma_wait3A_349 : memref<!tpu.dma_semaphore, #tpu.memory_space<semaphore_mem>>) src(%dma_wait3A_355 : memref<80x128xf32, #tpu.memory_space<hbm>>) dst(%dma_wait3A_353 : memref<80x128xf32, #tpu.memory_space<vmem>>)
    %parallel_loop3A_356 = arith.constant 0 : i32
    %parallel_loop3A_357 = arith.constant 80 : i32
    %parallel_loop3A_358 = arith.constant 1 : i32
    %parallel_loop3A_359 = arith.constant 1 : i32
    %parallel_loop3A_360 = arith.constant 1 : i32
    scf.for %parallel_loop3A_536 = %parallel_loop3A_356 to %parallel_loop3A_357 step %parallel_loop3A_358  : i32 {
      %parallel_loop3A_537 = arith.constant 0 : i32
      %parallel_loop3A_538 = arith.constant 0 : i32
      %parallel_loop3A_539 = tpu.memref_slice %arg8[%parallel_loop3A_359, %parallel_loop3A_537, %parallel_loop3A_538] : memref<2x80x128xf32, #tpu.memory_space<vmem>> -> memref<1x80x128xf32, #tpu.memory_space<vmem>>
      %parallel_loop3A_540 = tpu.memref_squeeze %parallel_loop3A_539 : memref<1x80x128xf32, #tpu.memory_space<vmem>> -> memref<80x128xf32, #tpu.memory_space<vmem>>
      %parallel_loop3A_541 = arith.index_cast %parallel_loop3A_536 : i32 to index
      %parallel_loop3A_542 = arith.constant 0 : index
      %parallel_loop3A_543 = tpu.vector_load %parallel_loop3A_540[%parallel_loop3A_541, %parallel_loop3A_542] {strides = array<i32>} : memref<80x128xf32, #tpu.memory_space<vmem>>, vector<1x16xf32>,
      %parallel_loop3A_544 = vector.shape_cast %parallel_loop3A_543 : vector<1x16xf32> to vector<16xf32>
      %parallel_loop3A_545 = arith.constant 0 : i32
      %parallel_loop3A_546 = arith.constant 0 : i32
      %parallel_loop3A_547 = tpu.memref_slice %arg9[%parallel_loop3A_360, %parallel_loop3A_545, %parallel_loop3A_546] : memref<2x80x128xf32, #tpu.memory_space<vmem>> -> memref<1x80x128xf32, #tpu.memory_space<vmem>>
      %parallel_loop3A_548 = tpu.memref_squeeze %parallel_loop3A_547 : memref<1x80x128xf32, #tpu.memory_space<vmem>> -> memref<80x128xf32, #tpu.memory_space<vmem>>
      %parallel_loop3A_549 = arith.index_cast %parallel_loop3A_536 : i32 to index
      %parallel_loop3A_550 = arith.constant 0 : index
      %parallel_loop3A_551 = tpu.vector_load %parallel_loop3A_548[%parallel_loop3A_549, %parallel_loop3A_550] {strides = array<i32>} : memref<80x128xf32, #tpu.memory_space<vmem>>, vector<1x16xf32>,
      %parallel_loop3A_552 = vector.shape_cast %parallel_loop3A_551 : vector<1x16xf32> to vector<16xf32>
      %parallel_loop3A_553 = arith.mulf %parallel_loop3A_544, %parallel_loop3A_552 : vector<16xf32>
      %parallel_loop3A_554 = arith.constant 0 : i32
      %parallel_loop3A_555 = arith.constant 0 : i32
      %parallel_loop3A_556 = tpu.memref_slice %arg8[%parallel_loop3A_359, %parallel_loop3A_554, %parallel_loop3A_555] : memref<2x80x128xf32, #tpu.memory_space<vmem>> -> memref<1x80x128xf32, #tpu.memory_space<vmem>>
      %parallel_loop3A_557 = tpu.memref_squeeze %parallel_loop3A_556 : memref<1x80x128xf32, #tpu.memory_space<vmem>> -> memref<80x128xf32, #tpu.memory_space<vmem>>
      %parallel_loop3A_558 = arith.index_cast %parallel_loop3A_536 : i32 to index
      %parallel_loop3A_559 = arith.constant 0 : index
      %parallel_loop3A_560 = tpu.vector_load %parallel_loop3A_557[%parallel_loop3A_558, %parallel_loop3A_559] {strides = array<i32>} : memref<80x128xf32, #tpu.memory_space<vmem>>, vector<1x16xf32>,
      %parallel_loop3A_561 = vector.shape_cast %parallel_loop3A_560 : vector<1x16xf32> to vector<16xf32>
      %parallel_loop3A_562 = vector.shape_cast %parallel_loop3A_553 : vector<16xf32> to vector<1x16xf32>
      tpu.vector_store %parallel_loop3A_557[%parallel_loop3A_558, %parallel_loop3A_559], %parallel_loop3A_562 {strides = array<i32>} : memref<80x128xf32, #tpu.memory_space<vmem>>, vector<1x16xf32>,
      %parallel_loop3A_563 = arith.constant 0 : i32
      %parallel_loop3A_564 = arith.constant 0 : i32
      %parallel_loop3A_565 = tpu.memref_slice %arg8[%parallel_loop3A_359, %parallel_loop3A_563, %parallel_loop3A_564] : memref<2x80x128xf32, #tpu.memory_space<vmem>> -> memref<1x80x128xf32, #tpu.memory_space<vmem>>
      %parallel_loop3A_566 = tpu.memref_squeeze %parallel_loop3A_565 : memref<1x80x128xf32, #tpu.memory_space<vmem>> -> memref<80x128xf32, #tpu.memory_space<vmem>>
      %parallel_loop3A_567 = arith.index_cast %parallel_loop3A_536 : i32 to index
      %parallel_loop3A_568 = arith.constant 16 : index
      %parallel_loop3A_569 = tpu.vector_load %parallel_loop3A_566[%parallel_loop3A_567, %parallel_loop3A_568] {strides = array<i32>} : memref<80x128xf32, #tpu.memory_space<vmem>>, vector<1x16xf32>,
      %parallel_loop3A_570 = vector.shape_cast %parallel_loop3A_569 : vector<1x16xf32> to vector<16xf32>
      %parallel_loop3A_571 = arith.constant 0 : i32
      %parallel_loop3A_572 = arith.constant 0 : i32
      %parallel_loop3A_573 = tpu.memref_slice %arg9[%parallel_loop3A_360, %parallel_loop3A_571, %parallel_loop3A_572] : memref<2x80x128xf32, #tpu.memory_space<vmem>> -> memref<1x80x128xf32, #tpu.memory_space<vmem>>
      %parallel_loop3A_574 = tpu.memref_squeeze %parallel_loop3A_573 : memref<1x80x128xf32, #tpu.memory_space<vmem>> -> memref<80x128xf32, #tpu.memory_space<vmem>>
      %parallel_loop3A_575 = arith.index_cast %parallel_loop3A_536 : i32 to index
      %parallel_loop3A_576 = arith.constant 16 : index
      %parallel_loop3A_577 = tpu.vector_load %parallel_loop3A_574[%parallel_loop3A_575, %parallel_loop3A_576] {strides = array<i32>} : memref<80x128xf32, #tpu.memory_space<vmem>>, vector<1x16xf32>,
      %parallel_loop3A_578 = vector.shape_cast %parallel_loop3A_577 : vector<1x16xf32> to vector<16xf32>
      %parallel_loop3A_579 = arith.mulf %parallel_loop3A_570, %parallel_loop3A_578 : vector<16xf32>
      %parallel_loop3A_580 = arith.constant 0 : i32
      %parallel_loop3A_581 = arith.constant 0 : i32
      %parallel_loop3A_582 = tpu.memref_slice %arg8[%parallel_loop3A_359, %parallel_loop3A_580, %parallel_loop3A_581] : memref<2x80x128xf32, #tpu.memory_space<vmem>> -> memref<1x80x128xf32, #tpu.memory_space<vmem>>
      %parallel_loop3A_583 = tpu.memref_squeeze %parallel_loop3A_582 : memref<1x80x128xf32, #tpu.memory_space<vmem>> -> memref<80x128xf32, #tpu.memory_space<vmem>>
      %parallel_loop3A_584 = arith.index_cast %parallel_loop3A_536 : i32 to index
      %parallel_loop3A_585 = arith.constant 16 : index
      %parallel_loop3A_586 = tpu.vector_load %parallel_loop3A_583[%parallel_loop3A_584, %parallel_loop3A_585] {strides = array<i32>} : memref<80x128xf32, #tpu.memory_space<vmem>>, vector<1x16xf32>,
      %parallel_loop3A_587 = vector.shape_cast %parallel_loop3A_586 : vector<1x16xf32> to vector<16xf32>
      %parallel_loop3A_588 = vector.shape_cast %parallel_loop3A_579 : vector<16xf32> to vector<1x16xf32>
      tpu.vector_store %parallel_loop3A_583[%parallel_loop3A_584, %parallel_loop3A_585], %parallel_loop3A_588 {strides = array<i32>} : memref<80x128xf32, #tpu.memory_space<vmem>>, vector<1x16xf32>,
      %parallel_loop3A_589 = arith.constant 0 : i32
      %parallel_loop3A_590 = arith.constant 0 : i32
      %parallel_loop3A_591 = tpu.memref_slice %arg8[%parallel_loop3A_359, %parallel_loop3A_589, %parallel_loop3A_590] : memref<2x80x128xf32, #tpu.memory_space<vmem>> -> memref<1x80x128xf32, #tpu.memory_space<vmem>>
      %parallel_loop3A_592 = tpu.memref_squeeze %parallel_loop3A_591 : memref<1x80x128xf32, #tpu.memory_space<vmem>> -> memref<80x128xf32, #tpu.memory_space<vmem>>
      %parallel_loop3A_593 = arith.index_cast %parallel_loop3A_536 : i32 to index
      %parallel_loop3A_594 = arith.constant 32 : index
      %parallel_loop3A_595 = tpu.vector_load %parallel_loop3A_592[%parallel_loop3A_593, %parallel_loop3A_594] {strides = array<i32>} : memref<80x128xf32, #tpu.memory_space<vmem>>, vector<1x16xf32>,
      %parallel_loop3A_596 = vector.shape_cast %parallel_loop3A_595 : vector<1x16xf32> to vector<16xf32>
      %parallel_loop3A_597 = arith.constant 0 : i32
      %parallel_loop3A_598 = arith.constant 0 : i32
      %parallel_loop3A_599 = tpu.memref_slice %arg9[%parallel_loop3A_360, %parallel_loop3A_597, %parallel_loop3A_598] : memref<2x80x128xf32, #tpu.memory_space<vmem>> -> memref<1x80x128xf32, #tpu.memory_space<vmem>>
      %parallel_loop3A_600 = tpu.memref_squeeze %parallel_loop3A_599 : memref<1x80x128xf32, #tpu.memory_space<vmem>> -> memref<80x128xf32, #tpu.memory_space<vmem>>
      %parallel_loop3A_601 = arith.index_cast %parallel_loop3A_536 : i32 to index
      %parallel_loop3A_602 = arith.constant 32 : index
      %parallel_loop3A_603 = tpu.vector_load %parallel_loop3A_600[%parallel_loop3A_601, %parallel_loop3A_602] {strides = array<i32>} : memref<80x128xf32, #tpu.memory_space<vmem>>, vector<1x16xf32>,
      %parallel_loop3A_604 = vector.shape_cast %parallel_loop3A_603 : vector<1x16xf32> to vector<16xf32>
      %parallel_loop3A_605 = arith.mulf %parallel_loop3A_596, %parallel_loop3A_604 : vector<16xf32>
      %parallel_loop3A_606 = arith.constant 0 : i32
      %parallel_loop3A_607 = arith.constant 0 : i32
      %parallel_loop3A_608 = tpu.memref_slice %arg8[%parallel_loop3A_359, %parallel_loop3A_606, %parallel_loop3A_607] : memref<2x80x128xf32, #tpu.memory_space<vmem>> -> memref<1x80x128xf32, #tpu.memory_space<vmem>>
      %parallel_loop3A_609 = tpu.memref_squeeze %parallel_loop3A_608 : memref<1x80x128xf32, #tpu.memory_space<vmem>> -> memref<80x128xf32, #tpu.memory_space<vmem>>
      %parallel_loop3A_610 = arith.index_cast %parallel_loop3A_536 : i32 to index
      %parallel_loop3A_611 = arith.constant 32 : index
      %parallel_loop3A_612 = tpu.vector_load %parallel_loop3A_609[%parallel_loop3A_610, %parallel_loop3A_611] {strides = array<i32>} : memref<80x128xf32, #tpu.memory_space<vmem>>, vector<1x16xf32>,
      %parallel_loop3A_613 = vector.shape_cast %parallel_loop3A_612 : vector<1x16xf32> to vector<16xf32>
      %parallel_loop3A_614 = vector.shape_cast %parallel_loop3A_605 : vector<16xf32> to vector<1x16xf32>
      tpu.vector_store %parallel_loop3A_609[%parallel_loop3A_610, %parallel_loop3A_611], %parallel_loop3A_614 {strides = array<i32>} : memref<80x128xf32, #tpu.memory_space<vmem>>, vector<1x16xf32>,
      %parallel_loop3A_615 = arith.constant 0 : i32
      %parallel_loop3A_616 = arith.constant 0 : i32
      %parallel_loop3A_617 = tpu.memref_slice %arg8[%parallel_loop3A_359, %parallel_loop3A_615, %parallel_loop3A_616] : memref<2x80x128xf32, #tpu.memory_space<vmem>> -> memref<1x80x128xf32, #tpu.memory_space<vmem>>
      %parallel_loop3A_618 = tpu.memref_squeeze %parallel_loop3A_617 : memref<1x80x128xf32, #tpu.memory_space<vmem>> -> memref<80x128xf32, #tpu.memory_space<vmem>>
      %parallel_loop3A_619 = arith.index_cast %parallel_loop3A_536 : i32 to index
      %parallel_loop3A_620 = arith.constant 48 : index
      %parallel_loop3A_621 = tpu.vector_load %parallel_loop3A_618[%parallel_loop3A_619, %parallel_loop3A_620] {strides = array<i32>} : memref<80x128xf32, #tpu.memory_space<vmem>>, vector<1x16xf32>,
      %parallel_loop3A_622 = vector.shape_cast %parallel_loop3A_621 : vector<1x16xf32> to vector<16xf32>
      %parallel_loop3A_623 = arith.constant 0 : i32
      %parallel_loop3A_624 = arith.constant 0 : i32
      %parallel_loop3A_625 = tpu.memref_slice %arg9[%parallel_loop3A_360, %parallel_loop3A_623, %parallel_loop3A_624] : memref<2x80x128xf32, #tpu.memory_space<vmem>> -> memref<1x80x128xf32, #tpu.memory_space<vmem>>
      %parallel_loop3A_626 = tpu.memref_squeeze %parallel_loop3A_625 : memref<1x80x128xf32, #tpu.memory_space<vmem>> -> memref<80x128xf32, #tpu.memory_space<vmem>>
      %parallel_loop3A_627 = arith.index_cast %parallel_loop3A_536 : i32 to index
      %parallel_loop3A_628 = arith.constant 48 : index
      %parallel_loop3A_629 = tpu.vector_load %parallel_loop3A_626[%parallel_loop3A_627, %parallel_loop3A_628] {strides = array<i32>} : memref<80x128xf32, #tpu.memory_space<vmem>>, vector<1x16xf32>,
      %parallel_loop3A_630 = vector.shape_cast %parallel_loop3A_629 : vector<1x16xf32> to vector<16xf32>
      %parallel_loop3A_631 = arith.mulf %parallel_loop3A_622, %parallel_loop3A_630 : vector<16xf32>
      %parallel_loop3A_632 = arith.constant 0 : i32
      %parallel_loop3A_633 = arith.constant 0 : i32
      %parallel_loop3A_634 = tpu.memref_slice %arg8[%parallel_loop3A_359, %parallel_loop3A_632, %parallel_loop3A_633] : memref<2x80x128xf32, #tpu.memory_space<vmem>> -> memref<1x80x128xf32, #tpu.memory_space<vmem>>
      %parallel_loop3A_635 = tpu.memref_squeeze %parallel_loop3A_634 : memref<1x80x128xf32, #tpu.memory_space<vmem>> -> memref<80x128xf32, #tpu.memory_space<vmem>>
      %parallel_loop3A_636 = arith.index_cast %parallel_loop3A_536 : i32 to index
      %parallel_loop3A_637 = arith.constant 48 : index
      %parallel_loop3A_638 = tpu.vector_load %parallel_loop3A_635[%parallel_loop3A_636, %parallel_loop3A_637] {strides = array<i32>} : memref<80x128xf32, #tpu.memory_space<vmem>>, vector<1x16xf32>,
      %parallel_loop3A_639 = vector.shape_cast %parallel_loop3A_638 : vector<1x16xf32> to vector<16xf32>
      %parallel_loop3A_640 = vector.shape_cast %parallel_loop3A_631 : vector<16xf32> to vector<1x16xf32>
      tpu.vector_store %parallel_loop3A_635[%parallel_loop3A_636, %parallel_loop3A_637], %parallel_loop3A_640 {strides = array<i32>} : memref<80x128xf32, #tpu.memory_space<vmem>>, vector<1x16xf32>,
      %parallel_loop3A_641 = arith.constant 0 : i32
      %parallel_loop3A_642 = arith.constant 0 : i32
      %parallel_loop3A_643 = tpu.memref_slice %arg8[%parallel_loop3A_359, %parallel_loop3A_641, %parallel_loop3A_642] : memref<2x80x128xf32, #tpu.memory_space<vmem>> -> memref<1x80x128xf32, #tpu.memory_space<vmem>>
      %parallel_loop3A_644 = tpu.memref_squeeze %parallel_loop3A_643 : memref<1x80x128xf32, #tpu.memory_space<vmem>> -> memref<80x128xf32, #tpu.memory_space<vmem>>
      %parallel_loop3A_645 = arith.index_cast %parallel_loop3A_536 : i32 to index
      %parallel_loop3A_646 = arith.constant 64 : index
      %parallel_loop3A_647 = tpu.vector_load %parallel_loop3A_644[%parallel_loop3A_645, %parallel_loop3A_646] {strides = array<i32>} : memref<80x128xf32, #tpu.memory_space<vmem>>, vector<1x16xf32>,
      %parallel_loop3A_648 = vector.shape_cast %parallel_loop3A_647 : vector<1x16xf32> to vector<16xf32>
      %parallel_loop3A_649 = arith.constant 0 : i32
      %parallel_loop3A_650 = arith.constant 0 : i32
      %parallel_loop3A_651 = tpu.memref_slice %arg9[%parallel_loop3A_360, %parallel_loop3A_649, %parallel_loop3A_650] : memref<2x80x128xf32, #tpu.memory_space<vmem>> -> memref<1x80x128xf32, #tpu.memory_space<vmem>>
      %parallel_loop3A_652 = tpu.memref_squeeze %parallel_loop3A_651 : memref<1x80x128xf32, #tpu.memory_space<vmem>> -> memref<80x128xf32, #tpu.memory_space<vmem>>
      %parallel_loop3A_653 = arith.index_cast %parallel_loop3A_536 : i32 to index
      %parallel_loop3A_654 = arith.constant 64 : index
      %parallel_loop3A_655 = tpu.vector_load %parallel_loop3A_652[%parallel_loop3A_653, %parallel_loop3A_654] {strides = array<i32>} : memref<80x128xf32, #tpu.memory_space<vmem>>, vector<1x16xf32>,
      %parallel_loop3A_656 = vector.shape_cast %parallel_loop3A_655 : vector<1x16xf32> to vector<16xf32>
      %parallel_loop3A_657 = arith.mulf %parallel_loop3A_648, %parallel_loop3A_656 : vector<16xf32>
      %parallel_loop3A_658 = arith.constant 0 : i32
      %parallel_loop3A_659 = arith.constant 0 : i32
      %parallel_loop3A_660 = tpu.memref_slice %arg8[%parallel_loop3A_359, %parallel_loop3A_658, %parallel_loop3A_659] : memref<2x80x128xf32, #tpu.memory_space<vmem>> -> memref<1x80x128xf32, #tpu.memory_space<vmem>>
      %parallel_loop3A_661 = tpu.memref_squeeze %parallel_loop3A_660 : memref<1x80x128xf32, #tpu.memory_space<vmem>> -> memref<80x128xf32, #tpu.memory_space<vmem>>
      %parallel_loop3A_662 = arith.index_cast %parallel_loop3A_536 : i32 to index
      %parallel_loop3A_663 = arith.constant 64 : index
      %parallel_loop3A_664 = tpu.vector_load %parallel_loop3A_661[%parallel_loop3A_662, %parallel_loop3A_663] {strides = array<i32>} : memref<80x128xf32, #tpu.memory_space<vmem>>, vector<1x16xf32>,
      %parallel_loop3A_665 = vector.shape_cast %parallel_loop3A_664 : vector<1x16xf32> to vector<16xf32>
      %parallel_loop3A_666 = vector.shape_cast %parallel_loop3A_657 : vector<16xf32> to vector<1x16xf32>
      tpu.vector_store %parallel_loop3A_661[%parallel_loop3A_662, %parallel_loop3A_663], %parallel_loop3A_666 {strides = array<i32>} : memref<80x128xf32, #tpu.memory_space<vmem>>, vector<1x16xf32>,
      %parallel_loop3A_667 = arith.constant 0 : i32
      %parallel_loop3A_668 = arith.constant 0 : i32
      %parallel_loop3A_669 = tpu.memref_slice %arg8[%parallel_loop3A_359, %parallel_loop3A_667, %parallel_loop3A_668] : memref<2x80x128xf32, #tpu.memory_space<vmem>> -> memref<1x80x128xf32, #tpu.memory_space<vmem>>
      %parallel_loop3A_670 = tpu.memref_squeeze %parallel_loop3A_669 : memref<1x80x128xf32, #tpu.memory_space<vmem>> -> memref<80x128xf32, #tpu.memory_space<vmem>>
      %parallel_loop3A_671 = arith.index_cast %parallel_loop3A_536 : i32 to index
      %parallel_loop3A_672 = arith.constant 80 : index
      %parallel_loop3A_673 = tpu.vector_load %parallel_loop3A_670[%parallel_loop3A_671, %parallel_loop3A_672] {strides = array<i32>} : memref<80x128xf32, #tpu.memory_space<vmem>>, vector<1x16xf32>,
      %parallel_loop3A_674 = vector.shape_cast %parallel_loop3A_673 : vector<1x16xf32> to vector<16xf32>
      %parallel_loop3A_675 = arith.constant 0 : i32
      %parallel_loop3A_676 = arith.constant 0 : i32
      %parallel_loop3A_677 = tpu.memref_slice %arg9[%parallel_loop3A_360, %parallel_loop3A_675, %parallel_loop3A_676] : memref<2x80x128xf32, #tpu.memory_space<vmem>> -> memref<1x80x128xf32, #tpu.memory_space<vmem>>
      %parallel_loop3A_678 = tpu.memref_squeeze %parallel_loop3A_677 : memref<1x80x128xf32, #tpu.memory_space<vmem>> -> memref<80x128xf32, #tpu.memory_space<vmem>>
      %parallel_loop3A_679 = arith.index_cast %parallel_loop3A_536 : i32 to index
      %parallel_loop3A_680 = arith.constant 80 : index
      %parallel_loop3A_681 = tpu.vector_load %parallel_loop3A_678[%parallel_loop3A_679, %parallel_loop3A_680] {strides = array<i32>} : memref<80x128xf32, #tpu.memory_space<vmem>>, vector<1x16xf32>,
      %parallel_loop3A_682 = vector.shape_cast %parallel_loop3A_681 : vector<1x16xf32> to vector<16xf32>
      %parallel_loop3A_683 = arith.mulf %parallel_loop3A_674, %parallel_loop3A_682 : vector<16xf32>
      %parallel_loop3A_684 = arith.constant 0 : i32
      %parallel_loop3A_685 = arith.constant 0 : i32
      %parallel_loop3A_686 = tpu.memref_slice %arg8[%parallel_loop3A_359, %parallel_loop3A_684, %parallel_loop3A_685] : memref<2x80x128xf32, #tpu.memory_space<vmem>> -> memref<1x80x128xf32, #tpu.memory_space<vmem>>
      %parallel_loop3A_687 = tpu.memref_squeeze %parallel_loop3A_686 : memref<1x80x128xf32, #tpu.memory_space<vmem>> -> memref<80x128xf32, #tpu.memory_space<vmem>>
      %parallel_loop3A_688 = arith.index_cast %parallel_loop3A_536 : i32 to index
      %parallel_loop3A_689 = arith.constant 80 : index
      %parallel_loop3A_690 = tpu.vector_load %parallel_loop3A_687[%parallel_loop3A_688, %parallel_loop3A_689] {strides = array<i32>} : memref<80x128xf32, #tpu.memory_space<vmem>>, vector<1x16xf32>,
      %parallel_loop3A_691 = vector.shape_cast %parallel_loop3A_690 : vector<1x16xf32> to vector<16xf32>
      %parallel_loop3A_692 = vector.shape_cast %parallel_loop3A_683 : vector<16xf32> to vector<1x16xf32>
      tpu.vector_store %parallel_loop3A_687[%parallel_loop3A_688, %parallel_loop3A_689], %parallel_loop3A_692 {strides = array<i32>} : memref<80x128xf32, #tpu.memory_space<vmem>>, vector<1x16xf32>,
      %parallel_loop3A_693 = arith.constant 0 : i32
      %parallel_loop3A_694 = arith.constant 0 : i32
      %parallel_loop3A_695 = tpu.memref_slice %arg8[%parallel_loop3A_359, %parallel_loop3A_693, %parallel_loop3A_694] : memref<2x80x128xf32, #tpu.memory_space<vmem>> -> memref<1x80x128xf32, #tpu.memory_space<vmem>>
      %parallel_loop3A_696 = tpu.memref_squeeze %parallel_loop3A_695 : memref<1x80x128xf32, #tpu.memory_space<vmem>> -> memref<80x128xf32, #tpu.memory_space<vmem>>
      %parallel_loop3A_697 = arith.index_cast %parallel_loop3A_536 : i32 to index
      %parallel_loop3A_698 = arith.constant 96 : index
      %parallel_loop3A_699 = tpu.vector_load %parallel_loop3A_696[%parallel_loop3A_697, %parallel_loop3A_698] {strides = array<i32>} : memref<80x128xf32, #tpu.memory_space<vmem>>, vector<1x16xf32>,
      %parallel_loop3A_700 = vector.shape_cast %parallel_loop3A_699 : vector<1x16xf32> to vector<16xf32>
      %parallel_loop3A_701 = arith.constant 0 : i32
      %parallel_loop3A_702 = arith.constant 0 : i32
      %parallel_loop3A_703 = tpu.memref_slice %arg9[%parallel_loop3A_360, %parallel_loop3A_701, %parallel_loop3A_702] : memref<2x80x128xf32, #tpu.memory_space<vmem>> -> memref<1x80x128xf32, #tpu.memory_space<vmem>>
      %parallel_loop3A_704 = tpu.memref_squeeze %parallel_loop3A_703 : memref<1x80x128xf32, #tpu.memory_space<vmem>> -> memref<80x128xf32, #tpu.memory_space<vmem>>
      %parallel_loop3A_705 = arith.index_cast %parallel_loop3A_536 : i32 to index
      %parallel_loop3A_706 = arith.constant 96 : index
      %parallel_loop3A_707 = tpu.vector_load %parallel_loop3A_704[%parallel_loop3A_705, %parallel_loop3A_706] {strides = array<i32>} : memref<80x128xf32, #tpu.memory_space<vmem>>, vector<1x16xf32>,
      %parallel_loop3A_708 = vector.shape_cast %parallel_loop3A_707 : vector<1x16xf32> to vector<16xf32>
      %parallel_loop3A_709 = arith.mulf %parallel_loop3A_700, %parallel_loop3A_708 : vector<16xf32>
      %parallel_loop3A_710 = arith.constant 0 : i32
      %parallel_loop3A_711 = arith.constant 0 : i32
      %parallel_loop3A_712 = tpu.memref_slice %arg8[%parallel_loop3A_359, %parallel_loop3A_710, %parallel_loop3A_711] : memref<2x80x128xf32, #tpu.memory_space<vmem>> -> memref<1x80x128xf32, #tpu.memory_space<vmem>>
      %parallel_loop3A_713 = tpu.memref_squeeze %parallel_loop3A_712 : memref<1x80x128xf32, #tpu.memory_space<vmem>> -> memref<80x128xf32, #tpu.memory_space<vmem>>
      %parallel_loop3A_714 = arith.index_cast %parallel_loop3A_536 : i32 to index
      %parallel_loop3A_715 = arith.constant 96 : index
      %parallel_loop3A_716 = tpu.vector_load %parallel_loop3A_713[%parallel_loop3A_714, %parallel_loop3A_715] {strides = array<i32>} : memref<80x128xf32, #tpu.memory_space<vmem>>, vector<1x16xf32>,
      %parallel_loop3A_717 = vector.shape_cast %parallel_loop3A_716 : vector<1x16xf32> to vector<16xf32>
      %parallel_loop3A_718 = vector.shape_cast %parallel_loop3A_709 : vector<16xf32> to vector<1x16xf32>
      tpu.vector_store %parallel_loop3A_713[%parallel_loop3A_714, %parallel_loop3A_715], %parallel_loop3A_718 {strides = array<i32>} : memref<80x128xf32, #tpu.memory_space<vmem>>, vector<1x16xf32>,
      %parallel_loop3A_719 = arith.constant 0 : i32
      %parallel_loop3A_720 = arith.constant 0 : i32
      %parallel_loop3A_721 = tpu.memref_slice %arg8[%parallel_loop3A_359, %parallel_loop3A_719, %parallel_loop3A_720] : memref<2x80x128xf32, #tpu.memory_space<vmem>> -> memref<1x80x128xf32, #tpu.memory_space<vmem>>
      %parallel_loop3A_722 = tpu.memref_squeeze %parallel_loop3A_721 : memref<1x80x128xf32, #tpu.memory_space<vmem>> -> memref<80x128xf32, #tpu.memory_space<vmem>>
      %parallel_loop3A_723 = arith.index_cast %parallel_loop3A_536 : i32 to index
      %parallel_loop3A_724 = arith.constant 112 : index
      %parallel_loop3A_725 = tpu.vector_load %parallel_loop3A_722[%parallel_loop3A_723, %parallel_loop3A_724] {strides = array<i32>} : memref<80x128xf32, #tpu.memory_space<vmem>>, vector<1x16xf32>,
      %parallel_loop3A_726 = vector.shape_cast %parallel_loop3A_725 : vector<1x16xf32> to vector<16xf32>
      %parallel_loop3A_727 = arith.constant 0 : i32
      %parallel_loop3A_728 = arith.constant 0 : i32
      %parallel_loop3A_729 = tpu.memref_slice %arg9[%parallel_loop3A_360, %parallel_loop3A_727, %parallel_loop3A_728] : memref<2x80x128xf32, #tpu.memory_space<vmem>> -> memref<1x80x128xf32, #tpu.memory_space<vmem>>
      %parallel_loop3A_730 = tpu.memref_squeeze %parallel_loop3A_729 : memref<1x80x128xf32, #tpu.memory_space<vmem>> -> memref<80x128xf32, #tpu.memory_space<vmem>>
      %parallel_loop3A_731 = arith.index_cast %parallel_loop3A_536 : i32 to index
      %parallel_loop3A_732 = arith.constant 112 : index
      %parallel_loop3A_733 = tpu.vector_load %parallel_loop3A_730[%parallel_loop3A_731, %parallel_loop3A_732] {strides = array<i32>} : memref<80x128xf32, #tpu.memory_space<vmem>>, vector<1x16xf32>,
      %parallel_loop3A_734 = vector.shape_cast %parallel_loop3A_733 : vector<1x16xf32> to vector<16xf32>
      %parallel_loop3A_735 = arith.mulf %parallel_loop3A_726, %parallel_loop3A_734 : vector<16xf32>
      %parallel_loop3A_736 = arith.constant 0 : i32
      %parallel_loop3A_737 = arith.constant 0 : i32
      %parallel_loop3A_738 = tpu.memref_slice %arg8[%parallel_loop3A_359, %parallel_loop3A_736, %parallel_loop3A_737] : memref<2x80x128xf32, #tpu.memory_space<vmem>> -> memref<1x80x128xf32, #tpu.memory_space<vmem>>
      %parallel_loop3A_739 = tpu.memref_squeeze %parallel_loop3A_738 : memref<1x80x128xf32, #tpu.memory_space<vmem>> -> memref<80x128xf32, #tpu.memory_space<vmem>>
      %parallel_loop3A_740 = arith.index_cast %parallel_loop3A_536 : i32 to index
      %parallel_loop3A_741 = arith.constant 112 : index
      %parallel_loop3A_742 = tpu.vector_load %parallel_loop3A_739[%parallel_loop3A_740, %parallel_loop3A_741] {strides = array<i32>} : memref<80x128xf32, #tpu.memory_space<vmem>>, vector<1x16xf32>,
      %parallel_loop3A_743 = vector.shape_cast %parallel_loop3A_742 : vector<1x16xf32> to vector<16xf32>
      %parallel_loop3A_744 = vector.shape_cast %parallel_loop3A_735 : vector<16xf32> to vector<1x16xf32>
      tpu.vector_store %parallel_loop3A_739[%parallel_loop3A_740, %parallel_loop3A_741], %parallel_loop3A_744 {strides = array<i32>} : memref<80x128xf32, #tpu.memory_space<vmem>>, vector<1x16xf32>,
    } {sc.loop_unroll_factor = 4 : i64, sc.parallel_access}
    %add3A_361 = arith.constant 3936 : i32
    %add3A_362 = arith.addi %add3A, %add3A_361 : i32
    %mul3A_363 = arith.constant 80 : i32
    %mul3A_364 = arith.muli %add3A_362, %mul3A_363 : i32
    %add3A_365 = arith.constant 320000 : i32
    %add3A_366 = arith.addi %add3A_365, %mul3A_364 : i32
    %dma_wait3A_367 = arith.constant 1 : i32
    %dma_wait3A_368 = arith.constant 1 : i32
    %dma_wait3A_369 = arith.constant 0 : i32
    %dma_wait3A_370 = tpu.memref_slice %arg7[%dma_wait3A_367, %dma_wait3A_369] : memref<2x80xi32, #tpu.memory_space<vmem>> -> memref<1x80xi32, #tpu.memory_space<vmem>>
    %dma_wait3A_371 = tpu.memref_squeeze %dma_wait3A_370 : memref<1x80xi32, #tpu.memory_space<vmem>> -> memref<80xi32, #tpu.memory_space<vmem>>
    %dma_wait3A_372 = tpu.memref_slice %arg4[%add3A_366] : memref<640000xi32, #tpu.memory_space<hbm>> -> memref<80xi32, #tpu.memory_space<hbm>>
    %dma_wait3A_373 = tpu.memref_slice %arg13[%dma_wait3A_368] : memref<2x!tpu.dma_semaphore, #tpu.memory_space<semaphore_mem>> -> memref<1x!tpu.dma_semaphore, #tpu.memory_space<semaphore_mem>>
    %dma_wait3A_374 = tpu.memref_squeeze %dma_wait3A_373 : memref<1x!tpu.dma_semaphore, #tpu.memory_space<semaphore_mem>> -> memref<!tpu.dma_semaphore, #tpu.memory_space<semaphore_mem>>
    %dma_wait3A_375 = arith.constant 0 : i32
    %dma_wait3A_376 = tpu.memref_slice %arg7[%dma_wait3A_367, %dma_wait3A_375] : memref<2x80xi32, #tpu.memory_space<vmem>> -> memref<1x80xi32, #tpu.memory_space<vmem>>
    %dma_wait3A_377 = tpu.memref_squeeze %dma_wait3A_376 : memref<1x80xi32, #tpu.memory_space<vmem>> -> memref<80xi32, #tpu.memory_space<vmem>>
    %dma_wait3A_378 = tpu.memref_slice %arg4[%add3A_366] : memref<640000xi32, #tpu.memory_space<hbm>> -> memref<80xi32, #tpu.memory_space<hbm>>
    tpu.wait_dma2 semaphore(%dma_wait3A_374 : memref<!tpu.dma_semaphore, #tpu.memory_space<semaphore_mem>>) src(%dma_wait3A_378 : memref<80xi32, #tpu.memory_space<hbm>>) dst(%dma_wait3A_377 : memref<80xi32, #tpu.memory_space<vmem>>)
    %dma_start3A_379 = arith.constant 1 : i32
    %dma_start3A_380 = arith.constant 1 : i32
    %dma_start3A_381 = arith.constant 1 : i32
    %dma_start3A_382 = arith.constant 0 : i32
    %dma_start3A_383 = arith.constant 0 : i32
    %dma_start3A_384 = tpu.memref_slice %arg8[%dma_start3A_379, %dma_start3A_382, %dma_start3A_383] : memref<2x80x128xf32, #tpu.memory_space<vmem>> -> memref<1x80x128xf32, #tpu.memory_space<vmem>>
    %dma_start3A_385 = tpu.memref_squeeze %dma_start3A_384 : memref<1x80x128xf32, #tpu.memory_space<vmem>> -> memref<80x128xf32, #tpu.memory_space<vmem>>
    %dma_start3A_386 = arith.constant 0 : i32
    %dma_start3A_387 = tpu.memref_slice %arg7[%dma_start3A_380, %dma_start3A_386] : memref<2x80xi32, #tpu.memory_space<vmem>> -> memref<1x80xi32, #tpu.memory_space<vmem>>
    %dma_start3A_388 = tpu.memref_squeeze %dma_start3A_387 : memref<1x80xi32, #tpu.memory_space<vmem>> -> memref<80xi32, #tpu.memory_space<vmem>>
    %dma_start3A_389 = arith.constant 0 : i32
    %dma_start3A_390 = arith.constant 0 : i32
    %dma_start3A_391 = tpu.memref_slice %arg11[%dma_start3A_389, %dma_start3A_390] : memref<10000x128xf32, #tpu.memory_space<vmem_shared>> -> memref<10000x128xf32, #tpu.memory_space<vmem_shared>>
    %dma_start3A_392 = tpu.memref_slice %arg16[%dma_start3A_381] : memref<2x!tpu.dma_semaphore, #tpu.memory_space<semaphore_mem>> -> memref<1x!tpu.dma_semaphore, #tpu.memory_space<semaphore_mem>>
    %dma_start3A_393 = tpu.memref_squeeze %dma_start3A_392 : memref<1x!tpu.dma_semaphore, #tpu.memory_space<semaphore_mem>> -> memref<!tpu.dma_semaphore, #tpu.memory_space<semaphore_mem>>
    tpu.enqueue_indirect_dma source(%dma_start3A_385 : memref<80x128xf32, #tpu.memory_space<vmem>>) target(%dma_start3A_391 : memref<10000x128xf32, #tpu.memory_space<vmem_shared>>) offsets(%dma_start3A_388 : memref<80xi32, #tpu.memory_space<vmem>>) semaphore(%dma_start3A_393 : memref<!tpu.dma_semaphore, #tpu.memory_space<semaphore_mem>>) {add = true}
    %add3A_394 = arith.constant 3968 : i32
    %add3A_395 = arith.addi %add3A, %add3A_394 : i32
    %mul3A_396 = arith.constant 80 : i32
    %mul3A_397 = arith.muli %add3A_395, %mul3A_396 : i32
    %dma_wait3A_398 = arith.constant 0 : i32
    %dma_wait3A_399 = arith.constant 0 : i32
    %dma_wait3A_400 = arith.constant 0 : i32
    %dma_wait3A_401 = tpu.memref_slice %arg6[%dma_wait3A_398, %dma_wait3A_400] : memref<2x80xi32, #tpu.memory_space<vmem>> -> memref<1x80xi32, #tpu.memory_space<vmem>>
    %dma_wait3A_402 = tpu.memref_squeeze %dma_wait3A_401 : memref<1x80xi32, #tpu.memory_space<vmem>> -> memref<80xi32, #tpu.memory_space<vmem>>
    %dma_wait3A_403 = tpu.memref_slice %arg4[%mul3A_397] : memref<640000xi32, #tpu.memory_space<hbm>> -> memref<80xi32, #tpu.memory_space<hbm>>
    %dma_wait3A_404 = tpu.memref_slice %arg12[%dma_wait3A_399] : memref<2x!tpu.dma_semaphore, #tpu.memory_space<semaphore_mem>> -> memref<1x!tpu.dma_semaphore, #tpu.memory_space<semaphore_mem>>
    %dma_wait3A_405 = tpu.memref_squeeze %dma_wait3A_404 : memref<1x!tpu.dma_semaphore, #tpu.memory_space<semaphore_mem>> -> memref<!tpu.dma_semaphore, #tpu.memory_space<semaphore_mem>>
    %dma_wait3A_406 = arith.constant 0 : i32
    %dma_wait3A_407 = tpu.memref_slice %arg6[%dma_wait3A_398, %dma_wait3A_406] : memref<2x80xi32, #tpu.memory_space<vmem>> -> memref<1x80xi32, #tpu.memory_space<vmem>>
    %dma_wait3A_408 = tpu.memref_squeeze %dma_wait3A_407 : memref<1x80xi32, #tpu.memory_space<vmem>> -> memref<80xi32, #tpu.memory_space<vmem>>
    %dma_wait3A_409 = tpu.memref_slice %arg4[%mul3A_397] : memref<640000xi32, #tpu.memory_space<hbm>> -> memref<80xi32, #tpu.memory_space<hbm>>
    tpu.wait_dma2 semaphore(%dma_wait3A_405 : memref<!tpu.dma_semaphore, #tpu.memory_space<semaphore_mem>>) src(%dma_wait3A_409 : memref<80xi32, #tpu.memory_space<hbm>>) dst(%dma_wait3A_408 : memref<80xi32, #tpu.memory_space<vmem>>)
    %dma_start3A_410 = arith.constant 0 : i32
    %dma_start3A_411 = arith.constant 0 : i32
    %dma_start3A_412 = arith.constant 0 : i32
    %dma_start3A_413 = arith.constant 0 : i32
    %dma_start3A_414 = arith.constant 0 : i32
    %dma_start3A_415 = tpu.memref_slice %arg8[%dma_start3A_411, %dma_start3A_413, %dma_start3A_414] : memref<2x80x128xf32, #tpu.memory_space<vmem>> -> memref<1x80x128xf32, #tpu.memory_space<vmem>>
    %dma_start3A_416 = tpu.memref_squeeze %dma_start3A_415 : memref<1x80x128xf32, #tpu.memory_space<vmem>> -> memref<80x128xf32, #tpu.memory_space<vmem>>
    %dma_start3A_417 = arith.constant 0 : i32
    %dma_start3A_418 = tpu.memref_slice %arg6[%dma_start3A_410, %dma_start3A_417] : memref<2x80xi32, #tpu.memory_space<vmem>> -> memref<1x80xi32, #tpu.memory_space<vmem>>
    %dma_start3A_419 = tpu.memref_squeeze %dma_start3A_418 : memref<1x80xi32, #tpu.memory_space<vmem>> -> memref<80xi32, #tpu.memory_space<vmem>>
    %dma_start3A_420 = arith.constant 0 : i32
    %dma_start3A_421 = arith.constant 0 : i32
    %dma_start3A_422 = tpu.memref_slice %arg2[%dma_start3A_420, %dma_start3A_421] : memref<10000x128xf32, #tpu.memory_space<hbm>> -> memref<10000x128xf32, #tpu.memory_space<hbm>>
    %dma_start3A_423 = tpu.memref_slice %arg15[%dma_start3A_412] : memref<2x!tpu.dma_semaphore, #tpu.memory_space<semaphore_mem>> -> memref<1x!tpu.dma_semaphore, #tpu.memory_space<semaphore_mem>>
    %dma_start3A_424 = tpu.memref_squeeze %dma_start3A_423 : memref<1x!tpu.dma_semaphore, #tpu.memory_space<semaphore_mem>> -> memref<!tpu.dma_semaphore, #tpu.memory_space<semaphore_mem>>
    tpu.enqueue_indirect_dma source(%dma_start3A_422 : memref<10000x128xf32, #tpu.memory_space<hbm>>) target(%dma_start3A_416 : memref<80x128xf32, #tpu.memory_space<vmem>>) offsets(%dma_start3A_419 : memref<80xi32, #tpu.memory_space<vmem>>) semaphore(%dma_start3A_424 : memref<!tpu.dma_semaphore, #tpu.memory_space<semaphore_mem>>)
    %dma_wait3A_425 = arith.constant 1 : i32
    %dma_wait3A_426 = arith.constant 1 : i32
    %dma_wait3A_427 = arith.constant 1 : i32
    %dma_wait3A_428 = arith.constant 0 : i32
    %dma_wait3A_429 = arith.constant 0 : i32
    %dma_wait3A_430 = tpu.memref_slice %arg8[%dma_wait3A_425, %dma_wait3A_428, %dma_wait3A_429] : memref<2x80x128xf32, #tpu.memory_space<vmem>> -> memref<1x80x128xf32, #tpu.memory_space<vmem>>
    %dma_wait3A_431 = tpu.memref_squeeze %dma_wait3A_430 : memref<1x80x128xf32, #tpu.memory_space<vmem>> -> memref<80x128xf32, #tpu.memory_space<vmem>>
    %dma_wait3A_432 = arith.constant 0 : i32
    %dma_wait3A_433 = tpu.memref_slice %arg7[%dma_wait3A_426, %dma_wait3A_432] : memref<2x80xi32, #tpu.memory_space<vmem>> -> memref<1x80xi32, #tpu.memory_space<vmem>>
    %dma_wait3A_434 = tpu.memref_squeeze %dma_wait3A_433 : memref<1x80xi32, #tpu.memory_space<vmem>> -> memref<80xi32, #tpu.memory_space<vmem>>
    %dma_wait3A_435 = arith.constant 0 : i32
    %dma_wait3A_436 = arith.constant 0 : i32
    %dma_wait3A_437 = tpu.memref_slice %arg11[%dma_wait3A_435, %dma_wait3A_436] : memref<10000x128xf32, #tpu.memory_space<vmem_shared>> -> memref<10000x128xf32, #tpu.memory_space<vmem_shared>>
    %dma_wait3A_438 = tpu.memref_slice %arg16[%dma_wait3A_427] : memref<2x!tpu.dma_semaphore, #tpu.memory_space<semaphore_mem>> -> memref<1x!tpu.dma_semaphore, #tpu.memory_space<semaphore_mem>>
    %dma_wait3A_439 = tpu.memref_squeeze %dma_wait3A_438 : memref<1x!tpu.dma_semaphore, #tpu.memory_space<semaphore_mem>> -> memref<!tpu.dma_semaphore, #tpu.memory_space<semaphore_mem>>
    tpu.wait_indirect_dma semaphore(%dma_wait3A_439 : memref<!tpu.dma_semaphore, #tpu.memory_space<semaphore_mem>>) src(%dma_wait3A_431 : memref<80x128xf32, #tpu.memory_space<vmem>>) dst(%dma_wait3A_437 : memref<10000x128xf32, #tpu.memory_space<vmem_shared>>)
    %dma_wait3A_440 = arith.constant 0 : i32
    %dma_wait3A_441 = arith.constant 0 : i32
    %dma_wait3A_442 = arith.constant 0 : i32
    %dma_wait3A_443 = arith.constant 0 : i32
    %dma_wait3A_444 = arith.constant 0 : i32
    %dma_wait3A_445 = tpu.memref_slice %arg8[%dma_wait3A_441, %dma_wait3A_443, %dma_wait3A_444] : memref<2x80x128xf32, #tpu.memory_space<vmem>> -> memref<1x80x128xf32, #tpu.memory_space<vmem>>
    %dma_wait3A_446 = tpu.memref_squeeze %dma_wait3A_445 : memref<1x80x128xf32, #tpu.memory_space<vmem>> -> memref<80x128xf32, #tpu.memory_space<vmem>>
    %dma_wait3A_447 = arith.constant 0 : i32
    %dma_wait3A_448 = tpu.memref_slice %arg6[%dma_wait3A_440, %dma_wait3A_447] : memref<2x80xi32, #tpu.memory_space<vmem>> -> memref<1x80xi32, #tpu.memory_space<vmem>>
    %dma_wait3A_449 = tpu.memref_squeeze %dma_wait3A_448 : memref<1x80xi32, #tpu.memory_space<vmem>> -> memref<80xi32, #tpu.memory_space<vmem>>
    %dma_wait3A_450 = arith.constant 0 : i32
    %dma_wait3A_451 = arith.constant 0 : i32
    %dma_wait3A_452 = tpu.memref_slice %arg2[%dma_wait3A_450, %dma_wait3A_451] : memref<10000x128xf32, #tpu.memory_space<hbm>> -> memref<10000x128xf32, #tpu.memory_space<hbm>>
    %dma_wait3A_453 = tpu.memref_slice %arg15[%dma_wait3A_442] : memref<2x!tpu.dma_semaphore, #tpu.memory_space<semaphore_mem>> -> memref<1x!tpu.dma_semaphore, #tpu.memory_space<semaphore_mem>>
    %dma_wait3A_454 = tpu.memref_squeeze %dma_wait3A_453 : memref<1x!tpu.dma_semaphore, #tpu.memory_space<semaphore_mem>> -> memref<!tpu.dma_semaphore, #tpu.memory_space<semaphore_mem>>
    tpu.wait_indirect_dma semaphore(%dma_wait3A_454 : memref<!tpu.dma_semaphore, #tpu.memory_space<semaphore_mem>>) src(%dma_wait3A_452 : memref<10000x128xf32, #tpu.memory_space<hbm>>) dst(%dma_wait3A_446 : memref<80x128xf32, #tpu.memory_space<vmem>>)
    %add3A_455 = arith.constant 3968 : i32
    %add3A_456 = arith.addi %add3A, %add3A_455 : i32
    %mul3A_457 = arith.constant 80 : i32
    %mul3A_458 = arith.muli %add3A_456, %mul3A_457 : i32
    %dma_wait3A_459 = arith.constant 0 : i32
    %dma_wait3A_460 = arith.constant 0 : i32
    %dma_wait3A_461 = arith.constant 0 : i32
    %dma_wait3A_462 = arith.constant 0 : i32
    %dma_wait3A_463 = tpu.memref_slice %arg9[%dma_wait3A_459, %dma_wait3A_461, %dma_wait3A_462] : memref<2x80x128xf32, #tpu.memory_space<vmem>> -> memref<1x80x128xf32, #tpu.memory_space<vmem>>
    %dma_wait3A_464 = tpu.memref_squeeze %dma_wait3A_463 : memref<1x80x128xf32, #tpu.memory_space<vmem>> -> memref<80x128xf32, #tpu.memory_space<vmem>>
    %dma_wait3A_465 = arith.constant 0 : i32
    %dma_wait3A_466 = tpu.memref_slice %arg3[%mul3A_458, %dma_wait3A_465] : memref<320000x128xf32, #tpu.memory_space<hbm>> -> memref<80x128xf32, #tpu.memory_space<hbm>>
    %dma_wait3A_467 = tpu.memref_slice %arg14[%dma_wait3A_460] : memref<2x!tpu.dma_semaphore, #tpu.memory_space<semaphore_mem>> -> memref<1x!tpu.dma_semaphore, #tpu.memory_space<semaphore_mem>>
    %dma_wait3A_468 = tpu.memref_squeeze %dma_wait3A_467 : memref<1x!tpu.dma_semaphore, #tpu.memory_space<semaphore_mem>> -> memref<!tpu.dma_semaphore, #tpu.memory_space<semaphore_mem>>
    %dma_wait3A_469 = arith.constant 0 : i32
    %dma_wait3A_470 = arith.constant 0 : i32
    %dma_wait3A_471 = tpu.memref_slice %arg9[%dma_wait3A_459, %dma_wait3A_469, %dma_wait3A_470] : memref<2x80x128xf32, #tpu.memory_space<vmem>> -> memref<1x80x128xf32, #tpu.memory_space<vmem>>
    %dma_wait3A_472 = tpu.memref_squeeze %dma_wait3A_471 : memref<1x80x128xf32, #tpu.memory_space<vmem>> -> memref<80x128xf32, #tpu.memory_space<vmem>>
    %dma_wait3A_473 = arith.constant 0 : i32
    %dma_wait3A_474 = tpu.memref_slice %arg3[%mul3A_458, %dma_wait3A_473] : memref<320000x128xf32, #tpu.memory_space<hbm>> -> memref<80x128xf32, #tpu.memory_space<hbm>>
    tpu.wait_dma2 semaphore(%dma_wait3A_468 : memref<!tpu.dma_semaphore, #tpu.memory_space<semaphore_mem>>) src(%dma_wait3A_474 : memref<80x128xf32, #tpu.memory_space<hbm>>) dst(%dma_wait3A_472 : memref<80x128xf32, #tpu.memory_space<vmem>>)
    %parallel_loop3A_475 = arith.constant 0 : i32
    %parallel_loop3A_476 = arith.constant 80 : i32
    %parallel_loop3A_477 = arith.constant 1 : i32
    %parallel_loop3A_478 = arith.constant 0 : i32
    %parallel_loop3A_479 = arith.constant 0 : i32
    scf.for %parallel_loop3A_536 = %parallel_loop3A_475 to %parallel_loop3A_476 step %parallel_loop3A_477  : i32 {
      %parallel_loop3A_537 = arith.constant 0 : i32
      %parallel_loop3A_538 = arith.constant 0 : i32
      %parallel_loop3A_539 = tpu.memref_slice %arg8[%parallel_loop3A_478, %parallel_loop3A_537, %parallel_loop3A_538] : memref<2x80x128xf32, #tpu.memory_space<vmem>> -> memref<1x80x128xf32, #tpu.memory_space<vmem>>
      %parallel_loop3A_540 = tpu.memref_squeeze %parallel_loop3A_539 : memref<1x80x128xf32, #tpu.memory_space<vmem>> -> memref<80x128xf32, #tpu.memory_space<vmem>>
      %parallel_loop3A_541 = arith.index_cast %parallel_loop3A_536 : i32 to index
      %parallel_loop3A_542 = arith.constant 0 : index
      %parallel_loop3A_543 = tpu.vector_load %parallel_loop3A_540[%parallel_loop3A_541, %parallel_loop3A_542] {strides = array<i32>} : memref<80x128xf32, #tpu.memory_space<vmem>>, vector<1x16xf32>,
      %parallel_loop3A_544 = vector.shape_cast %parallel_loop3A_543 : vector<1x16xf32> to vector<16xf32>
      %parallel_loop3A_545 = arith.constant 0 : i32
      %parallel_loop3A_546 = arith.constant 0 : i32
      %parallel_loop3A_547 = tpu.memref_slice %arg9[%parallel_loop3A_479, %parallel_loop3A_545, %parallel_loop3A_546] : memref<2x80x128xf32, #tpu.memory_space<vmem>> -> memref<1x80x128xf32, #tpu.memory_space<vmem>>
      %parallel_loop3A_548 = tpu.memref_squeeze %parallel_loop3A_547 : memref<1x80x128xf32, #tpu.memory_space<vmem>> -> memref<80x128xf32, #tpu.memory_space<vmem>>
      %parallel_loop3A_549 = arith.index_cast %parallel_loop3A_536 : i32 to index
      %parallel_loop3A_550 = arith.constant 0 : index
      %parallel_loop3A_551 = tpu.vector_load %parallel_loop3A_548[%parallel_loop3A_549, %parallel_loop3A_550] {strides = array<i32>} : memref<80x128xf32, #tpu.memory_space<vmem>>, vector<1x16xf32>,
      %parallel_loop3A_552 = vector.shape_cast %parallel_loop3A_551 : vector<1x16xf32> to vector<16xf32>
      %parallel_loop3A_553 = arith.mulf %parallel_loop3A_544, %parallel_loop3A_552 : vector<16xf32>
      %parallel_loop3A_554 = arith.constant 0 : i32
      %parallel_loop3A_555 = arith.constant 0 : i32
      %parallel_loop3A_556 = tpu.memref_slice %arg8[%parallel_loop3A_478, %parallel_loop3A_554, %parallel_loop3A_555] : memref<2x80x128xf32, #tpu.memory_space<vmem>> -> memref<1x80x128xf32, #tpu.memory_space<vmem>>
      %parallel_loop3A_557 = tpu.memref_squeeze %parallel_loop3A_556 : memref<1x80x128xf32, #tpu.memory_space<vmem>> -> memref<80x128xf32, #tpu.memory_space<vmem>>
      %parallel_loop3A_558 = arith.index_cast %parallel_loop3A_536 : i32 to index
      %parallel_loop3A_559 = arith.constant 0 : index
      %parallel_loop3A_560 = tpu.vector_load %parallel_loop3A_557[%parallel_loop3A_558, %parallel_loop3A_559] {strides = array<i32>} : memref<80x128xf32, #tpu.memory_space<vmem>>, vector<1x16xf32>,
      %parallel_loop3A_561 = vector.shape_cast %parallel_loop3A_560 : vector<1x16xf32> to vector<16xf32>
      %parallel_loop3A_562 = vector.shape_cast %parallel_loop3A_553 : vector<16xf32> to vector<1x16xf32>
      tpu.vector_store %parallel_loop3A_557[%parallel_loop3A_558, %parallel_loop3A_559], %parallel_loop3A_562 {strides = array<i32>} : memref<80x128xf32, #tpu.memory_space<vmem>>, vector<1x16xf32>,
      %parallel_loop3A_563 = arith.constant 0 : i32
      %parallel_loop3A_564 = arith.constant 0 : i32
      %parallel_loop3A_565 = tpu.memref_slice %arg8[%parallel_loop3A_478, %parallel_loop3A_563, %parallel_loop3A_564] : memref<2x80x128xf32, #tpu.memory_space<vmem>> -> memref<1x80x128xf32, #tpu.memory_space<vmem>>
      %parallel_loop3A_566 = tpu.memref_squeeze %parallel_loop3A_565 : memref<1x80x128xf32, #tpu.memory_space<vmem>> -> memref<80x128xf32, #tpu.memory_space<vmem>>
      %parallel_loop3A_567 = arith.index_cast %parallel_loop3A_536 : i32 to index
      %parallel_loop3A_568 = arith.constant 16 : index
      %parallel_loop3A_569 = tpu.vector_load %parallel_loop3A_566[%parallel_loop3A_567, %parallel_loop3A_568] {strides = array<i32>} : memref<80x128xf32, #tpu.memory_space<vmem>>, vector<1x16xf32>,
      %parallel_loop3A_570 = vector.shape_cast %parallel_loop3A_569 : vector<1x16xf32> to vector<16xf32>
      %parallel_loop3A_571 = arith.constant 0 : i32
      %parallel_loop3A_572 = arith.constant 0 : i32
      %parallel_loop3A_573 = tpu.memref_slice %arg9[%parallel_loop3A_479, %parallel_loop3A_571, %parallel_loop3A_572] : memref<2x80x128xf32, #tpu.memory_space<vmem>> -> memref<1x80x128xf32, #tpu.memory_space<vmem>>
      %parallel_loop3A_574 = tpu.memref_squeeze %parallel_loop3A_573 : memref<1x80x128xf32, #tpu.memory_space<vmem>> -> memref<80x128xf32, #tpu.memory_space<vmem>>
      %parallel_loop3A_575 = arith.index_cast %parallel_loop3A_536 : i32 to index
      %parallel_loop3A_576 = arith.constant 16 : index
      %parallel_loop3A_577 = tpu.vector_load %parallel_loop3A_574[%parallel_loop3A_575, %parallel_loop3A_576] {strides = array<i32>} : memref<80x128xf32, #tpu.memory_space<vmem>>, vector<1x16xf32>,
      %parallel_loop3A_578 = vector.shape_cast %parallel_loop3A_577 : vector<1x16xf32> to vector<16xf32>
      %parallel_loop3A_579 = arith.mulf %parallel_loop3A_570, %parallel_loop3A_578 : vector<16xf32>
      %parallel_loop3A_580 = arith.constant 0 : i32
      %parallel_loop3A_581 = arith.constant 0 : i32
      %parallel_loop3A_582 = tpu.memref_slice %arg8[%parallel_loop3A_478, %parallel_loop3A_580, %parallel_loop3A_581] : memref<2x80x128xf32, #tpu.memory_space<vmem>> -> memref<1x80x128xf32, #tpu.memory_space<vmem>>
      %parallel_loop3A_583 = tpu.memref_squeeze %parallel_loop3A_582 : memref<1x80x128xf32, #tpu.memory_space<vmem>> -> memref<80x128xf32, #tpu.memory_space<vmem>>
      %parallel_loop3A_584 = arith.index_cast %parallel_loop3A_536 : i32 to index
      %parallel_loop3A_585 = arith.constant 16 : index
      %parallel_loop3A_586 = tpu.vector_load %parallel_loop3A_583[%parallel_loop3A_584, %parallel_loop3A_585] {strides = array<i32>} : memref<80x128xf32, #tpu.memory_space<vmem>>, vector<1x16xf32>,
      %parallel_loop3A_587 = vector.shape_cast %parallel_loop3A_586 : vector<1x16xf32> to vector<16xf32>
      %parallel_loop3A_588 = vector.shape_cast %parallel_loop3A_579 : vector<16xf32> to vector<1x16xf32>
      tpu.vector_store %parallel_loop3A_583[%parallel_loop3A_584, %parallel_loop3A_585], %parallel_loop3A_588 {strides = array<i32>} : memref<80x128xf32, #tpu.memory_space<vmem>>, vector<1x16xf32>,
      %parallel_loop3A_589 = arith.constant 0 : i32
      %parallel_loop3A_590 = arith.constant 0 : i32
      %parallel_loop3A_591 = tpu.memref_slice %arg8[%parallel_loop3A_478, %parallel_loop3A_589, %parallel_loop3A_590] : memref<2x80x128xf32, #tpu.memory_space<vmem>> -> memref<1x80x128xf32, #tpu.memory_space<vmem>>
      %parallel_loop3A_592 = tpu.memref_squeeze %parallel_loop3A_591 : memref<1x80x128xf32, #tpu.memory_space<vmem>> -> memref<80x128xf32, #tpu.memory_space<vmem>>
      %parallel_loop3A_593 = arith.index_cast %parallel_loop3A_536 : i32 to index
      %parallel_loop3A_594 = arith.constant 32 : index
      %parallel_loop3A_595 = tpu.vector_load %parallel_loop3A_592[%parallel_loop3A_593, %parallel_loop3A_594] {strides = array<i32>} : memref<80x128xf32, #tpu.memory_space<vmem>>, vector<1x16xf32>,
      %parallel_loop3A_596 = vector.shape_cast %parallel_loop3A_595 : vector<1x16xf32> to vector<16xf32>
      %parallel_loop3A_597 = arith.constant 0 : i32
      %parallel_loop3A_598 = arith.constant 0 : i32
      %parallel_loop3A_599 = tpu.memref_slice %arg9[%parallel_loop3A_479, %parallel_loop3A_597, %parallel_loop3A_598] : memref<2x80x128xf32, #tpu.memory_space<vmem>> -> memref<1x80x128xf32, #tpu.memory_space<vmem>>
      %parallel_loop3A_600 = tpu.memref_squeeze %parallel_loop3A_599 : memref<1x80x128xf32, #tpu.memory_space<vmem>> -> memref<80x128xf32, #tpu.memory_space<vmem>>
      %parallel_loop3A_601 = arith.index_cast %parallel_loop3A_536 : i32 to index
      %parallel_loop3A_602 = arith.constant 32 : index
      %parallel_loop3A_603 = tpu.vector_load %parallel_loop3A_600[%parallel_loop3A_601, %parallel_loop3A_602] {strides = array<i32>} : memref<80x128xf32, #tpu.memory_space<vmem>>, vector<1x16xf32>,
      %parallel_loop3A_604 = vector.shape_cast %parallel_loop3A_603 : vector<1x16xf32> to vector<16xf32>
      %parallel_loop3A_605 = arith.mulf %parallel_loop3A_596, %parallel_loop3A_604 : vector<16xf32>
      %parallel_loop3A_606 = arith.constant 0 : i32
      %parallel_loop3A_607 = arith.constant 0 : i32
      %parallel_loop3A_608 = tpu.memref_slice %arg8[%parallel_loop3A_478, %parallel_loop3A_606, %parallel_loop3A_607] : memref<2x80x128xf32, #tpu.memory_space<vmem>> -> memref<1x80x128xf32, #tpu.memory_space<vmem>>
      %parallel_loop3A_609 = tpu.memref_squeeze %parallel_loop3A_608 : memref<1x80x128xf32, #tpu.memory_space<vmem>> -> memref<80x128xf32, #tpu.memory_space<vmem>>
      %parallel_loop3A_610 = arith.index_cast %parallel_loop3A_536 : i32 to index
      %parallel_loop3A_611 = arith.constant 32 : index
      %parallel_loop3A_612 = tpu.vector_load %parallel_loop3A_609[%parallel_loop3A_610, %parallel_loop3A_611] {strides = array<i32>} : memref<80x128xf32, #tpu.memory_space<vmem>>, vector<1x16xf32>,
      %parallel_loop3A_613 = vector.shape_cast %parallel_loop3A_612 : vector<1x16xf32> to vector<16xf32>
      %parallel_loop3A_614 = vector.shape_cast %parallel_loop3A_605 : vector<16xf32> to vector<1x16xf32>
      tpu.vector_store %parallel_loop3A_609[%parallel_loop3A_610, %parallel_loop3A_611], %parallel_loop3A_614 {strides = array<i32>} : memref<80x128xf32, #tpu.memory_space<vmem>>, vector<1x16xf32>,
      %parallel_loop3A_615 = arith.constant 0 : i32
      %parallel_loop3A_616 = arith.constant 0 : i32
      %parallel_loop3A_617 = tpu.memref_slice %arg8[%parallel_loop3A_478, %parallel_loop3A_615, %parallel_loop3A_616] : memref<2x80x128xf32, #tpu.memory_space<vmem>> -> memref<1x80x128xf32, #tpu.memory_space<vmem>>
      %parallel_loop3A_618 = tpu.memref_squeeze %parallel_loop3A_617 : memref<1x80x128xf32, #tpu.memory_space<vmem>> -> memref<80x128xf32, #tpu.memory_space<vmem>>
      %parallel_loop3A_619 = arith.index_cast %parallel_loop3A_536 : i32 to index
      %parallel_loop3A_620 = arith.constant 48 : index
      %parallel_loop3A_621 = tpu.vector_load %parallel_loop3A_618[%parallel_loop3A_619, %parallel_loop3A_620] {strides = array<i32>} : memref<80x128xf32, #tpu.memory_space<vmem>>, vector<1x16xf32>,
      %parallel_loop3A_622 = vector.shape_cast %parallel_loop3A_621 : vector<1x16xf32> to vector<16xf32>
      %parallel_loop3A_623 = arith.constant 0 : i32
      %parallel_loop3A_624 = arith.constant 0 : i32
      %parallel_loop3A_625 = tpu.memref_slice %arg9[%parallel_loop3A_479, %parallel_loop3A_623, %parallel_loop3A_624] : memref<2x80x128xf32, #tpu.memory_space<vmem>> -> memref<1x80x128xf32, #tpu.memory_space<vmem>>
      %parallel_loop3A_626 = tpu.memref_squeeze %parallel_loop3A_625 : memref<1x80x128xf32, #tpu.memory_space<vmem>> -> memref<80x128xf32, #tpu.memory_space<vmem>>
      %parallel_loop3A_627 = arith.index_cast %parallel_loop3A_536 : i32 to index
      %parallel_loop3A_628 = arith.constant 48 : index
      %parallel_loop3A_629 = tpu.vector_load %parallel_loop3A_626[%parallel_loop3A_627, %parallel_loop3A_628] {strides = array<i32>} : memref<80x128xf32, #tpu.memory_space<vmem>>, vector<1x16xf32>,
      %parallel_loop3A_630 = vector.shape_cast %parallel_loop3A_629 : vector<1x16xf32> to vector<16xf32>
      %parallel_loop3A_631 = arith.mulf %parallel_loop3A_622, %parallel_loop3A_630 : vector<16xf32>
      %parallel_loop3A_632 = arith.constant 0 : i32
      %parallel_loop3A_633 = arith.constant 0 : i32
      %parallel_loop3A_634 = tpu.memref_slice %arg8[%parallel_loop3A_478, %parallel_loop3A_632, %parallel_loop3A_633] : memref<2x80x128xf32, #tpu.memory_space<vmem>> -> memref<1x80x128xf32, #tpu.memory_space<vmem>>
      %parallel_loop3A_635 = tpu.memref_squeeze %parallel_loop3A_634 : memref<1x80x128xf32, #tpu.memory_space<vmem>> -> memref<80x128xf32, #tpu.memory_space<vmem>>
      %parallel_loop3A_636 = arith.index_cast %parallel_loop3A_536 : i32 to index
      %parallel_loop3A_637 = arith.constant 48 : index
      %parallel_loop3A_638 = tpu.vector_load %parallel_loop3A_635[%parallel_loop3A_636, %parallel_loop3A_637] {strides = array<i32>} : memref<80x128xf32, #tpu.memory_space<vmem>>, vector<1x16xf32>,
      %parallel_loop3A_639 = vector.shape_cast %parallel_loop3A_638 : vector<1x16xf32> to vector<16xf32>
      %parallel_loop3A_640 = vector.shape_cast %parallel_loop3A_631 : vector<16xf32> to vector<1x16xf32>
      tpu.vector_store %parallel_loop3A_635[%parallel_loop3A_636, %parallel_loop3A_637], %parallel_loop3A_640 {strides = array<i32>} : memref<80x128xf32, #tpu.memory_space<vmem>>, vector<1x16xf32>,
      %parallel_loop3A_641 = arith.constant 0 : i32
      %parallel_loop3A_642 = arith.constant 0 : i32
      %parallel_loop3A_643 = tpu.memref_slice %arg8[%parallel_loop3A_478, %parallel_loop3A_641, %parallel_loop3A_642] : memref<2x80x128xf32, #tpu.memory_space<vmem>> -> memref<1x80x128xf32, #tpu.memory_space<vmem>>
      %parallel_loop3A_644 = tpu.memref_squeeze %parallel_loop3A_643 : memref<1x80x128xf32, #tpu.memory_space<vmem>> -> memref<80x128xf32, #tpu.memory_space<vmem>>
      %parallel_loop3A_645 = arith.index_cast %parallel_loop3A_536 : i32 to index
      %parallel_loop3A_646 = arith.constant 64 : index
      %parallel_loop3A_647 = tpu.vector_load %parallel_loop3A_644[%parallel_loop3A_645, %parallel_loop3A_646] {strides = array<i32>} : memref<80x128xf32, #tpu.memory_space<vmem>>, vector<1x16xf32>,
      %parallel_loop3A_648 = vector.shape_cast %parallel_loop3A_647 : vector<1x16xf32> to vector<16xf32>
      %parallel_loop3A_649 = arith.constant 0 : i32
      %parallel_loop3A_650 = arith.constant 0 : i32
      %parallel_loop3A_651 = tpu.memref_slice %arg9[%parallel_loop3A_479, %parallel_loop3A_649, %parallel_loop3A_650] : memref<2x80x128xf32, #tpu.memory_space<vmem>> -> memref<1x80x128xf32, #tpu.memory_space<vmem>>
      %parallel_loop3A_652 = tpu.memref_squeeze %parallel_loop3A_651 : memref<1x80x128xf32, #tpu.memory_space<vmem>> -> memref<80x128xf32, #tpu.memory_space<vmem>>
      %parallel_loop3A_653 = arith.index_cast %parallel_loop3A_536 : i32 to index
      %parallel_loop3A_654 = arith.constant 64 : index
      %parallel_loop3A_655 = tpu.vector_load %parallel_loop3A_652[%parallel_loop3A_653, %parallel_loop3A_654] {strides = array<i32>} : memref<80x128xf32, #tpu.memory_space<vmem>>, vector<1x16xf32>,
      %parallel_loop3A_656 = vector.shape_cast %parallel_loop3A_655 : vector<1x16xf32> to vector<16xf32>
      %parallel_loop3A_657 = arith.mulf %parallel_loop3A_648, %parallel_loop3A_656 : vector<16xf32>
      %parallel_loop3A_658 = arith.constant 0 : i32
      %parallel_loop3A_659 = arith.constant 0 : i32
      %parallel_loop3A_660 = tpu.memref_slice %arg8[%parallel_loop3A_478, %parallel_loop3A_658, %parallel_loop3A_659] : memref<2x80x128xf32, #tpu.memory_space<vmem>> -> memref<1x80x128xf32, #tpu.memory_space<vmem>>
      %parallel_loop3A_661 = tpu.memref_squeeze %parallel_loop3A_660 : memref<1x80x128xf32, #tpu.memory_space<vmem>> -> memref<80x128xf32, #tpu.memory_space<vmem>>
      %parallel_loop3A_662 = arith.index_cast %parallel_loop3A_536 : i32 to index
      %parallel_loop3A_663 = arith.constant 64 : index
      %parallel_loop3A_664 = tpu.vector_load %parallel_loop3A_661[%parallel_loop3A_662, %parallel_loop3A_663] {strides = array<i32>} : memref<80x128xf32, #tpu.memory_space<vmem>>, vector<1x16xf32>,
      %parallel_loop3A_665 = vector.shape_cast %parallel_loop3A_664 : vector<1x16xf32> to vector<16xf32>
      %parallel_loop3A_666 = vector.shape_cast %parallel_loop3A_657 : vector<16xf32> to vector<1x16xf32>
      tpu.vector_store %parallel_loop3A_661[%parallel_loop3A_662, %parallel_loop3A_663], %parallel_loop3A_666 {strides = array<i32>} : memref<80x128xf32, #tpu.memory_space<vmem>>, vector<1x16xf32>,
      %parallel_loop3A_667 = arith.constant 0 : i32
      %parallel_loop3A_668 = arith.constant 0 : i32
      %parallel_loop3A_669 = tpu.memref_slice %arg8[%parallel_loop3A_478, %parallel_loop3A_667, %parallel_loop3A_668] : memref<2x80x128xf32, #tpu.memory_space<vmem>> -> memref<1x80x128xf32, #tpu.memory_space<vmem>>
      %parallel_loop3A_670 = tpu.memref_squeeze %parallel_loop3A_669 : memref<1x80x128xf32, #tpu.memory_space<vmem>> -> memref<80x128xf32, #tpu.memory_space<vmem>>
      %parallel_loop3A_671 = arith.index_cast %parallel_loop3A_536 : i32 to index
      %parallel_loop3A_672 = arith.constant 80 : index
      %parallel_loop3A_673 = tpu.vector_load %parallel_loop3A_670[%parallel_loop3A_671, %parallel_loop3A_672] {strides = array<i32>} : memref<80x128xf32, #tpu.memory_space<vmem>>, vector<1x16xf32>,
      %parallel_loop3A_674 = vector.shape_cast %parallel_loop3A_673 : vector<1x16xf32> to vector<16xf32>
      %parallel_loop3A_675 = arith.constant 0 : i32
      %parallel_loop3A_676 = arith.constant 0 : i32
      %parallel_loop3A_677 = tpu.memref_slice %arg9[%parallel_loop3A_479, %parallel_loop3A_675, %parallel_loop3A_676] : memref<2x80x128xf32, #tpu.memory_space<vmem>> -> memref<1x80x128xf32, #tpu.memory_space<vmem>>
      %parallel_loop3A_678 = tpu.memref_squeeze %parallel_loop3A_677 : memref<1x80x128xf32, #tpu.memory_space<vmem>> -> memref<80x128xf32, #tpu.memory_space<vmem>>
      %parallel_loop3A_679 = arith.index_cast %parallel_loop3A_536 : i32 to index
      %parallel_loop3A_680 = arith.constant 80 : index
      %parallel_loop3A_681 = tpu.vector_load %parallel_loop3A_678[%parallel_loop3A_679, %parallel_loop3A_680] {strides = array<i32>} : memref<80x128xf32, #tpu.memory_space<vmem>>, vector<1x16xf32>,
      %parallel_loop3A_682 = vector.shape_cast %parallel_loop3A_681 : vector<1x16xf32> to vector<16xf32>
      %parallel_loop3A_683 = arith.mulf %parallel_loop3A_674, %parallel_loop3A_682 : vector<16xf32>
      %parallel_loop3A_684 = arith.constant 0 : i32
      %parallel_loop3A_685 = arith.constant 0 : i32
      %parallel_loop3A_686 = tpu.memref_slice %arg8[%parallel_loop3A_478, %parallel_loop3A_684, %parallel_loop3A_685] : memref<2x80x128xf32, #tpu.memory_space<vmem>> -> memref<1x80x128xf32, #tpu.memory_space<vmem>>
      %parallel_loop3A_687 = tpu.memref_squeeze %parallel_loop3A_686 : memref<1x80x128xf32, #tpu.memory_space<vmem>> -> memref<80x128xf32, #tpu.memory_space<vmem>>
      %parallel_loop3A_688 = arith.index_cast %parallel_loop3A_536 : i32 to index
      %parallel_loop3A_689 = arith.constant 80 : index
      %parallel_loop3A_690 = tpu.vector_load %parallel_loop3A_687[%parallel_loop3A_688, %parallel_loop3A_689] {strides = array<i32>} : memref<80x128xf32, #tpu.memory_space<vmem>>, vector<1x16xf32>,
      %parallel_loop3A_691 = vector.shape_cast %parallel_loop3A_690 : vector<1x16xf32> to vector<16xf32>
      %parallel_loop3A_692 = vector.shape_cast %parallel_loop3A_683 : vector<16xf32> to vector<1x16xf32>
      tpu.vector_store %parallel_loop3A_687[%parallel_loop3A_688, %parallel_loop3A_689], %parallel_loop3A_692 {strides = array<i32>} : memref<80x128xf32, #tpu.memory_space<vmem>>, vector<1x16xf32>,
      %parallel_loop3A_693 = arith.constant 0 : i32
      %parallel_loop3A_694 = arith.constant 0 : i32
      %parallel_loop3A_695 = tpu.memref_slice %arg8[%parallel_loop3A_478, %parallel_loop3A_693, %parallel_loop3A_694] : memref<2x80x128xf32, #tpu.memory_space<vmem>> -> memref<1x80x128xf32, #tpu.memory_space<vmem>>
      %parallel_loop3A_696 = tpu.memref_squeeze %parallel_loop3A_695 : memref<1x80x128xf32, #tpu.memory_space<vmem>> -> memref<80x128xf32, #tpu.memory_space<vmem>>
      %parallel_loop3A_697 = arith.index_cast %parallel_loop3A_536 : i32 to index
      %parallel_loop3A_698 = arith.constant 96 : index
      %parallel_loop3A_699 = tpu.vector_load %parallel_loop3A_696[%parallel_loop3A_697, %parallel_loop3A_698] {strides = array<i32>} : memref<80x128xf32, #tpu.memory_space<vmem>>, vector<1x16xf32>,
      %parallel_loop3A_700 = vector.shape_cast %parallel_loop3A_699 : vector<1x16xf32> to vector<16xf32>
      %parallel_loop3A_701 = arith.constant 0 : i32
      %parallel_loop3A_702 = arith.constant 0 : i32
      %parallel_loop3A_703 = tpu.memref_slice %arg9[%parallel_loop3A_479, %parallel_loop3A_701, %parallel_loop3A_702] : memref<2x80x128xf32, #tpu.memory_space<vmem>> -> memref<1x80x128xf32, #tpu.memory_space<vmem>>
      %parallel_loop3A_704 = tpu.memref_squeeze %parallel_loop3A_703 : memref<1x80x128xf32, #tpu.memory_space<vmem>> -> memref<80x128xf32, #tpu.memory_space<vmem>>
      %parallel_loop3A_705 = arith.index_cast %parallel_loop3A_536 : i32 to index
      %parallel_loop3A_706 = arith.constant 96 : index
      %parallel_loop3A_707 = tpu.vector_load %parallel_loop3A_704[%parallel_loop3A_705, %parallel_loop3A_706] {strides = array<i32>} : memref<80x128xf32, #tpu.memory_space<vmem>>, vector<1x16xf32>,
      %parallel_loop3A_708 = vector.shape_cast %parallel_loop3A_707 : vector<1x16xf32> to vector<16xf32>
      %parallel_loop3A_709 = arith.mulf %parallel_loop3A_700, %parallel_loop3A_708 : vector<16xf32>
      %parallel_loop3A_710 = arith.constant 0 : i32
      %parallel_loop3A_711 = arith.constant 0 : i32
      %parallel_loop3A_712 = tpu.memref_slice %arg8[%parallel_loop3A_478, %parallel_loop3A_710, %parallel_loop3A_711] : memref<2x80x128xf32, #tpu.memory_space<vmem>> -> memref<1x80x128xf32, #tpu.memory_space<vmem>>
      %parallel_loop3A_713 = tpu.memref_squeeze %parallel_loop3A_712 : memref<1x80x128xf32, #tpu.memory_space<vmem>> -> memref<80x128xf32, #tpu.memory_space<vmem>>
      %parallel_loop3A_714 = arith.index_cast %parallel_loop3A_536 : i32 to index
      %parallel_loop3A_715 = arith.constant 96 : index
      %parallel_loop3A_716 = tpu.vector_load %parallel_loop3A_713[%parallel_loop3A_714, %parallel_loop3A_715] {strides = array<i32>} : memref<80x128xf32, #tpu.memory_space<vmem>>, vector<1x16xf32>,
      %parallel_loop3A_717 = vector.shape_cast %parallel_loop3A_716 : vector<1x16xf32> to vector<16xf32>
      %parallel_loop3A_718 = vector.shape_cast %parallel_loop3A_709 : vector<16xf32> to vector<1x16xf32>
      tpu.vector_store %parallel_loop3A_713[%parallel_loop3A_714, %parallel_loop3A_715], %parallel_loop3A_718 {strides = array<i32>} : memref<80x128xf32, #tpu.memory_space<vmem>>, vector<1x16xf32>,
      %parallel_loop3A_719 = arith.constant 0 : i32
      %parallel_loop3A_720 = arith.constant 0 : i32
      %parallel_loop3A_721 = tpu.memref_slice %arg8[%parallel_loop3A_478, %parallel_loop3A_719, %parallel_loop3A_720] : memref<2x80x128xf32, #tpu.memory_space<vmem>> -> memref<1x80x128xf32, #tpu.memory_space<vmem>>
      %parallel_loop3A_722 = tpu.memref_squeeze %parallel_loop3A_721 : memref<1x80x128xf32, #tpu.memory_space<vmem>> -> memref<80x128xf32, #tpu.memory_space<vmem>>
      %parallel_loop3A_723 = arith.index_cast %parallel_loop3A_536 : i32 to index
      %parallel_loop3A_724 = arith.constant 112 : index
      %parallel_loop3A_725 = tpu.vector_load %parallel_loop3A_722[%parallel_loop3A_723, %parallel_loop3A_724] {strides = array<i32>} : memref<80x128xf32, #tpu.memory_space<vmem>>, vector<1x16xf32>,
      %parallel_loop3A_726 = vector.shape_cast %parallel_loop3A_725 : vector<1x16xf32> to vector<16xf32>
      %parallel_loop3A_727 = arith.constant 0 : i32
      %parallel_loop3A_728 = arith.constant 0 : i32
      %parallel_loop3A_729 = tpu.memref_slice %arg9[%parallel_loop3A_479, %parallel_loop3A_727, %parallel_loop3A_728] : memref<2x80x128xf32, #tpu.memory_space<vmem>> -> memref<1x80x128xf32, #tpu.memory_space<vmem>>
      %parallel_loop3A_730 = tpu.memref_squeeze %parallel_loop3A_729 : memref<1x80x128xf32, #tpu.memory_space<vmem>> -> memref<80x128xf32, #tpu.memory_space<vmem>>
      %parallel_loop3A_731 = arith.index_cast %parallel_loop3A_536 : i32 to index
      %parallel_loop3A_732 = arith.constant 112 : index
      %parallel_loop3A_733 = tpu.vector_load %parallel_loop3A_730[%parallel_loop3A_731, %parallel_loop3A_732] {strides = array<i32>} : memref<80x128xf32, #tpu.memory_space<vmem>>, vector<1x16xf32>,
      %parallel_loop3A_734 = vector.shape_cast %parallel_loop3A_733 : vector<1x16xf32> to vector<16xf32>
      %parallel_loop3A_735 = arith.mulf %parallel_loop3A_726, %parallel_loop3A_734 : vector<16xf32>
      %parallel_loop3A_736 = arith.constant 0 : i32
      %parallel_loop3A_737 = arith.constant 0 : i32
      %parallel_loop3A_738 = tpu.memref_slice %arg8[%parallel_loop3A_478, %parallel_loop3A_736, %parallel_loop3A_737] : memref<2x80x128xf32, #tpu.memory_space<vmem>> -> memref<1x80x128xf32, #tpu.memory_space<vmem>>
      %parallel_loop3A_739 = tpu.memref_squeeze %parallel_loop3A_738 : memref<1x80x128xf32, #tpu.memory_space<vmem>> -> memref<80x128xf32, #tpu.memory_space<vmem>>
      %parallel_loop3A_740 = arith.index_cast %parallel_loop3A_536 : i32 to index
      %parallel_loop3A_741 = arith.constant 112 : index
      %parallel_loop3A_742 = tpu.vector_load %parallel_loop3A_739[%parallel_loop3A_740, %parallel_loop3A_741] {strides = array<i32>} : memref<80x128xf32, #tpu.memory_space<vmem>>, vector<1x16xf32>,
      %parallel_loop3A_743 = vector.shape_cast %parallel_loop3A_742 : vector<1x16xf32> to vector<16xf32>
      %parallel_loop3A_744 = vector.shape_cast %parallel_loop3A_735 : vector<16xf32> to vector<1x16xf32>
      tpu.vector_store %parallel_loop3A_739[%parallel_loop3A_740, %parallel_loop3A_741], %parallel_loop3A_744 {strides = array<i32>} : memref<80x128xf32, #tpu.memory_space<vmem>>, vector<1x16xf32>,
    } {sc.loop_unroll_factor = 4 : i64, sc.parallel_access}
    %add3A_480 = arith.constant 3968 : i32
    %add3A_481 = arith.addi %add3A, %add3A_480 : i32
    %mul3A_482 = arith.constant 80 : i32
    %mul3A_483 = arith.muli %add3A_481, %mul3A_482 : i32
    %add3A_484 = arith.constant 320000 : i32
    %add3A_485 = arith.addi %add3A_484, %mul3A_483 : i32
    %dma_wait3A_486 = arith.constant 0 : i32
    %dma_wait3A_487 = arith.constant 0 : i32
    %dma_wait3A_488 = arith.constant 0 : i32
    %dma_wait3A_489 = tpu.memref_slice %arg7[%dma_wait3A_486, %dma_wait3A_488] : memref<2x80xi32, #tpu.memory_space<vmem>> -> memref<1x80xi32, #tpu.memory_space<vmem>>
    %dma_wait3A_490 = tpu.memref_squeeze %dma_wait3A_489 : memref<1x80xi32, #tpu.memory_space<vmem>> -> memref<80xi32, #tpu.memory_space<vmem>>
    %dma_wait3A_491 = tpu.memref_slice %arg4[%add3A_485] : memref<640000xi32, #tpu.memory_space<hbm>> -> memref<80xi32, #tpu.memory_space<hbm>>
    %dma_wait3A_492 = tpu.memref_slice %arg13[%dma_wait3A_487] : memref<2x!tpu.dma_semaphore, #tpu.memory_space<semaphore_mem>> -> memref<1x!tpu.dma_semaphore, #tpu.memory_space<semaphore_mem>>
    %dma_wait3A_493 = tpu.memref_squeeze %dma_wait3A_492 : memref<1x!tpu.dma_semaphore, #tpu.memory_space<semaphore_mem>> -> memref<!tpu.dma_semaphore, #tpu.memory_space<semaphore_mem>>
    %dma_wait3A_494 = arith.constant 0 : i32
    %dma_wait3A_495 = tpu.memref_slice %arg7[%dma_wait3A_486, %dma_wait3A_494] : memref<2x80xi32, #tpu.memory_space<vmem>> -> memref<1x80xi32, #tpu.memory_space<vmem>>
    %dma_wait3A_496 = tpu.memref_squeeze %dma_wait3A_495 : memref<1x80xi32, #tpu.memory_space<vmem>> -> memref<80xi32, #tpu.memory_space<vmem>>
    %dma_wait3A_497 = tpu.memref_slice %arg4[%add3A_485] : memref<640000xi32, #tpu.memory_space<hbm>> -> memref<80xi32, #tpu.memory_space<hbm>>
    tpu.wait_dma2 semaphore(%dma_wait3A_493 : memref<!tpu.dma_semaphore, #tpu.memory_space<semaphore_mem>>) src(%dma_wait3A_497 : memref<80xi32, #tpu.memory_space<hbm>>) dst(%dma_wait3A_496 : memref<80xi32, #tpu.memory_space<vmem>>)
    %dma_start3A_498 = arith.constant 0 : i32
    %dma_start3A_499 = arith.constant 0 : i32
    %dma_start3A_500 = arith.constant 0 : i32
    %dma_start3A_501 = arith.constant 0 : i32
    %dma_start3A_502 = arith.constant 0 : i32
    %dma_start3A_503 = tpu.memref_slice %arg8[%dma_start3A_498, %dma_start3A_501, %dma_start3A_502] : memref<2x80x128xf32, #tpu.memory_space<vmem>> -> memref<1x80x128xf32, #tpu.memory_space<vmem>>
    %dma_start3A_504 = tpu.memref_squeeze %dma_start3A_503 : memref<1x80x128xf32, #tpu.memory_space<vmem>> -> memref<80x128xf32, #tpu.memory_space<vmem>>
    %dma_start3A_505 = arith.constant 0 : i32
    %dma_start3A_506 = tpu.memref_slice %arg7[%dma_start3A_499, %dma_start3A_505] : memref<2x80xi32, #tpu.memory_space<vmem>> -> memref<1x80xi32, #tpu.memory_space<vmem>>
    %dma_start3A_507 = tpu.memref_squeeze %dma_start3A_506 : memref<1x80xi32, #tpu.memory_space<vmem>> -> memref<80xi32, #tpu.memory_space<vmem>>
    %dma_start3A_508 = arith.constant 0 : i32
    %dma_start3A_509 = arith.constant 0 : i32
    %dma_start3A_510 = tpu.memref_slice %arg11[%dma_start3A_508, %dma_start3A_509] : memref<10000x128xf32, #tpu.memory_space<vmem_shared>> -> memref<10000x128xf32, #tpu.memory_space<vmem_shared>>
    %dma_start3A_511 = tpu.memref_slice %arg16[%dma_start3A_500] : memref<2x!tpu.dma_semaphore, #tpu.memory_space<semaphore_mem>> -> memref<1x!tpu.dma_semaphore, #tpu.memory_space<semaphore_mem>>
    %dma_start3A_512 = tpu.memref_squeeze %dma_start3A_511 : memref<1x!tpu.dma_semaphore, #tpu.memory_space<semaphore_mem>> -> memref<!tpu.dma_semaphore, #tpu.memory_space<semaphore_mem>>
    tpu.enqueue_indirect_dma source(%dma_start3A_504 : memref<80x128xf32, #tpu.memory_space<vmem>>) target(%dma_start3A_510 : memref<10000x128xf32, #tpu.memory_space<vmem_shared>>) offsets(%dma_start3A_507 : memref<80xi32, #tpu.memory_space<vmem>>) semaphore(%dma_start3A_512 : memref<!tpu.dma_semaphore, #tpu.memory_space<semaphore_mem>>) {add = true}
    %dma_wait3A_513 = arith.constant 0 : i32
    %dma_wait3A_514 = arith.constant 0 : i32
    %dma_wait3A_515 = arith.constant 0 : i32
    %dma_wait3A_516 = arith.constant 0 : i32
    %dma_wait3A_517 = arith.constant 0 : i32
    %dma_wait3A_518 = tpu.memref_slice %arg8[%dma_wait3A_513, %dma_wait3A_516, %dma_wait3A_517] : memref<2x80x128xf32, #tpu.memory_space<vmem>> -> memref<1x80x128xf32, #tpu.memory_space<vmem>>
    %dma_wait3A_519 = tpu.memref_squeeze %dma_wait3A_518 : memref<1x80x128xf32, #tpu.memory_space<vmem>> -> memref<80x128xf32, #tpu.memory_space<vmem>>
    %dma_wait3A_520 = arith.constant 0 : i32
    %dma_wait3A_521 = tpu.memref_slice %arg7[%dma_wait3A_514, %dma_wait3A_520] : memref<2x80xi32, #tpu.memory_space<vmem>> -> memref<1x80xi32, #tpu.memory_space<vmem>>
    %dma_wait3A_522 = tpu.memref_squeeze %dma_wait3A_521 : memref<1x80xi32, #tpu.memory_space<vmem>> -> memref<80xi32, #tpu.memory_space<vmem>>
    %dma_wait3A_523 = arith.constant 0 : i32
    %dma_wait3A_524 = arith.constant 0 : i32
    %dma_wait3A_525 = tpu.memref_slice %arg11[%dma_wait3A_523, %dma_wait3A_524] : memref<10000x128xf32, #tpu.memory_space<vmem_shared>> -> memref<10000x128xf32, #tpu.memory_space<vmem_shared>>
    %dma_wait3A_526 = tpu.memref_slice %arg16[%dma_wait3A_515] : memref<2x!tpu.dma_semaphore, #tpu.memory_space<semaphore_mem>> -> memref<1x!tpu.dma_semaphore, #tpu.memory_space<semaphore_mem>>
    %dma_wait3A_527 = tpu.memref_squeeze %dma_wait3A_526 : memref<1x!tpu.dma_semaphore, #tpu.memory_space<semaphore_mem>> -> memref<!tpu.dma_semaphore, #tpu.memory_space<semaphore_mem>>
    tpu.wait_indirect_dma semaphore(%dma_wait3A_527 : memref<!tpu.dma_semaphore, #tpu.memory_space<semaphore_mem>>) src(%dma_wait3A_519 : memref<80x128xf32, #tpu.memory_space<vmem>>) dst(%dma_wait3A_525 : memref<10000x128xf32, #tpu.memory_space<vmem_shared>>)
    %barrier3A_528 = arith.constant 0 : index
    tpu.barrier barrier_id(%barrier3A_528)
    %lt3A = arith.constant 15 : i32
    %lt3A_529 = arith.cmpi slt, %arg1, %lt3A : i32
    %convert_element_type3A = arith.extui %lt3A_529 : i1 to i32
    %cond3A = arith.constant 0 : i32
    %cond3A_530 = arith.cmpi ne, %convert_element_type3A, %cond3A : i32
    scf.if %cond3A_530 {
      "tpu.region"() ({
        %run_scoped3A = tpu.sem_alloc : memref<!tpu.dma_semaphore, #tpu.memory_space<semaphore_mem>>
        %dma_start3A_536 = arith.constant 0 : i32
        %dma_start3A_537 = tpu.memref_slice %arg5[%arg0, %mul3A_83, %dma_start3A_536] : memref<2x10000x128xf32, #tpu.memory_space<hbm>> -> memref<1x624x128xf32, #tpu.memory_space<hbm>>
        %dma_start3A_538 = tpu.memref_squeeze %dma_start3A_537 : memref<1x624x128xf32, #tpu.memory_space<hbm>> -> memref<624x128xf32, #tpu.memory_space<hbm>>
        %dma_start3A_539 = arith.constant 0 : i32
        %dma_start3A_540 = tpu.memref_slice %arg11[%mul3A_83, %dma_start3A_539] : memref<10000x128xf32, #tpu.memory_space<vmem_shared>> -> memref<624x128xf32, #tpu.memory_space<vmem_shared>>
        tpu.enqueue_dma source(%dma_start3A_540 : memref<624x128xf32, #tpu.memory_space<vmem_shared>>) target(%dma_start3A_538 : memref<624x128xf32, #tpu.memory_space<hbm>>) target_semaphore(%run_scoped3A : memref<!tpu.dma_semaphore, #tpu.memory_space<semaphore_mem>>)
        %dma_wait3A_541 = arith.constant 0 : i32
        %dma_wait3A_542 = tpu.memref_slice %arg5[%arg0, %mul3A_83, %dma_wait3A_541] : memref<2x10000x128xf32, #tpu.memory_space<hbm>> -> memref<1x624x128xf32, #tpu.memory_space<hbm>>
        %dma_wait3A_543 = tpu.memref_squeeze %dma_wait3A_542 : memref<1x624x128xf32, #tpu.memory_space<hbm>> -> memref<624x128xf32, #tpu.memory_space<hbm>>
        %dma_wait3A_544 = arith.constant 0 : i32
        %dma_wait3A_545 = tpu.memref_slice %arg11[%mul3A_83, %dma_wait3A_544] : memref<10000x128xf32, #tpu.memory_space<vmem_shared>> -> memref<624x128xf32, #tpu.memory_space<vmem_shared>>
        tpu.wait_dma2 semaphore(%run_scoped3A : memref<!tpu.dma_semaphore, #tpu.memory_space<semaphore_mem>>) src(%dma_wait3A_545 : memref<624x128xf32, #tpu.memory_space<vmem_shared>>) dst(%dma_wait3A_543 : memref<624x128xf32, #tpu.memory_space<hbm>>)
        tpu.yield
      }) : () -> ()
    } else {
    }
    %eq3A_531 = arith.constant 15 : i32
    %eq3A_532 = arith.cmpi eq, %arg1, %eq3A_531 : i32
    %convert_element_type3A_533 = arith.extui %eq3A_532 : i1 to i32
    %cond3A_534 = arith.constant 0 : i32
    %cond3A_535 = arith.cmpi ne, %convert_element_type3A_533, %cond3A_534 : i32
    scf.if %cond3A_535 {
      "tpu.region"() ({
        %run_scoped3A = tpu.sem_alloc : memref<!tpu.dma_semaphore, #tpu.memory_space<semaphore_mem>>
        %dma_start3A_536 = arith.constant 9360 : i32
        %dma_start3A_537 = arith.constant 0 : i32
        %dma_start3A_538 = tpu.memref_slice %arg5[%arg0, %dma_start3A_536, %dma_start3A_537] : memref<2x10000x128xf32, #tpu.memory_space<hbm>> -> memref<1x640x128xf32, #tpu.memory_space<hbm>>
        %dma_start3A_539 = tpu.memref_squeeze %dma_start3A_538 : memref<1x640x128xf32, #tpu.memory_space<hbm>> -> memref<640x128xf32, #tpu.memory_space<hbm>>
        %dma_start3A_540 = arith.constant 9360 : i32
        %dma_start3A_541 = arith.constant 0 : i32
        %dma_start3A_542 = tpu.memref_slice %arg11[%dma_start3A_540, %dma_start3A_541] : memref<10000x128xf32, #tpu.memory_space<vmem_shared>> -> memref<640x128xf32, #tpu.memory_space<vmem_shared>>
        tpu.enqueue_dma source(%dma_start3A_542 : memref<640x128xf32, #tpu.memory_space<vmem_shared>>) target(%dma_start3A_539 : memref<640x128xf32, #tpu.memory_space<hbm>>) target_semaphore(%run_scoped3A : memref<!tpu.dma_semaphore, #tpu.memory_space<semaphore_mem>>)
        %dma_wait3A_543 = arith.constant 9360 : i32
        %dma_wait3A_544 = arith.constant 0 : i32
        %dma_wait3A_545 = tpu.memref_slice %arg5[%arg0, %dma_wait3A_543, %dma_wait3A_544] : memref<2x10000x128xf32, #tpu.memory_space<hbm>> -> memref<1x640x128xf32, #tpu.memory_space<hbm>>
        %dma_wait3A_546 = tpu.memref_squeeze %dma_wait3A_545 : memref<1x640x128xf32, #tpu.memory_space<hbm>> -> memref<640x128xf32, #tpu.memory_space<hbm>>
        %dma_wait3A_547 = arith.constant 9360 : i32
        %dma_wait3A_548 = arith.constant 0 : i32
        %dma_wait3A_549 = tpu.memref_slice %arg11[%dma_wait3A_547, %dma_wait3A_548] : memref<10000x128xf32, #tpu.memory_space<vmem_shared>> -> memref<640x128xf32, #tpu.memory_space<vmem_shared>>
        tpu.wait_dma2 semaphore(%run_scoped3A : memref<!tpu.dma_semaphore, #tpu.memory_space<semaphore_mem>>) src(%dma_wait3A_549 : memref<640x128xf32, #tpu.memory_space<vmem_shared>>) dst(%dma_wait3A_546 : memref<640x128xf32, #tpu.memory_space<hbm>>)
        tpu.yield
      }) : () -> ()
    } else {
    }
    return
  }
}

module attributes {stable_mosaic.version = 14 : i64} {
  func.func @_mlp_body(%arg0: i32, %arg1: memref<2x2000x128xf32, #tpu.memory_space<vmem>>, %arg2: memref<2000x128xf32, #tpu.memory_space<vmem>>, %arg3: memref<2000x128xf32, #tpu.memory_space<vmem>>, %arg4: memref<1x128xf32, #tpu.memory_space<vmem>>, %arg5: memref<128x128xf32, #tpu.memory_space<vmem>>, %arg6: memref<1x128xf32, #tpu.memory_space<vmem>>, %arg7: memref<128x128xf32, #tpu.memory_space<vmem>>, %arg8: memref<1x128xf32, #tpu.memory_space<vmem>>, %arg9: memref<128x128xf32, #tpu.memory_space<vmem>>, %arg10: memref<1x128xf32, #tpu.memory_space<vmem>>, %arg11: memref<128x128xf32, #tpu.memory_space<vmem>>, %arg12: memref<1x128xf32, #tpu.memory_space<vmem>>, %arg13: memref<128x128xf32, #tpu.memory_space<vmem>>, %arg14: memref<1x128xf32, #tpu.memory_space<vmem>>, %arg15: memref<128x128xf32, #tpu.memory_space<vmem>>, %arg16: memref<1x128xf32, #tpu.memory_space<vmem>>, %arg17: memref<128x128xf32, #tpu.memory_space<vmem>>, %arg18: memref<1x128xf32, #tpu.memory_space<vmem>>, %arg19: memref<2000x128xf32, #tpu.memory_space<vmem>>, %arg20: memref<2000x128xf32, #tpu.memory_space<vmem>>) attributes {dimension_semantics = [#tpu.dimension_semantics<arbitrary>], iteration_bounds = array<i64: 5>, scalar_prefetch = 0 : i64, scratch_operands = 0 : i64, tpu.core_type = #tpu.core_type<tc>, window_params = [{transform_indices = @transform_0, window_bounds = array<i64: 2, 2000, 128>}, {transform_indices = @transform_1, window_bounds = array<i64: 2000, 128>}, {transform_indices = @transform_2, window_bounds = array<i64: 2000, 128>}, {pipeline_mode = #tpu.pipeline_mode<synchronous>, transform_indices = @transform_3, window_bounds = array<i64: 1, 128>}, {pipeline_mode = #tpu.pipeline_mode<synchronous>, transform_indices = @transform_4, window_bounds = array<i64: 128, 128>}, {pipeline_mode = #tpu.pipeline_mode<synchronous>, transform_indices = @transform_5, window_bounds = array<i64: 1, 128>}, {pipeline_mode = #tpu.pipeline_mode<synchronous>, transform_indices = @transform_6, window_bounds = array<i64: 128, 128>}, {pipeline_mode = #tpu.pipeline_mode<synchronous>, transform_indices = @transform_7, window_bounds = array<i64: 1, 128>}, {pipeline_mode = #tpu.pipeline_mode<synchronous>, transform_indices = @transform_8, window_bounds = array<i64: 128, 128>}, {pipeline_mode = #tpu.pipeline_mode<synchronous>, transform_indices = @transform_9, window_bounds = array<i64: 1, 128>}, {pipeline_mode = #tpu.pipeline_mode<synchronous>, transform_indices = @transform_10, window_bounds = array<i64: 128, 128>}, {pipeline_mode = #tpu.pipeline_mode<synchronous>, transform_indices = @transform_11, window_bounds = array<i64: 1, 128>}, {pipeline_mode = #tpu.pipeline_mode<synchronous>, transform_indices = @transform_12, window_bounds = array<i64: 128, 128>}, {pipeline_mode = #tpu.pipeline_mode<synchronous>, transform_indices = @transform_13, window_bounds = array<i64: 1, 128>}, {pipeline_mode = #tpu.pipeline_mode<synchronous>, transform_indices = @transform_14, window_bounds = array<i64: 128, 128>}, {pipeline_mode = #tpu.pipeline_mode<synchronous>, transform_indices = @transform_15, window_bounds = array<i64: 1, 128>}, {pipeline_mode = #tpu.pipeline_mode<synchronous>, transform_indices = @transform_16, window_bounds = array<i64: 128, 128>}, {pipeline_mode = #tpu.pipeline_mode<synchronous>, transform_indices = @transform_17, window_bounds = array<i64: 1, 128>}, {transform_indices = @transform_18, window_bounds = array<i64: 2000, 128>}, {transform_indices = @transform_19, window_bounds = array<i64: 2000, 128>}]} {
    %get3A = arith.constant 0 : index
    %get3A_0 = arith.constant 0 : index
    %get3A_1 = vector.load %arg2[%get3A, %get3A_0] : memref<2000x128xf32, #tpu.memory_space<vmem>>, vector<2000x128xf32>
    %get3A_2 = arith.constant 0 : index
    %get3A_3 = arith.constant 0 : index
    %get3A_4 = arith.constant 0 : index
    %get3A_5 = vector.load %arg1[%get3A_2, %get3A_3, %get3A_4] : memref<2x2000x128xf32, #tpu.memory_space<vmem>>, vector<1x2000x128xf32>
    %get3A_6 = vector.shape_cast %get3A_5 : vector<1x2000x128xf32> to vector<2000x128xf32>
    %add3A = arith.addf %get3A_1, %get3A_6 : vector<2000x128xf32>
    %get3A_7 = arith.constant 1 : index
    %get3A_8 = arith.constant 0 : index
    %get3A_9 = arith.constant 0 : index
    %get3A_10 = vector.load %arg1[%get3A_7, %get3A_8, %get3A_9] : memref<2x2000x128xf32, #tpu.memory_space<vmem>>, vector<1x2000x128xf32>
    %get3A_11 = vector.shape_cast %get3A_10 : vector<1x2000x128xf32> to vector<2000x128xf32>
    %add3A_12 = arith.addf %add3A, %get3A_11 : vector<2000x128xf32>
    %swap3A = arith.constant 0 : index
    %swap3A_13 = arith.constant 0 : index
    %swap3A_14 = vector.load %arg20[%swap3A, %swap3A_13] : memref<2000x128xf32, #tpu.memory_space<vmem>>, vector<2000x128xf32>
    tpu.vector_store %arg20[%swap3A, %swap3A_13], %add3A_12 {strides = array<i32>} : memref<2000x128xf32, #tpu.memory_space<vmem>>, vector<2000x128xf32>,
    %max3A = arith.constant 0.000000e+00 : f32
    %max3A_15 = vector.broadcast %max3A : f32 to vector<2000x128xf32>
    %max3A_16 = arith.maximumf %add3A_12, %max3A_15 : vector<2000x128xf32>
    %get3A_17 = arith.constant 0 : index
    %get3A_18 = arith.constant 0 : index
    %get3A_19 = vector.load %arg5[%get3A_17, %get3A_18] : memref<128x128xf32, #tpu.memory_space<vmem>>, vector<128x128xf32>
    %dot_general3A = arith.constant dense<0.000000e+00> : vector<2000x128xf32>
    %dot_general3A_20 = tpu.matmul %max3A_16, %get3A_19, %dot_general3A {dimension_numbers = #tpu.dot_dimension_numbers<[1], [1], [0], [0], [0, 0, 1, 0], [], []>, transpose_lhs_hint = false} : vector<2000x128xf32>, vector<128x128xf32>, vector<2000x128xf32> -> vector<2000x128xf32>
    %get3A_21 = arith.constant 0 : index
    %get3A_22 = arith.constant 0 : index
    %get3A_23 = vector.load %arg6[%get3A_21, %get3A_22] : memref<1x128xf32, #tpu.memory_space<vmem>>, vector<1x128xf32>
    %add3A_24 = vector.broadcast %get3A_23 : vector<1x128xf32> to vector<2000x128xf32>
    %add3A_25 = arith.addf %dot_general3A_20, %add3A_24 : vector<2000x128xf32>
    %max3A_26 = arith.constant 0.000000e+00 : f32
    %max3A_27 = vector.broadcast %max3A_26 : f32 to vector<2000x128xf32>
    %max3A_28 = arith.maximumf %add3A_25, %max3A_27 : vector<2000x128xf32>
    %get3A_29 = arith.constant 0 : index
    %get3A_30 = arith.constant 0 : index
    %get3A_31 = vector.load %arg7[%get3A_29, %get3A_30] : memref<128x128xf32, #tpu.memory_space<vmem>>, vector<128x128xf32>
    %dot_general3A_32 = arith.constant dense<0.000000e+00> : vector<2000x128xf32>
    %dot_general3A_33 = tpu.matmul %max3A_28, %get3A_31, %dot_general3A_32 {dimension_numbers = #tpu.dot_dimension_numbers<[1], [1], [0], [0], [0, 0, 1, 0], [], []>, transpose_lhs_hint = false} : vector<2000x128xf32>, vector<128x128xf32>, vector<2000x128xf32> -> vector<2000x128xf32>
    %get3A_34 = arith.constant 0 : index
    %get3A_35 = arith.constant 0 : index
    %get3A_36 = vector.load %arg8[%get3A_34, %get3A_35] : memref<1x128xf32, #tpu.memory_space<vmem>>, vector<1x128xf32>
    %add3A_37 = vector.broadcast %get3A_36 : vector<1x128xf32> to vector<2000x128xf32>
    %add3A_38 = arith.addf %dot_general3A_33, %add3A_37 : vector<2000x128xf32>
    %add3A_39 = arith.addf %add3A_12, %add3A_38 : vector<2000x128xf32>
    %max3A_40 = arith.constant 0.000000e+00 : f32
    %max3A_41 = vector.broadcast %max3A_40 : f32 to vector<2000x128xf32>
    %max3A_42 = arith.maximumf %add3A_39, %max3A_41 : vector<2000x128xf32>
    %get3A_43 = arith.constant 0 : index
    %get3A_44 = arith.constant 0 : index
    %get3A_45 = vector.load %arg9[%get3A_43, %get3A_44] : memref<128x128xf32, #tpu.memory_space<vmem>>, vector<128x128xf32>
    %dot_general3A_46 = arith.constant dense<0.000000e+00> : vector<2000x128xf32>
    %dot_general3A_47 = tpu.matmul %max3A_42, %get3A_45, %dot_general3A_46 {dimension_numbers = #tpu.dot_dimension_numbers<[1], [1], [0], [0], [0, 0, 1, 0], [], []>, transpose_lhs_hint = false} : vector<2000x128xf32>, vector<128x128xf32>, vector<2000x128xf32> -> vector<2000x128xf32>
    %get3A_48 = arith.constant 0 : index
    %get3A_49 = arith.constant 0 : index
    %get3A_50 = vector.load %arg10[%get3A_48, %get3A_49] : memref<1x128xf32, #tpu.memory_space<vmem>>, vector<1x128xf32>
    %add3A_51 = vector.broadcast %get3A_50 : vector<1x128xf32> to vector<2000x128xf32>
    %add3A_52 = arith.addf %dot_general3A_47, %add3A_51 : vector<2000x128xf32>
    %max3A_53 = arith.constant 0.000000e+00 : f32
    %max3A_54 = vector.broadcast %max3A_53 : f32 to vector<2000x128xf32>
    %max3A_55 = arith.maximumf %add3A_52, %max3A_54 : vector<2000x128xf32>
    %get3A_56 = arith.constant 0 : index
    %get3A_57 = arith.constant 0 : index
    %get3A_58 = vector.load %arg11[%get3A_56, %get3A_57] : memref<128x128xf32, #tpu.memory_space<vmem>>, vector<128x128xf32>
    %dot_general3A_59 = arith.constant dense<0.000000e+00> : vector<2000x128xf32>
    %dot_general3A_60 = tpu.matmul %max3A_55, %get3A_58, %dot_general3A_59 {dimension_numbers = #tpu.dot_dimension_numbers<[1], [1], [0], [0], [0, 0, 1, 0], [], []>, transpose_lhs_hint = false} : vector<2000x128xf32>, vector<128x128xf32>, vector<2000x128xf32> -> vector<2000x128xf32>
    %get3A_61 = arith.constant 0 : index
    %get3A_62 = arith.constant 0 : index
    %get3A_63 = vector.load %arg12[%get3A_61, %get3A_62] : memref<1x128xf32, #tpu.memory_space<vmem>>, vector<1x128xf32>
    %add3A_64 = vector.broadcast %get3A_63 : vector<1x128xf32> to vector<2000x128xf32>
    %add3A_65 = arith.addf %dot_general3A_60, %add3A_64 : vector<2000x128xf32>
    %add3A_66 = arith.addf %add3A_39, %add3A_65 : vector<2000x128xf32>
    %max3A_67 = arith.constant 0.000000e+00 : f32
    %max3A_68 = vector.broadcast %max3A_67 : f32 to vector<2000x128xf32>
    %max3A_69 = arith.maximumf %add3A_66, %max3A_68 : vector<2000x128xf32>
    %get3A_70 = arith.constant 0 : index
    %get3A_71 = arith.constant 0 : index
    %get3A_72 = vector.load %arg13[%get3A_70, %get3A_71] : memref<128x128xf32, #tpu.memory_space<vmem>>, vector<128x128xf32>
    %dot_general3A_73 = arith.constant dense<0.000000e+00> : vector<2000x128xf32>
    %dot_general3A_74 = tpu.matmul %max3A_69, %get3A_72, %dot_general3A_73 {dimension_numbers = #tpu.dot_dimension_numbers<[1], [1], [0], [0], [0, 0, 1, 0], [], []>, transpose_lhs_hint = false} : vector<2000x128xf32>, vector<128x128xf32>, vector<2000x128xf32> -> vector<2000x128xf32>
    %get3A_75 = arith.constant 0 : index
    %get3A_76 = arith.constant 0 : index
    %get3A_77 = vector.load %arg14[%get3A_75, %get3A_76] : memref<1x128xf32, #tpu.memory_space<vmem>>, vector<1x128xf32>
    %add3A_78 = vector.broadcast %get3A_77 : vector<1x128xf32> to vector<2000x128xf32>
    %add3A_79 = arith.addf %dot_general3A_74, %add3A_78 : vector<2000x128xf32>
    %max3A_80 = arith.constant 0.000000e+00 : f32
    %max3A_81 = vector.broadcast %max3A_80 : f32 to vector<2000x128xf32>
    %max3A_82 = arith.maximumf %add3A_79, %max3A_81 : vector<2000x128xf32>
    %get3A_83 = arith.constant 0 : index
    %get3A_84 = arith.constant 0 : index
    %get3A_85 = vector.load %arg15[%get3A_83, %get3A_84] : memref<128x128xf32, #tpu.memory_space<vmem>>, vector<128x128xf32>
    %dot_general3A_86 = arith.constant dense<0.000000e+00> : vector<2000x128xf32>
    %dot_general3A_87 = tpu.matmul %max3A_82, %get3A_85, %dot_general3A_86 {dimension_numbers = #tpu.dot_dimension_numbers<[1], [1], [0], [0], [0, 0, 1, 0], [], []>, transpose_lhs_hint = false} : vector<2000x128xf32>, vector<128x128xf32>, vector<2000x128xf32> -> vector<2000x128xf32>
    %get3A_88 = arith.constant 0 : index
    %get3A_89 = arith.constant 0 : index
    %get3A_90 = vector.load %arg16[%get3A_88, %get3A_89] : memref<1x128xf32, #tpu.memory_space<vmem>>, vector<1x128xf32>
    %add3A_91 = vector.broadcast %get3A_90 : vector<1x128xf32> to vector<2000x128xf32>
    %add3A_92 = arith.addf %dot_general3A_87, %add3A_91 : vector<2000x128xf32>
    %add3A_93 = arith.addf %add3A_66, %add3A_92 : vector<2000x128xf32>
    %max3A_94 = arith.constant 0.000000e+00 : f32
    %max3A_95 = vector.broadcast %max3A_94 : f32 to vector<2000x128xf32>
    %max3A_96 = arith.maximumf %add3A_93, %max3A_95 : vector<2000x128xf32>
    %get3A_97 = arith.constant 0 : index
    %get3A_98 = arith.constant 0 : index
    %get3A_99 = vector.load %arg17[%get3A_97, %get3A_98] : memref<128x128xf32, #tpu.memory_space<vmem>>, vector<128x128xf32>
    %dot_general3A_100 = arith.constant dense<0.000000e+00> : vector<2000x128xf32>
    %dot_general3A_101 = tpu.matmul %max3A_96, %get3A_99, %dot_general3A_100 {dimension_numbers = #tpu.dot_dimension_numbers<[1], [1], [0], [0], [0, 0, 1, 0], [], []>, transpose_lhs_hint = false} : vector<2000x128xf32>, vector<128x128xf32>, vector<2000x128xf32> -> vector<2000x128xf32>
    %get3A_102 = arith.constant 0 : index
    %get3A_103 = arith.constant 0 : index
    %get3A_104 = vector.load %arg18[%get3A_102, %get3A_103] : memref<1x128xf32, #tpu.memory_space<vmem>>, vector<1x128xf32>
    %add3A_105 = vector.broadcast %get3A_104 : vector<1x128xf32> to vector<2000x128xf32>
    %add3A_106 = arith.addf %dot_general3A_101, %add3A_105 : vector<2000x128xf32>
    %get3A_107 = arith.constant 0 : index
    %get3A_108 = arith.constant 0 : index
    %get3A_109 = vector.load %arg3[%get3A_107, %get3A_108] : memref<2000x128xf32, #tpu.memory_space<vmem>>, vector<2000x128xf32>
    %get3A_110 = arith.constant 0 : index
    %get3A_111 = arith.constant 0 : index
    %get3A_112 = vector.load %arg4[%get3A_110, %get3A_111] : memref<1x128xf32, #tpu.memory_space<vmem>>, vector<1x128xf32>
    %mul3A = vector.broadcast %get3A_112 : vector<1x128xf32> to vector<2000x128xf32>
    %mul3A_113 = arith.mulf %get3A_109, %mul3A : vector<2000x128xf32>
    %add3A_114 = arith.addf %add3A_106, %mul3A_113 : vector<2000x128xf32>
    %swap3A_115 = arith.constant 0 : index
    %swap3A_116 = arith.constant 0 : index
    %swap3A_117 = vector.load %arg19[%swap3A_115, %swap3A_116] : memref<2000x128xf32, #tpu.memory_space<vmem>>, vector<2000x128xf32>
    tpu.vector_store %arg19[%swap3A_115, %swap3A_116], %add3A_114 {strides = array<i32>} : memref<2000x128xf32, #tpu.memory_space<vmem>>, vector<2000x128xf32>,
    return
  }
  func.func @transform_0(%arg0: i32) -> (i32, i32, i32) {
    %c0_i32 = arith.constant 0 : i32
    %c0_i32_0 = arith.constant 0 : i32
    %c0_i32_1 = arith.constant 0 : i32
    return %c0_i32, %arg0, %c0_i32_0 : i32, i32, i32
  }
  func.func @transform_1(%arg0: i32) -> (i32, i32) {
    %c0_i32 = arith.constant 0 : i32
    %c0_i32_0 = arith.constant 0 : i32
    return %arg0, %c0_i32 : i32, i32
  }
  func.func @transform_2(%arg0: i32) -> (i32, i32) {
    %c0_i32 = arith.constant 0 : i32
    %c0_i32_0 = arith.constant 0 : i32
    return %arg0, %c0_i32 : i32, i32
  }
  func.func @transform_3(%arg0: i32) -> (i32, i32) {
    %c0_i32 = arith.constant 0 : i32
    %c0_i32_0 = arith.constant 0 : i32
    %c0_i32_1 = arith.constant 0 : i32
    return %c0_i32, %c0_i32_0 : i32, i32
  }
  func.func @transform_4(%arg0: i32) -> (i32, i32) {
    %c0_i32 = arith.constant 0 : i32
    %c0_i32_0 = arith.constant 0 : i32
    %c0_i32_1 = arith.constant 0 : i32
    return %c0_i32, %c0_i32_0 : i32, i32
  }
  func.func @transform_5(%arg0: i32) -> (i32, i32) {
    %c0_i32 = arith.constant 0 : i32
    %c0_i32_0 = arith.constant 0 : i32
    %c0_i32_1 = arith.constant 0 : i32
    return %c0_i32, %c0_i32_0 : i32, i32
  }
  func.func @transform_6(%arg0: i32) -> (i32, i32) {
    %c0_i32 = arith.constant 0 : i32
    %c0_i32_0 = arith.constant 0 : i32
    %c0_i32_1 = arith.constant 0 : i32
    return %c0_i32, %c0_i32_0 : i32, i32
  }
  func.func @transform_7(%arg0: i32) -> (i32, i32) {
    %c0_i32 = arith.constant 0 : i32
    %c0_i32_0 = arith.constant 0 : i32
    %c0_i32_1 = arith.constant 0 : i32
    return %c0_i32, %c0_i32_0 : i32, i32
  }
  func.func @transform_8(%arg0: i32) -> (i32, i32) {
    %c0_i32 = arith.constant 0 : i32
    %c0_i32_0 = arith.constant 0 : i32
    %c0_i32_1 = arith.constant 0 : i32
    return %c0_i32, %c0_i32_0 : i32, i32
  }
  func.func @transform_9(%arg0: i32) -> (i32, i32) {
    %c0_i32 = arith.constant 0 : i32
    %c0_i32_0 = arith.constant 0 : i32
    %c0_i32_1 = arith.constant 0 : i32
    return %c0_i32, %c0_i32_0 : i32, i32
  }
  func.func @transform_10(%arg0: i32) -> (i32, i32) {
    %c0_i32 = arith.constant 0 : i32
    %c0_i32_0 = arith.constant 0 : i32
    %c0_i32_1 = arith.constant 0 : i32
    return %c0_i32, %c0_i32_0 : i32, i32
  }
  func.func @transform_11(%arg0: i32) -> (i32, i32) {
    %c0_i32 = arith.constant 0 : i32
    %c0_i32_0 = arith.constant 0 : i32
    %c0_i32_1 = arith.constant 0 : i32
    return %c0_i32, %c0_i32_0 : i32, i32
  }
  func.func @transform_12(%arg0: i32) -> (i32, i32) {
    %c0_i32 = arith.constant 0 : i32
    %c0_i32_0 = arith.constant 0 : i32
    %c0_i32_1 = arith.constant 0 : i32
    return %c0_i32, %c0_i32_0 : i32, i32
  }
  func.func @transform_13(%arg0: i32) -> (i32, i32) {
    %c0_i32 = arith.constant 0 : i32
    %c0_i32_0 = arith.constant 0 : i32
    %c0_i32_1 = arith.constant 0 : i32
    return %c0_i32, %c0_i32_0 : i32, i32
  }
  func.func @transform_14(%arg0: i32) -> (i32, i32) {
    %c0_i32 = arith.constant 0 : i32
    %c0_i32_0 = arith.constant 0 : i32
    %c0_i32_1 = arith.constant 0 : i32
    return %c0_i32, %c0_i32_0 : i32, i32
  }
  func.func @transform_15(%arg0: i32) -> (i32, i32) {
    %c0_i32 = arith.constant 0 : i32
    %c0_i32_0 = arith.constant 0 : i32
    %c0_i32_1 = arith.constant 0 : i32
    return %c0_i32, %c0_i32_0 : i32, i32
  }
  func.func @transform_16(%arg0: i32) -> (i32, i32) {
    %c0_i32 = arith.constant 0 : i32
    %c0_i32_0 = arith.constant 0 : i32
    %c0_i32_1 = arith.constant 0 : i32
    return %c0_i32, %c0_i32_0 : i32, i32
  }
  func.func @transform_17(%arg0: i32) -> (i32, i32) {
    %c0_i32 = arith.constant 0 : i32
    %c0_i32_0 = arith.constant 0 : i32
    %c0_i32_1 = arith.constant 0 : i32
    return %c0_i32, %c0_i32_0 : i32, i32
  }
  func.func @transform_18(%arg0: i32) -> (i32, i32) {
    %c0_i32 = arith.constant 0 : i32
    %c0_i32_0 = arith.constant 0 : i32
    return %arg0, %c0_i32 : i32, i32
  }
  func.func @transform_19(%arg0: i32) -> (i32, i32) {
    %c0_i32 = arith.constant 0 : i32
    %c0_i32_0 = arith.constant 0 : i32
    return %arg0, %c0_i32 : i32, i32
  }
}

module attributes {stable_mosaic.version = 14 : i64} {
  func.func @_pre_body(%arg0: i32, %arg1: memref<400x128xf32, #tpu.memory_space<vmem>>, %arg2: memref<128x128xf32, #tpu.memory_space<vmem>>, %arg3: memref<1x128xf32, #tpu.memory_space<vmem>>, %arg4: memref<128x128xf32, #tpu.memory_space<vmem>>, %arg5: memref<1x128xf32, #tpu.memory_space<vmem>>, %arg6: memref<12800x16xf32, #tpu.memory_space<vmem>>, %arg7: memref<128x16xf32, #tpu.memory_space<vmem>>, %arg8: memref<400x128xf32, #tpu.memory_space<vmem>>, %arg9: memref<400x128xf32, #tpu.memory_space<vmem>>, %arg10: memref<12800x128xf32, #tpu.memory_space<vmem>>) attributes {dimension_semantics = [#tpu.dimension_semantics<arbitrary>], iteration_bounds = array<i64: 25>, scalar_prefetch = 0 : i64, scratch_operands = 0 : i64, tpu.core_type = #tpu.core_type<tc>, window_params = [{transform_indices = @transform_0, window_bounds = array<i64: 400, 128>}, {pipeline_mode = #tpu.pipeline_mode<synchronous>, transform_indices = @transform_1, window_bounds = array<i64: 128, 128>}, {pipeline_mode = #tpu.pipeline_mode<synchronous>, transform_indices = @transform_2, window_bounds = array<i64: 1, 128>}, {pipeline_mode = #tpu.pipeline_mode<synchronous>, transform_indices = @transform_3, window_bounds = array<i64: 128, 128>}, {pipeline_mode = #tpu.pipeline_mode<synchronous>, transform_indices = @transform_4, window_bounds = array<i64: 1, 128>}, {transform_indices = @transform_5, window_bounds = array<i64: 12800, 16>}, {pipeline_mode = #tpu.pipeline_mode<synchronous>, transform_indices = @transform_6, window_bounds = array<i64: 128, 16>}, {transform_indices = @transform_7, window_bounds = array<i64: 400, 128>}, {transform_indices = @transform_8, window_bounds = array<i64: 400, 128>}, {transform_indices = @transform_9, window_bounds = array<i64: 12800, 128>}]} {
    %get3A = arith.constant 0 : index
    %get3A_0 = arith.constant 0 : index
    %get3A_1 = vector.load %arg1[%get3A, %get3A_0] : memref<400x128xf32, #tpu.memory_space<vmem>>, vector<400x128xf32>
    %max3A = arith.constant 0.000000e+00 : f32
    %max3A_2 = vector.broadcast %max3A : f32 to vector<400x128xf32>
    %max3A_3 = arith.maximumf %get3A_1, %max3A_2 : vector<400x128xf32>
    %get3A_4 = arith.constant 0 : index
    %get3A_5 = arith.constant 0 : index
    %get3A_6 = vector.load %arg2[%get3A_4, %get3A_5] : memref<128x128xf32, #tpu.memory_space<vmem>>, vector<128x128xf32>
    %dot_general3A = arith.constant dense<0.000000e+00> : vector<400x128xf32>
    %dot_general3A_7 = tpu.matmul %max3A_3, %get3A_6, %dot_general3A {dimension_numbers = #tpu.dot_dimension_numbers<[1], [1], [0], [0], [0, 0, 1, 0], [], []>, transpose_lhs_hint = false} : vector<400x128xf32>, vector<128x128xf32>, vector<400x128xf32> -> vector<400x128xf32>
    %get3A_8 = arith.constant 0 : index
    %get3A_9 = arith.constant 0 : index
    %get3A_10 = vector.load %arg3[%get3A_8, %get3A_9] : memref<1x128xf32, #tpu.memory_space<vmem>>, vector<1x128xf32>
    %add3A = vector.broadcast %get3A_10 : vector<1x128xf32> to vector<400x128xf32>
    %add3A_11 = arith.addf %dot_general3A_7, %add3A : vector<400x128xf32>
    %max3A_12 = arith.constant 0.000000e+00 : f32
    %max3A_13 = vector.broadcast %max3A_12 : f32 to vector<400x128xf32>
    %max3A_14 = arith.maximumf %add3A_11, %max3A_13 : vector<400x128xf32>
    %swap3A = arith.constant 0 : index
    %swap3A_15 = arith.constant 0 : index
    %swap3A_16 = vector.load %arg8[%swap3A, %swap3A_15] : memref<400x128xf32, #tpu.memory_space<vmem>>, vector<400x128xf32>
    tpu.vector_store %arg8[%swap3A, %swap3A_15], %max3A_14 {strides = array<i32>} : memref<400x128xf32, #tpu.memory_space<vmem>>, vector<400x128xf32>,
    %get3A_17 = arith.constant 0 : index
    %get3A_18 = arith.constant 0 : index
    %get3A_19 = vector.load %arg4[%get3A_17, %get3A_18] : memref<128x128xf32, #tpu.memory_space<vmem>>, vector<128x128xf32>
    %dot_general3A_20 = arith.constant dense<0.000000e+00> : vector<400x128xf32>
    %dot_general3A_21 = tpu.matmul %max3A_3, %get3A_19, %dot_general3A_20 {dimension_numbers = #tpu.dot_dimension_numbers<[1], [1], [0], [0], [0, 0, 1, 0], [], []>, transpose_lhs_hint = false} : vector<400x128xf32>, vector<128x128xf32>, vector<400x128xf32> -> vector<400x128xf32>
    %get3A_22 = arith.constant 0 : index
    %get3A_23 = arith.constant 0 : index
    %get3A_24 = vector.load %arg5[%get3A_22, %get3A_23] : memref<1x128xf32, #tpu.memory_space<vmem>>, vector<1x128xf32>
    %add3A_25 = vector.broadcast %get3A_24 : vector<1x128xf32> to vector<400x128xf32>
    %add3A_26 = arith.addf %dot_general3A_21, %add3A_25 : vector<400x128xf32>
    %max3A_27 = arith.constant 0.000000e+00 : f32
    %max3A_28 = vector.broadcast %max3A_27 : f32 to vector<400x128xf32>
    %max3A_29 = arith.maximumf %add3A_26, %max3A_28 : vector<400x128xf32>
    %swap3A_30 = arith.constant 0 : index
    %swap3A_31 = arith.constant 0 : index
    %swap3A_32 = vector.load %arg9[%swap3A_30, %swap3A_31] : memref<400x128xf32, #tpu.memory_space<vmem>>, vector<400x128xf32>
    tpu.vector_store %arg9[%swap3A_30, %swap3A_31], %max3A_29 {strides = array<i32>} : memref<400x128xf32, #tpu.memory_space<vmem>>, vector<400x128xf32>,
    %get3A_33 = arith.constant 0 : index
    %get3A_34 = arith.constant 0 : index
    %get3A_35 = vector.load %arg6[%get3A_33, %get3A_34] : memref<12800x16xf32, #tpu.memory_space<vmem>>, vector<12800x16xf32>
    %get3A_36 = arith.constant 0 : index
    %get3A_37 = arith.constant 0 : index
    %get3A_38 = vector.load %arg7[%get3A_36, %get3A_37] : memref<128x16xf32, #tpu.memory_space<vmem>>, vector<128x16xf32>
    %dot_general3A_39 = arith.constant dense<0.000000e+00> : vector<12800x128xf32>
    %dot_general3A_40 = tpu.matmul %get3A_35, %get3A_38, %dot_general3A_39 {dimension_numbers = #tpu.dot_dimension_numbers<[1], [1], [0], [0], [0, 0, 1, 0], [], []>, transpose_lhs_hint = false} : vector<12800x16xf32>, vector<128x16xf32>, vector<12800x128xf32> -> vector<12800x128xf32>
    %swap3A_41 = arith.constant 0 : index
    %swap3A_42 = arith.constant 0 : index
    %swap3A_43 = vector.load %arg10[%swap3A_41, %swap3A_42] : memref<12800x128xf32, #tpu.memory_space<vmem>>, vector<12800x128xf32>
    tpu.vector_store %arg10[%swap3A_41, %swap3A_42], %dot_general3A_40 {strides = array<i32>} : memref<12800x128xf32, #tpu.memory_space<vmem>>, vector<12800x128xf32>,
    return
  }
  func.func @transform_0(%arg0: i32) -> (i32, i32) {
    %c0_i32 = arith.constant 0 : i32
    %c0_i32_0 = arith.constant 0 : i32
    return %arg0, %c0_i32 : i32, i32
  }
  func.func @transform_1(%arg0: i32) -> (i32, i32) {
    %c0_i32 = arith.constant 0 : i32
    %c0_i32_0 = arith.constant 0 : i32
    %c0_i32_1 = arith.constant 0 : i32
    return %c0_i32, %c0_i32_0 : i32, i32
  }
  func.func @transform_2(%arg0: i32) -> (i32, i32) {
    %c0_i32 = arith.constant 0 : i32
    %c0_i32_0 = arith.constant 0 : i32
    %c0_i32_1 = arith.constant 0 : i32
    return %c0_i32, %c0_i32_0 : i32, i32
  }
  func.func @transform_3(%arg0: i32) -> (i32, i32) {
    %c0_i32 = arith.constant 0 : i32
    %c0_i32_0 = arith.constant 0 : i32
    %c0_i32_1 = arith.constant 0 : i32
    return %c0_i32, %c0_i32_0 : i32, i32
  }
  func.func @transform_4(%arg0: i32) -> (i32, i32) {
    %c0_i32 = arith.constant 0 : i32
    %c0_i32_0 = arith.constant 0 : i32
    %c0_i32_1 = arith.constant 0 : i32
    return %c0_i32, %c0_i32_0 : i32, i32
  }
  func.func @transform_5(%arg0: i32) -> (i32, i32) {
    %c0_i32 = arith.constant 0 : i32
    %c0_i32_0 = arith.constant 0 : i32
    return %arg0, %c0_i32 : i32, i32
  }
  func.func @transform_6(%arg0: i32) -> (i32, i32) {
    %c0_i32 = arith.constant 0 : i32
    %c0_i32_0 = arith.constant 0 : i32
    %c0_i32_1 = arith.constant 0 : i32
    return %c0_i32, %c0_i32_0 : i32, i32
  }
  func.func @transform_7(%arg0: i32) -> (i32, i32) {
    %c0_i32 = arith.constant 0 : i32
    %c0_i32_0 = arith.constant 0 : i32
    return %arg0, %c0_i32 : i32, i32
  }
  func.func @transform_8(%arg0: i32) -> (i32, i32) {
    %c0_i32 = arith.constant 0 : i32
    %c0_i32_0 = arith.constant 0 : i32
    return %arg0, %c0_i32 : i32, i32
  }
  func.func @transform_9(%arg0: i32) -> (i32, i32) {
    %c0_i32 = arith.constant 0 : i32
    %c0_i32_0 = arith.constant 0 : i32
    return %arg0, %c0_i32 : i32, i32
  }
}

</mosaic_0001>

<sc_bundles>
// kernel: kernel.5.cloned.1.call-start
scs
__scs_entry_jumppad:
0x0: {  	(pc) =	sbr.rel $0x88, $3  }
0x1: {  	(tag) =	ssettag $0x0;
	lr =	simm.s32 $0x1  }
0x2: {  	[smem:$0x3F8A] =	sst lr;
	_ =	strace $0xD0000000  }
0x3: {  	_ = 	snop  }
0x4: {  	_ = 	snop  }
0x5: {  	_ = 	snop  }
0x6: {  	_ = 	snop  }
0x7: {  	_ = 	snop  }
__scs_overlays_trampoline_lowered:
0x8: {  	[smem:$0x3F99] =	sst s0  }
0x9: {  	[smem:$0x3F9A] =	sst s1  }
0xa: {  	[smem:$0x3F9B] =	sst s2  }
0xb: {  	[smem:$0x3F9C] =	sst s3  }
0xc: {  	[smem:$0x3F9D] =	sst s4  }
0xd: {  	[smem:$0x3F9E] =	sst s5  }
0xe: {  	[smem:$0x3F9F] =	sst s6  }
0xf: {  	[smem:$0x3FA0] =	sst s7  }
0x10: {  	[smem:$0x3FA1] =	sst s8  }
0x11: {  	[smem:$0x3FA2] =	sst s9;
	s0 =	simm.s32 @!p0 $0x0  }
0x12: {  	s1 =	sld [smem:$0x3F88];
	s0 =	simm.s32 @p0 $0x1  }
0x13: {  	[smem:$0x3FA3] =	sst s0;
	s0 =	simm.s32 @!p1 $0x0  }
0x14: {  	s2 =	sld [smem:$0x3F87];
	s0 =	simm.s32 @p1 $0x1  }
0x15: {  	[smem:$0x3FA4] =	sst s0;
	s0 =	simm.s32 @!p2 $0x0  }
0x16: {  	s3 =	sld [smem:$0x3FDB];
	s0 =	simm.s32 @p2 $0x1  }
0x17: {  	s4 =	simm.s32 $0x1BF5;
	[smem:$0x3FA6] =	sst s0  }
0x18: {  	s0 =	sld [smem:$0x3F89];
	_ =	swait.ge [sflag:s4], $0x0  }
0x19: {  	s7 =	sld [smem:$0x3F8A]  }
0x1a: {  	s8 =	sadd.s32 $0xFFFFE003, lr  }
0x1b: {  	s9 =	sadd.s32 $0xFFFFFEF7, lr;
	s5 =	simm.s32 $0xFFFFFFFF;
	p2 =	slt.u32 s8, $0xFFFFF086  }
0x1c: {  	p1 =	slt.u32 s9, $0xF7A;
	s5 =	simm.s32 @!p2 $0x0  }
0x1d: {  	s5 =	simm.s32 @p1 $0x1;
	p0 =	seq.s32 s7, s2  }
0x1e: {  	s7 =	smul.u32 @!p0 $0xF7A, s2;
	p2 =	seq.s32 @!p0 s5, $0x0  }
0x1f: {  	s9 =	smul.u32 $0xF7A, s1;
	s8 =	simm.s32 @!p0 $0x1BF5;
	p2 =	por !p2, p0  }
0x20: {  	[sflag:s8] =	ssyncset.s32 @!p0 $0xFFFFF086;
	s6 =	sadd.s32 @!p0 s3, s7;
	s7 =	simm.s32 @!p0 $0x108  }
0x21: {  	s3 =	sadd.s32 s3, s9;
	s6 =	sadd.s32 @!p0 $0x88, s6;
	s7 =	simm.s32 @p2 $0x1082  }
0x22: {  	[simem:s7], [sflag:s8] =	dma.local @!p0 [hbm:s6], $0xF7A  }
0x23: {  	s9 =	sor.u32 $0xD0000000, s2;
	s6 =	simm.s32 $0x108;
	_ =	swait.ge @!p0 [sflag:s8], $0x0  }
0x24: {  	s3 =	sadd.s32 $0x88, s3;
	s6 =	simm.s32 @!p1 $0x1082;
	[sflag:s4] =	ssyncset.s32 $0xFFFFF086  }
0x25: {  	[simem:s6], [sflag:s4] =	dma.local [hbm:s3], $0xF7A  }
0x26: {  	[smem:$0x3F8A] =	sst s1;
	(tag) =	ssettag s2;
	_ =	strace s9  }
0x27: {  	s1 =	sld [smem:$0x3F9A]  }
0x28: {  	s2 =	sld [smem:$0x3F9B]  }
0x29: {  	s4 =	sld [smem:$0x3F9D]  }
0x2a: {  	p0 =	seq.s32 s5, $0x0;
	s5 =	sld [smem:$0x3F9E]  }
0x2b: {  	s6 =	sld [smem:$0x3F9F]  }
0x2c: {  	s7 =	sld [smem:$0x3FA0]  }
0x2d: {  	s3 =	simm.s32 $0x108;
	s8 =	sld [smem:$0x3FA1]  }
0x2e: {  	s3 =	simm.s32 @!p0 $0x1082;
	s9 =	sld [smem:$0x3FA2]  }
0x2f: {  	lr =	sadd.s32 s0, s3;
	s0 =	sld [smem:$0x3F99]  }
0x30: {  	s3 =	sld [smem:$0x3F9C]  }
0x31: {  	[smem:$0x3FA5] =	sst s10  }
0x32: {  	s10 =	sld [smem:$0x3FA3];
	_ =	sdelay $0x3  }
0x33: {  	p0 =	seq.s32 s10, $0x1;
	s10 =	sld [smem:$0x3FA5];
	_ =	sdelay $0x3  }
0x34: {  	[smem:$0x3FA5] =	sst s10  }
0x35: {  	s10 =	sld [smem:$0x3FA4];
	_ =	sdelay $0x3  }
0x36: {  	p1 =	seq.s32 s10, $0x1;
	s10 =	sld [smem:$0x3FA5];
	_ =	sdelay $0x3  }
0x37: {  	[smem:$0x3FA5] =	sst s10  }
0x38: {  	s10 =	sld [smem:$0x3FA6]  }
0x39: {  	_ = 	snop;
	(pc) =	sbr.ind lr, $3  }
0x3a: {  	_ = 	snop  }
0x3b: {  	_ = 	snop  }
0x3c: {  	p2 =	seq.s32 s10, $0x1;
	s10 =	sld [smem:$0x3FA5]  }
0x3d: {  	_ =	shalt  }
0x3e: {  	_ =	shalt  }
0x3f: {  	_ =	shalt  }
0x40: {  	_ =	shalt  }
0x41: {  	_ =	shalt  }
0x42: {  	_ =	shalt  }
0x43: {  	_ =	shalt  }
0x44: {  	_ =	shalt  }
0x45: {  	_ =	shalt  }
0x46: {  	_ =	shalt  }
0x47: {  	_ =	shalt  }
0x48: {  	_ =	shalt  }
0x49: {  	_ =	shalt  }
0x4a: {  	_ =	shalt  }
0x4b: {  	_ =	shalt  }
0x4c: {  	_ =	shalt  }
0x4d: {  	_ =	shalt  }
0x4e: {  	_ =	shalt  }
0x4f: {  	_ =	shalt  }
0x50: {  	_ =	shalt  }
0x51: {  	_ =	shalt  }
0x52: {  	_ =	shalt  }
0x53: {  	_ =	shalt  }
0x54: {  	_ =	shalt  }
0x55: {  	_ =	shalt  }
0x56: {  	_ =	shalt  }
0x57: {  	_ =	shalt  }
0x58: {  	_ =	shalt  }
0x59: {  	_ =	shalt  }
0x5a: {  	_ =	shalt  }
0x5b: {  	_ =	shalt  }
0x5c: {  	_ =	shalt  }
0x5d: {  	_ =	shalt  }
0x5e: {  	_ =	shalt  }
0x5f: {  	_ =	shalt  }
0x60: {  	_ =	shalt  }
0x61: {  	_ =	shalt  }
0x62: {  	_ =	shalt  }
0x63: {  	_ =	shalt  }
0x64: {  	_ =	shalt  }
0x65: {  	_ =	shalt  }
0x66: {  	_ =	shalt  }
0x67: {  	_ =	shalt  }
0x68: {  	_ =	shalt  }
0x69: {  	_ =	shalt  }
0x6a: {  	_ =	shalt  }
0x6b: {  	_ =	shalt  }
0x6c: {  	_ =	shalt  }
0x6d: {  	_ =	shalt  }
0x6e: {  	_ =	shalt  }
0x6f: {  	_ =	shalt  }
0x70: {  	_ =	shalt  }
0x71: {  	_ =	shalt  }
0x72: {  	_ =	shalt  }
0x73: {  	_ =	shalt  }
0x74: {  	_ =	shalt  }
0x75: {  	_ =	shalt  }
0x76: {  	_ =	shalt  }
0x77: {  	_ =	shalt  }
0x78: {  	_ =	shalt  }
0x79: {  	_ =	shalt  }
0x7a: {  	_ =	shalt  }
0x7b: {  	_ =	shalt  }
0x7c: {  	_ =	shalt  }
0x7d: {  	_ =	shalt  }
0x7e: {  	_ =	shalt  }
0x7f: {  	_ =	shalt  }
0x80: {  	_ =	shalt  }
0x81: {  	_ =	shalt  }
0x82: {  	_ =	shalt  }
0x83: {  	_ =	shalt  }
0x84: {  	_ =	shalt  }
0x85: {  	_ =	shalt  }
0x86: {  	_ =	shalt  }
0x87: {  	_ =	shalt  }
.Lfunc_end0:
.L_simem_size_0:
called_computation_lowered:
.L_overlay_start_0:
0x88: {  	s2 =	sld [smem:$0x3FD9]  }
0x89: {  	s3 =	sld [smem:$0x3FFE];
	_ =	sdelay $0x1  }
0x8a: {  	s1 =	srdreg.scid  }
0x8b: {  	s0 =	sand.u32 $0x1, s1  }
0x8c: {  	s14 =	sshll.u32 s0, $0xA;
	s2 =	sadd.s32 s3, s2  }
0x8d: {  	s2 =	sadd.s32 s2, s14  }
0x8e: {  	[smem:$0x3FB1] =	sst s2  }
0x8f: {  	_ = 	snop  }
0x90: {  	s2 =	sld [smem:$0x3FD0];
	_ =	sdelay $0x2  }
0x91: {  	s15 =	simm.s32 $0xA;
	s4 =	simm.s32 $0x10  }
0x92: {  	[smem:s4], [sflag:s15] =	dma.local [hbm:s2], $0x1  }
0x93: {  	_ =	swait.eq [sflag:s15], $0x1  }
0x94: {  	[sflag:s15] =	ssyncset.done $0x0  }
0x95: {  	[sflag:s15] =	ssyncadd.s32 $0xFFFFFFFF  }
0x96: {  	s16 =	sld [smem:$0x11];
	(tm) =	ssettm $0x1  }
0x97: {  	s17 =	sld [smem:$0x3FFB];
	_ =	sdelay $0x3  }
0x98: {  	_ =	strace s17  }
0x99: {  	s3 =	sld [smem:$0x3FFC];
	_ =	sdelay $0x3  }
0x9a: {  	_ =	strace s3  }
0x9b: {  	s3 =	sld [smem:$0x3FFD];
	_ =	sdelay $0x3  }
0x9c: {  	_ =	strace s3  }
0x9d: {  	_ =	strace $0x8FFFFFFF  }
0x9e: {  	s18 =	sld [smem:$0x3FDB];
	_ =	sdelay $0x1  }
0x9f: {  	s19 =	simm.s32 $_scs_section_size  }
0xa0: {  	s5 =	simm.s32 $_size__tile_overlayer_lowered;
	s6 =	simm.s32 $_tile_overlayer_lowered  }
0xa1: {  	s22 =	simm.s32 $0x1BFF;
	s21 =	sshll.u32 s6, $0x1;
	s3 =	sadd.s32 s19, s18  }
0xa2: {  	s7 =	simm.s32 $0x0;
	s20 =	sshll.u32 s5, $0x1;
	s5 =	sadd.s32 s21, s3  }
0xa3: {  	[timem:s7], [sflag:s22] =	dma.local [hbm:s5], s20  }
0xa4: {  	_ =	swait.ge [sflag:s22], s20  }
0xa5: {  	s4 =	ssub.s32 $0x0, s20;
	[sflag:s22] =	ssyncset.done $0x0  }
0xa6: {  	[sflag:s22] =	ssyncadd.s32 s4;
	_ =	sdelay $0x1  }
0xa7: {  	s23 =	simm.s32 $0x1B8B  }
0xa8: {  	_ =	swait.ge [sflag:s23], $0x1  }
0xa9: {  	[sflag:s23] =	ssyncset.done $0x0  }
0xaa: {  	s25 =	simm.s32 $0x1B8E;
	s24 =	sld [smem:$0x3FFE];
	[sflag:s23] =	ssyncadd.s32 $0xFFFFFFFF  }
0xab: {  	s26 =	simm.s32 $execute0_lowered;
	[smem:$0x3FD2] =	sst s25  }
0xac: {  	s5 =	sshll.u32 s26, $0x1;
	_ =	strace $0x80000046;
	[dreg:$0x1] =	wrdreg $0xFFFFFFFF  }
0xad: {  	s28 =	simm.s32 $_size_execute0_lowered;
	s3 =	sadd.s32 s3, s5;
	[dreg:$0x0] =	wrdreg $0x0  }
0xae: {  	s5 =	sshll.u32 s28, $0x1;
	[dreg:$0x2] =	wrdreg s3  }
0xaf: {  	[dreg:$0x3] =	wrdreg s5  }
0xb0: {  	[dreg:$0x4] =	wrdreg $0xC0  }
0xb1: {  	_ =	task [dreg:s7], $0x5FFFF  }
0xb2: {  	[dreg:$0x1] =	wrdreg $0xFFFFFFFF  }
0xb3: {  	[dreg:$0x0] =	wrdreg $0x60  }
0xb4: {  	[dreg:$0x2] =	wrdreg s16  }
0xb5: {  	[dreg:$0x3] =	wrdreg s24  }
0xb6: {  	[dreg:$0x4] =	wrdreg $0xAA000  }
0xb7: {  	[dreg:$0x5] =	wrdreg $0x9  }
0xb8: {  	_ =	task.clear_ibuf [dreg:s7], $0x6FFFF;
	_ =	strace $0x90000046  }
0xb9: {  	s29 =	simm.s32 $0x9;
	_ =	strace $0x80000048  }
0xba: {  	_ =	swait.ge [sflag:s29], $0x1  }
0xbb: {  	[sflag:s29] =	ssyncadd.s32 $0xFFFFFFFF  }
0xbc: {  	_ =	strace $0x90000048  }
0xbd: {  	_ =	sfence  }
0xbe: {  	s30 =	sld [smem:$0x0];
	_ =	sdelay $0x2  }
0xbf: {  	s31 =	sshll.u32 s1, $0xD;
	s1 =	sshrl.u32 s1, $0x2  }
0xc0: {  	s3 =	sand.u32 $0x4000, s31;
	s1 =	sadd.s32 s1, s30  }
0xc1: {  	s0 =	sor.u32 s3, s0;
	s1 =	sshll.u32 s1, $0x11  }
0xc2: {  	s0 =	sor.u32 s1, s0  }
0xc3: {  	s0 =	sadd.s32 $0x8F2B, s0  }
0xc4: {  	[sflag:s0] =	ssyncadd.remote.s32 $0x1  }
0xc5: {  	_ =	sfence.sel $0xFFFF  }
0xc6: {  	[dreg:$0x0] =	wrdreg $0xFFFFFFFF;
	(pc) =	sbr.abs _section_cstart, $3  }
0xc7: {  	[dreg:$0x1] =	wrdreg $0xFFFFFFFF  }
0xc8: {  	_ =	task.clear_ibuf [dreg:s7], $0x2FFFF;
	_ =	strace $0x9FFFFFFF  }
0xc9: {  	(tm) =	ssettm $0x7FFFFFFF  }
tec
execute0_lowered:
.L_overlay_start_1:
0x0: {  	(tag) =	ssettag $0x1  }
0x1: {  	s1 =	rddreg [dreg:$0x0]  }
0x2: {  	s0 =	rddreg [dreg:$0x1]  }
0x3: {  	s2 =	rddreg [dreg:$0x2];
	s3 =	srdreg.scid  }
0x4: {  	s4 =	simm.s32 $0x0;
	s13 =	stileid.u32;
	s24 =	simm.s32 $0x28  }
0x5: {  	s28 =	simm.s32 $0x50;
	s29 =	simm.s32 $0x200;
	s30 =	simm.s32 $0xA200  }
0x6: {  	s31 =	simm.s32 $0xB;
	s3 =	sand.u32 $0x1, s3;
	[smem:$0x7FF] =	sst s4  }
0x7: {  	s6 =	sadd.s32 $0x4E5C00, s0;
	s22 =	smul.u32 $0x4E000, s13;
	p0 =	seq.s32 s13, $0xF  }
0x8: {  	s19 =	smul.u32 $0x13800, s13;
	s5 =	sshll.u32 s3, $0x4;
	_ =	strace $0x80000047  }
0x9: {  	s9 =	ssub.s32 $0x2, s3;
	s24 =	simm.s32 @!p0 $0x27;
	s3 =	smul.u32 $0x138800, s3  }
0xa: {  	s7 =	sor.u32 s13, s5;
	s5 =	sadd.s32 $0x4F9600, s0;
	s10 =	sshrl.u32 s9, $0x1  }
0xb: {  	s0 =	sadd.s32 $0x3C00, s0;
	s13 =	simm.s32 $0x3;
	s8 =	smul.u32 $0x50, s7  }
0xc: {  	[dreg:$0x7] =	wrdreg s24;
	s12 =	smul.u32 $0x500, s7;
	s9 =	ssub.s32 s9, s10  }
0xd: {  	s10 =	sshrl.u32 s22, $0x2;
	s22 =	sadd.s32 s19, s3;
	s3 =	sshrl.u32 s3, $0x3  }
0xe: {  	s19 =	simm.s32 $0x8;
	s25 =	sadd.s32 s10, s2;
	s3 =	sadd.s32 s0, s3  }
0xf: {  	s11 =	sshrl.u32 s8, $0x3;
	s21 =	sadd.s32 s5, s12;
	s23 =	sadd.s32 $0xA00, s8  }
0x10: {  	s8 =	sadd.s32 $0x4D800, s8;
	s12 =	simm.s32 $0x5;
	[dreg:$0x8] =	wrdreg s25  }
0x11: {  	s14 =	sadd.s32 s6, s11;
	[dreg:$0x6] =	wrdreg s21;
	s26 =	sshrl.u32 s23, $0x3  }
0x12: {  	s17 =	sshll.u32 s23, $0x4;
	s18 =	sshrl.u32 s8, $0x3;
	s8 =	sshll.u32 s8, $0x4  }
0x13: {  	s23 =	sadd.s32 $0x24900, s3;
	s3 =	simm.s32 $0x180;
	[dreg:$0x4] =	wrdreg s14  }
0x14: {  	s20 =	sadd.s32 $0x9C40, s14;
	s15 =	sadd.s32 s6, s26;
	[dreg:$0x10] =	wrdreg s23  }
0x15: {  	s16 =	sadd.s32 $0x9D80, s14;
	s10 =	sadd.s32 s5, s17;
	[dreg:$0x5] =	wrdreg s20  }
0x16: {  	s21 =	sadd.s32 $0x13740, s14;
	s8 =	sadd.s32 s5, s8;
	[dreg:$0x9] =	wrdreg s15  }
0x17: {  	s26 =	smax.u32 s9, $0x1;
	s23 =	simm.s32 $0x100;
	[dreg:$0xa] =	wrdreg s16  }
0x18: {  	s9 =	simm.s32 $0x7;
	s14 =	simm.s32 $0x2;
	[dreg:$0xb] =	wrdreg s10  }
0x19: {  	s17 =	simm.s32 $0x2A00;
	s15 =	sor.u32 $0x40, s7;
	[dreg:$0xd] =	wrdreg s21  }
0x1a: {  	s16 =	sor.u32 $0x60, s7;
	s20 =	sadd.s32 s6, s18;
	[dreg:$0xe] =	wrdreg s8  }
0x1b: {  	s7 =	sshrl.u32 s22, $0x3;
	[dreg:$0x11] =	wrdreg s26;
	s26 =	simm.s32 $0x1  }
0x1c: {  	s18 =	simm.s32 $0x9;
	s21 =	simm.s32 $0x4;
	s0 =	sadd.s32 s0, s7  }
0x1d: {  	s22 =	simm.s32 $0xA;
	[dreg:$0xf] =	wrdreg s0;
	s0 =	sadd.s32 $0x124800, s2  }
0x1e: {  	s10 =	simm.s32 $0x0;
	[dreg:$0xc] =	wrdreg s20;
	s0 =	sshrl.u32 @p0 s0, $0x3  }
0x1f: {  	v0 =	vimm.f32 $0.0e+00;
	s20 =	simm.s32 $0x6;
	[dreg:$0x12] =	wrdreg s0;
	s0 =	simm.s32 $0x80  }
.LBB2_1:
0x20: {  	s7 =	rddreg [dreg:$0x4]  }
0x21: {  	[tilespmem:s4], [sflag:$0x1] =	stream.linear.gather [hbm4b:s7+s4], $0x50, $0x38;
	[tilespmem:$0x1E280] =	vst v63  }
0x22: {  	s8 =	rddreg [dreg:$0x5]  }
0x23: {  	[tilespmem:s23], [sflag:$0x3] =	stream.linear.gather [hbm4b:s8+s4], $0x50, $0x38;
	[tilespmem:$0x1E280] =	vst v63  }
0x24: {  	s11 =	rddreg [dreg:$0x6];
	s8 =	simm.s32 $0x5200  }
0x25: {  	[tilespmem:s8], [sflag:$0x5] =	stream.linear.gather [hbm4b:s11+s4], $0x2800, $0x38;
	[tilespmem:$0x1E280] =	vst v63  }
0x26: {  	_ =	swait.ge [sflag:s26], $0x50  }
0x27: {  	[sflag:s26] =	ssyncset.done $0x0  }
0x28: {  	s7 =	simm.s32 $0x0;
	s8 =	simm.s32 $0x200;
	[sflag:s26] =	ssyncadd.s32 $0xFFFFFFB0  }
0x29: {  	[tilespmem:s29], [sflag:$0x7] =	stream.indirect.gather [hbm4b:s1+s28], $0x80, s4, s28, $0xb8;
	[tilespmem:$0x1E280] =	vst v63  }
.LBB2_2:
0x2a: {  	p1 =	sne.s32 s8, $0x1E00;
	[tilespmem:s7+$0xA270] =	vst v0  }
0x2b: {  	[tilespmem:s7+$0xA200] =	vst v0  }
0x2c: {  	[tilespmem:s7+$0xA210] =	vst v0  }
.Ltmp0:
0x2d: {  	[tilespmem:s7+$0xA220] =	vst v0;
	(pc) =	sbr.rel @p1 .LBB2_2-.Ltmp0, $4  }
0x2e: {  	[tilespmem:s7+$0xA230] =	vst v0  }
0x2f: {  	[tilespmem:s7+$0xA240] =	vst v0  }
0x30: {  	[tilespmem:s7+$0xA250] =	vst v0  }
0x31: {  	[tilespmem:s7+$0xA260] =	vst v0;
	s7 =	sshra.s32 s8, $0x2;
	s8 =	sadd.s32 $0x200, s8  }
0x32: {  	[tilespmem:s7+$0xA270] =	vst v0  }
0x33: {  	[tilespmem:s7+$0xA200] =	vst v0  }
0x34: {  	[tilespmem:s7+$0xA210] =	vst v0  }
0x35: {  	[tilespmem:s7+$0xA220] =	vst v0;
	p1 =	sne.s32 s24, $0x1  }
.Ltmp1:
0x36: {  	[tilespmem:s7+$0xA230] =	vst v0;
	(pc) =	sbr.rel @!p1 .LBB2_5-.Ltmp1, $4  }
0x37: {  	[tilespmem:s7+$0xA240] =	vst v0  }
0x38: {  	[tilespmem:s7+$0xA250] =	vst v0  }
0x39: {  	[tilespmem:s7+$0xA260] =	vst v0;
	s7 =	sadd.s32 $0xFFFFFFFF, s24;
	s8 =	smov.u32 s25  }
0x3a: {  	[spmem:s25] =	stream.linear.scatter [tilespmem:s30], [sflag:$0xB], $0x800, $0x38;
	[tilespmem:$0x1E280] =	vst v63  }
.LBB2_4:
0x3b: {  	p2 =	sne.s32 s7, $0x1  }
.Ltmp2:
0x3c: {  	_ = 	snop;
	(pc) =	sbr.rel @p2 .LBB2_4-.Ltmp2, $3  }
0x3d: {  	_ = 	snop  }
0x3e: {  	s7 =	sadd.s32 $0xFFFFFFFF, s7;
	s8 =	sadd.s32 $0x800, s8;
	_ =	sdelay $0x1  }
0x3f: {  	[spmem:s8] =	stream.linear.scatter [tilespmem:s30], [sflag:$0xB], $0x800, $0x38;
	[tilespmem:$0x1E280] =	vst v63  }
.LBB2_5:
.Ltmp3:
0x40: {  	(pc) =	sbr.rel @!p1 .LBB2_7-.Ltmp3, $4  }
0x41: {  	_ = 	snop  }
0x42: {  	[dreg:$0x13] =	wrdreg s10  }
0x43: {  	_ =	swait.ge [sflag:s31], $0x800  }
0x44: {  	s7 =	sadd.s32 $0xFFFFFFFF, s24;
	[sflag:s31] =	ssyncset.done $0x0  }
.LBB2_6:
0x45: {  	p1 =	sne.s32 s7, $0x1;
	s7 =	sadd.s32 $0xFFFFFFFF, s7;
	[sflag:s31] =	ssyncadd.s32 $0xFFFFF800  }
.Ltmp4:
0x46: {  	(pc) =	sbr.rel @p1 .LBB2_6-.Ltmp4, $3  }
0x47: {  	_ =	sdelay $0x1  }
0x48: {  	_ =	swait.ge [sflag:s31], $0x800  }
0x49: {  	[sflag:s31] =	ssyncset.done $0x0  }
.LBB2_7:
0x4a: {  	[sflag:s31] =	ssyncadd.s32 $0xFFFFF800  }
0x4b: {  	[bflag:$0x0] =	sbarrier.arrive $0xFFFF  }
0x4c: {  	s7 =	rddreg [dreg:$0x9]  }
0x4d: {  	[tilespmem:s0], [sflag:$0x2] =	stream.linear.gather [hbm4b:s7+s4], $0x50, $0x38;
	[tilespmem:$0x1E280] =	vst v63  }
0x4e: {  	s24 =	rddreg [dreg:$0xa]  }
0x4f: {  	[tilespmem:s3], [sflag:$0x4] =	stream.linear.gather [hbm4b:s24+s4], $0x50, $0x38;
	[tilespmem:$0x1E280] =	vst v63  }
0x50: {  	s8 =	simm.s32 $0x7A00;
	s25 =	rddreg [dreg:$0xb]  }
0x51: {  	[tilespmem:s8], [sflag:$0x6] =	stream.linear.gather [hbm4b:s25+s4], $0x2800, $0x38;
	[tilespmem:$0x1E280] =	vst v63  }
0x52: {  	_ =	swait.ge [sflag:s9], $0x2800  }
0x53: {  	[sflag:s9] =	ssyncset.done $0x0  }
0x54: {  	[sflag:s9] =	ssyncadd.s32 $0xFFFFD800  }
0x55: {  	_ =	swait.ge [sflag:s12], $0x2800  }
0x56: {  	[sflag:s12] =	ssyncset.done $0x0  }
0x57: {  	s7 =	simm.s32 $0x300;
	[sflag:s12] =	ssyncadd.s32 $0xFFFFD800  }
0x58: {  	s10 =	simm.s32 $0x5300;
	v1 =	vld [tilespmem:s7+$0x80]  }
0x59: {  	v2 =	vld [tilespmem:s10+$0x80]  }
0x5a: {  	v3 =	vld [tilespmem:s7+$0xFFFFFF80]  }
0x5b: {  	v4 =	vld [tilespmem:s10+$0xFFFFFF80]  }
0x5c: {  	v5 =	vld [tilespmem:s7+$0x0]  }
0x5d: {  	v6 =	vld [tilespmem:s10+$0x0]  }
0x5e: {  	v7 =	vld [tilespmem:s7+$0xFFFFFF00];
	v1 =	vmul.f32 v2, v1  }
0x5f: {  	v2 =	vld [tilespmem:s10+$0xFFFFFF00]  }
0x60: {  	[tilespmem:s7+$0x80] =	vst v1;
	v1 =	vld [tilespmem:s7+$0x90]  }
0x61: {  	v3 =	vmul.f32 v4, v3;
	v4 =	vld [tilespmem:s10+$0x90]  }
0x62: {  	v8 =	vld [tilespmem:s7+$0xFFFFFF10]  }
0x63: {  	[tilespmem:s7+$0xFFFFFF80] =	vst v3;
	v3 =	vmul.f32 v6, v5;
	v5 =	vld [tilespmem:s7+$0xFFFFFF90]  }
0x64: {  	v6 =	vld [tilespmem:s10+$0xFFFFFF90];
	v2 =	vmul.f32 v2, v7  }
0x65: {  	[tilespmem:s7+$0x0] =	vst v3;
	v3 =	vld [tilespmem:s7+$0x10]  }
0x66: {  	v7 =	vld [tilespmem:s10+$0x10];
	[tilespmem:s7+$0xFFFFFF00] =	vst v2;
	v1 =	vmul.f32 v4, v1  }
0x67: {  	v2 =	vld [tilespmem:s10+$0xFFFFFF10]  }
0x68: {  	[tilespmem:s7+$0x90] =	vst v1;
	v1 =	vld [tilespmem:s7+$0xA0]  }
0x69: {  	v4 =	vmul.f32 v6, v5;
	v5 =	vld [tilespmem:s10+$0xA0]  }
0x6a: {  	v6 =	vld [tilespmem:s7+$0xFFFFFF20]  }
0x6b: {  	[tilespmem:s7+$0xFFFFFF90] =	vst v4;
	v3 =	vmul.f32 v7, v3;
	v4 =	vld [tilespmem:s7+$0xFFFFFFA0]  }
0x6c: {  	v7 =	vld [tilespmem:s10+$0xFFFFFFA0];
	v2 =	vmul.f32 v2, v8  }
0x6d: {  	[tilespmem:s7+$0x10] =	vst v3;
	v3 =	vld [tilespmem:s7+$0x20]  }
0x6e: {  	v8 =	vld [tilespmem:s10+$0x20];
	[tilespmem:s7+$0xFFFFFF10] =	vst v2;
	v1 =	vmul.f32 v5, v1  }
0x6f: {  	v2 =	vld [tilespmem:s10+$0xFFFFFF20]  }
0x70: {  	[tilespmem:s7+$0xA0] =	vst v1;
	v1 =	vld [tilespmem:s7+$0xB0]  }
0x71: {  	v4 =	vmul.f32 v7, v4;
	v5 =	vld [tilespmem:s10+$0xB0]  }
0x72: {  	v7 =	vld [tilespmem:s7+$0xFFFFFF30]  }
0x73: {  	[tilespmem:s7+$0xFFFFFFA0] =	vst v4;
	v3 =	vmul.f32 v8, v3;
	v4 =	vld [tilespmem:s7+$0xFFFFFFB0]  }
0x74: {  	v8 =	vld [tilespmem:s10+$0xFFFFFFB0];
	v2 =	vmul.f32 v2, v6  }
0x75: {  	[tilespmem:s7+$0x20] =	vst v3;
	v3 =	vld [tilespmem:s7+$0x30]  }
0x76: {  	v6 =	vld [tilespmem:s10+$0x30];
	[tilespmem:s7+$0xFFFFFF20] =	vst v2;
	v1 =	vmul.f32 v5, v1  }
0x77: {  	v2 =	vld [tilespmem:s10+$0xFFFFFF30]  }
0x78: {  	[tilespmem:s7+$0xB0] =	vst v1;
	v1 =	vld [tilespmem:s7+$0xC0]  }
0x79: {  	v4 =	vmul.f32 v8, v4;
	v5 =	vld [tilespmem:s10+$0xC0]  }
0x7a: {  	v8 =	vld [tilespmem:s7+$0xFFFFFF40]  }
0x7b: {  	[tilespmem:s7+$0xFFFFFFB0] =	vst v4;
	v3 =	vmul.f32 v6, v3;
	v4 =	vld [tilespmem:s7+$0xFFFFFFC0]  }
0x7c: {  	v6 =	vld [tilespmem:s10+$0xFFFFFFC0];
	v2 =	vmul.f32 v2, v7  }
0x7d: {  	[tilespmem:s7+$0x30] =	vst v3;
	v3 =	vld [tilespmem:s7+$0x40]  }
0x7e: {  	v7 =	vld [tilespmem:s10+$0x40];
	[tilespmem:s7+$0xFFFFFF30] =	vst v2;
	v1 =	vmul.f32 v5, v1  }
0x7f: {  	v2 =	vld [tilespmem:s10+$0xFFFFFF40]  }
0x80: {  	[tilespmem:s7+$0xC0] =	vst v1;
	v1 =	vld [tilespmem:s7+$0xD0]  }
0x81: {  	v4 =	vmul.f32 v6, v4;
	v5 =	vld [tilespmem:s10+$0xD0]  }
0x82: {  	v6 =	vld [tilespmem:s7+$0xFFFFFF50]  }
0x83: {  	[tilespmem:s7+$0xFFFFFFC0] =	vst v4;
	v3 =	vmul.f32 v7, v3;
	v4 =	vld [tilespmem:s7+$0xFFFFFFD0]  }
0x84: {  	v7 =	vld [tilespmem:s10+$0xFFFFFFD0];
	v2 =	vmul.f32 v2, v8  }
0x85: {  	[tilespmem:s7+$0x40] =	vst v3;
	v3 =	vld [tilespmem:s7+$0x50]  }
0x86: {  	v8 =	vld [tilespmem:s10+$0x50];
	[tilespmem:s7+$0xFFFFFF40] =	vst v2;
	v1 =	vmul.f32 v5, v1  }
0x87: {  	v2 =	vld [tilespmem:s10+$0xFFFFFF50]  }
0x88: {  	[tilespmem:s7+$0xD0] =	vst v1;
	v1 =	vld [tilespmem:s7+$0xE0]  }
0x89: {  	v4 =	vmul.f32 v7, v4;
	v5 =	vld [tilespmem:s10+$0xE0]  }
0x8a: {  	v7 =	vld [tilespmem:s7+$0xFFFFFF60]  }
0x8b: {  	[tilespmem:s7+$0xFFFFFFD0] =	vst v4;
	v3 =	vmul.f32 v8, v3;
	v4 =	vld [tilespmem:s7+$0xFFFFFFE0]  }
0x8c: {  	v8 =	vld [tilespmem:s10+$0xFFFFFFE0];
	v2 =	vmul.f32 v2, v6  }
0x8d: {  	[tilespmem:s7+$0x50] =	vst v3;
	v3 =	vld [tilespmem:s7+$0x60]  }
0x8e: {  	v6 =	vld [tilespmem:s10+$0x60];
	[tilespmem:s7+$0xFFFFFF50] =	vst v2;
	v1 =	vmul.f32 v5, v1  }
0x8f: {  	v5 =	vld [tilespmem:s10+$0xFFFFFF60]  }
0x90: {  	v9 =	vld [tilespmem:s7+$0xF0];
	[tilespmem:s7+$0xE0] =	vst v1  }
0x91: {  	v2 =	vmul.f32 v8, v4;
	v8 =	vld [tilespmem:s10+$0xF0]  }
0x92: {  	v1 =	vld [tilespmem:s7+$0xFFFFFF70]  }
0x93: {  	[tilespmem:s7+$0xFFFFFFE0] =	vst v2;
	v3 =	vmul.f32 v6, v3;
	v2 =	vld [tilespmem:s7+$0xFFFFFFF0]  }
0x94: {  	v4 =	vld [tilespmem:s10+$0xFFFFFFF0];
	v5 =	vmul.f32 v5, v7  }
0x95: {  	[tilespmem:s7+$0x60] =	vst v3;
	v3 =	vld [tilespmem:s7+$0x70]  }
0x96: {  	[tilespmem:s7+$0xFFFFFF60] =	vst v5;
	v5 =	vld [tilespmem:s10+$0x70];
	v7 =	vmul.f32 v8, v9  }
0x97: {  	s11 =	simm.s32 $0x0;
	s8 =	simm.s32 $0x500;
	v6 =	vld [tilespmem:s10+$0xFFFFFF70]  }
.LBB2_8:
0x98: {  	v8 =	vld [tilespmem:s8+$0x80];
	[tilespmem:s7+$0xF0] =	vst v7;
	s10 =	sadd.s32 $0x200, s10  }
0x99: {  	s11 =	sadd.s32 $0x4, s11;
	v7 =	vld [tilespmem:s10+$0x80];
	v2 =	vmul.f32 v4, v2  }
0x9a: {  	p1 =	slt.u32 s11, $0x4C;
	v4 =	vld [tilespmem:s10+$0xFFFFFF00]  }
0x9b: {  	v9 =	vld [tilespmem:s8+$0xFFFFFF80];
	[tilespmem:s7+$0xFFFFFFF0] =	vst v2;
	v2 =	vmul.f32 v5, v3  }
0x9c: {  	v3 =	vld [tilespmem:s10+$0xFFFFFF80];
	v1 =	vmul.f32 v6, v1  }
0x9d: {  	v5 =	vld [tilespmem:s8+$0x0];
	[tilespmem:s7+$0x70] =	vst v2  }
0x9e: {  	v2 =	vld [tilespmem:s10+$0x0];
	v6 =	vmul.f32 v7, v8;
	[tilespmem:s7+$0xFFFFFF70] =	vst v1;
	s7 =	smov.u32 s8  }
0x9f: {  	v1 =	vld [tilespmem:s8+$0xFFFFFF00]  }
0xa0: {  	[tilespmem:s8+$0x80] =	vst v6;
	v6 =	vld [tilespmem:s8+$0x90]  }
0xa1: {  	v3 =	vmul.f32 v3, v9;
	v7 =	vld [tilespmem:s10+$0x90]  }
0xa2: {  	v8 =	vld [tilespmem:s8+$0xFFFFFF10]  }
0xa3: {  	[tilespmem:s8+$0xFFFFFF80] =	vst v3;
	v3 =	vld [tilespmem:s8+$0xFFFFFF90];
	v2 =	vmul.f32 v2, v5  }
0xa4: {  	v1 =	vmul.f32 v4, v1;
	v4 =	vld [tilespmem:s10+$0xFFFFFF90]  }
0xa5: {  	[tilespmem:s8+$0x0] =	vst v2;
	v2 =	vld [tilespmem:s8+$0x10]  }
0xa6: {  	[tilespmem:s8+$0xFFFFFF00] =	vst v1;
	v1 =	vld [tilespmem:s10+$0x10];
	v5 =	vmul.f32 v7, v6  }
0xa7: {  	v6 =	vld [tilespmem:s10+$0xFFFFFF10]  }
0xa8: {  	[tilespmem:s8+$0x90] =	vst v5;
	v5 =	vld [tilespmem:s8+$0xA0]  }
0xa9: {  	v3 =	vmul.f32 v4, v3;
	v4 =	vld [tilespmem:s10+$0xA0]  }
0xaa: {  	v7 =	vld [tilespmem:s8+$0xFFFFFF20]  }
0xab: {  	[tilespmem:s8+$0xFFFFFF90] =	vst v3;
	v3 =	vld [tilespmem:s8+$0xFFFFFFA0];
	v1 =	vmul.f32 v1, v2  }
0xac: {  	v2 =	vmul.f32 v6, v8;
	v6 =	vld [tilespmem:s10+$0xFFFFFFA0]  }
0xad: {  	[tilespmem:s8+$0x10] =	vst v1;
	v1 =	vld [tilespmem:s8+$0x20]  }
0xae: {  	[tilespmem:s8+$0xFFFFFF10] =	vst v2;
	v2 =	vld [tilespmem:s10+$0x20];
	v4 =	vmul.f32 v4, v5  }
0xaf: {  	v5 =	vld [tilespmem:s10+$0xFFFFFF20]  }
0xb0: {  	[tilespmem:s8+$0xA0] =	vst v4;
	v4 =	vld [tilespmem:s8+$0xB0]  }
0xb1: {  	v3 =	vmul.f32 v6, v3;
	v6 =	vld [tilespmem:s10+$0xB0]  }
0xb2: {  	v8 =	vld [tilespmem:s8+$0xFFFFFF30]  }
0xb3: {  	[tilespmem:s8+$0xFFFFFFA0] =	vst v3;
	v3 =	vld [tilespmem:s8+$0xFFFFFFB0];
	v1 =	vmul.f32 v2, v1  }
0xb4: {  	v2 =	vmul.f32 v5, v7;
	v5 =	vld [tilespmem:s10+$0xFFFFFFB0]  }
0xb5: {  	[tilespmem:s8+$0x20] =	vst v1;
	v1 =	vld [tilespmem:s8+$0x30]  }
0xb6: {  	[tilespmem:s8+$0xFFFFFF20] =	vst v2;
	v2 =	vld [tilespmem:s10+$0x30];
	v4 =	vmul.f32 v6, v4  }
0xb7: {  	v6 =	vld [tilespmem:s10+$0xFFFFFF30]  }
0xb8: {  	[tilespmem:s8+$0xB0] =	vst v4;
	v4 =	vld [tilespmem:s8+$0xC0]  }
0xb9: {  	v3 =	vmul.f32 v5, v3;
	v5 =	vld [tilespmem:s10+$0xC0]  }
0xba: {  	v7 =	vld [tilespmem:s8+$0xFFFFFF40]  }
0xbb: {  	[tilespmem:s8+$0xFFFFFFB0] =	vst v3;
	v3 =	vld [tilespmem:s8+$0xFFFFFFC0];
	v1 =	vmul.f32 v2, v1  }
0xbc: {  	v2 =	vmul.f32 v6, v8;
	v6 =	vld [tilespmem:s10+$0xFFFFFFC0]  }
0xbd: {  	[tilespmem:s8+$0x30] =	vst v1;
	v1 =	vld [tilespmem:s8+$0x40]  }
0xbe: {  	[tilespmem:s8+$0xFFFFFF30] =	vst v2;
	v2 =	vld [tilespmem:s10+$0x40];
	v4 =	vmul.f32 v5, v4  }
0xbf: {  	v5 =	vld [tilespmem:s10+$0xFFFFFF40]  }
0xc0: {  	[tilespmem:s8+$0xC0] =	vst v4;
	v4 =	vld [tilespmem:s8+$0xD0]  }
0xc1: {  	v3 =	vmul.f32 v6, v3;
	v6 =	vld [tilespmem:s10+$0xD0]  }
0xc2: {  	v8 =	vld [tilespmem:s8+$0xFFFFFF50]  }
0xc3: {  	[tilespmem:s8+$0xFFFFFFC0] =	vst v3;
	v3 =	vld [tilespmem:s8+$0xFFFFFFD0];
	v1 =	vmul.f32 v2, v1  }
0xc4: {  	v2 =	vmul.f32 v5, v7;
	v5 =	vld [tilespmem:s10+$0xFFFFFFD0]  }
0xc5: {  	[tilespmem:s8+$0x40] =	vst v1;
	v1 =	vld [tilespmem:s8+$0x50]  }
0xc6: {  	[tilespmem:s8+$0xFFFFFF40] =	vst v2;
	v2 =	vld [tilespmem:s10+$0x50];
	v4 =	vmul.f32 v6, v4  }
0xc7: {  	v6 =	vld [tilespmem:s10+$0xFFFFFF50]  }
0xc8: {  	[tilespmem:s8+$0xD0] =	vst v4;
	v4 =	vld [tilespmem:s8+$0xE0]  }
0xc9: {  	v3 =	vmul.f32 v5, v3;
	v5 =	vld [tilespmem:s10+$0xE0]  }
0xca: {  	v7 =	vld [tilespmem:s8+$0xFFFFFF60]  }
0xcb: {  	[tilespmem:s8+$0xFFFFFFD0] =	vst v3;
	v3 =	vld [tilespmem:s8+$0xFFFFFFE0];
	v1 =	vmul.f32 v2, v1  }
0xcc: {  	v2 =	vmul.f32 v6, v8;
	v6 =	vld [tilespmem:s10+$0xFFFFFFE0]  }
0xcd: {  	[tilespmem:s8+$0x50] =	vst v1;
	v8 =	vld [tilespmem:s8+$0x60]  }
0xce: {  	[tilespmem:s8+$0xFFFFFF50] =	vst v2;
	v9 =	vld [tilespmem:s10+$0x60];
	v1 =	vmul.f32 v5, v4  }
0xcf: {  	v4 =	vld [tilespmem:s10+$0xFFFFFF60]  }
0xd0: {  	[tilespmem:s8+$0xE0] =	vst v1;
	v10 =	vld [tilespmem:s8+$0xF0]  }
0xd1: {  	v2 =	vmul.f32 v6, v3;
	v6 =	vld [tilespmem:s10+$0xF0]  }
0xd2: {  	v1 =	vld [tilespmem:s8+$0xFFFFFF70]  }
.Ltmp5:
0xd3: {  	[tilespmem:s8+$0xFFFFFFE0] =	vst v2;
	v2 =	vld [tilespmem:s8+$0xFFFFFFF0];
	v3 =	vmul.f32 v9, v8;
	(pc) =	sbr.rel @p1 .LBB2_8-.Ltmp5, $4  }
0xd4: {  	v5 =	vmul.f32 v4, v7;
	v4 =	vld [tilespmem:s10+$0xFFFFFFF0]  }
0xd5: {  	[tilespmem:s8+$0x60] =	vst v3;
	v3 =	vld [tilespmem:s8+$0x70]  }
0xd6: {  	[tilespmem:s8+$0xFFFFFF60] =	vst v5;
	v5 =	vld [tilespmem:s10+$0x70];
	v7 =	vmul.f32 v6, v10  }
0xd7: {  	s8 =	sadd.s32 $0x200, s8;
	v6 =	vld [tilespmem:s10+$0xFFFFFF70]  }
0xd8: {  	_ =	sdelay $0x1  }
0xd9: {  	v2 =	vmul.f32 v4, v2  }
0xda: {  	[tilespmem:s7+$0xF0] =	vst v7;
	v3 =	vmul.f32 v5, v3  }
0xdb: {  	[tilespmem:s7+$0xFFFFFFF0] =	vst v2;
	v1 =	vmul.f32 v6, v1  }
0xdc: {  	[tilespmem:s7+$0x70] =	vst v3  }
0xdd: {  	[tilespmem:s7+$0xFFFFFF70] =	vst v1  }
0xde: {  	_ =	swait.ge [sflag:s13], $0x50  }
0xdf: {  	[sflag:s13] =	ssyncset.done $0x0  }
0xe0: {  	[sflag:s13] =	ssyncadd.s32 $0xFFFFFFB0  }
0xe1: {  	[spmem:s2] =	stream.indirect.scatter.add.f32 [tilespmem:s29], [sflag:$0x9], $0x80, s23, s28, $0xb8;
	[tilespmem:$0x1E280] =	vst v63  }
0xe2: {  	_ =	swait.ge [sflag:s14], $0x50  }
0xe3: {  	[sflag:s14] =	ssyncset.done $0x0  }
0xe4: {  	s7 =	simm.s32 $0x0;
	[sflag:s14] =	ssyncadd.s32 $0xFFFFFFB0  }
0xe5: {  	[tilespmem:s17], [sflag:$0x8] =	stream.indirect.gather [hbm4b:s1+s28], $0x80, s0, s28, $0xb8;
	[tilespmem:$0x1E280] =	vst v63  }
.LBB2_10:
0xe6: {  	s11 =	sshll.u32 s7, $0x6  }
0xe7: {  	s8 =	sadd.s32 s15, s11  }
0xe8: {  	s10 =	smul.u32 $0x50, s8  }
0xe9: {  	_ =	swait.ge [sflag:s18], $0x2800  }
0xea: {  	[sflag:s18] =	ssyncset.done $0x0;
	s10 =	sshrl.u32 s10, $0x3  }
0xeb: {  	[sflag:s18] =	ssyncadd.s32 $0xFFFFD800;
	s10 =	sadd.s32 s6, s10  }
0xec: {  	[tilespmem:s4], [sflag:$0x1] =	stream.linear.gather [hbm4b:s10+s4], $0x50, $0x38;
	[tilespmem:$0x1E280] =	vst v63  }
0xed: {  	s8 =	smul.u32 $0x500, s8;
	s10 =	sadd.s32 $0x9C40, s10  }
0xee: {  	[tilespmem:s23], [sflag:$0x3] =	stream.linear.gather [hbm4b:s10+s4], $0x50, $0x38;
	[tilespmem:$0x1E280] =	vst v63  }
0xef: {  	s25 =	simm.s32 $0x5200;
	s8 =	sadd.s32 s5, s8  }
0xf0: {  	[tilespmem:s25], [sflag:$0x5] =	stream.linear.gather [hbm4b:s8+s4], $0x2800, $0x38;
	[tilespmem:$0x1E280] =	vst v63  }
0xf1: {  	_ =	swait.ge [sflag:s19], $0x2800  }
0xf2: {  	[sflag:s19] =	ssyncset.done $0x0  }
0xf3: {  	[sflag:s19] =	ssyncadd.s32 $0xFFFFD800  }
0xf4: {  	_ =	swait.ge [sflag:s20], $0x2800  }
0xf5: {  	[sflag:s20] =	ssyncset.done $0x0  }
0xf6: {  	s10 =	simm.s32 $0x2BF0;
	[sflag:s20] =	ssyncadd.s32 $0xFFFFD800  }
0xf7: {  	s25 =	simm.s32 $0x7BF0;
	v1 =	vld [tilespmem:s10+$0xFFFFFF90]  }
0xf8: {  	v2 =	vld [tilespmem:s25+$0xFFFFFF90]  }
0xf9: {  	v3 =	vld [tilespmem:s10+$0xFFFFFE90]  }
0xfa: {  	v4 =	vld [tilespmem:s25+$0xFFFFFE90]  }
0xfb: {  	v5 =	vld [tilespmem:s10+$0xFFFFFF10]  }
0xfc: {  	v6 =	vld [tilespmem:s25+$0xFFFFFF10]  }
0xfd: {  	v7 =	vld [tilespmem:s10+$0xFFFFFE10];
	v1 =	vmul.f32 v2, v1  }
0xfe: {  	v2 =	vld [tilespmem:s25+$0xFFFFFE10]  }
0xff: {  	[tilespmem:s10+$0xFFFFFF90] =	vst v1;
	v1 =	vld [tilespmem:s10+$0xFFFFFFA0]  }
0x100: {  	v3 =	vmul.f32 v4, v3;
	v4 =	vld [tilespmem:s25+$0xFFFFFFA0]  }
0x101: {  	v8 =	vld [tilespmem:s10+$0xFFFFFE20]  }
0x102: {  	[tilespmem:s10+$0xFFFFFE90] =	vst v3;
	v3 =	vmul.f32 v6, v5;
	v5 =	vld [tilespmem:s10+$0xFFFFFEA0]  }
0x103: {  	v6 =	vld [tilespmem:s25+$0xFFFFFEA0];
	v2 =	vmul.f32 v2, v7  }
0x104: {  	[tilespmem:s10+$0xFFFFFF10] =	vst v3;
	v3 =	vld [tilespmem:s10+$0xFFFFFF20]  }
0x105: {  	v7 =	vld [tilespmem:s25+$0xFFFFFF20];
	[tilespmem:s10+$0xFFFFFE10] =	vst v2;
	v1 =	vmul.f32 v4, v1  }
0x106: {  	v2 =	vld [tilespmem:s25+$0xFFFFFE20]  }
0x107: {  	[tilespmem:s10+$0xFFFFFFA0] =	vst v1;
	v1 =	vld [tilespmem:s10+$0xFFFFFFB0]  }
0x108: {  	v4 =	vmul.f32 v6, v5;
	v5 =	vld [tilespmem:s25+$0xFFFFFFB0]  }
0x109: {  	v6 =	vld [tilespmem:s10+$0xFFFFFE30]  }
0x10a: {  	[tilespmem:s10+$0xFFFFFEA0] =	vst v4;
	v3 =	vmul.f32 v7, v3;
	v4 =	vld [tilespmem:s10+$0xFFFFFEB0]  }
0x10b: {  	v7 =	vld [tilespmem:s25+$0xFFFFFEB0];
	v2 =	vmul.f32 v2, v8  }
0x10c: {  	[tilespmem:s10+$0xFFFFFF20] =	vst v3;
	v3 =	vld [tilespmem:s10+$0xFFFFFF30]  }
0x10d: {  	v8 =	vld [tilespmem:s25+$0xFFFFFF30];
	[tilespmem:s10+$0xFFFFFE20] =	vst v2;
	v1 =	vmul.f32 v5, v1  }
0x10e: {  	v2 =	vld [tilespmem:s25+$0xFFFFFE30]  }
0x10f: {  	[tilespmem:s10+$0xFFFFFFB0] =	vst v1;
	v1 =	vld [tilespmem:s10+$0xFFFFFFC0]  }
0x110: {  	v4 =	vmul.f32 v7, v4;
	v5 =	vld [tilespmem:s25+$0xFFFFFFC0]  }
0x111: {  	v7 =	vld [tilespmem:s10+$0xFFFFFE40]  }
0x112: {  	[tilespmem:s10+$0xFFFFFEB0] =	vst v4;
	v3 =	vmul.f32 v8, v3;
	v4 =	vld [tilespmem:s10+$0xFFFFFEC0]  }
0x113: {  	v8 =	vld [tilespmem:s25+$0xFFFFFEC0];
	v2 =	vmul.f32 v2, v6  }
0x114: {  	[tilespmem:s10+$0xFFFFFF30] =	vst v3;
	v3 =	vld [tilespmem:s10+$0xFFFFFF40]  }
0x115: {  	v6 =	vld [tilespmem:s25+$0xFFFFFF40];
	[tilespmem:s10+$0xFFFFFE30] =	vst v2;
	v1 =	vmul.f32 v5, v1  }
0x116: {  	v2 =	vld [tilespmem:s25+$0xFFFFFE40]  }
0x117: {  	[tilespmem:s10+$0xFFFFFFC0] =	vst v1;
	v1 =	vld [tilespmem:s10+$0xFFFFFFD0]  }
0x118: {  	v4 =	vmul.f32 v8, v4;
	v5 =	vld [tilespmem:s25+$0xFFFFFFD0]  }
0x119: {  	v8 =	vld [tilespmem:s10+$0xFFFFFE50]  }
0x11a: {  	[tilespmem:s10+$0xFFFFFEC0] =	vst v4;
	v3 =	vmul.f32 v6, v3;
	v4 =	vld [tilespmem:s10+$0xFFFFFED0]  }
0x11b: {  	v6 =	vld [tilespmem:s25+$0xFFFFFED0];
	v2 =	vmul.f32 v2, v7  }
0x11c: {  	[tilespmem:s10+$0xFFFFFF40] =	vst v3;
	v3 =	vld [tilespmem:s10+$0xFFFFFF50]  }
0x11d: {  	v7 =	vld [tilespmem:s25+$0xFFFFFF50];
	[tilespmem:s10+$0xFFFFFE40] =	vst v2;
	v1 =	vmul.f32 v5, v1  }
0x11e: {  	v2 =	vld [tilespmem:s25+$0xFFFFFE50]  }
0x11f: {  	[tilespmem:s10+$0xFFFFFFD0] =	vst v1;
	v1 =	vld [tilespmem:s10+$0xFFFFFFE0]  }
0x120: {  	v4 =	vmul.f32 v6, v4;
	v5 =	vld [tilespmem:s25+$0xFFFFFFE0]  }
0x121: {  	v6 =	vld [tilespmem:s10+$0xFFFFFE60]  }
0x122: {  	[tilespmem:s10+$0xFFFFFED0] =	vst v4;
	v3 =	vmul.f32 v7, v3;
	v4 =	vld [tilespmem:s10+$0xFFFFFEE0]  }
0x123: {  	v7 =	vld [tilespmem:s25+$0xFFFFFEE0];
	v2 =	vmul.f32 v2, v8  }
0x124: {  	[tilespmem:s10+$0xFFFFFF50] =	vst v3;
	v3 =	vld [tilespmem:s10+$0xFFFFFF60]  }
0x125: {  	v8 =	vld [tilespmem:s25+$0xFFFFFF60];
	[tilespmem:s10+$0xFFFFFE50] =	vst v2;
	v1 =	vmul.f32 v5, v1  }
0x126: {  	v2 =	vld [tilespmem:s25+$0xFFFFFE60]  }
0x127: {  	[tilespmem:s10+$0xFFFFFFE0] =	vst v1;
	v1 =	vld [tilespmem:s10+$0xFFFFFFF0]  }
0x128: {  	v4 =	vmul.f32 v7, v4;
	v5 =	vld [tilespmem:s25+$0xFFFFFFF0]  }
0x129: {  	v7 =	vld [tilespmem:s10+$0xFFFFFE70]  }
0x12a: {  	[tilespmem:s10+$0xFFFFFEE0] =	vst v4;
	v3 =	vmul.f32 v8, v3;
	v4 =	vld [tilespmem:s10+$0xFFFFFEF0]  }
0x12b: {  	v8 =	vld [tilespmem:s25+$0xFFFFFEF0];
	v2 =	vmul.f32 v2, v6  }
0x12c: {  	[tilespmem:s10+$0xFFFFFF60] =	vst v3;
	v3 =	vld [tilespmem:s10+$0xFFFFFF70]  }
0x12d: {  	v6 =	vld [tilespmem:s25+$0xFFFFFF70];
	[tilespmem:s10+$0xFFFFFE60] =	vst v2;
	v1 =	vmul.f32 v5, v1  }
0x12e: {  	v5 =	vld [tilespmem:s25+$0xFFFFFE70]  }
0x12f: {  	v9 =	vld [tilespmem:s10+$0x0];
	[tilespmem:s10+$0xFFFFFFF0] =	vst v1  }
0x130: {  	v2 =	vmul.f32 v8, v4;
	v8 =	vld [tilespmem:s25+$0x0]  }
0x131: {  	v1 =	vld [tilespmem:s10+$0xFFFFFE80]  }
0x132: {  	[tilespmem:s10+$0xFFFFFEF0] =	vst v2;
	v3 =	vmul.f32 v6, v3;
	v2 =	vld [tilespmem:s10+$0xFFFFFF00]  }
0x133: {  	v4 =	vld [tilespmem:s25+$0xFFFFFF00];
	v5 =	vmul.f32 v5, v7  }
0x134: {  	[tilespmem:s10+$0xFFFFFF70] =	vst v3;
	v3 =	vld [tilespmem:s10+$0xFFFFFF80]  }
0x135: {  	[tilespmem:s10+$0xFFFFFE70] =	vst v5;
	v5 =	vld [tilespmem:s25+$0xFFFFFF80];
	v7 =	vmul.f32 v8, v9  }
0x136: {  	s24 =	simm.s32 $0x2DF0;
	s8 =	simm.s32 $0x0;
	v6 =	vld [tilespmem:s25+$0xFFFFFE80]  }
.LBB2_11:
0x137: {  	v8 =	vld [tilespmem:s24+$0xFFFFFF90];
	[tilespmem:s10+$0x0] =	vst v7;
	s25 =	sadd.s32 $0x200, s25  }
0x138: {  	s8 =	sadd.s32 $0x4, s8;
	v7 =	vld [tilespmem:s25+$0xFFFFFF90];
	v2 =	vmul.f32 v4, v2  }
0x139: {  	p1 =	slt.u32 s8, $0x4C;
	v4 =	vld [tilespmem:s25+$0xFFFFFE10]  }
0x13a: {  	v9 =	vld [tilespmem:s24+$0xFFFFFE90];
	[tilespmem:s10+$0xFFFFFF00] =	vst v2;
	v2 =	vmul.f32 v5, v3  }
0x13b: {  	v3 =	vld [tilespmem:s25+$0xFFFFFE90];
	v1 =	vmul.f32 v6, v1  }
0x13c: {  	v5 =	vld [tilespmem:s24+$0xFFFFFF10];
	[tilespmem:s10+$0xFFFFFF80] =	vst v2  }
0x13d: {  	v2 =	vld [tilespmem:s25+$0xFFFFFF10];
	v6 =	vmul.f32 v7, v8;
	[tilespmem:s10+$0xFFFFFE80] =	vst v1;
	s10 =	smov.u32 s24  }
0x13e: {  	v1 =	vld [tilespmem:s24+$0xFFFFFE10]  }
0x13f: {  	[tilespmem:s24+$0xFFFFFF90] =	vst v6;
	v6 =	vld [tilespmem:s24+$0xFFFFFFA0]  }
0x140: {  	v3 =	vmul.f32 v3, v9;
	v7 =	vld [tilespmem:s25+$0xFFFFFFA0]  }
0x141: {  	v8 =	vld [tilespmem:s24+$0xFFFFFE20]  }
0x142: {  	[tilespmem:s24+$0xFFFFFE90] =	vst v3;
	v3 =	vld [tilespmem:s24+$0xFFFFFEA0];
	v2 =	vmul.f32 v2, v5  }
0x143: {  	v1 =	vmul.f32 v4, v1;
	v4 =	vld [tilespmem:s25+$0xFFFFFEA0]  }
0x144: {  	[tilespmem:s24+$0xFFFFFF10] =	vst v2;
	v2 =	vld [tilespmem:s24+$0xFFFFFF20]  }
0x145: {  	[tilespmem:s24+$0xFFFFFE10] =	vst v1;
	v1 =	vld [tilespmem:s25+$0xFFFFFF20];
	v5 =	vmul.f32 v7, v6  }
0x146: {  	v6 =	vld [tilespmem:s25+$0xFFFFFE20]  }
0x147: {  	[tilespmem:s24+$0xFFFFFFA0] =	vst v5;
	v5 =	vld [tilespmem:s24+$0xFFFFFFB0]  }
0x148: {  	v3 =	vmul.f32 v4, v3;
	v4 =	vld [tilespmem:s25+$0xFFFFFFB0]  }
0x149: {  	v7 =	vld [tilespmem:s24+$0xFFFFFE30]  }
0x14a: {  	[tilespmem:s24+$0xFFFFFEA0] =	vst v3;
	v3 =	vld [tilespmem:s24+$0xFFFFFEB0];
	v1 =	vmul.f32 v1, v2  }
0x14b: {  	v2 =	vmul.f32 v6, v8;
	v6 =	vld [tilespmem:s25+$0xFFFFFEB0]  }
0x14c: {  	[tilespmem:s24+$0xFFFFFF20] =	vst v1;
	v1 =	vld [tilespmem:s24+$0xFFFFFF30]  }
0x14d: {  	[tilespmem:s24+$0xFFFFFE20] =	vst v2;
	v2 =	vld [tilespmem:s25+$0xFFFFFF30];
	v4 =	vmul.f32 v4, v5  }
0x14e: {  	v5 =	vld [tilespmem:s25+$0xFFFFFE30]  }
0x14f: {  	[tilespmem:s24+$0xFFFFFFB0] =	vst v4;
	v4 =	vld [tilespmem:s24+$0xFFFFFFC0]  }
0x150: {  	v3 =	vmul.f32 v6, v3;
	v6 =	vld [tilespmem:s25+$0xFFFFFFC0]  }
0x151: {  	v8 =	vld [tilespmem:s24+$0xFFFFFE40]  }
0x152: {  	[tilespmem:s24+$0xFFFFFEB0] =	vst v3;
	v3 =	vld [tilespmem:s24+$0xFFFFFEC0];
	v1 =	vmul.f32 v2, v1  }
0x153: {  	v2 =	vmul.f32 v5, v7;
	v5 =	vld [tilespmem:s25+$0xFFFFFEC0]  }
0x154: {  	[tilespmem:s24+$0xFFFFFF30] =	vst v1;
	v1 =	vld [tilespmem:s24+$0xFFFFFF40]  }
0x155: {  	[tilespmem:s24+$0xFFFFFE30] =	vst v2;
	v2 =	vld [tilespmem:s25+$0xFFFFFF40];
	v4 =	vmul.f32 v6, v4  }
0x156: {  	v6 =	vld [tilespmem:s25+$0xFFFFFE40]  }
0x157: {  	[tilespmem:s24+$0xFFFFFFC0] =	vst v4;
	v4 =	vld [tilespmem:s24+$0xFFFFFFD0]  }
0x158: {  	v3 =	vmul.f32 v5, v3;
	v5 =	vld [tilespmem:s25+$0xFFFFFFD0]  }
0x159: {  	v7 =	vld [tilespmem:s24+$0xFFFFFE50]  }
0x15a: {  	[tilespmem:s24+$0xFFFFFEC0] =	vst v3;
	v3 =	vld [tilespmem:s24+$0xFFFFFED0];
	v1 =	vmul.f32 v2, v1  }
0x15b: {  	v2 =	vmul.f32 v6, v8;
	v6 =	vld [tilespmem:s25+$0xFFFFFED0]  }
0x15c: {  	[tilespmem:s24+$0xFFFFFF40] =	vst v1;
	v1 =	vld [tilespmem:s24+$0xFFFFFF50]  }
0x15d: {  	[tilespmem:s24+$0xFFFFFE40] =	vst v2;
	v2 =	vld [tilespmem:s25+$0xFFFFFF50];
	v4 =	vmul.f32 v5, v4  }
0x15e: {  	v5 =	vld [tilespmem:s25+$0xFFFFFE50]  }
0x15f: {  	[tilespmem:s24+$0xFFFFFFD0] =	vst v4;
	v4 =	vld [tilespmem:s24+$0xFFFFFFE0]  }
0x160: {  	v3 =	vmul.f32 v6, v3;
	v6 =	vld [tilespmem:s25+$0xFFFFFFE0]  }
0x161: {  	v8 =	vld [tilespmem:s24+$0xFFFFFE60]  }
0x162: {  	[tilespmem:s24+$0xFFFFFED0] =	vst v3;
	v3 =	vld [tilespmem:s24+$0xFFFFFEE0];
	v1 =	vmul.f32 v2, v1  }
0x163: {  	v2 =	vmul.f32 v5, v7;
	v5 =	vld [tilespmem:s25+$0xFFFFFEE0]  }
0x164: {  	[tilespmem:s24+$0xFFFFFF50] =	vst v1;
	v1 =	vld [tilespmem:s24+$0xFFFFFF60]  }
0x165: {  	[tilespmem:s24+$0xFFFFFE50] =	vst v2;
	v2 =	vld [tilespmem:s25+$0xFFFFFF60];
	v4 =	vmul.f32 v6, v4  }
0x166: {  	v6 =	vld [tilespmem:s25+$0xFFFFFE60]  }
0x167: {  	[tilespmem:s24+$0xFFFFFFE0] =	vst v4;
	v4 =	vld [tilespmem:s24+$0xFFFFFFF0]  }
0x168: {  	v3 =	vmul.f32 v5, v3;
	v5 =	vld [tilespmem:s25+$0xFFFFFFF0]  }
0x169: {  	v7 =	vld [tilespmem:s24+$0xFFFFFE70]  }
0x16a: {  	[tilespmem:s24+$0xFFFFFEE0] =	vst v3;
	v3 =	vld [tilespmem:s24+$0xFFFFFEF0];
	v1 =	vmul.f32 v2, v1  }
0x16b: {  	v2 =	vmul.f32 v6, v8;
	v6 =	vld [tilespmem:s25+$0xFFFFFEF0]  }
0x16c: {  	[tilespmem:s24+$0xFFFFFF60] =	vst v1;
	v8 =	vld [tilespmem:s24+$0xFFFFFF70]  }
0x16d: {  	[tilespmem:s24+$0xFFFFFE60] =	vst v2;
	v9 =	vld [tilespmem:s25+$0xFFFFFF70];
	v1 =	vmul.f32 v5, v4  }
0x16e: {  	v4 =	vld [tilespmem:s25+$0xFFFFFE70]  }
0x16f: {  	[tilespmem:s24+$0xFFFFFFF0] =	vst v1;
	v10 =	vld [tilespmem:s24+$0x0]  }
0x170: {  	v2 =	vmul.f32 v6, v3;
	v6 =	vld [tilespmem:s25+$0x0]  }
0x171: {  	v1 =	vld [tilespmem:s24+$0xFFFFFE80]  }
.Ltmp6:
0x172: {  	[tilespmem:s24+$0xFFFFFEF0] =	vst v2;
	v2 =	vld [tilespmem:s24+$0xFFFFFF00];
	v3 =	vmul.f32 v9, v8;
	(pc) =	sbr.rel @p1 .LBB2_11-.Ltmp6, $4  }
0x173: {  	v5 =	vmul.f32 v4, v7;
	v4 =	vld [tilespmem:s25+$0xFFFFFF00]  }
0x174: {  	[tilespmem:s24+$0xFFFFFF70] =	vst v3;
	v3 =	vld [tilespmem:s24+$0xFFFFFF80]  }
0x175: {  	[tilespmem:s24+$0xFFFFFE70] =	vst v5;
	v5 =	vld [tilespmem:s25+$0xFFFFFF80];
	v7 =	vmul.f32 v6, v10  }
0x176: {  	s24 =	sadd.s32 $0x200, s24;
	v6 =	vld [tilespmem:s25+$0xFFFFFE80]  }
0x177: {  	_ =	sdelay $0x1  }
0x178: {  	v2 =	vmul.f32 v4, v2  }
0x179: {  	[tilespmem:s10+$0x0] =	vst v7;
	v3 =	vmul.f32 v5, v3  }
0x17a: {  	[tilespmem:s10+$0xFFFFFF00] =	vst v2;
	v1 =	vmul.f32 v6, v1  }
0x17b: {  	[tilespmem:s10+$0xFFFFFF80] =	vst v3  }
0x17c: {  	[tilespmem:s10+$0xFFFFFE80] =	vst v1  }
0x17d: {  	_ =	swait.ge [sflag:s21], $0x50  }
0x17e: {  	[sflag:s21] =	ssyncset.done $0x0  }
0x17f: {  	[sflag:s21] =	ssyncadd.s32 $0xFFFFFFB0  }
0x180: {  	[spmem:s2] =	stream.indirect.scatter.add.f32 [tilespmem:s17], [sflag:$0xA], $0x80, s3, s28, $0xb8;
	[tilespmem:$0x1E280] =	vst v63  }
0x181: {  	_ =	swait.ge [sflag:s26], $0x50  }
0x182: {  	s8 =	sadd.s32 s16, s11;
	[sflag:s26] =	ssyncset.done $0x0  }
0x183: {  	s24 =	smul.u32 $0x50, s8;
	[sflag:s26] =	ssyncadd.s32 $0xFFFFFFB0  }
0x184: {  	[tilespmem:s29], [sflag:$0x7] =	stream.indirect.gather [hbm4b:s1+s28], $0x80, s4, s28, $0xb8;
	[tilespmem:$0x1E280] =	vst v63  }
0x185: {  	_ =	swait.ge [sflag:s22], $0x2800  }
0x186: {  	s10 =	sshrl.u32 s24, $0x3;
	[sflag:s22] =	ssyncset.done $0x0  }
0x187: {  	s10 =	sadd.s32 s6, s10;
	[sflag:s22] =	ssyncadd.s32 $0xFFFFD800  }
0x188: {  	[tilespmem:s0], [sflag:$0x2] =	stream.linear.gather [hbm4b:s10+s4], $0x50, $0x38;
	[tilespmem:$0x1E280] =	vst v63  }
0x189: {  	s8 =	smul.u32 $0x500, s8;
	s10 =	sadd.s32 $0x9C40, s10  }
0x18a: {  	[tilespmem:s3], [sflag:$0x4] =	stream.linear.gather [hbm4b:s10+s4], $0x50, $0x38;
	[tilespmem:$0x1E280] =	vst v63  }
0x18b: {  	s25 =	simm.s32 $0x7A00;
	s8 =	sadd.s32 s5, s8  }
0x18c: {  	[tilespmem:s25], [sflag:$0x6] =	stream.linear.gather [hbm4b:s8+s4], $0x2800, $0x38;
	[tilespmem:$0x1E280] =	vst v63  }
0x18d: {  	_ =	swait.ge [sflag:s9], $0x2800  }
0x18e: {  	[sflag:s9] =	ssyncset.done $0x0  }
0x18f: {  	[sflag:s9] =	ssyncadd.s32 $0xFFFFD800  }
0x190: {  	_ =	swait.ge [sflag:s12], $0x2800  }
0x191: {  	[sflag:s12] =	ssyncset.done $0x0  }
0x192: {  	s10 =	simm.s32 $0x300;
	[sflag:s12] =	ssyncadd.s32 $0xFFFFD800  }
0x193: {  	s11 =	simm.s32 $0x5300;
	v1 =	vld [tilespmem:s10+$0x80]  }
0x194: {  	v2 =	vld [tilespmem:s11+$0x80]  }
0x195: {  	v3 =	vld [tilespmem:s10+$0xFFFFFF80]  }
0x196: {  	v4 =	vld [tilespmem:s11+$0xFFFFFF80]  }
0x197: {  	v5 =	vld [tilespmem:s10+$0x0]  }
0x198: {  	v6 =	vld [tilespmem:s11+$0x0]  }
0x199: {  	v7 =	vld [tilespmem:s10+$0xFFFFFF00];
	v1 =	vmul.f32 v2, v1  }
0x19a: {  	v2 =	vld [tilespmem:s11+$0xFFFFFF00]  }
0x19b: {  	[tilespmem:s10+$0x80] =	vst v1;
	v1 =	vld [tilespmem:s10+$0x90]  }
0x19c: {  	v3 =	vmul.f32 v4, v3;
	v4 =	vld [tilespmem:s11+$0x90]  }
0x19d: {  	v8 =	vld [tilespmem:s10+$0xFFFFFF10]  }
0x19e: {  	[tilespmem:s10+$0xFFFFFF80] =	vst v3;
	v3 =	vmul.f32 v6, v5;
	v5 =	vld [tilespmem:s10+$0xFFFFFF90]  }
0x19f: {  	v6 =	vld [tilespmem:s11+$0xFFFFFF90];
	v2 =	vmul.f32 v2, v7  }
0x1a0: {  	[tilespmem:s10+$0x0] =	vst v3;
	v3 =	vld [tilespmem:s10+$0x10]  }
0x1a1: {  	v7 =	vld [tilespmem:s11+$0x10];
	[tilespmem:s10+$0xFFFFFF00] =	vst v2;
	v1 =	vmul.f32 v4, v1  }
0x1a2: {  	v2 =	vld [tilespmem:s11+$0xFFFFFF10]  }
0x1a3: {  	[tilespmem:s10+$0x90] =	vst v1;
	v1 =	vld [tilespmem:s10+$0xA0]  }
0x1a4: {  	v4 =	vmul.f32 v6, v5;
	v5 =	vld [tilespmem:s11+$0xA0]  }
0x1a5: {  	v6 =	vld [tilespmem:s10+$0xFFFFFF20]  }
0x1a6: {  	[tilespmem:s10+$0xFFFFFF90] =	vst v4;
	v3 =	vmul.f32 v7, v3;
	v4 =	vld [tilespmem:s10+$0xFFFFFFA0]  }
0x1a7: {  	v7 =	vld [tilespmem:s11+$0xFFFFFFA0];
	v2 =	vmul.f32 v2, v8  }
0x1a8: {  	[tilespmem:s10+$0x10] =	vst v3;
	v3 =	vld [tilespmem:s10+$0x20]  }
0x1a9: {  	v8 =	vld [tilespmem:s11+$0x20];
	[tilespmem:s10+$0xFFFFFF10] =	vst v2;
	v1 =	vmul.f32 v5, v1  }
0x1aa: {  	v2 =	vld [tilespmem:s11+$0xFFFFFF20]  }
0x1ab: {  	[tilespmem:s10+$0xA0] =	vst v1;
	v1 =	vld [tilespmem:s10+$0xB0]  }
0x1ac: {  	v4 =	vmul.f32 v7, v4;
	v5 =	vld [tilespmem:s11+$0xB0]  }
0x1ad: {  	v7 =	vld [tilespmem:s10+$0xFFFFFF30]  }
0x1ae: {  	[tilespmem:s10+$0xFFFFFFA0] =	vst v4;
	v3 =	vmul.f32 v8, v3;
	v4 =	vld [tilespmem:s10+$0xFFFFFFB0]  }
0x1af: {  	v8 =	vld [tilespmem:s11+$0xFFFFFFB0];
	v2 =	vmul.f32 v2, v6  }
0x1b0: {  	[tilespmem:s10+$0x20] =	vst v3;
	v3 =	vld [tilespmem:s10+$0x30]  }
0x1b1: {  	v6 =	vld [tilespmem:s11+$0x30];
	[tilespmem:s10+$0xFFFFFF20] =	vst v2;
	v1 =	vmul.f32 v5, v1  }
0x1b2: {  	v2 =	vld [tilespmem:s11+$0xFFFFFF30]  }
0x1b3: {  	[tilespmem:s10+$0xB0] =	vst v1;
	v1 =	vld [tilespmem:s10+$0xC0]  }
0x1b4: {  	v4 =	vmul.f32 v8, v4;
	v5 =	vld [tilespmem:s11+$0xC0]  }
0x1b5: {  	v8 =	vld [tilespmem:s10+$0xFFFFFF40]  }
0x1b6: {  	[tilespmem:s10+$0xFFFFFFB0] =	vst v4;
	v3 =	vmul.f32 v6, v3;
	v4 =	vld [tilespmem:s10+$0xFFFFFFC0]  }
0x1b7: {  	v6 =	vld [tilespmem:s11+$0xFFFFFFC0];
	v2 =	vmul.f32 v2, v7  }
0x1b8: {  	[tilespmem:s10+$0x30] =	vst v3;
	v3 =	vld [tilespmem:s10+$0x40]  }
0x1b9: {  	v7 =	vld [tilespmem:s11+$0x40];
	[tilespmem:s10+$0xFFFFFF30] =	vst v2;
	v1 =	vmul.f32 v5, v1  }
0x1ba: {  	v2 =	vld [tilespmem:s11+$0xFFFFFF40]  }
0x1bb: {  	[tilespmem:s10+$0xC0] =	vst v1;
	v1 =	vld [tilespmem:s10+$0xD0]  }
0x1bc: {  	v4 =	vmul.f32 v6, v4;
	v5 =	vld [tilespmem:s11+$0xD0]  }
0x1bd: {  	v6 =	vld [tilespmem:s10+$0xFFFFFF50]  }
0x1be: {  	[tilespmem:s10+$0xFFFFFFC0] =	vst v4;
	v3 =	vmul.f32 v7, v3;
	v4 =	vld [tilespmem:s10+$0xFFFFFFD0]  }
0x1bf: {  	v7 =	vld [tilespmem:s11+$0xFFFFFFD0];
	v2 =	vmul.f32 v2, v8  }
0x1c0: {  	[tilespmem:s10+$0x40] =	vst v3;
	v3 =	vld [tilespmem:s10+$0x50]  }
0x1c1: {  	v8 =	vld [tilespmem:s11+$0x50];
	[tilespmem:s10+$0xFFFFFF40] =	vst v2;
	v1 =	vmul.f32 v5, v1  }
0x1c2: {  	v2 =	vld [tilespmem:s11+$0xFFFFFF50]  }
0x1c3: {  	[tilespmem:s10+$0xD0] =	vst v1;
	v1 =	vld [tilespmem:s10+$0xE0]  }
0x1c4: {  	v4 =	vmul.f32 v7, v4;
	v5 =	vld [tilespmem:s11+$0xE0]  }
0x1c5: {  	v7 =	vld [tilespmem:s10+$0xFFFFFF60]  }
0x1c6: {  	[tilespmem:s10+$0xFFFFFFD0] =	vst v4;
	v3 =	vmul.f32 v8, v3;
	v4 =	vld [tilespmem:s10+$0xFFFFFFE0]  }
0x1c7: {  	v8 =	vld [tilespmem:s11+$0xFFFFFFE0];
	v2 =	vmul.f32 v2, v6  }
0x1c8: {  	[tilespmem:s10+$0x50] =	vst v3;
	v3 =	vld [tilespmem:s10+$0x60]  }
0x1c9: {  	v6 =	vld [tilespmem:s11+$0x60];
	[tilespmem:s10+$0xFFFFFF50] =	vst v2;
	v1 =	vmul.f32 v5, v1  }
0x1ca: {  	v5 =	vld [tilespmem:s11+$0xFFFFFF60]  }
0x1cb: {  	v9 =	vld [tilespmem:s10+$0xF0];
	[tilespmem:s10+$0xE0] =	vst v1  }
0x1cc: {  	v2 =	vmul.f32 v8, v4;
	v8 =	vld [tilespmem:s11+$0xF0]  }
0x1cd: {  	v1 =	vld [tilespmem:s10+$0xFFFFFF70]  }
0x1ce: {  	[tilespmem:s10+$0xFFFFFFE0] =	vst v2;
	v3 =	vmul.f32 v6, v3;
	v2 =	vld [tilespmem:s10+$0xFFFFFFF0]  }
0x1cf: {  	v4 =	vld [tilespmem:s11+$0xFFFFFFF0];
	v5 =	vmul.f32 v5, v7  }
0x1d0: {  	[tilespmem:s10+$0x60] =	vst v3;
	v3 =	vld [tilespmem:s10+$0x70]  }
0x1d1: {  	[tilespmem:s10+$0xFFFFFF60] =	vst v5;
	v5 =	vld [tilespmem:s11+$0x70];
	v7 =	vmul.f32 v8, v9  }
0x1d2: {  	s24 =	simm.s32 $0x500;
	s8 =	simm.s32 $0x0;
	v6 =	vld [tilespmem:s11+$0xFFFFFF70]  }
.LBB2_13:
0x1d3: {  	v8 =	vld [tilespmem:s24+$0x80];
	[tilespmem:s10+$0xF0] =	vst v7;
	s11 =	sadd.s32 $0x200, s11  }
0x1d4: {  	s8 =	sadd.s32 $0x4, s8;
	v7 =	vld [tilespmem:s11+$0x80];
	v2 =	vmul.f32 v4, v2  }
0x1d5: {  	p1 =	slt.u32 s8, $0x4C;
	v4 =	vld [tilespmem:s11+$0xFFFFFF00]  }
0x1d6: {  	v9 =	vld [tilespmem:s24+$0xFFFFFF80];
	[tilespmem:s10+$0xFFFFFFF0] =	vst v2;
	v2 =	vmul.f32 v5, v3  }
0x1d7: {  	v3 =	vld [tilespmem:s11+$0xFFFFFF80];
	v1 =	vmul.f32 v6, v1  }
0x1d8: {  	v5 =	vld [tilespmem:s24+$0x0];
	[tilespmem:s10+$0x70] =	vst v2  }
0x1d9: {  	v2 =	vld [tilespmem:s11+$0x0];
	v6 =	vmul.f32 v7, v8;
	[tilespmem:s10+$0xFFFFFF70] =	vst v1;
	s10 =	smov.u32 s24  }
0x1da: {  	v1 =	vld [tilespmem:s24+$0xFFFFFF00]  }
0x1db: {  	[tilespmem:s24+$0x80] =	vst v6;
	v6 =	vld [tilespmem:s24+$0x90]  }
0x1dc: {  	v3 =	vmul.f32 v3, v9;
	v7 =	vld [tilespmem:s11+$0x90]  }
0x1dd: {  	v8 =	vld [tilespmem:s24+$0xFFFFFF10]  }
0x1de: {  	[tilespmem:s24+$0xFFFFFF80] =	vst v3;
	v3 =	vld [tilespmem:s24+$0xFFFFFF90];
	v2 =	vmul.f32 v2, v5  }
0x1df: {  	v1 =	vmul.f32 v4, v1;
	v4 =	vld [tilespmem:s11+$0xFFFFFF90]  }
0x1e0: {  	[tilespmem:s24+$0x0] =	vst v2;
	v2 =	vld [tilespmem:s24+$0x10]  }
0x1e1: {  	[tilespmem:s24+$0xFFFFFF00] =	vst v1;
	v1 =	vld [tilespmem:s11+$0x10];
	v5 =	vmul.f32 v7, v6  }
0x1e2: {  	v6 =	vld [tilespmem:s11+$0xFFFFFF10]  }
0x1e3: {  	[tilespmem:s24+$0x90] =	vst v5;
	v5 =	vld [tilespmem:s24+$0xA0]  }
0x1e4: {  	v3 =	vmul.f32 v4, v3;
	v4 =	vld [tilespmem:s11+$0xA0]  }
0x1e5: {  	v7 =	vld [tilespmem:s24+$0xFFFFFF20]  }
0x1e6: {  	[tilespmem:s24+$0xFFFFFF90] =	vst v3;
	v3 =	vld [tilespmem:s24+$0xFFFFFFA0];
	v1 =	vmul.f32 v1, v2  }
0x1e7: {  	v2 =	vmul.f32 v6, v8;
	v6 =	vld [tilespmem:s11+$0xFFFFFFA0]  }
0x1e8: {  	[tilespmem:s24+$0x10] =	vst v1;
	v1 =	vld [tilespmem:s24+$0x20]  }
0x1e9: {  	[tilespmem:s24+$0xFFFFFF10] =	vst v2;
	v2 =	vld [tilespmem:s11+$0x20];
	v4 =	vmul.f32 v4, v5  }
0x1ea: {  	v5 =	vld [tilespmem:s11+$0xFFFFFF20]  }
0x1eb: {  	[tilespmem:s24+$0xA0] =	vst v4;
	v4 =	vld [tilespmem:s24+$0xB0]  }
0x1ec: {  	v3 =	vmul.f32 v6, v3;
	v6 =	vld [tilespmem:s11+$0xB0]  }
0x1ed: {  	v8 =	vld [tilespmem:s24+$0xFFFFFF30]  }
0x1ee: {  	[tilespmem:s24+$0xFFFFFFA0] =	vst v3;
	v3 =	vld [tilespmem:s24+$0xFFFFFFB0];
	v1 =	vmul.f32 v2, v1  }
0x1ef: {  	v2 =	vmul.f32 v5, v7;
	v5 =	vld [tilespmem:s11+$0xFFFFFFB0]  }
0x1f0: {  	[tilespmem:s24+$0x20] =	vst v1;
	v1 =	vld [tilespmem:s24+$0x30]  }
0x1f1: {  	[tilespmem:s24+$0xFFFFFF20] =	vst v2;
	v2 =	vld [tilespmem:s11+$0x30];
	v4 =	vmul.f32 v6, v4  }
0x1f2: {  	v6 =	vld [tilespmem:s11+$0xFFFFFF30]  }
0x1f3: {  	[tilespmem:s24+$0xB0] =	vst v4;
	v4 =	vld [tilespmem:s24+$0xC0]  }
0x1f4: {  	v3 =	vmul.f32 v5, v3;
	v5 =	vld [tilespmem:s11+$0xC0]  }
0x1f5: {  	v7 =	vld [tilespmem:s24+$0xFFFFFF40]  }
0x1f6: {  	[tilespmem:s24+$0xFFFFFFB0] =	vst v3;
	v3 =	vld [tilespmem:s24+$0xFFFFFFC0];
	v1 =	vmul.f32 v2, v1  }
0x1f7: {  	v2 =	vmul.f32 v6, v8;
	v6 =	vld [tilespmem:s11+$0xFFFFFFC0]  }
0x1f8: {  	[tilespmem:s24+$0x30] =	vst v1;
	v1 =	vld [tilespmem:s24+$0x40]  }
0x1f9: {  	[tilespmem:s24+$0xFFFFFF30] =	vst v2;
	v2 =	vld [tilespmem:s11+$0x40];
	v4 =	vmul.f32 v5, v4  }
0x1fa: {  	v5 =	vld [tilespmem:s11+$0xFFFFFF40]  }
0x1fb: {  	[tilespmem:s24+$0xC0] =	vst v4;
	v4 =	vld [tilespmem:s24+$0xD0]  }
0x1fc: {  	v3 =	vmul.f32 v6, v3;
	v6 =	vld [tilespmem:s11+$0xD0]  }
0x1fd: {  	v8 =	vld [tilespmem:s24+$0xFFFFFF50]  }
0x1fe: {  	[tilespmem:s24+$0xFFFFFFC0] =	vst v3;
	v3 =	vld [tilespmem:s24+$0xFFFFFFD0];
	v1 =	vmul.f32 v2, v1  }
0x1ff: {  	v2 =	vmul.f32 v5, v7;
	v5 =	vld [tilespmem:s11+$0xFFFFFFD0]  }
0x200: {  	[tilespmem:s24+$0x40] =	vst v1;
	v1 =	vld [tilespmem:s24+$0x50]  }
0x201: {  	[tilespmem:s24+$0xFFFFFF40] =	vst v2;
	v2 =	vld [tilespmem:s11+$0x50];
	v4 =	vmul.f32 v6, v4  }
0x202: {  	v6 =	vld [tilespmem:s11+$0xFFFFFF50]  }
0x203: {  	[tilespmem:s24+$0xD0] =	vst v4;
	v4 =	vld [tilespmem:s24+$0xE0]  }
0x204: {  	v3 =	vmul.f32 v5, v3;
	v5 =	vld [tilespmem:s11+$0xE0]  }
0x205: {  	v7 =	vld [tilespmem:s24+$0xFFFFFF60]  }
0x206: {  	[tilespmem:s24+$0xFFFFFFD0] =	vst v3;
	v3 =	vld [tilespmem:s24+$0xFFFFFFE0];
	v1 =	vmul.f32 v2, v1  }
0x207: {  	v2 =	vmul.f32 v6, v8;
	v6 =	vld [tilespmem:s11+$0xFFFFFFE0]  }
0x208: {  	[tilespmem:s24+$0x50] =	vst v1;
	v8 =	vld [tilespmem:s24+$0x60]  }
0x209: {  	[tilespmem:s24+$0xFFFFFF50] =	vst v2;
	v9 =	vld [tilespmem:s11+$0x60];
	v1 =	vmul.f32 v5, v4  }
0x20a: {  	v4 =	vld [tilespmem:s11+$0xFFFFFF60]  }
0x20b: {  	[tilespmem:s24+$0xE0] =	vst v1;
	v10 =	vld [tilespmem:s24+$0xF0]  }
0x20c: {  	v2 =	vmul.f32 v6, v3;
	v6 =	vld [tilespmem:s11+$0xF0]  }
0x20d: {  	v1 =	vld [tilespmem:s24+$0xFFFFFF70]  }
.Ltmp7:
0x20e: {  	[tilespmem:s24+$0xFFFFFFE0] =	vst v2;
	v2 =	vld [tilespmem:s24+$0xFFFFFFF0];
	v3 =	vmul.f32 v9, v8;
	(pc) =	sbr.rel @p1 .LBB2_13-.Ltmp7, $4  }
0x20f: {  	v5 =	vmul.f32 v4, v7;
	v4 =	vld [tilespmem:s11+$0xFFFFFFF0]  }
0x210: {  	[tilespmem:s24+$0x60] =	vst v3;
	v3 =	vld [tilespmem:s24+$0x70]  }
0x211: {  	[tilespmem:s24+$0xFFFFFF60] =	vst v5;
	v5 =	vld [tilespmem:s11+$0x70];
	v7 =	vmul.f32 v6, v10  }
0x212: {  	s24 =	sadd.s32 $0x200, s24;
	v6 =	vld [tilespmem:s11+$0xFFFFFF70]  }
0x213: {  	_ =	sdelay $0x1  }
0x214: {  	v2 =	vmul.f32 v4, v2  }
0x215: {  	[tilespmem:s10+$0xF0] =	vst v7;
	v3 =	vmul.f32 v5, v3  }
0x216: {  	[tilespmem:s10+$0xFFFFFFF0] =	vst v2;
	v1 =	vmul.f32 v6, v1  }
0x217: {  	[tilespmem:s10+$0x70] =	vst v3  }
0x218: {  	[tilespmem:s10+$0xFFFFFF70] =	vst v1  }
0x219: {  	_ =	swait.ge [sflag:s13], $0x50  }
0x21a: {  	s7 =	sadd.s32 $0x1, s7;
	[sflag:s13] =	ssyncset.done $0x0  }
0x21b: {  	p1 =	sne.s32 s7, $0x3D;
	[sflag:s13] =	ssyncadd.s32 $0xFFFFFFB0  }
0x21c: {  	[spmem:s2] =	stream.indirect.scatter.add.f32 [tilespmem:s29], [sflag:$0x9], $0x80, s23, s28, $0xb8;
	[tilespmem:$0x1E280] =	vst v63  }
.Ltmp8:
0x21d: {  	_ = 	snop;
	(pc) =	sbr.rel @p1 .LBB2_10-.Ltmp8, $4  }
0x21e: {  	_ =	swait.ge [sflag:s14], $0x50  }
0x21f: {  	[sflag:s14] =	ssyncset.done $0x0  }
0x220: {  	[sflag:s14] =	ssyncadd.s32 $0xFFFFFFB0  }
0x221: {  	[tilespmem:s17], [sflag:$0x8] =	stream.indirect.gather [hbm4b:s1+s28], $0x80, s0, s28, $0xb8;
	[tilespmem:$0x1E280] =	vst v63  }
0x222: {  	_ =	swait.ge [sflag:s18], $0x2800  }
0x223: {  	[sflag:s18] =	ssyncset.done $0x0  }
0x224: {  	s7 =	rddreg [dreg:$0xc];
	[sflag:s18] =	ssyncadd.s32 $0xFFFFD800  }
0x225: {  	[tilespmem:s4], [sflag:$0x1] =	stream.linear.gather [hbm4b:s7+s4], $0x50, $0x38;
	[tilespmem:$0x1E280] =	vst v63  }
0x226: {  	s24 =	rddreg [dreg:$0xd]  }
0x227: {  	[tilespmem:s23], [sflag:$0x3] =	stream.linear.gather [hbm4b:s24+s4], $0x50, $0x38;
	[tilespmem:$0x1E280] =	vst v63  }
0x228: {  	s8 =	simm.s32 $0x5200;
	s25 =	rddreg [dreg:$0xe]  }
0x229: {  	[tilespmem:s8], [sflag:$0x5] =	stream.linear.gather [hbm4b:s25+s4], $0x2800, $0x38;
	[tilespmem:$0x1E280] =	vst v63  }
0x22a: {  	_ =	swait.ge [sflag:s19], $0x2800  }
0x22b: {  	[sflag:s19] =	ssyncset.done $0x0  }
0x22c: {  	[sflag:s19] =	ssyncadd.s32 $0xFFFFD800  }
0x22d: {  	_ =	swait.ge [sflag:s20], $0x2800  }
0x22e: {  	[sflag:s20] =	ssyncset.done $0x0  }
0x22f: {  	s7 =	simm.s32 $0x2BF0;
	[sflag:s20] =	ssyncadd.s32 $0xFFFFD800  }
0x230: {  	s10 =	simm.s32 $0x7BF0;
	v1 =	vld [tilespmem:s7+$0xFFFFFF90]  }
0x231: {  	v2 =	vld [tilespmem:s10+$0xFFFFFF90]  }
0x232: {  	v3 =	vld [tilespmem:s7+$0xFFFFFE90]  }
0x233: {  	v4 =	vld [tilespmem:s10+$0xFFFFFE90]  }
0x234: {  	v5 =	vld [tilespmem:s7+$0xFFFFFF10]  }
0x235: {  	v6 =	vld [tilespmem:s10+$0xFFFFFF10]  }
0x236: {  	v7 =	vld [tilespmem:s7+$0xFFFFFE10];
	v1 =	vmul.f32 v2, v1  }
0x237: {  	v2 =	vld [tilespmem:s10+$0xFFFFFE10]  }
0x238: {  	[tilespmem:s7+$0xFFFFFF90] =	vst v1;
	v1 =	vld [tilespmem:s7+$0xFFFFFFA0]  }
0x239: {  	v3 =	vmul.f32 v4, v3;
	v4 =	vld [tilespmem:s10+$0xFFFFFFA0]  }
0x23a: {  	v8 =	vld [tilespmem:s7+$0xFFFFFE20]  }
0x23b: {  	[tilespmem:s7+$0xFFFFFE90] =	vst v3;
	v3 =	vmul.f32 v6, v5;
	v5 =	vld [tilespmem:s7+$0xFFFFFEA0]  }
0x23c: {  	v6 =	vld [tilespmem:s10+$0xFFFFFEA0];
	v2 =	vmul.f32 v2, v7  }
0x23d: {  	[tilespmem:s7+$0xFFFFFF10] =	vst v3;
	v3 =	vld [tilespmem:s7+$0xFFFFFF20]  }
0x23e: {  	v7 =	vld [tilespmem:s10+$0xFFFFFF20];
	[tilespmem:s7+$0xFFFFFE10] =	vst v2;
	v1 =	vmul.f32 v4, v1  }
0x23f: {  	v2 =	vld [tilespmem:s10+$0xFFFFFE20]  }
0x240: {  	[tilespmem:s7+$0xFFFFFFA0] =	vst v1;
	v1 =	vld [tilespmem:s7+$0xFFFFFFB0]  }
0x241: {  	v4 =	vmul.f32 v6, v5;
	v5 =	vld [tilespmem:s10+$0xFFFFFFB0]  }
0x242: {  	v6 =	vld [tilespmem:s7+$0xFFFFFE30]  }
0x243: {  	[tilespmem:s7+$0xFFFFFEA0] =	vst v4;
	v3 =	vmul.f32 v7, v3;
	v4 =	vld [tilespmem:s7+$0xFFFFFEB0]  }
0x244: {  	v7 =	vld [tilespmem:s10+$0xFFFFFEB0];
	v2 =	vmul.f32 v2, v8  }
0x245: {  	[tilespmem:s7+$0xFFFFFF20] =	vst v3;
	v3 =	vld [tilespmem:s7+$0xFFFFFF30]  }
0x246: {  	v8 =	vld [tilespmem:s10+$0xFFFFFF30];
	[tilespmem:s7+$0xFFFFFE20] =	vst v2;
	v1 =	vmul.f32 v5, v1  }
0x247: {  	v2 =	vld [tilespmem:s10+$0xFFFFFE30]  }
0x248: {  	[tilespmem:s7+$0xFFFFFFB0] =	vst v1;
	v1 =	vld [tilespmem:s7+$0xFFFFFFC0]  }
0x249: {  	v4 =	vmul.f32 v7, v4;
	v5 =	vld [tilespmem:s10+$0xFFFFFFC0]  }
0x24a: {  	v7 =	vld [tilespmem:s7+$0xFFFFFE40]  }
0x24b: {  	[tilespmem:s7+$0xFFFFFEB0] =	vst v4;
	v3 =	vmul.f32 v8, v3;
	v4 =	vld [tilespmem:s7+$0xFFFFFEC0]  }
0x24c: {  	v8 =	vld [tilespmem:s10+$0xFFFFFEC0];
	v2 =	vmul.f32 v2, v6  }
0x24d: {  	[tilespmem:s7+$0xFFFFFF30] =	vst v3;
	v3 =	vld [tilespmem:s7+$0xFFFFFF40]  }
0x24e: {  	v6 =	vld [tilespmem:s10+$0xFFFFFF40];
	[tilespmem:s7+$0xFFFFFE30] =	vst v2;
	v1 =	vmul.f32 v5, v1  }
0x24f: {  	v2 =	vld [tilespmem:s10+$0xFFFFFE40]  }
0x250: {  	[tilespmem:s7+$0xFFFFFFC0] =	vst v1;
	v1 =	vld [tilespmem:s7+$0xFFFFFFD0]  }
0x251: {  	v4 =	vmul.f32 v8, v4;
	v5 =	vld [tilespmem:s10+$0xFFFFFFD0]  }
0x252: {  	v8 =	vld [tilespmem:s7+$0xFFFFFE50]  }
0x253: {  	[tilespmem:s7+$0xFFFFFEC0] =	vst v4;
	v3 =	vmul.f32 v6, v3;
	v4 =	vld [tilespmem:s7+$0xFFFFFED0]  }
0x254: {  	v6 =	vld [tilespmem:s10+$0xFFFFFED0];
	v2 =	vmul.f32 v2, v7  }
0x255: {  	[tilespmem:s7+$0xFFFFFF40] =	vst v3;
	v3 =	vld [tilespmem:s7+$0xFFFFFF50]  }
0x256: {  	v7 =	vld [tilespmem:s10+$0xFFFFFF50];
	[tilespmem:s7+$0xFFFFFE40] =	vst v2;
	v1 =	vmul.f32 v5, v1  }
0x257: {  	v2 =	vld [tilespmem:s10+$0xFFFFFE50]  }
0x258: {  	[tilespmem:s7+$0xFFFFFFD0] =	vst v1;
	v1 =	vld [tilespmem:s7+$0xFFFFFFE0]  }
0x259: {  	v4 =	vmul.f32 v6, v4;
	v5 =	vld [tilespmem:s10+$0xFFFFFFE0]  }
0x25a: {  	v6 =	vld [tilespmem:s7+$0xFFFFFE60]  }
0x25b: {  	[tilespmem:s7+$0xFFFFFED0] =	vst v4;
	v3 =	vmul.f32 v7, v3;
	v4 =	vld [tilespmem:s7+$0xFFFFFEE0]  }
0x25c: {  	v7 =	vld [tilespmem:s10+$0xFFFFFEE0];
	v2 =	vmul.f32 v2, v8  }
0x25d: {  	[tilespmem:s7+$0xFFFFFF50] =	vst v3;
	v3 =	vld [tilespmem:s7+$0xFFFFFF60]  }
0x25e: {  	v8 =	vld [tilespmem:s10+$0xFFFFFF60];
	[tilespmem:s7+$0xFFFFFE50] =	vst v2;
	v1 =	vmul.f32 v5, v1  }
0x25f: {  	v2 =	vld [tilespmem:s10+$0xFFFFFE60]  }
0x260: {  	[tilespmem:s7+$0xFFFFFFE0] =	vst v1;
	v1 =	vld [tilespmem:s7+$0xFFFFFFF0]  }
0x261: {  	v4 =	vmul.f32 v7, v4;
	v5 =	vld [tilespmem:s10+$0xFFFFFFF0]  }
0x262: {  	v7 =	vld [tilespmem:s7+$0xFFFFFE70]  }
0x263: {  	[tilespmem:s7+$0xFFFFFEE0] =	vst v4;
	v3 =	vmul.f32 v8, v3;
	v4 =	vld [tilespmem:s7+$0xFFFFFEF0]  }
0x264: {  	v8 =	vld [tilespmem:s10+$0xFFFFFEF0];
	v2 =	vmul.f32 v2, v6  }
0x265: {  	[tilespmem:s7+$0xFFFFFF60] =	vst v3;
	v3 =	vld [tilespmem:s7+$0xFFFFFF70]  }
0x266: {  	v6 =	vld [tilespmem:s10+$0xFFFFFF70];
	[tilespmem:s7+$0xFFFFFE60] =	vst v2;
	v1 =	vmul.f32 v5, v1  }
0x267: {  	v5 =	vld [tilespmem:s10+$0xFFFFFE70]  }
0x268: {  	v9 =	vld [tilespmem:s7+$0x0];
	[tilespmem:s7+$0xFFFFFFF0] =	vst v1  }
0x269: {  	v2 =	vmul.f32 v8, v4;
	v8 =	vld [tilespmem:s10+$0x0]  }
0x26a: {  	v1 =	vld [tilespmem:s7+$0xFFFFFE80]  }
0x26b: {  	[tilespmem:s7+$0xFFFFFEF0] =	vst v2;
	v3 =	vmul.f32 v6, v3;
	v2 =	vld [tilespmem:s7+$0xFFFFFF00]  }
0x26c: {  	v4 =	vld [tilespmem:s10+$0xFFFFFF00];
	v5 =	vmul.f32 v5, v7  }
0x26d: {  	[tilespmem:s7+$0xFFFFFF70] =	vst v3;
	v3 =	vld [tilespmem:s7+$0xFFFFFF80]  }
0x26e: {  	[tilespmem:s7+$0xFFFFFE70] =	vst v5;
	v5 =	vld [tilespmem:s10+$0xFFFFFF80];
	v7 =	vmul.f32 v8, v9  }
0x26f: {  	s11 =	simm.s32 $0x2DF0;
	s8 =	simm.s32 $0x0;
	v6 =	vld [tilespmem:s10+$0xFFFFFE80]  }
.LBB2_16:
0x270: {  	v8 =	vld [tilespmem:s11+$0xFFFFFF90];
	[tilespmem:s7+$0x0] =	vst v7;
	s10 =	sadd.s32 $0x200, s10  }
0x271: {  	s8 =	sadd.s32 $0x4, s8;
	v7 =	vld [tilespmem:s10+$0xFFFFFF90];
	v2 =	vmul.f32 v4, v2  }
0x272: {  	p1 =	slt.u32 s8, $0x4C;
	v4 =	vld [tilespmem:s10+$0xFFFFFE10]  }
0x273: {  	v9 =	vld [tilespmem:s11+$0xFFFFFE90];
	[tilespmem:s7+$0xFFFFFF00] =	vst v2;
	v2 =	vmul.f32 v5, v3  }
0x274: {  	v3 =	vld [tilespmem:s10+$0xFFFFFE90];
	v1 =	vmul.f32 v6, v1  }
0x275: {  	v5 =	vld [tilespmem:s11+$0xFFFFFF10];
	[tilespmem:s7+$0xFFFFFF80] =	vst v2  }
0x276: {  	v2 =	vld [tilespmem:s10+$0xFFFFFF10];
	v6 =	vmul.f32 v7, v8;
	[tilespmem:s7+$0xFFFFFE80] =	vst v1;
	s7 =	smov.u32 s11  }
0x277: {  	v1 =	vld [tilespmem:s11+$0xFFFFFE10]  }
0x278: {  	[tilespmem:s11+$0xFFFFFF90] =	vst v6;
	v6 =	vld [tilespmem:s11+$0xFFFFFFA0]  }
0x279: {  	v3 =	vmul.f32 v3, v9;
	v7 =	vld [tilespmem:s10+$0xFFFFFFA0]  }
0x27a: {  	v8 =	vld [tilespmem:s11+$0xFFFFFE20]  }
0x27b: {  	[tilespmem:s11+$0xFFFFFE90] =	vst v3;
	v3 =	vld [tilespmem:s11+$0xFFFFFEA0];
	v2 =	vmul.f32 v2, v5  }
0x27c: {  	v1 =	vmul.f32 v4, v1;
	v4 =	vld [tilespmem:s10+$0xFFFFFEA0]  }
0x27d: {  	[tilespmem:s11+$0xFFFFFF10] =	vst v2;
	v2 =	vld [tilespmem:s11+$0xFFFFFF20]  }
0x27e: {  	[tilespmem:s11+$0xFFFFFE10] =	vst v1;
	v1 =	vld [tilespmem:s10+$0xFFFFFF20];
	v5 =	vmul.f32 v7, v6  }
0x27f: {  	v6 =	vld [tilespmem:s10+$0xFFFFFE20]  }
0x280: {  	[tilespmem:s11+$0xFFFFFFA0] =	vst v5;
	v5 =	vld [tilespmem:s11+$0xFFFFFFB0]  }
0x281: {  	v3 =	vmul.f32 v4, v3;
	v4 =	vld [tilespmem:s10+$0xFFFFFFB0]  }
0x282: {  	v7 =	vld [tilespmem:s11+$0xFFFFFE30]  }
0x283: {  	[tilespmem:s11+$0xFFFFFEA0] =	vst v3;
	v3 =	vld [tilespmem:s11+$0xFFFFFEB0];
	v1 =	vmul.f32 v1, v2  }
0x284: {  	v2 =	vmul.f32 v6, v8;
	v6 =	vld [tilespmem:s10+$0xFFFFFEB0]  }
0x285: {  	[tilespmem:s11+$0xFFFFFF20] =	vst v1;
	v1 =	vld [tilespmem:s11+$0xFFFFFF30]  }
0x286: {  	[tilespmem:s11+$0xFFFFFE20] =	vst v2;
	v2 =	vld [tilespmem:s10+$0xFFFFFF30];
	v4 =	vmul.f32 v4, v5  }
0x287: {  	v5 =	vld [tilespmem:s10+$0xFFFFFE30]  }
0x288: {  	[tilespmem:s11+$0xFFFFFFB0] =	vst v4;
	v4 =	vld [tilespmem:s11+$0xFFFFFFC0]  }
0x289: {  	v3 =	vmul.f32 v6, v3;
	v6 =	vld [tilespmem:s10+$0xFFFFFFC0]  }
0x28a: {  	v8 =	vld [tilespmem:s11+$0xFFFFFE40]  }
0x28b: {  	[tilespmem:s11+$0xFFFFFEB0] =	vst v3;
	v3 =	vld [tilespmem:s11+$0xFFFFFEC0];
	v1 =	vmul.f32 v2, v1  }
0x28c: {  	v2 =	vmul.f32 v5, v7;
	v5 =	vld [tilespmem:s10+$0xFFFFFEC0]  }
0x28d: {  	[tilespmem:s11+$0xFFFFFF30] =	vst v1;
	v1 =	vld [tilespmem:s11+$0xFFFFFF40]  }
0x28e: {  	[tilespmem:s11+$0xFFFFFE30] =	vst v2;
	v2 =	vld [tilespmem:s10+$0xFFFFFF40];
	v4 =	vmul.f32 v6, v4  }
0x28f: {  	v6 =	vld [tilespmem:s10+$0xFFFFFE40]  }
0x290: {  	[tilespmem:s11+$0xFFFFFFC0] =	vst v4;
	v4 =	vld [tilespmem:s11+$0xFFFFFFD0]  }
0x291: {  	v3 =	vmul.f32 v5, v3;
	v5 =	vld [tilespmem:s10+$0xFFFFFFD0]  }
0x292: {  	v7 =	vld [tilespmem:s11+$0xFFFFFE50]  }
0x293: {  	[tilespmem:s11+$0xFFFFFEC0] =	vst v3;
	v3 =	vld [tilespmem:s11+$0xFFFFFED0];
	v1 =	vmul.f32 v2, v1  }
0x294: {  	v2 =	vmul.f32 v6, v8;
	v6 =	vld [tilespmem:s10+$0xFFFFFED0]  }
0x295: {  	[tilespmem:s11+$0xFFFFFF40] =	vst v1;
	v1 =	vld [tilespmem:s11+$0xFFFFFF50]  }
0x296: {  	[tilespmem:s11+$0xFFFFFE40] =	vst v2;
	v2 =	vld [tilespmem:s10+$0xFFFFFF50];
	v4 =	vmul.f32 v5, v4  }
0x297: {  	v5 =	vld [tilespmem:s10+$0xFFFFFE50]  }
0x298: {  	[tilespmem:s11+$0xFFFFFFD0] =	vst v4;
	v4 =	vld [tilespmem:s11+$0xFFFFFFE0]  }
0x299: {  	v3 =	vmul.f32 v6, v3;
	v6 =	vld [tilespmem:s10+$0xFFFFFFE0]  }
0x29a: {  	v8 =	vld [tilespmem:s11+$0xFFFFFE60]  }
0x29b: {  	[tilespmem:s11+$0xFFFFFED0] =	vst v3;
	v3 =	vld [tilespmem:s11+$0xFFFFFEE0];
	v1 =	vmul.f32 v2, v1  }
0x29c: {  	v2 =	vmul.f32 v5, v7;
	v5 =	vld [tilespmem:s10+$0xFFFFFEE0]  }
0x29d: {  	[tilespmem:s11+$0xFFFFFF50] =	vst v1;
	v1 =	vld [tilespmem:s11+$0xFFFFFF60]  }
0x29e: {  	[tilespmem:s11+$0xFFFFFE50] =	vst v2;
	v2 =	vld [tilespmem:s10+$0xFFFFFF60];
	v4 =	vmul.f32 v6, v4  }
0x29f: {  	v6 =	vld [tilespmem:s10+$0xFFFFFE60]  }
0x2a0: {  	[tilespmem:s11+$0xFFFFFFE0] =	vst v4;
	v4 =	vld [tilespmem:s11+$0xFFFFFFF0]  }
0x2a1: {  	v3 =	vmul.f32 v5, v3;
	v5 =	vld [tilespmem:s10+$0xFFFFFFF0]  }
0x2a2: {  	v7 =	vld [tilespmem:s11+$0xFFFFFE70]  }
0x2a3: {  	[tilespmem:s11+$0xFFFFFEE0] =	vst v3;
	v3 =	vld [tilespmem:s11+$0xFFFFFEF0];
	v1 =	vmul.f32 v2, v1  }
0x2a4: {  	v2 =	vmul.f32 v6, v8;
	v6 =	vld [tilespmem:s10+$0xFFFFFEF0]  }
0x2a5: {  	[tilespmem:s11+$0xFFFFFF60] =	vst v1;
	v8 =	vld [tilespmem:s11+$0xFFFFFF70]  }
0x2a6: {  	[tilespmem:s11+$0xFFFFFE60] =	vst v2;
	v9 =	vld [tilespmem:s10+$0xFFFFFF70];
	v1 =	vmul.f32 v5, v4  }
0x2a7: {  	v4 =	vld [tilespmem:s10+$0xFFFFFE70]  }
0x2a8: {  	[tilespmem:s11+$0xFFFFFFF0] =	vst v1;
	v10 =	vld [tilespmem:s11+$0x0]  }
0x2a9: {  	v2 =	vmul.f32 v6, v3;
	v6 =	vld [tilespmem:s10+$0x0]  }
0x2aa: {  	v1 =	vld [tilespmem:s11+$0xFFFFFE80]  }
.Ltmp9:
0x2ab: {  	[tilespmem:s11+$0xFFFFFEF0] =	vst v2;
	v2 =	vld [tilespmem:s11+$0xFFFFFF00];
	v3 =	vmul.f32 v9, v8;
	(pc) =	sbr.rel @p1 .LBB2_16-.Ltmp9, $4  }
0x2ac: {  	v5 =	vmul.f32 v4, v7;
	v4 =	vld [tilespmem:s10+$0xFFFFFF00]  }
0x2ad: {  	[tilespmem:s11+$0xFFFFFF70] =	vst v3;
	v3 =	vld [tilespmem:s11+$0xFFFFFF80]  }
0x2ae: {  	[tilespmem:s11+$0xFFFFFE70] =	vst v5;
	v5 =	vld [tilespmem:s10+$0xFFFFFF80];
	v7 =	vmul.f32 v6, v10  }
0x2af: {  	s11 =	sadd.s32 $0x200, s11;
	v6 =	vld [tilespmem:s10+$0xFFFFFE80]  }
0x2b0: {  	_ =	sdelay $0x1  }
0x2b1: {  	v2 =	vmul.f32 v4, v2  }
0x2b2: {  	[tilespmem:s7+$0x0] =	vst v7;
	v3 =	vmul.f32 v5, v3  }
0x2b3: {  	[tilespmem:s7+$0xFFFFFF00] =	vst v2;
	v1 =	vmul.f32 v6, v1  }
0x2b4: {  	[tilespmem:s7+$0xFFFFFF80] =	vst v3  }
0x2b5: {  	[tilespmem:s7+$0xFFFFFE80] =	vst v1  }
0x2b6: {  	_ =	swait.ge [sflag:s21], $0x50  }
0x2b7: {  	[sflag:s21] =	ssyncset.done $0x0  }
0x2b8: {  	[sflag:s21] =	ssyncadd.s32 $0xFFFFFFB0  }
0x2b9: {  	[spmem:s2] =	stream.indirect.scatter.add.f32 [tilespmem:s17], [sflag:$0xA], $0x80, s3, s28, $0xb8;
	[tilespmem:$0x1E280] =	vst v63  }
0x2ba: {  	_ =	swait.ge [sflag:s26], $0x50  }
0x2bb: {  	[sflag:s26] =	ssyncset.done $0x0  }
0x2bc: {  	[sflag:s26] =	ssyncadd.s32 $0xFFFFFFB0  }
0x2bd: {  	[tilespmem:s29], [sflag:$0x7] =	stream.indirect.gather [hbm4b:s1+s28], $0x80, s4, s28, $0xb8;
	[tilespmem:$0x1E280] =	vst v63  }
0x2be: {  	_ =	swait.ge [sflag:s22], $0x2800  }
0x2bf: {  	[sflag:s22] =	ssyncset.done $0x0  }
0x2c0: {  	[sflag:s22] =	ssyncadd.s32 $0xFFFFD800  }
0x2c1: {  	_ =	swait.ge [sflag:s9], $0x2800  }
0x2c2: {  	[sflag:s9] =	ssyncset.done $0x0  }
0x2c3: {  	[sflag:s9] =	ssyncadd.s32 $0xFFFFD800  }
0x2c4: {  	_ =	swait.ge [sflag:s12], $0x2800  }
0x2c5: {  	[sflag:s12] =	ssyncset.done $0x0  }
0x2c6: {  	s7 =	simm.s32 $0x300;
	[sflag:s12] =	ssyncadd.s32 $0xFFFFD800  }
0x2c7: {  	s10 =	simm.s32 $0x5300;
	v1 =	vld [tilespmem:s7+$0x80]  }
0x2c8: {  	v2 =	vld [tilespmem:s10+$0x80]  }
0x2c9: {  	v3 =	vld [tilespmem:s7+$0xFFFFFF80]  }
0x2ca: {  	v4 =	vld [tilespmem:s10+$0xFFFFFF80]  }
0x2cb: {  	v5 =	vld [tilespmem:s7+$0x0]  }
0x2cc: {  	v6 =	vld [tilespmem:s10+$0x0];
	_ =	sdelay $0x1  }
0x2cd: {  	v7 =	vld [tilespmem:s7+$0xFFFFFF00];
	v1 =	vmul.f32 v2, v1  }
0x2ce: {  	v2 =	vld [tilespmem:s10+$0xFFFFFF00];
	v3 =	vmul.f32 v4, v3  }
0x2cf: {  	[tilespmem:s7+$0x80] =	vst v1;
	v1 =	vld [tilespmem:s7+$0x90]  }
0x2d0: {  	[tilespmem:s7+$0xFFFFFF80] =	vst v3;
	v3 =	vmul.f32 v6, v5;
	v5 =	vld [tilespmem:s7+$0xFFFFFF90]  }
0x2d1: {  	v4 =	vld [tilespmem:s10+$0x90]  }
0x2d2: {  	v6 =	vld [tilespmem:s10+$0xFFFFFF90];
	_ =	sdelay $0x1  }
0x2d3: {  	v8 =	vld [tilespmem:s7+$0xFFFFFF10];
	v2 =	vmul.f32 v2, v7  }
0x2d4: {  	[tilespmem:s7+$0x0] =	vst v3;
	v3 =	vld [tilespmem:s7+$0x10]  }
0x2d5: {  	v7 =	vld [tilespmem:s10+$0x10];
	[tilespmem:s7+$0xFFFFFF00] =	vst v2;
	v1 =	vmul.f32 v4, v1  }
0x2d6: {  	v2 =	vld [tilespmem:s10+$0xFFFFFF10];
	v4 =	vmul.f32 v6, v5  }
0x2d7: {  	[tilespmem:s7+$0x90] =	vst v1;
	v1 =	vld [tilespmem:s7+$0xA0]  }
0x2d8: {  	[tilespmem:s7+$0xFFFFFF90] =	vst v4;
	v4 =	vld [tilespmem:s7+$0xFFFFFFA0]  }
0x2d9: {  	v5 =	vld [tilespmem:s10+$0xA0]  }
0x2da: {  	v3 =	vmul.f32 v7, v3;
	v7 =	vld [tilespmem:s10+$0xFFFFFFA0];
	_ =	sdelay $0x1  }
0x2db: {  	v6 =	vld [tilespmem:s7+$0xFFFFFF20];
	v2 =	vmul.f32 v2, v8  }
0x2dc: {  	[tilespmem:s7+$0x10] =	vst v3;
	v3 =	vld [tilespmem:s7+$0x20]  }
0x2dd: {  	v8 =	vld [tilespmem:s10+$0x20];
	[tilespmem:s7+$0xFFFFFF10] =	vst v2;
	v1 =	vmul.f32 v5, v1  }
0x2de: {  	v2 =	vld [tilespmem:s10+$0xFFFFFF20];
	v4 =	vmul.f32 v7, v4  }
0x2df: {  	[tilespmem:s7+$0xA0] =	vst v1;
	v1 =	vld [tilespmem:s7+$0xB0]  }
0x2e0: {  	[tilespmem:s7+$0xFFFFFFA0] =	vst v4;
	v4 =	vld [tilespmem:s7+$0xFFFFFFB0]  }
0x2e1: {  	v5 =	vld [tilespmem:s10+$0xB0]  }
0x2e2: {  	v3 =	vmul.f32 v8, v3;
	v8 =	vld [tilespmem:s10+$0xFFFFFFB0];
	_ =	sdelay $0x1  }
0x2e3: {  	v7 =	vld [tilespmem:s7+$0xFFFFFF30];
	v2 =	vmul.f32 v2, v6  }
0x2e4: {  	[tilespmem:s7+$0x20] =	vst v3;
	v3 =	vld [tilespmem:s7+$0x30]  }
0x2e5: {  	v6 =	vld [tilespmem:s10+$0x30];
	[tilespmem:s7+$0xFFFFFF20] =	vst v2;
	v1 =	vmul.f32 v5, v1  }
0x2e6: {  	v2 =	vld [tilespmem:s10+$0xFFFFFF30];
	v4 =	vmul.f32 v8, v4  }
0x2e7: {  	[tilespmem:s7+$0xB0] =	vst v1;
	v1 =	vld [tilespmem:s7+$0xC0]  }
0x2e8: {  	[tilespmem:s7+$0xFFFFFFB0] =	vst v4;
	v4 =	vld [tilespmem:s7+$0xFFFFFFC0]  }
0x2e9: {  	v5 =	vld [tilespmem:s10+$0xC0]  }
0x2ea: {  	v3 =	vmul.f32 v6, v3;
	v6 =	vld [tilespmem:s10+$0xFFFFFFC0];
	_ =	sdelay $0x1  }
0x2eb: {  	v8 =	vld [tilespmem:s7+$0xFFFFFF40];
	v2 =	vmul.f32 v2, v7  }
0x2ec: {  	[tilespmem:s7+$0x30] =	vst v3;
	v3 =	vld [tilespmem:s7+$0x40]  }
0x2ed: {  	v7 =	vld [tilespmem:s10+$0x40];
	[tilespmem:s7+$0xFFFFFF30] =	vst v2;
	v1 =	vmul.f32 v5, v1  }
0x2ee: {  	v2 =	vld [tilespmem:s10+$0xFFFFFF40];
	v4 =	vmul.f32 v6, v4  }
0x2ef: {  	[tilespmem:s7+$0xC0] =	vst v1;
	v1 =	vld [tilespmem:s7+$0xD0]  }
0x2f0: {  	[tilespmem:s7+$0xFFFFFFC0] =	vst v4;
	v4 =	vld [tilespmem:s7+$0xFFFFFFD0]  }
0x2f1: {  	v5 =	vld [tilespmem:s10+$0xD0]  }
0x2f2: {  	v3 =	vmul.f32 v7, v3;
	v7 =	vld [tilespmem:s10+$0xFFFFFFD0]  }
0x2f3: {  	v6 =	vld [tilespmem:s7+$0xFFFFFF50];
	v2 =	vmul.f32 v2, v8  }
0x2f4: {  	[tilespmem:s7+$0x40] =	vst v3;
	v3 =	vld [tilespmem:s7+$0x50]  }
0x2f5: {  	v8 =	vld [tilespmem:s10+$0x50];
	[tilespmem:s7+$0xFFFFFF40] =	vst v2  }
0x2f6: {  	v1 =	vmul.f32 v5, v1;
	v2 =	vld [tilespmem:s10+$0xFFFFFF50]  }
0x2f7: {  	v4 =	vmul.f32 v7, v4;
	v7 =	vld [tilespmem:s7+$0xFFFFFF60]  }
0x2f8: {  	[tilespmem:s7+$0xD0] =	vst v1;
	v1 =	vld [tilespmem:s7+$0xE0]  }
0x2f9: {  	v5 =	vld [tilespmem:s10+$0xE0]  }
0x2fa: {  	[tilespmem:s7+$0xFFFFFFD0] =	vst v4;
	v3 =	vmul.f32 v8, v3;
	v4 =	vld [tilespmem:s7+$0xFFFFFFE0]  }
0x2fb: {  	v8 =	vld [tilespmem:s10+$0xFFFFFFE0];
	v2 =	vmul.f32 v2, v6  }
0x2fc: {  	[tilespmem:s7+$0x50] =	vst v3;
	v3 =	vld [tilespmem:s7+$0x60]  }
0x2fd: {  	v6 =	vld [tilespmem:s10+$0x60];
	[tilespmem:s7+$0xFFFFFF50] =	vst v2  }
0x2fe: {  	v1 =	vmul.f32 v5, v1;
	v5 =	vld [tilespmem:s10+$0xFFFFFF60];
	_ =	sdelay $0x1  }
0x2ff: {  	v9 =	vld [tilespmem:s7+$0xF0];
	[tilespmem:s7+$0xE0] =	vst v1  }
0x300: {  	v2 =	vmul.f32 v8, v4;
	v8 =	vld [tilespmem:s10+$0xF0]  }
0x301: {  	v1 =	vld [tilespmem:s7+$0xFFFFFF70];
	v3 =	vmul.f32 v6, v3  }
0x302: {  	[tilespmem:s7+$0xFFFFFFE0] =	vst v2;
	v2 =	vld [tilespmem:s7+$0xFFFFFFF0];
	v5 =	vmul.f32 v5, v7  }
0x303: {  	v4 =	vld [tilespmem:s10+$0xFFFFFFF0];
	[tilespmem:s7+$0x60] =	vst v3  }
0x304: {  	v3 =	vld [tilespmem:s7+$0x70];
	[tilespmem:s7+$0xFFFFFF60] =	vst v5  }
0x305: {  	v5 =	vld [tilespmem:s10+$0x70];
	v7 =	vmul.f32 v8, v9;
	s24 =	rddreg [dreg:$0x7]  }
0x306: {  	s8 =	simm.s32 $0x0;
	s11 =	simm.s32 $0x500;
	v6 =	vld [tilespmem:s10+$0xFFFFFF70];
	s25 =	rddreg [dreg:$0x8]  }
.LBB2_18:
0x307: {  	v8 =	vld [tilespmem:s11+$0x80];
	[tilespmem:s7+$0xF0] =	vst v7;
	s10 =	sadd.s32 $0x200, s10  }
0x308: {  	s8 =	sadd.s32 $0x4, s8;
	v7 =	vld [tilespmem:s10+$0x80];
	v2 =	vmul.f32 v4, v2  }
0x309: {  	p1 =	slt.u32 s8, $0x4C;
	v4 =	vld [tilespmem:s10+$0xFFFFFF00]  }
0x30a: {  	v9 =	vld [tilespmem:s11+$0xFFFFFF80];
	[tilespmem:s7+$0xFFFFFFF0] =	vst v2;
	v2 =	vmul.f32 v5, v3  }
0x30b: {  	v3 =	vld [tilespmem:s10+$0xFFFFFF80];
	v1 =	vmul.f32 v6, v1  }
0x30c: {  	v5 =	vld [tilespmem:s11+$0x0];
	[tilespmem:s7+$0x70] =	vst v2  }
0x30d: {  	v2 =	vld [tilespmem:s10+$0x0];
	v6 =	vmul.f32 v7, v8;
	[tilespmem:s7+$0xFFFFFF70] =	vst v1;
	s7 =	smov.u32 s11  }
0x30e: {  	v1 =	vld [tilespmem:s11+$0xFFFFFF00]  }
0x30f: {  	[tilespmem:s11+$0x80] =	vst v6;
	v6 =	vld [tilespmem:s11+$0x90]  }
0x310: {  	v3 =	vmul.f32 v3, v9;
	v7 =	vld [tilespmem:s10+$0x90]  }
0x311: {  	v8 =	vld [tilespmem:s11+$0xFFFFFF10]  }
0x312: {  	[tilespmem:s11+$0xFFFFFF80] =	vst v3;
	v3 =	vld [tilespmem:s11+$0xFFFFFF90];
	v2 =	vmul.f32 v2, v5  }
0x313: {  	v1 =	vmul.f32 v4, v1;
	v4 =	vld [tilespmem:s10+$0xFFFFFF90]  }
0x314: {  	[tilespmem:s11+$0x0] =	vst v2;
	v2 =	vld [tilespmem:s11+$0x10]  }
0x315: {  	[tilespmem:s11+$0xFFFFFF00] =	vst v1;
	v1 =	vld [tilespmem:s10+$0x10];
	v5 =	vmul.f32 v7, v6  }
0x316: {  	v6 =	vld [tilespmem:s10+$0xFFFFFF10]  }
0x317: {  	[tilespmem:s11+$0x90] =	vst v5;
	v5 =	vld [tilespmem:s11+$0xA0]  }
0x318: {  	v3 =	vmul.f32 v4, v3;
	v4 =	vld [tilespmem:s10+$0xA0]  }
0x319: {  	v7 =	vld [tilespmem:s11+$0xFFFFFF20]  }
0x31a: {  	[tilespmem:s11+$0xFFFFFF90] =	vst v3;
	v3 =	vld [tilespmem:s11+$0xFFFFFFA0];
	v1 =	vmul.f32 v1, v2  }
0x31b: {  	v2 =	vmul.f32 v6, v8;
	v6 =	vld [tilespmem:s10+$0xFFFFFFA0]  }
0x31c: {  	[tilespmem:s11+$0x10] =	vst v1;
	v1 =	vld [tilespmem:s11+$0x20]  }
0x31d: {  	[tilespmem:s11+$0xFFFFFF10] =	vst v2;
	v2 =	vld [tilespmem:s10+$0x20];
	v4 =	vmul.f32 v4, v5  }
0x31e: {  	v5 =	vld [tilespmem:s10+$0xFFFFFF20]  }
0x31f: {  	[tilespmem:s11+$0xA0] =	vst v4;
	v4 =	vld [tilespmem:s11+$0xB0]  }
0x320: {  	v3 =	vmul.f32 v6, v3;
	v6 =	vld [tilespmem:s10+$0xB0]  }
0x321: {  	v8 =	vld [tilespmem:s11+$0xFFFFFF30]  }
0x322: {  	[tilespmem:s11+$0xFFFFFFA0] =	vst v3;
	v3 =	vld [tilespmem:s11+$0xFFFFFFB0];
	v1 =	vmul.f32 v2, v1  }
0x323: {  	v2 =	vmul.f32 v5, v7;
	v5 =	vld [tilespmem:s10+$0xFFFFFFB0]  }
0x324: {  	[tilespmem:s11+$0x20] =	vst v1;
	v1 =	vld [tilespmem:s11+$0x30]  }
0x325: {  	[tilespmem:s11+$0xFFFFFF20] =	vst v2;
	v2 =	vld [tilespmem:s10+$0x30];
	v4 =	vmul.f32 v6, v4  }
0x326: {  	v6 =	vld [tilespmem:s10+$0xFFFFFF30]  }
0x327: {  	[tilespmem:s11+$0xB0] =	vst v4;
	v4 =	vld [tilespmem:s11+$0xC0]  }
0x328: {  	v3 =	vmul.f32 v5, v3;
	v5 =	vld [tilespmem:s10+$0xC0]  }
0x329: {  	v7 =	vld [tilespmem:s11+$0xFFFFFF40]  }
0x32a: {  	[tilespmem:s11+$0xFFFFFFB0] =	vst v3;
	v3 =	vld [tilespmem:s11+$0xFFFFFFC0];
	v1 =	vmul.f32 v2, v1  }
0x32b: {  	v2 =	vmul.f32 v6, v8;
	v6 =	vld [tilespmem:s10+$0xFFFFFFC0]  }
0x32c: {  	[tilespmem:s11+$0x30] =	vst v1;
	v1 =	vld [tilespmem:s11+$0x40]  }
0x32d: {  	[tilespmem:s11+$0xFFFFFF30] =	vst v2;
	v2 =	vld [tilespmem:s10+$0x40];
	v4 =	vmul.f32 v5, v4  }
0x32e: {  	v5 =	vld [tilespmem:s10+$0xFFFFFF40]  }
0x32f: {  	[tilespmem:s11+$0xC0] =	vst v4;
	v4 =	vld [tilespmem:s11+$0xD0]  }
0x330: {  	v3 =	vmul.f32 v6, v3;
	v6 =	vld [tilespmem:s10+$0xD0]  }
0x331: {  	v8 =	vld [tilespmem:s11+$0xFFFFFF50]  }
0x332: {  	[tilespmem:s11+$0xFFFFFFC0] =	vst v3;
	v3 =	vld [tilespmem:s11+$0xFFFFFFD0];
	v1 =	vmul.f32 v2, v1  }
0x333: {  	v2 =	vmul.f32 v5, v7;
	v5 =	vld [tilespmem:s10+$0xFFFFFFD0]  }
0x334: {  	[tilespmem:s11+$0x40] =	vst v1;
	v1 =	vld [tilespmem:s11+$0x50]  }
0x335: {  	[tilespmem:s11+$0xFFFFFF40] =	vst v2;
	v2 =	vld [tilespmem:s10+$0x50];
	v4 =	vmul.f32 v6, v4  }
0x336: {  	v6 =	vld [tilespmem:s10+$0xFFFFFF50]  }
0x337: {  	[tilespmem:s11+$0xD0] =	vst v4;
	v4 =	vld [tilespmem:s11+$0xE0]  }
0x338: {  	v3 =	vmul.f32 v5, v3;
	v5 =	vld [tilespmem:s10+$0xE0]  }
0x339: {  	v7 =	vld [tilespmem:s11+$0xFFFFFF60]  }
0x33a: {  	[tilespmem:s11+$0xFFFFFFD0] =	vst v3;
	v3 =	vld [tilespmem:s11+$0xFFFFFFE0];
	v1 =	vmul.f32 v2, v1  }
0x33b: {  	v2 =	vmul.f32 v6, v8;
	v6 =	vld [tilespmem:s10+$0xFFFFFFE0]  }
0x33c: {  	[tilespmem:s11+$0x50] =	vst v1;
	v8 =	vld [tilespmem:s11+$0x60]  }
0x33d: {  	[tilespmem:s11+$0xFFFFFF50] =	vst v2;
	v9 =	vld [tilespmem:s10+$0x60];
	v1 =	vmul.f32 v5, v4  }
0x33e: {  	v4 =	vld [tilespmem:s10+$0xFFFFFF60]  }
0x33f: {  	[tilespmem:s11+$0xE0] =	vst v1;
	v10 =	vld [tilespmem:s11+$0xF0]  }
0x340: {  	v2 =	vmul.f32 v6, v3;
	v6 =	vld [tilespmem:s10+$0xF0]  }
0x341: {  	v1 =	vld [tilespmem:s11+$0xFFFFFF70]  }
.Ltmp10:
0x342: {  	[tilespmem:s11+$0xFFFFFFE0] =	vst v2;
	v2 =	vld [tilespmem:s11+$0xFFFFFFF0];
	v3 =	vmul.f32 v9, v8;
	(pc) =	sbr.rel @p1 .LBB2_18-.Ltmp10, $4  }
0x343: {  	v5 =	vmul.f32 v4, v7;
	v4 =	vld [tilespmem:s10+$0xFFFFFFF0]  }
0x344: {  	[tilespmem:s11+$0x60] =	vst v3;
	v3 =	vld [tilespmem:s11+$0x70]  }
0x345: {  	[tilespmem:s11+$0xFFFFFF60] =	vst v5;
	v5 =	vld [tilespmem:s10+$0x70];
	v7 =	vmul.f32 v6, v10  }
0x346: {  	s11 =	sadd.s32 $0x200, s11;
	v6 =	vld [tilespmem:s10+$0xFFFFFF70]  }
0x347: {  	_ =	sdelay $0x1  }
0x348: {  	v2 =	vmul.f32 v4, v2  }
0x349: {  	[tilespmem:s7+$0xF0] =	vst v7;
	v3 =	vmul.f32 v5, v3  }
0x34a: {  	[tilespmem:s7+$0xFFFFFFF0] =	vst v2;
	v1 =	vmul.f32 v6, v1  }
0x34b: {  	[tilespmem:s7+$0x70] =	vst v3  }
0x34c: {  	[tilespmem:s7+$0xFFFFFF70] =	vst v1  }
0x34d: {  	_ =	swait.ge [sflag:s13], $0x50  }
0x34e: {  	[sflag:s13] =	ssyncset.done $0x0  }
0x34f: {  	[sflag:s13] =	ssyncadd.s32 $0xFFFFFFB0  }
0x350: {  	[spmem:s2] =	stream.indirect.scatter.add.f32 [tilespmem:s29], [sflag:$0x9], $0x80, s23, s28, $0xb8;
	[tilespmem:$0x1E280] =	vst v63  }
0x351: {  	_ =	swait.ge [sflag:s18], $0x2800  }
0x352: {  	[sflag:s18] =	ssyncset.done $0x0  }
0x353: {  	[sflag:s18] =	ssyncadd.s32 $0xFFFFD800  }
0x354: {  	[bflag:$0x0] =	sbarrier.arrive $0xFFFF  }
0x355: {  	s8 =	rddreg [dreg:$0x10]  }
0x356: {  	s7 =	simm.s32 @p0 $0x1FCC;
	s10 =	rddreg [dreg:$0x12]  }
0x357: {  	[hbm:s8], [sflag:s7] =	dma.local @p0 [spmem:s10], $0x2800  }
0x358: {  	s7 =	simm.s32 @p0 $0xC  }
0x359: {  	s8 =	stileid.u32;
	_ =	swait.ge @p0 [sflag:s7], $0x2800  }
0x35a: {  	s8 =	sshll.u32 @!p0 s8, $0x6;
	[sflag:s7] =	ssyncset.done @p0 $0x0;
	s10 =	rddreg [dreg:$0xf]  }
0x35b: {  	[sflag:s7] =	ssyncadd.s32 @p0 $0xFFFFD800;
	s7 =	sor.u32 @!p0 $0x1C0C, s8;
	s8 =	sshrl.u32 @!p0 s25, $0x3  }
0x35c: {  	[hbm:s10], [sflag:s7] =	dma.local @!p0 [spmem:s8], $0x2700  }
0x35d: {  	s7 =	simm.s32 @!p0 $0xC  }
0x35e: {  	_ =	swait.ge @!p0 [sflag:s7], $0x2700  }
0x35f: {  	s8 =	rddreg [dreg:$0x13]  }
0x360: {  	s11 =	rddreg [dreg:$0x11];
	s10 =	sadd.s32 $0x1, s8  }
0x361: {  	p1 =	sne.s32 s10, s11  }
.Ltmp11:
0x362: {  	_ = 	snop;
	(pc) =	sbr.rel @p1 .LBB2_1-.Ltmp11, $3  }
0x363: {  	_ =	sdelay $0x1  }
0x364: {  	[sflag:s7] =	ssyncset.done @!p0 $0x0  }
0x365: {  	[sflag:s7] =	ssyncadd.s32 @!p0 $0xFFFFD900  }
0x366: {  	_ =	sfence.sel $0x180000  }
0x367: {  	[bflag:$0x0] =	sbarrier.arrive $0xFFFF  }
0x368: {  	_ =	strace $0x90000047  }
0x369: {  	s0 =	stileid.u32;
	[bflag:$0x2] =	sbarrier.arrive $0xFFFF  }
0x36a: {  	p0 =	sne.s32 s0, $0x0;
	s0 =	rddreg [dreg:$0x3]  }
0x36b: {  	s0 =	sadd.s32 @!p0 $0x100000, s0  }
0x36c: {  	[sflag:s0] =	ssyncadd.tile.s32 @!p0 $0x1;
	_ =	shalt  }
.Lfunc_end2:
_tile_overlayer_lowered:
.L_overlay_start_2:
0x36d: {  	(tag) =	ssettag $0x2  }
0x36e: {  	s0 =	rddreg [dreg:$0x0];
	s2 =	stileid.u32  }
0x36f: {  	s1 =	rddreg [dreg:$0x1];
	p0 =	sne.s32 s2, $0x0  }
0x370: {  	s3 =	rddreg [dreg:$0x2];
	[bflag:$0x3] =	sbarrier.arrive $0xFFFF;
	s2 =	simm.s32 @!p0 $0x1C0C  }
0x371: {  	[timem:s3], [sflag:s2] =	dma.local @!p0 [hbm:s0], s1  }
0x372: {  	s0 =	simm.s32 @!p0 $0xC  }
0x373: {  	_ =	swait.ge @!p0 [sflag:s0], s1  }
0x374: {  	s1 =	ssub.s32 @!p0 $0x0, s1;
	[sflag:s0] =	ssyncset.done @!p0 $0x0  }
0x375: {  	[sflag:s0] =	ssyncadd.s32 @!p0 s1  }
0x376: {  	[bflag:$0x3] =	sbarrier.arrive $0xFFFF  }
0x377: {  	_ =	shalt  }

</sc_bundles>
